<compile_context>
chip_gen: v7x
topology: tpu7x:2x2x1
jax: 0.10.2.dev20260603
libtpu: 0.0.44.dev20260713+nightly
codegen_flags: <defaults>
</compile_context>

<pallas_src>
import functools

import jax
import jax.numpy as jnp
from jax import lax
from jax.experimental import pallas as pl
from jax.experimental.pallas import tpu as pltpu
from jax.experimental.pallas import tpu_sc as plsc

NC = 2
NS = 16
LANES = 16
EB = 80
NROT = 3
DEG_NBUF = 5
DEG_EB = 80
DEGW = 16


def _vsc_mesh():
    return plsc.VectorSubcoreMesh(core_axis_name="c", subcore_axis_name="s")


def _sc_degrees(ei_flat, npad):
    E = ei_flat.shape[0] // 2
    epc = E // NS
    nchunks = epc // DEG_EB
    rps = npad // NS

    nsets = nchunks // DEG_NBUF
    assert nsets % 2 == 0 and nchunks % DEG_NBUF == 0

    @functools.partial(
        pl.kernel,
        out_type=jax.ShapeDtypeStruct((NC, npad, DEGW), jnp.float32),
        mesh=_vsc_mesh(),
        scratch_types=[
            pltpu.VMEM((epc,), jnp.int32),
            pltpu.VMEM((DEG_NBUF, DEG_EB), jnp.int32),
            pltpu.VMEM((DEG_NBUF, DEG_EB), jnp.int32),
            pltpu.VMEM((DEG_EB, DEGW), jnp.float32),
            pltpu.VMEM((64, DEGW), jnp.float32),
            pltpu.VMEM_SHARED((npad, DEGW), jnp.float32),
            pltpu.SemaphoreType.DMA,
            pltpu.SemaphoreType.DMA,
            pltpu.SemaphoreType.DMA,
        ],
    )
    def deg_kernel(ei, out, idx1, idx2a, idx2b, ones_v, z_v, acc,
                   semi, sems_a, sems_b):
        cid = lax.axis_index("c")
        sid = lax.axis_index("s")

        fetch = pltpu.async_copy(ei.at[pl.ds(cid * E + sid * epc, epc)],
                                 idx1, semi)

        @pl.loop(0, DEG_EB)
        def _(k):
            ones_v[k, :] = jnp.ones((LANES,), jnp.float32)

        @pl.loop(0, 64)
        def _(k):
            z_v[k, :] = jnp.zeros((LANES,), jnp.float32)

        @pl.loop(0, rps // 64)
        def _(j):
            pltpu.async_copy(z_v, acc.at[pl.ds(sid * rps + j * 64, 64)],
                             sems_a)

        @pl.loop(0, rps // 64)
        def _(j):
            pltpu.make_async_copy(
                z_v, acc.at[pl.ds(sid * rps + j * 64, 64)], sems_a).wait()

        plsc.subcore_barrier()
        fetch.wait()

        def phase(t, idx2, sems):
            @pl.when(t >= 2)
            def _():
                for b in range(DEG_NBUF):
                    pltpu.make_async_copy(
                        ones_v, acc.at[idx2.at[b]], sems).wait()
            for b in range(DEG_NBUF):
                for k in range(DEG_EB // LANES):
                    idx2[b, pl.ds(k * LANES, LANES)] = idx1[
                        pl.ds((t * DEG_NBUF + b) * DEG_EB + k * LANES, LANES)]
            for b in range(DEG_NBUF):
                pltpu.async_copy(ones_v, acc.at[idx2.at[b]], sems, add=True)

        @pl.loop(0, nsets, step=2)
        def _(t0):
            phase(t0, idx2a, sems_a)
            phase(t0 + 1, idx2b, sems_b)

        for idx2, sems in ((idx2a, sems_a), (idx2b, sems_b)):
            for b in range(DEG_NBUF):
                pltpu.make_async_copy(ones_v, acc.at[idx2.at[b]], sems).wait()

        plsc.subcore_barrier()
        pltpu.sync_copy(acc.at[pl.ds(sid * rps, rps)],
                        out.at[cid, pl.ds(sid * rps, rps)])

    return deg_kernel(ei_flat)


def _sc_propagate(h, ei_flat, npad):
    E = ei_flat.shape[0] // 2
    D = h.shape[1]
    epw = E // (NC * NS)
    nchunks = epw // EB
    rps = npad // NS


    @functools.partial(
        pl.kernel,
        out_type=jax.ShapeDtypeStruct((NC, npad, D), jnp.float32),
        mesh=_vsc_mesh(),
        scratch_types=[
            pltpu.VMEM((epw,), jnp.int32),
            pltpu.VMEM((NROT, EB), jnp.int32),
            pltpu.VMEM((NROT, EB, D), jnp.float32),
            pltpu.VMEM((16, D), jnp.float32),
            pltpu.VMEM_SHARED((npad, D), jnp.float32),
            pltpu.SemaphoreType.DMA,
            pltpu.SemaphoreType.DMA,
        ] + [pltpu.SemaphoreType.DMA] * NROT,
    )
    def prop_kernel(h_hbm, ei, out, sidx1, didx2, rows, z_v, acc,
                    semi, semg, *sems):
        cid = lax.axis_index("c")
        sid = lax.axis_index("s")
        ebase = (cid * NS + sid) * epw

        f1 = pltpu.async_copy(ei.at[pl.ds(ebase, epw)], sidx1, semi)

        @pl.loop(0, 16)
        def _(k):
            @pl.loop(0, D // LANES)
            def _(j):
                z_v[k, pl.ds(j * LANES, LANES)] = jnp.zeros((LANES,), jnp.float32)

        @pl.loop(0, rps // 16)
        def _(j):
            pltpu.async_copy(z_v, acc.at[pl.ds(sid * rps + j * 16, 16)], semg)

        @pl.loop(0, rps // 16)
        def _(j):
            pltpu.make_async_copy(
                z_v, acc.at[pl.ds(sid * rps + j * 16, 16)], semg).wait()

        plsc.subcore_barrier()
        f1.wait()

        nmain = (nchunks // NROT) * NROT
        ntail = nchunks - nmain

        def body(t0, nb):
            fd, gd = [], []
            for b in range(nb):
                t = t0 + b
                @pl.when(t >= NROT)
                def _():
                    pltpu.make_async_copy(
                        rows.at[b], acc.at[didx2.at[b]], sems[b]).wait()
                fd.append(pltpu.async_copy(
                    ei.at[pl.ds(E + ebase + t * EB, EB)], didx2.at[b], semi))
                gd.append(pltpu.async_copy(
                    h_hbm.at[sidx1.at[pl.ds(t * EB, EB)]],
                    rows.at[b], semg))
            for b in range(nb):
                fd[b].wait()
            for b in range(nb):
                gd[b].wait()
                pltpu.async_copy(rows.at[b], acc.at[didx2.at[b]],
                                 sems[b], add=True)

        @pl.loop(0, nmain, step=NROT)
        def _(t0):
            body(t0, NROT)

        if ntail:
            body(nmain, ntail)

        for b in range(NROT):
            pltpu.make_async_copy(rows.at[b], acc.at[didx2.at[b]],
                                  sems[b]).wait()

        plsc.subcore_barrier()
        pltpu.sync_copy(acc.at[pl.ds(sid * rps, rps)],
                        out.at[cid, pl.ds(sid * rps, rps)])

    return prop_kernel(h, ei_flat)


def _norm_cols(deg_blk):
    ns = deg_blk[0][:, 0:1]
    nd = deg_blk[1][:, 0:1]
    ns = jnp.where(ns > 0, lax.rsqrt(ns), 0.0)
    nd = jnp.where(nd > 0, lax.rsqrt(nd), 0.0)
    return ns, nd


def _prescale_body(deg_ref, x_ref, o_ref):
    ns, _ = _norm_cols(deg_ref[...])
    o_ref[...] = x_ref[...] * ns


def _tc_prescale(degs, x, npad, R=2000):
    n, D = x.shape
    return pl.pallas_call(
        _prescale_body,
        grid=(n // R,),
        in_specs=[pl.BlockSpec((NC, R, DEGW), lambda i: (0, i, 0)),
                  pl.BlockSpec((R, D), lambda i: (i, 0))],
        out_specs=pl.BlockSpec((R, D), lambda i: (i, 0)),
        out_shape=jax.ShapeDtypeStruct((npad, D), jnp.float32),
    )(degs, x)


def _layer_body(deg_ref, p_ref, w_ref, b_ref, o_ref):
    ns, nd = _norm_cols(deg_ref[...])
    t = (p_ref[0] + p_ref[1]) * nd
    h = jnp.dot(t, w_ref[...], preferred_element_type=jnp.float32) + b_ref[...]
    o_ref[...] = jnp.maximum(h, 0.0) * ns


def _tc_layer(degs, p, W, b, n, R=2000):
    _, npad, D = p.shape
    return pl.pallas_call(
        _layer_body,
        grid=(n // R,),
        in_specs=[pl.BlockSpec((NC, R, DEGW), lambda i: (0, i, 0)),
                  pl.BlockSpec((NC, R, D), lambda i: (0, i, 0)),
                  pl.BlockSpec((D, D), lambda i: (0, 0)),
                  pl.BlockSpec((1, D), lambda i: (0, 0))],
        out_specs=pl.BlockSpec((R, D), lambda i: (i, 0)),
        out_shape=jax.ShapeDtypeStruct((npad, D), jnp.float32),
    )(degs, p, W, b)


def _head_body(deg_ref, p_ref, w3_ref, b3_ref, wf1_ref, bf1_ref, wf2_ref,
               bf2_ref, wo_ref, bo_ref, o_ref, acc_ref, *, n_nodes):
    i = pl.program_id(0)
    _, nd = _norm_cols(deg_ref[...])
    t = (p_ref[0] + p_ref[1]) * nd
    s = jnp.sum(t, axis=0, keepdims=True)

    @pl.when(i == 0)
    def _():
        acc_ref[...] = s

    @pl.when(i > 0)
    def _():
        acc_ref[...] += s

    @pl.when(i == pl.num_programs(0) - 1)
    def _():
        m = acc_ref[...] * (1.0 / n_nodes)
        h3 = jnp.dot(m, w3_ref[...], preferred_element_type=jnp.float32) + b3_ref[...]
        f = jnp.maximum(
            jnp.dot(h3, wf1_ref[...], preferred_element_type=jnp.float32)
            + bf1_ref[...], 0.0)
        f = jnp.maximum(
            jnp.dot(f, wf2_ref[...], preferred_element_type=jnp.float32)
            + bf2_ref[...], 0.0)
        logit = jnp.dot(f, wo_ref[...], preferred_element_type=jnp.float32) + bo_ref[...]
        o_ref[...] = 1.0 / (1.0 + jnp.exp(-logit))


def _tc_head(degs, p, W3, b3, Wf1, bf1, Wf2, bf2, Wout, bout, n_nodes, R=1280):
    _, npad, D = p.shape
    return pl.pallas_call(
        functools.partial(_head_body, n_nodes=n_nodes),
        grid=(npad // R,),
        in_specs=[pl.BlockSpec((NC, R, DEGW), lambda i: (0, i, 0)),
                  pl.BlockSpec((NC, R, D), lambda i: (0, i, 0)),
                  pl.BlockSpec((D, D), lambda i: (0, 0)),
                  pl.BlockSpec((1, D), lambda i: (0, 0)),
                  pl.BlockSpec((D, D), lambda i: (0, 0)),
                  pl.BlockSpec((1, D), lambda i: (0, 0)),
                  pl.BlockSpec((D, D), lambda i: (0, 0)),
                  pl.BlockSpec((1, D), lambda i: (0, 0)),
                  pl.BlockSpec((D, 1), lambda i: (0, 0)),
                  pl.BlockSpec((1, 1), lambda i: (0, 0))],
        out_specs=pl.BlockSpec((1, 1), lambda i: (0, 0)),
        out_shape=jax.ShapeDtypeStruct((1, 1), jnp.float32),
        scratch_shapes=[pltpu.VMEM((1, D), jnp.float32)],
    )(degs, p, W3, b3, Wf1, bf1, Wf2, bf2, Wout, bout)


def kernel(x, edge_index, W1, b1, W2, b2, W3, b3, Wf1, bf1, Wf2, bf2, Wout, bout):
    N, D = x.shape
    npad = ((N + 2047) // 2048) * 2048
    ei_flat = edge_index.reshape(-1)

    degs = _sc_degrees(ei_flat, npad)

    h = _tc_prescale(degs, x, npad)
    for W, b in ((W1, b1), (W2, b2)):
        p = _sc_propagate(h, ei_flat, npad)
        h = _tc_layer(degs, p, W, b.reshape(1, -1), N)
    p = _sc_propagate(h, ei_flat, npad)
    return _tc_head(degs, p, W3, b3.reshape(1, -1), Wf1, bf1.reshape(1, -1),
                    Wf2, bf2.reshape(1, -1), Wout, bout.reshape(1, 1), N)

# --- scband reference (transcript-rebuilt; emitter-appended) ---
"""Pipeline reference for scband-gcnwith-nffnn-4733053960352 (READ-ONLY COPY).

The authoritative reference and input builder live on the scoring server;
editing this copy changes nothing except your own understanding.
"""

import jax, jax.numpy as jnp
import numpy as np

N_NODES = 10000
N_EDGES = 320000
D = 128
H = 128


def gcn_layer(x, W, b, src, dst, n):
    ones = jnp.ones((src.shape[0],), dtype=jnp.float32)
    deg_out = jax.ops.segment_sum(ones, src, num_segments=n)
    deg_in = jax.ops.segment_sum(ones, dst, num_segments=n)
    norm_src = jnp.where(deg_out > 0, deg_out ** -0.5, 0.0)
    norm_dst = jnp.where(deg_in > 0, deg_in ** -0.5, 0.0)
    h = x * norm_src[:, None]
    msg = h[src]
    agg = jax.ops.segment_sum(msg, dst, num_segments=n)
    agg = agg * norm_dst[:, None]
    return agg @ W + b


def setup_inputs(seed: int = 0) -> dict:
    key = jax.random.key(seed)
    ks = jax.random.split(key, 20)
    x = jax.random.normal(ks[0], (N_NODES, D), dtype=jnp.float32)
    edge_index = jax.random.randint(ks[1], (2, N_EDGES), 0, N_NODES, dtype=jnp.int32)
    s = 1.0 / np.sqrt(H)
    inp = {"x": x, "edge_index": edge_index}
    # GraphConv weights: conv1, 1 hidden layer (n_layers-1=1), conv_final
    inp["W1"] = jax.random.uniform(ks[2], (D, H), jnp.float32, -s, s)
    inp["b1"] = jnp.zeros((H,), jnp.float32)
    inp["W2"] = jax.random.uniform(ks[3], (H, H), jnp.float32, -s, s)
    inp["b2"] = jnp.zeros((H,), jnp.float32)
    inp["W3"] = jax.random.uniform(ks[4], (H, H), jnp.float32, -s, s)
    inp["b3"] = jnp.zeros((H,), jnp.float32)
    # FFNN: 2 linear layers + final fc
    inp["Wf1"] = jax.random.uniform(ks[5], (H, H), jnp.float32, -s, s)
    inp["bf1"] = jax.random.uniform(ks[6], (H,), jnp.float32, -s, s)
    inp["Wf2"] = jax.random.uniform(ks[7], (H, H), jnp.float32, -s, s)
    inp["bf2"] = jax.random.uniform(ks[8], (H,), jnp.float32, -s, s)
    inp["Wout"] = jax.random.uniform(ks[9], (H, 1), jnp.float32, -s, s)
    inp["bout"] = jax.random.uniform(ks[10], (1,), jnp.float32, -s, s)
    return inp


def reference(x, edge_index, W1, b1, W2, b2, W3, b3, Wf1, bf1, Wf2, bf2, Wout, bout):
    src = edge_index[0]
    dst = edge_index[1]
    n = x.shape[0]
    h = jax.nn.relu(gcn_layer(x, W1, b1, src, dst, n))
    h = jax.nn.relu(gcn_layer(h, W2, b2, src, dst, n))
    h = gcn_layer(h, W3, b3, src, dst, n)
    # dgl.mean_nodes over a single (batched=1) graph
    agg_h = jnp.mean(h, axis=0, keepdims=True)  # [1, H]
    f = jax.nn.relu(agg_h @ Wf1 + bf1)
    f = jax.nn.relu(f @ Wf2 + bf2)
    logit = f @ Wout + bout
    prob = jax.nn.sigmoid(logit)
    return prob

if __name__ == "__main__":
    import jax
    _d = setup_inputs()
    print(jax.jit(kernel)(*tuple(_d.values())))

</pallas_src>

<mosaic_0001>
#map = affine_map<(d0, d1) -> (0)>
#map1 = affine_map<(d0, d1) -> (0, 0, 0)>
module attributes {stable_mosaic.version = 14 : i64} {
  func.func @deg_kernel(%arg0: i32, %arg1: i32, %arg2: memref<640000xi32, #tpu.memory_space<hbm>>, %arg3: memref<2x10240x16xf32, #tpu.memory_space<hbm>>, %arg4: memref<20000xi32, #tpu.memory_space<vmem>>, %arg5: memref<5x80xi32, #tpu.memory_space<vmem>>, %arg6: memref<5x80xi32, #tpu.memory_space<vmem>>, %arg7: memref<80x16xf32, #tpu.memory_space<vmem>>, %arg8: memref<64x16xf32, #tpu.memory_space<vmem>>, %arg9: memref<10240x16xf32, #tpu.memory_space<vmem_shared>>, %arg10: memref<!tpu.dma_semaphore, #tpu.memory_space<semaphore_mem>>, %arg11: memref<!tpu.dma_semaphore, #tpu.memory_space<semaphore_mem>>, %arg12: memref<!tpu.dma_semaphore, #tpu.memory_space<semaphore_mem>>) attributes {dimension_semantics = [#tpu.dimension_semantics<core_parallel>, #tpu.dimension_semantics<subcore_parallel>], iteration_bounds = array<i64: 2, 16>, scalar_prefetch = 0 : i64, scratch_operands = 9 : i64, tpu.core_type = #tpu.core_type<sc_vector_subcore>, window_params = [{transform_indices = #map}, {transform_indices = #map1}]} {
    %mul3A = arith.constant 320000 : i32
    %mul3A_0 = arith.muli %arg0, %mul3A : i32
    %mul3A_1 = arith.constant 20000 : i32
    %mul3A_2 = arith.muli %arg1, %mul3A_1 : i32
    %add3A = arith.addi %mul3A_0, %mul3A_2 : i32
    %dma_start3A = tpu.memref_slice %arg2[%add3A] : memref<640000xi32, #tpu.memory_space<hbm>> -> memref<20000xi32, #tpu.memory_space<hbm>>
    %dma_start3A_3 = tpu.memref_slice %arg2[%add3A] : memref<640000xi32, #tpu.memory_space<hbm>> -> memref<20000xi32, #tpu.memory_space<hbm>>
    tpu.enqueue_dma source(%dma_start3A_3 : memref<20000xi32, #tpu.memory_space<hbm>>) target(%arg4 : memref<20000xi32, #tpu.memory_space<vmem>>) target_semaphore(%arg10 : memref<!tpu.dma_semaphore, #tpu.memory_space<semaphore_mem>>)
    %scan3A = arith.constant 0 : i32
    %scan3A_4 = arith.constant 80 : i32
    %scan3A_5 = arith.addi %scan3A, %scan3A_4 : i32
    %scan3A_6 = arith.constant 1 : i32
    scf.for %scan3A_104 = %scan3A to %scan3A_5 step %scan3A_6  : i32 {
      %mul3A_105 = arith.constant 1 : i32
      %mul3A_106 = arith.muli %scan3A_104, %mul3A_105 : i32
      %add3A_107 = arith.constant 0 : i32
      %add3A_108 = arith.addi %add3A_107, %mul3A_106 : i32
      %broadcast_in_dim3A = arith.constant 1.000000e+00 : f32
      %broadcast_in_dim3A_109 = vector.broadcast %broadcast_in_dim3A : f32 to vector<16xf32>
      %swap3A = arith.index_cast %add3A_108 : i32 to index
      %swap3A_110 = arith.constant 0 : index
      %swap3A_111 = tpu.vector_load %arg7[%swap3A, %swap3A_110] {strides = array<i32>} : memref<80x16xf32, #tpu.memory_space<vmem>>, vector<1x16xf32>,
      %swap3A_112 = vector.shape_cast %swap3A_111 : vector<1x16xf32> to vector<16xf32>
      %swap3A_113 = vector.shape_cast %broadcast_in_dim3A_109 : vector<16xf32> to vector<1x16xf32>
      tpu.vector_store %arg7[%swap3A, %swap3A_110], %swap3A_113 {strides = array<i32>} : memref<80x16xf32, #tpu.memory_space<vmem>>, vector<1x16xf32>,
    }
    %scan3A_7 = arith.constant 80 : i32
    %scan3A_8 = arith.constant 0 : i32
    %scan3A_9 = arith.constant 64 : i32
    %scan3A_10 = arith.addi %scan3A_8, %scan3A_9 : i32
    %scan3A_11 = arith.constant 1 : i32
    scf.for %scan3A_104 = %scan3A_8 to %scan3A_10 step %scan3A_11  : i32 {
      %mul3A_105 = arith.constant 1 : i32
      %mul3A_106 = arith.muli %scan3A_104, %mul3A_105 : i32
      %add3A_107 = arith.constant 0 : i32
      %add3A_108 = arith.addi %add3A_107, %mul3A_106 : i32
      %broadcast_in_dim3A = arith.constant 0.000000e+00 : f32
      %broadcast_in_dim3A_109 = vector.broadcast %broadcast_in_dim3A : f32 to vector<16xf32>
      %swap3A = arith.index_cast %add3A_108 : i32 to index
      %swap3A_110 = arith.constant 0 : index
      %swap3A_111 = tpu.vector_load %arg8[%swap3A, %swap3A_110] {strides = array<i32>} : memref<64x16xf32, #tpu.memory_space<vmem>>, vector<1x16xf32>,
      %swap3A_112 = vector.shape_cast %swap3A_111 : vector<1x16xf32> to vector<16xf32>
      %swap3A_113 = vector.shape_cast %broadcast_in_dim3A_109 : vector<16xf32> to vector<1x16xf32>
      tpu.vector_store %arg8[%swap3A, %swap3A_110], %swap3A_113 {strides = array<i32>} : memref<64x16xf32, #tpu.memory_space<vmem>>, vector<1x16xf32>,
    }
    %scan3A_12 = arith.constant 64 : i32
    %scan3A_13 = arith.constant 0 : i32
    %scan3A_14 = arith.constant 10 : i32
    %scan3A_15 = arith.addi %scan3A_13, %scan3A_14 : i32
    %scan3A_16 = arith.constant 1 : i32
    scf.for %scan3A_104 = %scan3A_13 to %scan3A_15 step %scan3A_16  : i32 {
      %mul3A_105 = arith.constant 1 : i32
      %mul3A_106 = arith.muli %scan3A_104, %mul3A_105 : i32
      %add3A_107 = arith.constant 0 : i32
      %add3A_108 = arith.addi %add3A_107, %mul3A_106 : i32
      %mul3A_109 = arith.constant 640 : i32
      %mul3A_110 = arith.muli %arg1, %mul3A_109 : i32
      %mul3A_111 = arith.constant 64 : i32
      %mul3A_112 = arith.muli %add3A_108, %mul3A_111 : i32
      %add3A_113 = arith.addi %mul3A_110, %mul3A_112 : i32
      %dma_start3A_114 = arith.constant 0 : i32
      %dma_start3A_115 = tpu.memref_slice %arg9[%add3A_113, %dma_start3A_114] : memref<10240x16xf32, #tpu.memory_space<vmem_shared>> -> memref<64x16xf32, #tpu.memory_space<vmem_shared>>
      %dma_start3A_116 = arith.constant 0 : i32
      %dma_start3A_117 = tpu.memref_slice %arg9[%add3A_113, %dma_start3A_116] : memref<10240x16xf32, #tpu.memory_space<vmem_shared>> -> memref<64x16xf32, #tpu.memory_space<vmem_shared>>
      tpu.enqueue_dma source(%arg8 : memref<64x16xf32, #tpu.memory_space<vmem>>) target(%dma_start3A_117 : memref<64x16xf32, #tpu.memory_space<vmem_shared>>) target_semaphore(%arg11 : memref<!tpu.dma_semaphore, #tpu.memory_space<semaphore_mem>>)
    }
    %scan3A_17 = arith.constant 10 : i32
    %scan3A_18 = arith.constant 0 : i32
    %scan3A_19 = arith.constant 10 : i32
    %scan3A_20 = arith.addi %scan3A_18, %scan3A_19 : i32
    %scan3A_21 = arith.constant 1 : i32
    scf.for %scan3A_104 = %scan3A_18 to %scan3A_20 step %scan3A_21  : i32 {
      %mul3A_105 = arith.constant 1 : i32
      %mul3A_106 = arith.muli %scan3A_104, %mul3A_105 : i32
      %add3A_107 = arith.constant 0 : i32
      %add3A_108 = arith.addi %add3A_107, %mul3A_106 : i32
      %mul3A_109 = arith.constant 640 : i32
      %mul3A_110 = arith.muli %arg1, %mul3A_109 : i32
      %mul3A_111 = arith.constant 64 : i32
      %mul3A_112 = arith.muli %add3A_108, %mul3A_111 : i32
      %add3A_113 = arith.addi %mul3A_110, %mul3A_112 : i32
      %dma_wait3A_114 = arith.constant 0 : i32
      %dma_wait3A_115 = tpu.memref_slice %arg9[%add3A_113, %dma_wait3A_114] : memref<10240x16xf32, #tpu.memory_space<vmem_shared>> -> memref<64x16xf32, #tpu.memory_space<vmem_shared>>
      %dma_wait3A_116 = arith.constant 0 : i32
      %dma_wait3A_117 = tpu.memref_slice %arg9[%add3A_113, %dma_wait3A_116] : memref<10240x16xf32, #tpu.memory_space<vmem_shared>> -> memref<64x16xf32, #tpu.memory_space<vmem_shared>>
      tpu.wait_dma2 semaphore(%arg11 : memref<!tpu.dma_semaphore, #tpu.memory_space<semaphore_mem>>) src(%arg8 : memref<64x16xf32, #tpu.memory_space<vmem>>) dst(%dma_wait3A_117 : memref<64x16xf32, #tpu.memory_space<vmem_shared>>)
    }
    %scan3A_22 = arith.constant 10 : i32
    %barrier3A = arith.constant 0 : index
    tpu.barrier barrier_id(%barrier3A)
    %dma_wait3A = tpu.memref_slice %arg2[%add3A] : memref<640000xi32, #tpu.memory_space<hbm>> -> memref<20000xi32, #tpu.memory_space<hbm>>
    %dma_wait3A_23 = tpu.memref_slice %arg2[%add3A] : memref<640000xi32, #tpu.memory_space<hbm>> -> memref<20000xi32, #tpu.memory_space<hbm>>
    tpu.wait_dma2 semaphore(%arg10 : memref<!tpu.dma_semaphore, #tpu.memory_space<semaphore_mem>>) src(%dma_wait3A_23 : memref<20000xi32, #tpu.memory_space<hbm>>) dst(%arg4 : memref<20000xi32, #tpu.memory_space<vmem>>)
    %scan3A_24 = arith.constant 0 : i32
    %scan3A_25 = arith.constant 25 : i32
    %scan3A_26 = arith.addi %scan3A_24, %scan3A_25 : i32
    %scan3A_27 = arith.constant 1 : i32
    scf.for %scan3A_104 = %scan3A_24 to %scan3A_26 step %scan3A_27  : i32 {
      %mul3A_105 = arith.constant 2 : i32
      %mul3A_106 = arith.muli %scan3A_104, %mul3A_105 : i32
      %add3A_107 = arith.constant 0 : i32
      %add3A_108 = arith.addi %add3A_107, %mul3A_106 : i32
      %ge3A = arith.constant 2 : i32
      %ge3A_109 = arith.cmpi sge, %add3A_108, %ge3A : i32
      %convert_element_type3A = arith.extui %ge3A_109 : i1 to i32
      %cond3A = arith.constant 0 : i32
      %cond3A_110 = arith.cmpi ne, %convert_element_type3A, %cond3A : i32
      scf.if %cond3A_110 {
        %dma_wait3A_1036 = arith.constant 0 : i32
        %dma_wait3A_1037 = arith.constant 0 : i32
        %dma_wait3A_1038 = tpu.memref_slice %arg5[%dma_wait3A_1036, %dma_wait3A_1037] : memref<5x80xi32, #tpu.memory_space<vmem>> -> memref<1x80xi32, #tpu.memory_space<vmem>>
        %dma_wait3A_1039 = tpu.memref_squeeze %dma_wait3A_1038 : memref<1x80xi32, #tpu.memory_space<vmem>> -> memref<80xi32, #tpu.memory_space<vmem>>
        %dma_wait3A_1040 = arith.constant 0 : i32
        %dma_wait3A_1041 = arith.constant 0 : i32
        %dma_wait3A_1042 = tpu.memref_slice %arg9[%dma_wait3A_1040, %dma_wait3A_1041] : memref<10240x16xf32, #tpu.memory_space<vmem_shared>> -> memref<10240x16xf32, #tpu.memory_space<vmem_shared>>
        tpu.wait_indirect_dma semaphore(%arg11 : memref<!tpu.dma_semaphore, #tpu.memory_space<semaphore_mem>>) src(%arg7 : memref<80x16xf32, #tpu.memory_space<vmem>>) dst(%dma_wait3A_1042 : memref<10240x16xf32, #tpu.memory_space<vmem_shared>>)
        %dma_wait3A_1043 = arith.constant 1 : i32
        %dma_wait3A_1044 = arith.constant 0 : i32
        %dma_wait3A_1045 = tpu.memref_slice %arg5[%dma_wait3A_1043, %dma_wait3A_1044] : memref<5x80xi32, #tpu.memory_space<vmem>> -> memref<1x80xi32, #tpu.memory_space<vmem>>
        %dma_wait3A_1046 = tpu.memref_squeeze %dma_wait3A_1045 : memref<1x80xi32, #tpu.memory_space<vmem>> -> memref<80xi32, #tpu.memory_space<vmem>>
        %dma_wait3A_1047 = arith.constant 0 : i32
        %dma_wait3A_1048 = arith.constant 0 : i32
        %dma_wait3A_1049 = tpu.memref_slice %arg9[%dma_wait3A_1047, %dma_wait3A_1048] : memref<10240x16xf32, #tpu.memory_space<vmem_shared>> -> memref<10240x16xf32, #tpu.memory_space<vmem_shared>>
        tpu.wait_indirect_dma semaphore(%arg11 : memref<!tpu.dma_semaphore, #tpu.memory_space<semaphore_mem>>) src(%arg7 : memref<80x16xf32, #tpu.memory_space<vmem>>) dst(%dma_wait3A_1049 : memref<10240x16xf32, #tpu.memory_space<vmem_shared>>)
        %dma_wait3A_1050 = arith.constant 2 : i32
        %dma_wait3A_1051 = arith.constant 0 : i32
        %dma_wait3A_1052 = tpu.memref_slice %arg5[%dma_wait3A_1050, %dma_wait3A_1051] : memref<5x80xi32, #tpu.memory_space<vmem>> -> memref<1x80xi32, #tpu.memory_space<vmem>>
        %dma_wait3A_1053 = tpu.memref_squeeze %dma_wait3A_1052 : memref<1x80xi32, #tpu.memory_space<vmem>> -> memref<80xi32, #tpu.memory_space<vmem>>
        %dma_wait3A_1054 = arith.constant 0 : i32
        %dma_wait3A_1055 = arith.constant 0 : i32
        %dma_wait3A_1056 = tpu.memref_slice %arg9[%dma_wait3A_1054, %dma_wait3A_1055] : memref<10240x16xf32, #tpu.memory_space<vmem_shared>> -> memref<10240x16xf32, #tpu.memory_space<vmem_shared>>
        tpu.wait_indirect_dma semaphore(%arg11 : memref<!tpu.dma_semaphore, #tpu.memory_space<semaphore_mem>>) src(%arg7 : memref<80x16xf32, #tpu.memory_space<vmem>>) dst(%dma_wait3A_1056 : memref<10240x16xf32, #tpu.memory_space<vmem_shared>>)
        %dma_wait3A_1057 = arith.constant 3 : i32
        %dma_wait3A_1058 = arith.constant 0 : i32
        %dma_wait3A_1059 = tpu.memref_slice %arg5[%dma_wait3A_1057, %dma_wait3A_1058] : memref<5x80xi32, #tpu.memory_space<vmem>> -> memref<1x80xi32, #tpu.memory_space<vmem>>
        %dma_wait3A_1060 = tpu.memref_squeeze %dma_wait3A_1059 : memref<1x80xi32, #tpu.memory_space<vmem>> -> memref<80xi32, #tpu.memory_space<vmem>>
        %dma_wait3A_1061 = arith.constant 0 : i32
        %dma_wait3A_1062 = arith.constant 0 : i32
        %dma_wait3A_1063 = tpu.memref_slice %arg9[%dma_wait3A_1061, %dma_wait3A_1062] : memref<10240x16xf32, #tpu.memory_space<vmem_shared>> -> memref<10240x16xf32, #tpu.memory_space<vmem_shared>>
        tpu.wait_indirect_dma semaphore(%arg11 : memref<!tpu.dma_semaphore, #tpu.memory_space<semaphore_mem>>) src(%arg7 : memref<80x16xf32, #tpu.memory_space<vmem>>) dst(%dma_wait3A_1063 : memref<10240x16xf32, #tpu.memory_space<vmem_shared>>)
        %dma_wait3A_1064 = arith.constant 4 : i32
        %dma_wait3A_1065 = arith.constant 0 : i32
        %dma_wait3A_1066 = tpu.memref_slice %arg5[%dma_wait3A_1064, %dma_wait3A_1065] : memref<5x80xi32, #tpu.memory_space<vmem>> -> memref<1x80xi32, #tpu.memory_space<vmem>>
        %dma_wait3A_1067 = tpu.memref_squeeze %dma_wait3A_1066 : memref<1x80xi32, #tpu.memory_space<vmem>> -> memref<80xi32, #tpu.memory_space<vmem>>
        %dma_wait3A_1068 = arith.constant 0 : i32
        %dma_wait3A_1069 = arith.constant 0 : i32
        %dma_wait3A_1070 = tpu.memref_slice %arg9[%dma_wait3A_1068, %dma_wait3A_1069] : memref<10240x16xf32, #tpu.memory_space<vmem_shared>> -> memref<10240x16xf32, #tpu.memory_space<vmem_shared>>
        tpu.wait_indirect_dma semaphore(%arg11 : memref<!tpu.dma_semaphore, #tpu.memory_space<semaphore_mem>>) src(%arg7 : memref<80x16xf32, #tpu.memory_space<vmem>>) dst(%dma_wait3A_1070 : memref<10240x16xf32, #tpu.memory_space<vmem_shared>>)
      } else {
      }
      %mul3A_111 = arith.constant 5 : i32
      %mul3A_112 = arith.muli %add3A_108, %mul3A_111 : i32
      %add3A_113 = arith.constant 0 : i32
      %add3A_114 = arith.addi %mul3A_112, %add3A_113 : i32
      %mul3A_115 = arith.constant 80 : i32
      %mul3A_116 = arith.muli %add3A_114, %mul3A_115 : i32
      %add3A_117 = arith.constant 0 : i32
      %add3A_118 = arith.addi %mul3A_116, %add3A_117 : i32
      %get3A = arith.index_cast %add3A_118 : i32 to index
      %get3A_119 = tpu.vector_load %arg4[%get3A] {strides = array<i32>} : memref<20000xi32, #tpu.memory_space<vmem>>, vector<16xi32>,
      %get3A_120 = vector.shape_cast %get3A_119 : vector<16xi32> to vector<16xi32>
      %swap3A = arith.constant 0 : i32
      %swap3A_121 = arith.index_cast %swap3A : i32 to index
      %swap3A_122 = arith.constant 0 : index
      %swap3A_123 = tpu.vector_load %arg5[%swap3A_121, %swap3A_122] {strides = array<i32>} : memref<5x80xi32, #tpu.memory_space<vmem>>, vector<1x16xi32>,
      %swap3A_124 = vector.shape_cast %swap3A_123 : vector<1x16xi32> to vector<16xi32>
      %swap3A_125 = vector.shape_cast %get3A_120 : vector<16xi32> to vector<1x16xi32>
      tpu.vector_store %arg5[%swap3A_121, %swap3A_122], %swap3A_125 {strides = array<i32>} : memref<5x80xi32, #tpu.memory_space<vmem>>, vector<1x16xi32>,
      %mul3A_126 = arith.constant 5 : i32
      %mul3A_127 = arith.muli %add3A_108, %mul3A_126 : i32
      %add3A_128 = arith.constant 0 : i32
      %add3A_129 = arith.addi %mul3A_127, %add3A_128 : i32
      %mul3A_130 = arith.constant 80 : i32
      %mul3A_131 = arith.muli %add3A_129, %mul3A_130 : i32
      %add3A_132 = arith.constant 16 : i32
      %add3A_133 = arith.addi %mul3A_131, %add3A_132 : i32
      %get3A_134 = arith.index_cast %add3A_133 : i32 to index
      %get3A_135 = tpu.vector_load %arg4[%get3A_134] {strides = array<i32>} : memref<20000xi32, #tpu.memory_space<vmem>>, vector<16xi32>,
      %get3A_136 = vector.shape_cast %get3A_135 : vector<16xi32> to vector<16xi32>
      %swap3A_137 = arith.constant 0 : i32
      %swap3A_138 = arith.index_cast %swap3A_137 : i32 to index
      %swap3A_139 = arith.constant 16 : index
      %swap3A_140 = tpu.vector_load %arg5[%swap3A_138, %swap3A_139] {strides = array<i32>} : memref<5x80xi32, #tpu.memory_space<vmem>>, vector<1x16xi32>,
      %swap3A_141 = vector.shape_cast %swap3A_140 : vector<1x16xi32> to vector<16xi32>
      %swap3A_142 = vector.shape_cast %get3A_136 : vector<16xi32> to vector<1x16xi32>
      tpu.vector_store %arg5[%swap3A_138, %swap3A_139], %swap3A_142 {strides = array<i32>} : memref<5x80xi32, #tpu.memory_space<vmem>>, vector<1x16xi32>,
      %mul3A_143 = arith.constant 5 : i32
      %mul3A_144 = arith.muli %add3A_108, %mul3A_143 : i32
      %add3A_145 = arith.constant 0 : i32
      %add3A_146 = arith.addi %mul3A_144, %add3A_145 : i32
      %mul3A_147 = arith.constant 80 : i32
      %mul3A_148 = arith.muli %add3A_146, %mul3A_147 : i32
      %add3A_149 = arith.constant 32 : i32
      %add3A_150 = arith.addi %mul3A_148, %add3A_149 : i32
      %get3A_151 = arith.index_cast %add3A_150 : i32 to index
      %get3A_152 = tpu.vector_load %arg4[%get3A_151] {strides = array<i32>} : memref<20000xi32, #tpu.memory_space<vmem>>, vector<16xi32>,
      %get3A_153 = vector.shape_cast %get3A_152 : vector<16xi32> to vector<16xi32>
      %swap3A_154 = arith.constant 0 : i32
      %swap3A_155 = arith.index_cast %swap3A_154 : i32 to index
      %swap3A_156 = arith.constant 32 : index
      %swap3A_157 = tpu.vector_load %arg5[%swap3A_155, %swap3A_156] {strides = array<i32>} : memref<5x80xi32, #tpu.memory_space<vmem>>, vector<1x16xi32>,
      %swap3A_158 = vector.shape_cast %swap3A_157 : vector<1x16xi32> to vector<16xi32>
      %swap3A_159 = vector.shape_cast %get3A_153 : vector<16xi32> to vector<1x16xi32>
      tpu.vector_store %arg5[%swap3A_155, %swap3A_156], %swap3A_159 {strides = array<i32>} : memref<5x80xi32, #tpu.memory_space<vmem>>, vector<1x16xi32>,
      %mul3A_160 = arith.constant 5 : i32
      %mul3A_161 = arith.muli %add3A_108, %mul3A_160 : i32
      %add3A_162 = arith.constant 0 : i32
      %add3A_163 = arith.addi %mul3A_161, %add3A_162 : i32
      %mul3A_164 = arith.constant 80 : i32
      %mul3A_165 = arith.muli %add3A_163, %mul3A_164 : i32
      %add3A_166 = arith.constant 48 : i32
      %add3A_167 = arith.addi %mul3A_165, %add3A_166 : i32
      %get3A_168 = arith.index_cast %add3A_167 : i32 to index
      %get3A_169 = tpu.vector_load %arg4[%get3A_168] {strides = array<i32>} : memref<20000xi32, #tpu.memory_space<vmem>>, vector<16xi32>,
      %get3A_170 = vector.shape_cast %get3A_169 : vector<16xi32> to vector<16xi32>
      %swap3A_171 = arith.constant 0 : i32
      %swap3A_172 = arith.index_cast %swap3A_171 : i32 to index
      %swap3A_173 = arith.constant 48 : index
      %swap3A_174 = tpu.vector_load %arg5[%swap3A_172, %swap3A_173] {strides = array<i32>} : memref<5x80xi32, #tpu.memory_space<vmem>>, vector<1x16xi32>,
      %swap3A_175 = vector.shape_cast %swap3A_174 : vector<1x16xi32> to vector<16xi32>
      %swap3A_176 = vector.shape_cast %get3A_170 : vector<16xi32> to vector<1x16xi32>
      tpu.vector_store %arg5[%swap3A_172, %swap3A_173], %swap3A_176 {strides = array<i32>} : memref<5x80xi32, #tpu.memory_space<vmem>>, vector<1x16xi32>,
      %mul3A_177 = arith.constant 5 : i32
      %mul3A_178 = arith.muli %add3A_108, %mul3A_177 : i32
      %add3A_179 = arith.constant 0 : i32
      %add3A_180 = arith.addi %mul3A_178, %add3A_179 : i32
      %mul3A_181 = arith.constant 80 : i32
      %mul3A_182 = arith.muli %add3A_180, %mul3A_181 : i32
      %add3A_183 = arith.constant 64 : i32
      %add3A_184 = arith.addi %mul3A_182, %add3A_183 : i32
      %get3A_185 = arith.index_cast %add3A_184 : i32 to index
      %get3A_186 = tpu.vector_load %arg4[%get3A_185] {strides = array<i32>} : memref<20000xi32, #tpu.memory_space<vmem>>, vector<16xi32>,
      %get3A_187 = vector.shape_cast %get3A_186 : vector<16xi32> to vector<16xi32>
      %swap3A_188 = arith.constant 0 : i32
      %swap3A_189 = arith.index_cast %swap3A_188 : i32 to index
      %swap3A_190 = arith.constant 64 : index
      %swap3A_191 = tpu.vector_load %arg5[%swap3A_189, %swap3A_190] {strides = array<i32>} : memref<5x80xi32, #tpu.memory_space<vmem>>, vector<1x16xi32>,
      %swap3A_192 = vector.shape_cast %swap3A_191 : vector<1x16xi32> to vector<16xi32>
      %swap3A_193 = vector.shape_cast %get3A_187 : vector<16xi32> to vector<1x16xi32>
      tpu.vector_store %arg5[%swap3A_189, %swap3A_190], %swap3A_193 {strides = array<i32>} : memref<5x80xi32, #tpu.memory_space<vmem>>, vector<1x16xi32>,
      %mul3A_194 = arith.constant 5 : i32
      %mul3A_195 = arith.muli %add3A_108, %mul3A_194 : i32
      %add3A_196 = arith.constant 1 : i32
      %add3A_197 = arith.addi %mul3A_195, %add3A_196 : i32
      %mul3A_198 = arith.constant 80 : i32
      %mul3A_199 = arith.muli %add3A_197, %mul3A_198 : i32
      %add3A_200 = arith.constant 0 : i32
      %add3A_201 = arith.addi %mul3A_199, %add3A_200 : i32
      %get3A_202 = arith.index_cast %add3A_201 : i32 to index
      %get3A_203 = tpu.vector_load %arg4[%get3A_202] {strides = array<i32>} : memref<20000xi32, #tpu.memory_space<vmem>>, vector<16xi32>,
      %get3A_204 = vector.shape_cast %get3A_203 : vector<16xi32> to vector<16xi32>
      %swap3A_205 = arith.constant 1 : i32
      %swap3A_206 = arith.index_cast %swap3A_205 : i32 to index
      %swap3A_207 = arith.constant 0 : index
      %swap3A_208 = tpu.vector_load %arg5[%swap3A_206, %swap3A_207] {strides = array<i32>} : memref<5x80xi32, #tpu.memory_space<vmem>>, vector<1x16xi32>,
      %swap3A_209 = vector.shape_cast %swap3A_208 : vector<1x16xi32> to vector<16xi32>
      %swap3A_210 = vector.shape_cast %get3A_204 : vector<16xi32> to vector<1x16xi32>
      tpu.vector_store %arg5[%swap3A_206, %swap3A_207], %swap3A_210 {strides = array<i32>} : memref<5x80xi32, #tpu.memory_space<vmem>>, vector<1x16xi32>,
      %mul3A_211 = arith.constant 5 : i32
      %mul3A_212 = arith.muli %add3A_108, %mul3A_211 : i32
      %add3A_213 = arith.constant 1 : i32
      %add3A_214 = arith.addi %mul3A_212, %add3A_213 : i32
      %mul3A_215 = arith.constant 80 : i32
      %mul3A_216 = arith.muli %add3A_214, %mul3A_215 : i32
      %add3A_217 = arith.constant 16 : i32
      %add3A_218 = arith.addi %mul3A_216, %add3A_217 : i32
      %get3A_219 = arith.index_cast %add3A_218 : i32 to index
      %get3A_220 = tpu.vector_load %arg4[%get3A_219] {strides = array<i32>} : memref<20000xi32, #tpu.memory_space<vmem>>, vector<16xi32>,
      %get3A_221 = vector.shape_cast %get3A_220 : vector<16xi32> to vector<16xi32>
      %swap3A_222 = arith.constant 1 : i32
      %swap3A_223 = arith.index_cast %swap3A_222 : i32 to index
      %swap3A_224 = arith.constant 16 : index
      %swap3A_225 = tpu.vector_load %arg5[%swap3A_223, %swap3A_224] {strides = array<i32>} : memref<5x80xi32, #tpu.memory_space<vmem>>, vector<1x16xi32>,
      %swap3A_226 = vector.shape_cast %swap3A_225 : vector<1x16xi32> to vector<16xi32>
      %swap3A_227 = vector.shape_cast %get3A_221 : vector<16xi32> to vector<1x16xi32>
      tpu.vector_store %arg5[%swap3A_223, %swap3A_224], %swap3A_227 {strides = array<i32>} : memref<5x80xi32, #tpu.memory_space<vmem>>, vector<1x16xi32>,
      %mul3A_228 = arith.constant 5 : i32
      %mul3A_229 = arith.muli %add3A_108, %mul3A_228 : i32
      %add3A_230 = arith.constant 1 : i32
      %add3A_231 = arith.addi %mul3A_229, %add3A_230 : i32
      %mul3A_232 = arith.constant 80 : i32
      %mul3A_233 = arith.muli %add3A_231, %mul3A_232 : i32
      %add3A_234 = arith.constant 32 : i32
      %add3A_235 = arith.addi %mul3A_233, %add3A_234 : i32
      %get3A_236 = arith.index_cast %add3A_235 : i32 to index
      %get3A_237 = tpu.vector_load %arg4[%get3A_236] {strides = array<i32>} : memref<20000xi32, #tpu.memory_space<vmem>>, vector<16xi32>,
      %get3A_238 = vector.shape_cast %get3A_237 : vector<16xi32> to vector<16xi32>
      %swap3A_239 = arith.constant 1 : i32
      %swap3A_240 = arith.index_cast %swap3A_239 : i32 to index
      %swap3A_241 = arith.constant 32 : index
      %swap3A_242 = tpu.vector_load %arg5[%swap3A_240, %swap3A_241] {strides = array<i32>} : memref<5x80xi32, #tpu.memory_space<vmem>>, vector<1x16xi32>,
      %swap3A_243 = vector.shape_cast %swap3A_242 : vector<1x16xi32> to vector<16xi32>
      %swap3A_244 = vector.shape_cast %get3A_238 : vector<16xi32> to vector<1x16xi32>
      tpu.vector_store %arg5[%swap3A_240, %swap3A_241], %swap3A_244 {strides = array<i32>} : memref<5x80xi32, #tpu.memory_space<vmem>>, vector<1x16xi32>,
      %mul3A_245 = arith.constant 5 : i32
      %mul3A_246 = arith.muli %add3A_108, %mul3A_245 : i32
      %add3A_247 = arith.constant 1 : i32
      %add3A_248 = arith.addi %mul3A_246, %add3A_247 : i32
      %mul3A_249 = arith.constant 80 : i32
      %mul3A_250 = arith.muli %add3A_248, %mul3A_249 : i32
      %add3A_251 = arith.constant 48 : i32
      %add3A_252 = arith.addi %mul3A_250, %add3A_251 : i32
      %get3A_253 = arith.index_cast %add3A_252 : i32 to index
      %get3A_254 = tpu.vector_load %arg4[%get3A_253] {strides = array<i32>} : memref<20000xi32, #tpu.memory_space<vmem>>, vector<16xi32>,
      %get3A_255 = vector.shape_cast %get3A_254 : vector<16xi32> to vector<16xi32>
      %swap3A_256 = arith.constant 1 : i32
      %swap3A_257 = arith.index_cast %swap3A_256 : i32 to index
      %swap3A_258 = arith.constant 48 : index
      %swap3A_259 = tpu.vector_load %arg5[%swap3A_257, %swap3A_258] {strides = array<i32>} : memref<5x80xi32, #tpu.memory_space<vmem>>, vector<1x16xi32>,
      %swap3A_260 = vector.shape_cast %swap3A_259 : vector<1x16xi32> to vector<16xi32>
      %swap3A_261 = vector.shape_cast %get3A_255 : vector<16xi32> to vector<1x16xi32>
      tpu.vector_store %arg5[%swap3A_257, %swap3A_258], %swap3A_261 {strides = array<i32>} : memref<5x80xi32, #tpu.memory_space<vmem>>, vector<1x16xi32>,
      %mul3A_262 = arith.constant 5 : i32
      %mul3A_263 = arith.muli %add3A_108, %mul3A_262 : i32
      %add3A_264 = arith.constant 1 : i32
      %add3A_265 = arith.addi %mul3A_263, %add3A_264 : i32
      %mul3A_266 = arith.constant 80 : i32
      %mul3A_267 = arith.muli %add3A_265, %mul3A_266 : i32
      %add3A_268 = arith.constant 64 : i32
      %add3A_269 = arith.addi %mul3A_267, %add3A_268 : i32
      %get3A_270 = arith.index_cast %add3A_269 : i32 to index
      %get3A_271 = tpu.vector_load %arg4[%get3A_270] {strides = array<i32>} : memref<20000xi32, #tpu.memory_space<vmem>>, vector<16xi32>,
      %get3A_272 = vector.shape_cast %get3A_271 : vector<16xi32> to vector<16xi32>
      %swap3A_273 = arith.constant 1 : i32
      %swap3A_274 = arith.index_cast %swap3A_273 : i32 to index
      %swap3A_275 = arith.constant 64 : index
      %swap3A_276 = tpu.vector_load %arg5[%swap3A_274, %swap3A_275] {strides = array<i32>} : memref<5x80xi32, #tpu.memory_space<vmem>>, vector<1x16xi32>,
      %swap3A_277 = vector.shape_cast %swap3A_276 : vector<1x16xi32> to vector<16xi32>
      %swap3A_278 = vector.shape_cast %get3A_272 : vector<16xi32> to vector<1x16xi32>
      tpu.vector_store %arg5[%swap3A_274, %swap3A_275], %swap3A_278 {strides = array<i32>} : memref<5x80xi32, #tpu.memory_space<vmem>>, vector<1x16xi32>,
      %mul3A_279 = arith.constant 5 : i32
      %mul3A_280 = arith.muli %add3A_108, %mul3A_279 : i32
      %add3A_281 = arith.constant 2 : i32
      %add3A_282 = arith.addi %mul3A_280, %add3A_281 : i32
      %mul3A_283 = arith.constant 80 : i32
      %mul3A_284 = arith.muli %add3A_282, %mul3A_283 : i32
      %add3A_285 = arith.constant 0 : i32
      %add3A_286 = arith.addi %mul3A_284, %add3A_285 : i32
      %get3A_287 = arith.index_cast %add3A_286 : i32 to index
      %get3A_288 = tpu.vector_load %arg4[%get3A_287] {strides = array<i32>} : memref<20000xi32, #tpu.memory_space<vmem>>, vector<16xi32>,
      %get3A_289 = vector.shape_cast %get3A_288 : vector<16xi32> to vector<16xi32>
      %swap3A_290 = arith.constant 2 : i32
      %swap3A_291 = arith.index_cast %swap3A_290 : i32 to index
      %swap3A_292 = arith.constant 0 : index
      %swap3A_293 = tpu.vector_load %arg5[%swap3A_291, %swap3A_292] {strides = array<i32>} : memref<5x80xi32, #tpu.memory_space<vmem>>, vector<1x16xi32>,
      %swap3A_294 = vector.shape_cast %swap3A_293 : vector<1x16xi32> to vector<16xi32>
      %swap3A_295 = vector.shape_cast %get3A_289 : vector<16xi32> to vector<1x16xi32>
      tpu.vector_store %arg5[%swap3A_291, %swap3A_292], %swap3A_295 {strides = array<i32>} : memref<5x80xi32, #tpu.memory_space<vmem>>, vector<1x16xi32>,
      %mul3A_296 = arith.constant 5 : i32
      %mul3A_297 = arith.muli %add3A_108, %mul3A_296 : i32
      %add3A_298 = arith.constant 2 : i32
      %add3A_299 = arith.addi %mul3A_297, %add3A_298 : i32
      %mul3A_300 = arith.constant 80 : i32
      %mul3A_301 = arith.muli %add3A_299, %mul3A_300 : i32
      %add3A_302 = arith.constant 16 : i32
      %add3A_303 = arith.addi %mul3A_301, %add3A_302 : i32
      %get3A_304 = arith.index_cast %add3A_303 : i32 to index
      %get3A_305 = tpu.vector_load %arg4[%get3A_304] {strides = array<i32>} : memref<20000xi32, #tpu.memory_space<vmem>>, vector<16xi32>,
      %get3A_306 = vector.shape_cast %get3A_305 : vector<16xi32> to vector<16xi32>
      %swap3A_307 = arith.constant 2 : i32
      %swap3A_308 = arith.index_cast %swap3A_307 : i32 to index
      %swap3A_309 = arith.constant 16 : index
      %swap3A_310 = tpu.vector_load %arg5[%swap3A_308, %swap3A_309] {strides = array<i32>} : memref<5x80xi32, #tpu.memory_space<vmem>>, vector<1x16xi32>,
      %swap3A_311 = vector.shape_cast %swap3A_310 : vector<1x16xi32> to vector<16xi32>
      %swap3A_312 = vector.shape_cast %get3A_306 : vector<16xi32> to vector<1x16xi32>
      tpu.vector_store %arg5[%swap3A_308, %swap3A_309], %swap3A_312 {strides = array<i32>} : memref<5x80xi32, #tpu.memory_space<vmem>>, vector<1x16xi32>,
      %mul3A_313 = arith.constant 5 : i32
      %mul3A_314 = arith.muli %add3A_108, %mul3A_313 : i32
      %add3A_315 = arith.constant 2 : i32
      %add3A_316 = arith.addi %mul3A_314, %add3A_315 : i32
      %mul3A_317 = arith.constant 80 : i32
      %mul3A_318 = arith.muli %add3A_316, %mul3A_317 : i32
      %add3A_319 = arith.constant 32 : i32
      %add3A_320 = arith.addi %mul3A_318, %add3A_319 : i32
      %get3A_321 = arith.index_cast %add3A_320 : i32 to index
      %get3A_322 = tpu.vector_load %arg4[%get3A_321] {strides = array<i32>} : memref<20000xi32, #tpu.memory_space<vmem>>, vector<16xi32>,
      %get3A_323 = vector.shape_cast %get3A_322 : vector<16xi32> to vector<16xi32>
      %swap3A_324 = arith.constant 2 : i32
      %swap3A_325 = arith.index_cast %swap3A_324 : i32 to index
      %swap3A_326 = arith.constant 32 : index
      %swap3A_327 = tpu.vector_load %arg5[%swap3A_325, %swap3A_326] {strides = array<i32>} : memref<5x80xi32, #tpu.memory_space<vmem>>, vector<1x16xi32>,
      %swap3A_328 = vector.shape_cast %swap3A_327 : vector<1x16xi32> to vector<16xi32>
      %swap3A_329 = vector.shape_cast %get3A_323 : vector<16xi32> to vector<1x16xi32>
      tpu.vector_store %arg5[%swap3A_325, %swap3A_326], %swap3A_329 {strides = array<i32>} : memref<5x80xi32, #tpu.memory_space<vmem>>, vector<1x16xi32>,
      %mul3A_330 = arith.constant 5 : i32
      %mul3A_331 = arith.muli %add3A_108, %mul3A_330 : i32
      %add3A_332 = arith.constant 2 : i32
      %add3A_333 = arith.addi %mul3A_331, %add3A_332 : i32
      %mul3A_334 = arith.constant 80 : i32
      %mul3A_335 = arith.muli %add3A_333, %mul3A_334 : i32
      %add3A_336 = arith.constant 48 : i32
      %add3A_337 = arith.addi %mul3A_335, %add3A_336 : i32
      %get3A_338 = arith.index_cast %add3A_337 : i32 to index
      %get3A_339 = tpu.vector_load %arg4[%get3A_338] {strides = array<i32>} : memref<20000xi32, #tpu.memory_space<vmem>>, vector<16xi32>,
      %get3A_340 = vector.shape_cast %get3A_339 : vector<16xi32> to vector<16xi32>
      %swap3A_341 = arith.constant 2 : i32
      %swap3A_342 = arith.index_cast %swap3A_341 : i32 to index
      %swap3A_343 = arith.constant 48 : index
      %swap3A_344 = tpu.vector_load %arg5[%swap3A_342, %swap3A_343] {strides = array<i32>} : memref<5x80xi32, #tpu.memory_space<vmem>>, vector<1x16xi32>,
      %swap3A_345 = vector.shape_cast %swap3A_344 : vector<1x16xi32> to vector<16xi32>
      %swap3A_346 = vector.shape_cast %get3A_340 : vector<16xi32> to vector<1x16xi32>
      tpu.vector_store %arg5[%swap3A_342, %swap3A_343], %swap3A_346 {strides = array<i32>} : memref<5x80xi32, #tpu.memory_space<vmem>>, vector<1x16xi32>,
      %mul3A_347 = arith.constant 5 : i32
      %mul3A_348 = arith.muli %add3A_108, %mul3A_347 : i32
      %add3A_349 = arith.constant 2 : i32
      %add3A_350 = arith.addi %mul3A_348, %add3A_349 : i32
      %mul3A_351 = arith.constant 80 : i32
      %mul3A_352 = arith.muli %add3A_350, %mul3A_351 : i32
      %add3A_353 = arith.constant 64 : i32
      %add3A_354 = arith.addi %mul3A_352, %add3A_353 : i32
      %get3A_355 = arith.index_cast %add3A_354 : i32 to index
      %get3A_356 = tpu.vector_load %arg4[%get3A_355] {strides = array<i32>} : memref<20000xi32, #tpu.memory_space<vmem>>, vector<16xi32>,
      %get3A_357 = vector.shape_cast %get3A_356 : vector<16xi32> to vector<16xi32>
      %swap3A_358 = arith.constant 2 : i32
      %swap3A_359 = arith.index_cast %swap3A_358 : i32 to index
      %swap3A_360 = arith.constant 64 : index
      %swap3A_361 = tpu.vector_load %arg5[%swap3A_359, %swap3A_360] {strides = array<i32>} : memref<5x80xi32, #tpu.memory_space<vmem>>, vector<1x16xi32>,
      %swap3A_362 = vector.shape_cast %swap3A_361 : vector<1x16xi32> to vector<16xi32>
      %swap3A_363 = vector.shape_cast %get3A_357 : vector<16xi32> to vector<1x16xi32>
      tpu.vector_store %arg5[%swap3A_359, %swap3A_360], %swap3A_363 {strides = array<i32>} : memref<5x80xi32, #tpu.memory_space<vmem>>, vector<1x16xi32>,
      %mul3A_364 = arith.constant 5 : i32
      %mul3A_365 = arith.muli %add3A_108, %mul3A_364 : i32
      %add3A_366 = arith.constant 3 : i32
      %add3A_367 = arith.addi %mul3A_365, %add3A_366 : i32
      %mul3A_368 = arith.constant 80 : i32
      %mul3A_369 = arith.muli %add3A_367, %mul3A_368 : i32
      %add3A_370 = arith.constant 0 : i32
      %add3A_371 = arith.addi %mul3A_369, %add3A_370 : i32
      %get3A_372 = arith.index_cast %add3A_371 : i32 to index
      %get3A_373 = tpu.vector_load %arg4[%get3A_372] {strides = array<i32>} : memref<20000xi32, #tpu.memory_space<vmem>>, vector<16xi32>,
      %get3A_374 = vector.shape_cast %get3A_373 : vector<16xi32> to vector<16xi32>
      %swap3A_375 = arith.constant 3 : i32
      %swap3A_376 = arith.index_cast %swap3A_375 : i32 to index
      %swap3A_377 = arith.constant 0 : index
      %swap3A_378 = tpu.vector_load %arg5[%swap3A_376, %swap3A_377] {strides = array<i32>} : memref<5x80xi32, #tpu.memory_space<vmem>>, vector<1x16xi32>,
      %swap3A_379 = vector.shape_cast %swap3A_378 : vector<1x16xi32> to vector<16xi32>
      %swap3A_380 = vector.shape_cast %get3A_374 : vector<16xi32> to vector<1x16xi32>
      tpu.vector_store %arg5[%swap3A_376, %swap3A_377], %swap3A_380 {strides = array<i32>} : memref<5x80xi32, #tpu.memory_space<vmem>>, vector<1x16xi32>,
      %mul3A_381 = arith.constant 5 : i32
      %mul3A_382 = arith.muli %add3A_108, %mul3A_381 : i32
      %add3A_383 = arith.constant 3 : i32
      %add3A_384 = arith.addi %mul3A_382, %add3A_383 : i32
      %mul3A_385 = arith.constant 80 : i32
      %mul3A_386 = arith.muli %add3A_384, %mul3A_385 : i32
      %add3A_387 = arith.constant 16 : i32
      %add3A_388 = arith.addi %mul3A_386, %add3A_387 : i32
      %get3A_389 = arith.index_cast %add3A_388 : i32 to index
      %get3A_390 = tpu.vector_load %arg4[%get3A_389] {strides = array<i32>} : memref<20000xi32, #tpu.memory_space<vmem>>, vector<16xi32>,
      %get3A_391 = vector.shape_cast %get3A_390 : vector<16xi32> to vector<16xi32>
      %swap3A_392 = arith.constant 3 : i32
      %swap3A_393 = arith.index_cast %swap3A_392 : i32 to index
      %swap3A_394 = arith.constant 16 : index
      %swap3A_395 = tpu.vector_load %arg5[%swap3A_393, %swap3A_394] {strides = array<i32>} : memref<5x80xi32, #tpu.memory_space<vmem>>, vector<1x16xi32>,
      %swap3A_396 = vector.shape_cast %swap3A_395 : vector<1x16xi32> to vector<16xi32>
      %swap3A_397 = vector.shape_cast %get3A_391 : vector<16xi32> to vector<1x16xi32>
      tpu.vector_store %arg5[%swap3A_393, %swap3A_394], %swap3A_397 {strides = array<i32>} : memref<5x80xi32, #tpu.memory_space<vmem>>, vector<1x16xi32>,
      %mul3A_398 = arith.constant 5 : i32
      %mul3A_399 = arith.muli %add3A_108, %mul3A_398 : i32
      %add3A_400 = arith.constant 3 : i32
      %add3A_401 = arith.addi %mul3A_399, %add3A_400 : i32
      %mul3A_402 = arith.constant 80 : i32
      %mul3A_403 = arith.muli %add3A_401, %mul3A_402 : i32
      %add3A_404 = arith.constant 32 : i32
      %add3A_405 = arith.addi %mul3A_403, %add3A_404 : i32
      %get3A_406 = arith.index_cast %add3A_405 : i32 to index
      %get3A_407 = tpu.vector_load %arg4[%get3A_406] {strides = array<i32>} : memref<20000xi32, #tpu.memory_space<vmem>>, vector<16xi32>,
      %get3A_408 = vector.shape_cast %get3A_407 : vector<16xi32> to vector<16xi32>
      %swap3A_409 = arith.constant 3 : i32
      %swap3A_410 = arith.index_cast %swap3A_409 : i32 to index
      %swap3A_411 = arith.constant 32 : index
      %swap3A_412 = tpu.vector_load %arg5[%swap3A_410, %swap3A_411] {strides = array<i32>} : memref<5x80xi32, #tpu.memory_space<vmem>>, vector<1x16xi32>,
      %swap3A_413 = vector.shape_cast %swap3A_412 : vector<1x16xi32> to vector<16xi32>
      %swap3A_414 = vector.shape_cast %get3A_408 : vector<16xi32> to vector<1x16xi32>
      tpu.vector_store %arg5[%swap3A_410, %swap3A_411], %swap3A_414 {strides = array<i32>} : memref<5x80xi32, #tpu.memory_space<vmem>>, vector<1x16xi32>,
      %mul3A_415 = arith.constant 5 : i32
      %mul3A_416 = arith.muli %add3A_108, %mul3A_415 : i32
      %add3A_417 = arith.constant 3 : i32
      %add3A_418 = arith.addi %mul3A_416, %add3A_417 : i32
      %mul3A_419 = arith.constant 80 : i32
      %mul3A_420 = arith.muli %add3A_418, %mul3A_419 : i32
      %add3A_421 = arith.constant 48 : i32
      %add3A_422 = arith.addi %mul3A_420, %add3A_421 : i32
      %get3A_423 = arith.index_cast %add3A_422 : i32 to index
      %get3A_424 = tpu.vector_load %arg4[%get3A_423] {strides = array<i32>} : memref<20000xi32, #tpu.memory_space<vmem>>, vector<16xi32>,
      %get3A_425 = vector.shape_cast %get3A_424 : vector<16xi32> to vector<16xi32>
      %swap3A_426 = arith.constant 3 : i32
      %swap3A_427 = arith.index_cast %swap3A_426 : i32 to index
      %swap3A_428 = arith.constant 48 : index
      %swap3A_429 = tpu.vector_load %arg5[%swap3A_427, %swap3A_428] {strides = array<i32>} : memref<5x80xi32, #tpu.memory_space<vmem>>, vector<1x16xi32>,
      %swap3A_430 = vector.shape_cast %swap3A_429 : vector<1x16xi32> to vector<16xi32>
      %swap3A_431 = vector.shape_cast %get3A_425 : vector<16xi32> to vector<1x16xi32>
      tpu.vector_store %arg5[%swap3A_427, %swap3A_428], %swap3A_431 {strides = array<i32>} : memref<5x80xi32, #tpu.memory_space<vmem>>, vector<1x16xi32>,
      %mul3A_432 = arith.constant 5 : i32
      %mul3A_433 = arith.muli %add3A_108, %mul3A_432 : i32
      %add3A_434 = arith.constant 3 : i32
      %add3A_435 = arith.addi %mul3A_433, %add3A_434 : i32
      %mul3A_436 = arith.constant 80 : i32
      %mul3A_437 = arith.muli %add3A_435, %mul3A_436 : i32
      %add3A_438 = arith.constant 64 : i32
      %add3A_439 = arith.addi %mul3A_437, %add3A_438 : i32
      %get3A_440 = arith.index_cast %add3A_439 : i32 to index
      %get3A_441 = tpu.vector_load %arg4[%get3A_440] {strides = array<i32>} : memref<20000xi32, #tpu.memory_space<vmem>>, vector<16xi32>,
      %get3A_442 = vector.shape_cast %get3A_441 : vector<16xi32> to vector<16xi32>
      %swap3A_443 = arith.constant 3 : i32
      %swap3A_444 = arith.index_cast %swap3A_443 : i32 to index
      %swap3A_445 = arith.constant 64 : index
      %swap3A_446 = tpu.vector_load %arg5[%swap3A_444, %swap3A_445] {strides = array<i32>} : memref<5x80xi32, #tpu.memory_space<vmem>>, vector<1x16xi32>,
      %swap3A_447 = vector.shape_cast %swap3A_446 : vector<1x16xi32> to vector<16xi32>
      %swap3A_448 = vector.shape_cast %get3A_442 : vector<16xi32> to vector<1x16xi32>
      tpu.vector_store %arg5[%swap3A_444, %swap3A_445], %swap3A_448 {strides = array<i32>} : memref<5x80xi32, #tpu.memory_space<vmem>>, vector<1x16xi32>,
      %mul3A_449 = arith.constant 5 : i32
      %mul3A_450 = arith.muli %add3A_108, %mul3A_449 : i32
      %add3A_451 = arith.constant 4 : i32
      %add3A_452 = arith.addi %mul3A_450, %add3A_451 : i32
      %mul3A_453 = arith.constant 80 : i32
      %mul3A_454 = arith.muli %add3A_452, %mul3A_453 : i32
      %add3A_455 = arith.constant 0 : i32
      %add3A_456 = arith.addi %mul3A_454, %add3A_455 : i32
      %get3A_457 = arith.index_cast %add3A_456 : i32 to index
      %get3A_458 = tpu.vector_load %arg4[%get3A_457] {strides = array<i32>} : memref<20000xi32, #tpu.memory_space<vmem>>, vector<16xi32>,
      %get3A_459 = vector.shape_cast %get3A_458 : vector<16xi32> to vector<16xi32>
      %swap3A_460 = arith.constant 4 : i32
      %swap3A_461 = arith.index_cast %swap3A_460 : i32 to index
      %swap3A_462 = arith.constant 0 : index
      %swap3A_463 = tpu.vector_load %arg5[%swap3A_461, %swap3A_462] {strides = array<i32>} : memref<5x80xi32, #tpu.memory_space<vmem>>, vector<1x16xi32>,
      %swap3A_464 = vector.shape_cast %swap3A_463 : vector<1x16xi32> to vector<16xi32>
      %swap3A_465 = vector.shape_cast %get3A_459 : vector<16xi32> to vector<1x16xi32>
      tpu.vector_store %arg5[%swap3A_461, %swap3A_462], %swap3A_465 {strides = array<i32>} : memref<5x80xi32, #tpu.memory_space<vmem>>, vector<1x16xi32>,
      %mul3A_466 = arith.constant 5 : i32
      %mul3A_467 = arith.muli %add3A_108, %mul3A_466 : i32
      %add3A_468 = arith.constant 4 : i32
      %add3A_469 = arith.addi %mul3A_467, %add3A_468 : i32
      %mul3A_470 = arith.constant 80 : i32
      %mul3A_471 = arith.muli %add3A_469, %mul3A_470 : i32
      %add3A_472 = arith.constant 16 : i32
      %add3A_473 = arith.addi %mul3A_471, %add3A_472 : i32
      %get3A_474 = arith.index_cast %add3A_473 : i32 to index
      %get3A_475 = tpu.vector_load %arg4[%get3A_474] {strides = array<i32>} : memref<20000xi32, #tpu.memory_space<vmem>>, vector<16xi32>,
      %get3A_476 = vector.shape_cast %get3A_475 : vector<16xi32> to vector<16xi32>
      %swap3A_477 = arith.constant 4 : i32
      %swap3A_478 = arith.index_cast %swap3A_477 : i32 to index
      %swap3A_479 = arith.constant 16 : index
      %swap3A_480 = tpu.vector_load %arg5[%swap3A_478, %swap3A_479] {strides = array<i32>} : memref<5x80xi32, #tpu.memory_space<vmem>>, vector<1x16xi32>,
      %swap3A_481 = vector.shape_cast %swap3A_480 : vector<1x16xi32> to vector<16xi32>
      %swap3A_482 = vector.shape_cast %get3A_476 : vector<16xi32> to vector<1x16xi32>
      tpu.vector_store %arg5[%swap3A_478, %swap3A_479], %swap3A_482 {strides = array<i32>} : memref<5x80xi32, #tpu.memory_space<vmem>>, vector<1x16xi32>,
      %mul3A_483 = arith.constant 5 : i32
      %mul3A_484 = arith.muli %add3A_108, %mul3A_483 : i32
      %add3A_485 = arith.constant 4 : i32
      %add3A_486 = arith.addi %mul3A_484, %add3A_485 : i32
      %mul3A_487 = arith.constant 80 : i32
      %mul3A_488 = arith.muli %add3A_486, %mul3A_487 : i32
      %add3A_489 = arith.constant 32 : i32
      %add3A_490 = arith.addi %mul3A_488, %add3A_489 : i32
      %get3A_491 = arith.index_cast %add3A_490 : i32 to index
      %get3A_492 = tpu.vector_load %arg4[%get3A_491] {strides = array<i32>} : memref<20000xi32, #tpu.memory_space<vmem>>, vector<16xi32>,
      %get3A_493 = vector.shape_cast %get3A_492 : vector<16xi32> to vector<16xi32>
      %swap3A_494 = arith.constant 4 : i32
      %swap3A_495 = arith.index_cast %swap3A_494 : i32 to index
      %swap3A_496 = arith.constant 32 : index
      %swap3A_497 = tpu.vector_load %arg5[%swap3A_495, %swap3A_496] {strides = array<i32>} : memref<5x80xi32, #tpu.memory_space<vmem>>, vector<1x16xi32>,
      %swap3A_498 = vector.shape_cast %swap3A_497 : vector<1x16xi32> to vector<16xi32>
      %swap3A_499 = vector.shape_cast %get3A_493 : vector<16xi32> to vector<1x16xi32>
      tpu.vector_store %arg5[%swap3A_495, %swap3A_496], %swap3A_499 {strides = array<i32>} : memref<5x80xi32, #tpu.memory_space<vmem>>, vector<1x16xi32>,
      %mul3A_500 = arith.constant 5 : i32
      %mul3A_501 = arith.muli %add3A_108, %mul3A_500 : i32
      %add3A_502 = arith.constant 4 : i32
      %add3A_503 = arith.addi %mul3A_501, %add3A_502 : i32
      %mul3A_504 = arith.constant 80 : i32
      %mul3A_505 = arith.muli %add3A_503, %mul3A_504 : i32
      %add3A_506 = arith.constant 48 : i32
      %add3A_507 = arith.addi %mul3A_505, %add3A_506 : i32
      %get3A_508 = arith.index_cast %add3A_507 : i32 to index
      %get3A_509 = tpu.vector_load %arg4[%get3A_508] {strides = array<i32>} : memref<20000xi32, #tpu.memory_space<vmem>>, vector<16xi32>,
      %get3A_510 = vector.shape_cast %get3A_509 : vector<16xi32> to vector<16xi32>
      %swap3A_511 = arith.constant 4 : i32
      %swap3A_512 = arith.index_cast %swap3A_511 : i32 to index
      %swap3A_513 = arith.constant 48 : index
      %swap3A_514 = tpu.vector_load %arg5[%swap3A_512, %swap3A_513] {strides = array<i32>} : memref<5x80xi32, #tpu.memory_space<vmem>>, vector<1x16xi32>,
      %swap3A_515 = vector.shape_cast %swap3A_514 : vector<1x16xi32> to vector<16xi32>
      %swap3A_516 = vector.shape_cast %get3A_510 : vector<16xi32> to vector<1x16xi32>
      tpu.vector_store %arg5[%swap3A_512, %swap3A_513], %swap3A_516 {strides = array<i32>} : memref<5x80xi32, #tpu.memory_space<vmem>>, vector<1x16xi32>,
      %mul3A_517 = arith.constant 5 : i32
      %mul3A_518 = arith.muli %add3A_108, %mul3A_517 : i32
      %add3A_519 = arith.constant 4 : i32
      %add3A_520 = arith.addi %mul3A_518, %add3A_519 : i32
      %mul3A_521 = arith.constant 80 : i32
      %mul3A_522 = arith.muli %add3A_520, %mul3A_521 : i32
      %add3A_523 = arith.constant 64 : i32
      %add3A_524 = arith.addi %mul3A_522, %add3A_523 : i32
      %get3A_525 = arith.index_cast %add3A_524 : i32 to index
      %get3A_526 = tpu.vector_load %arg4[%get3A_525] {strides = array<i32>} : memref<20000xi32, #tpu.memory_space<vmem>>, vector<16xi32>,
      %get3A_527 = vector.shape_cast %get3A_526 : vector<16xi32> to vector<16xi32>
      %swap3A_528 = arith.constant 4 : i32
      %swap3A_529 = arith.index_cast %swap3A_528 : i32 to index
      %swap3A_530 = arith.constant 64 : index
      %swap3A_531 = tpu.vector_load %arg5[%swap3A_529, %swap3A_530] {strides = array<i32>} : memref<5x80xi32, #tpu.memory_space<vmem>>, vector<1x16xi32>,
      %swap3A_532 = vector.shape_cast %swap3A_531 : vector<1x16xi32> to vector<16xi32>
      %swap3A_533 = vector.shape_cast %get3A_527 : vector<16xi32> to vector<1x16xi32>
      tpu.vector_store %arg5[%swap3A_529, %swap3A_530], %swap3A_533 {strides = array<i32>} : memref<5x80xi32, #tpu.memory_space<vmem>>, vector<1x16xi32>,
      %dma_start3A_534 = arith.constant 0 : i32
      %dma_start3A_535 = arith.constant 0 : i32
      %dma_start3A_536 = tpu.memref_slice %arg5[%dma_start3A_534, %dma_start3A_535] : memref<5x80xi32, #tpu.memory_space<vmem>> -> memref<1x80xi32, #tpu.memory_space<vmem>>
      %dma_start3A_537 = tpu.memref_squeeze %dma_start3A_536 : memref<1x80xi32, #tpu.memory_space<vmem>> -> memref<80xi32, #tpu.memory_space<vmem>>
      %dma_start3A_538 = arith.constant 0 : i32
      %dma_start3A_539 = arith.constant 0 : i32
      %dma_start3A_540 = tpu.memref_slice %arg9[%dma_start3A_538, %dma_start3A_539] : memref<10240x16xf32, #tpu.memory_space<vmem_shared>> -> memref<10240x16xf32, #tpu.memory_space<vmem_shared>>
      tpu.enqueue_indirect_dma source(%arg7 : memref<80x16xf32, #tpu.memory_space<vmem>>) target(%dma_start3A_540 : memref<10240x16xf32, #tpu.memory_space<vmem_shared>>) offsets(%dma_start3A_537 : memref<80xi32, #tpu.memory_space<vmem>>) semaphore(%arg11 : memref<!tpu.dma_semaphore, #tpu.memory_space<semaphore_mem>>) {add = true}
      %dma_start3A_541 = arith.constant 1 : i32
      %dma_start3A_542 = arith.constant 0 : i32
      %dma_start3A_543 = tpu.memref_slice %arg5[%dma_start3A_541, %dma_start3A_542] : memref<5x80xi32, #tpu.memory_space<vmem>> -> memref<1x80xi32, #tpu.memory_space<vmem>>
      %dma_start3A_544 = tpu.memref_squeeze %dma_start3A_543 : memref<1x80xi32, #tpu.memory_space<vmem>> -> memref<80xi32, #tpu.memory_space<vmem>>
      %dma_start3A_545 = arith.constant 0 : i32
      %dma_start3A_546 = arith.constant 0 : i32
      %dma_start3A_547 = tpu.memref_slice %arg9[%dma_start3A_545, %dma_start3A_546] : memref<10240x16xf32, #tpu.memory_space<vmem_shared>> -> memref<10240x16xf32, #tpu.memory_space<vmem_shared>>
      tpu.enqueue_indirect_dma source(%arg7 : memref<80x16xf32, #tpu.memory_space<vmem>>) target(%dma_start3A_547 : memref<10240x16xf32, #tpu.memory_space<vmem_shared>>) offsets(%dma_start3A_544 : memref<80xi32, #tpu.memory_space<vmem>>) semaphore(%arg11 : memref<!tpu.dma_semaphore, #tpu.memory_space<semaphore_mem>>) {add = true}
      %dma_start3A_548 = arith.constant 2 : i32
      %dma_start3A_549 = arith.constant 0 : i32
      %dma_start3A_550 = tpu.memref_slice %arg5[%dma_start3A_548, %dma_start3A_549] : memref<5x80xi32, #tpu.memory_space<vmem>> -> memref<1x80xi32, #tpu.memory_space<vmem>>
      %dma_start3A_551 = tpu.memref_squeeze %dma_start3A_550 : memref<1x80xi32, #tpu.memory_space<vmem>> -> memref<80xi32, #tpu.memory_space<vmem>>
      %dma_start3A_552 = arith.constant 0 : i32
      %dma_start3A_553 = arith.constant 0 : i32
      %dma_start3A_554 = tpu.memref_slice %arg9[%dma_start3A_552, %dma_start3A_553] : memref<10240x16xf32, #tpu.memory_space<vmem_shared>> -> memref<10240x16xf32, #tpu.memory_space<vmem_shared>>
      tpu.enqueue_indirect_dma source(%arg7 : memref<80x16xf32, #tpu.memory_space<vmem>>) target(%dma_start3A_554 : memref<10240x16xf32, #tpu.memory_space<vmem_shared>>) offsets(%dma_start3A_551 : memref<80xi32, #tpu.memory_space<vmem>>) semaphore(%arg11 : memref<!tpu.dma_semaphore, #tpu.memory_space<semaphore_mem>>) {add = true}
      %dma_start3A_555 = arith.constant 3 : i32
      %dma_start3A_556 = arith.constant 0 : i32
      %dma_start3A_557 = tpu.memref_slice %arg5[%dma_start3A_555, %dma_start3A_556] : memref<5x80xi32, #tpu.memory_space<vmem>> -> memref<1x80xi32, #tpu.memory_space<vmem>>
      %dma_start3A_558 = tpu.memref_squeeze %dma_start3A_557 : memref<1x80xi32, #tpu.memory_space<vmem>> -> memref<80xi32, #tpu.memory_space<vmem>>
      %dma_start3A_559 = arith.constant 0 : i32
      %dma_start3A_560 = arith.constant 0 : i32
      %dma_start3A_561 = tpu.memref_slice %arg9[%dma_start3A_559, %dma_start3A_560] : memref<10240x16xf32, #tpu.memory_space<vmem_shared>> -> memref<10240x16xf32, #tpu.memory_space<vmem_shared>>
      tpu.enqueue_indirect_dma source(%arg7 : memref<80x16xf32, #tpu.memory_space<vmem>>) target(%dma_start3A_561 : memref<10240x16xf32, #tpu.memory_space<vmem_shared>>) offsets(%dma_start3A_558 : memref<80xi32, #tpu.memory_space<vmem>>) semaphore(%arg11 : memref<!tpu.dma_semaphore, #tpu.memory_space<semaphore_mem>>) {add = true}
      %dma_start3A_562 = arith.constant 4 : i32
      %dma_start3A_563 = arith.constant 0 : i32
      %dma_start3A_564 = tpu.memref_slice %arg5[%dma_start3A_562, %dma_start3A_563] : memref<5x80xi32, #tpu.memory_space<vmem>> -> memref<1x80xi32, #tpu.memory_space<vmem>>
      %dma_start3A_565 = tpu.memref_squeeze %dma_start3A_564 : memref<1x80xi32, #tpu.memory_space<vmem>> -> memref<80xi32, #tpu.memory_space<vmem>>
      %dma_start3A_566 = arith.constant 0 : i32
      %dma_start3A_567 = arith.constant 0 : i32
      %dma_start3A_568 = tpu.memref_slice %arg9[%dma_start3A_566, %dma_start3A_567] : memref<10240x16xf32, #tpu.memory_space<vmem_shared>> -> memref<10240x16xf32, #tpu.memory_space<vmem_shared>>
      tpu.enqueue_indirect_dma source(%arg7 : memref<80x16xf32, #tpu.memory_space<vmem>>) target(%dma_start3A_568 : memref<10240x16xf32, #tpu.memory_space<vmem_shared>>) offsets(%dma_start3A_565 : memref<80xi32, #tpu.memory_space<vmem>>) semaphore(%arg11 : memref<!tpu.dma_semaphore, #tpu.memory_space<semaphore_mem>>) {add = true}
      %add3A_569 = arith.constant 1 : i32
      %add3A_570 = arith.addi %add3A_108, %add3A_569 : i32
      %ge3A_571 = arith.constant 2 : i32
      %ge3A_572 = arith.cmpi sge, %add3A_570, %ge3A_571 : i32
      %convert_element_type3A_573 = arith.extui %ge3A_572 : i1 to i32
      %cond3A_574 = arith.constant 0 : i32
      %cond3A_575 = arith.cmpi ne, %convert_element_type3A_573, %cond3A_574 : i32
      scf.if %cond3A_575 {
        %dma_wait3A_1036 = arith.constant 0 : i32
        %dma_wait3A_1037 = arith.constant 0 : i32
        %dma_wait3A_1038 = tpu.memref_slice %arg6[%dma_wait3A_1036, %dma_wait3A_1037] : memref<5x80xi32, #tpu.memory_space<vmem>> -> memref<1x80xi32, #tpu.memory_space<vmem>>
        %dma_wait3A_1039 = tpu.memref_squeeze %dma_wait3A_1038 : memref<1x80xi32, #tpu.memory_space<vmem>> -> memref<80xi32, #tpu.memory_space<vmem>>
        %dma_wait3A_1040 = arith.constant 0 : i32
        %dma_wait3A_1041 = arith.constant 0 : i32
        %dma_wait3A_1042 = tpu.memref_slice %arg9[%dma_wait3A_1040, %dma_wait3A_1041] : memref<10240x16xf32, #tpu.memory_space<vmem_shared>> -> memref<10240x16xf32, #tpu.memory_space<vmem_shared>>
        tpu.wait_indirect_dma semaphore(%arg12 : memref<!tpu.dma_semaphore, #tpu.memory_space<semaphore_mem>>) src(%arg7 : memref<80x16xf32, #tpu.memory_space<vmem>>) dst(%dma_wait3A_1042 : memref<10240x16xf32, #tpu.memory_space<vmem_shared>>)
        %dma_wait3A_1043 = arith.constant 1 : i32
        %dma_wait3A_1044 = arith.constant 0 : i32
        %dma_wait3A_1045 = tpu.memref_slice %arg6[%dma_wait3A_1043, %dma_wait3A_1044] : memref<5x80xi32, #tpu.memory_space<vmem>> -> memref<1x80xi32, #tpu.memory_space<vmem>>
        %dma_wait3A_1046 = tpu.memref_squeeze %dma_wait3A_1045 : memref<1x80xi32, #tpu.memory_space<vmem>> -> memref<80xi32, #tpu.memory_space<vmem>>
        %dma_wait3A_1047 = arith.constant 0 : i32
        %dma_wait3A_1048 = arith.constant 0 : i32
        %dma_wait3A_1049 = tpu.memref_slice %arg9[%dma_wait3A_1047, %dma_wait3A_1048] : memref<10240x16xf32, #tpu.memory_space<vmem_shared>> -> memref<10240x16xf32, #tpu.memory_space<vmem_shared>>
        tpu.wait_indirect_dma semaphore(%arg12 : memref<!tpu.dma_semaphore, #tpu.memory_space<semaphore_mem>>) src(%arg7 : memref<80x16xf32, #tpu.memory_space<vmem>>) dst(%dma_wait3A_1049 : memref<10240x16xf32, #tpu.memory_space<vmem_shared>>)
        %dma_wait3A_1050 = arith.constant 2 : i32
        %dma_wait3A_1051 = arith.constant 0 : i32
        %dma_wait3A_1052 = tpu.memref_slice %arg6[%dma_wait3A_1050, %dma_wait3A_1051] : memref<5x80xi32, #tpu.memory_space<vmem>> -> memref<1x80xi32, #tpu.memory_space<vmem>>
        %dma_wait3A_1053 = tpu.memref_squeeze %dma_wait3A_1052 : memref<1x80xi32, #tpu.memory_space<vmem>> -> memref<80xi32, #tpu.memory_space<vmem>>
        %dma_wait3A_1054 = arith.constant 0 : i32
        %dma_wait3A_1055 = arith.constant 0 : i32
        %dma_wait3A_1056 = tpu.memref_slice %arg9[%dma_wait3A_1054, %dma_wait3A_1055] : memref<10240x16xf32, #tpu.memory_space<vmem_shared>> -> memref<10240x16xf32, #tpu.memory_space<vmem_shared>>
        tpu.wait_indirect_dma semaphore(%arg12 : memref<!tpu.dma_semaphore, #tpu.memory_space<semaphore_mem>>) src(%arg7 : memref<80x16xf32, #tpu.memory_space<vmem>>) dst(%dma_wait3A_1056 : memref<10240x16xf32, #tpu.memory_space<vmem_shared>>)
        %dma_wait3A_1057 = arith.constant 3 : i32
        %dma_wait3A_1058 = arith.constant 0 : i32
        %dma_wait3A_1059 = tpu.memref_slice %arg6[%dma_wait3A_1057, %dma_wait3A_1058] : memref<5x80xi32, #tpu.memory_space<vmem>> -> memref<1x80xi32, #tpu.memory_space<vmem>>
        %dma_wait3A_1060 = tpu.memref_squeeze %dma_wait3A_1059 : memref<1x80xi32, #tpu.memory_space<vmem>> -> memref<80xi32, #tpu.memory_space<vmem>>
        %dma_wait3A_1061 = arith.constant 0 : i32
        %dma_wait3A_1062 = arith.constant 0 : i32
        %dma_wait3A_1063 = tpu.memref_slice %arg9[%dma_wait3A_1061, %dma_wait3A_1062] : memref<10240x16xf32, #tpu.memory_space<vmem_shared>> -> memref<10240x16xf32, #tpu.memory_space<vmem_shared>>
        tpu.wait_indirect_dma semaphore(%arg12 : memref<!tpu.dma_semaphore, #tpu.memory_space<semaphore_mem>>) src(%arg7 : memref<80x16xf32, #tpu.memory_space<vmem>>) dst(%dma_wait3A_1063 : memref<10240x16xf32, #tpu.memory_space<vmem_shared>>)
        %dma_wait3A_1064 = arith.constant 4 : i32
        %dma_wait3A_1065 = arith.constant 0 : i32
        %dma_wait3A_1066 = tpu.memref_slice %arg6[%dma_wait3A_1064, %dma_wait3A_1065] : memref<5x80xi32, #tpu.memory_space<vmem>> -> memref<1x80xi32, #tpu.memory_space<vmem>>
        %dma_wait3A_1067 = tpu.memref_squeeze %dma_wait3A_1066 : memref<1x80xi32, #tpu.memory_space<vmem>> -> memref<80xi32, #tpu.memory_space<vmem>>
        %dma_wait3A_1068 = arith.constant 0 : i32
        %dma_wait3A_1069 = arith.constant 0 : i32
        %dma_wait3A_1070 = tpu.memref_slice %arg9[%dma_wait3A_1068, %dma_wait3A_1069] : memref<10240x16xf32, #tpu.memory_space<vmem_shared>> -> memref<10240x16xf32, #tpu.memory_space<vmem_shared>>
        tpu.wait_indirect_dma semaphore(%arg12 : memref<!tpu.dma_semaphore, #tpu.memory_space<semaphore_mem>>) src(%arg7 : memref<80x16xf32, #tpu.memory_space<vmem>>) dst(%dma_wait3A_1070 : memref<10240x16xf32, #tpu.memory_space<vmem_shared>>)
      } else {
      }
      %mul3A_576 = arith.constant 5 : i32
      %mul3A_577 = arith.muli %add3A_570, %mul3A_576 : i32
      %add3A_578 = arith.constant 0 : i32
      %add3A_579 = arith.addi %mul3A_577, %add3A_578 : i32
      %mul3A_580 = arith.constant 80 : i32
      %mul3A_581 = arith.muli %add3A_579, %mul3A_580 : i32
      %add3A_582 = arith.constant 0 : i32
      %add3A_583 = arith.addi %mul3A_581, %add3A_582 : i32
      %get3A_584 = arith.index_cast %add3A_583 : i32 to index
      %get3A_585 = tpu.vector_load %arg4[%get3A_584] {strides = array<i32>} : memref<20000xi32, #tpu.memory_space<vmem>>, vector<16xi32>,
      %get3A_586 = vector.shape_cast %get3A_585 : vector<16xi32> to vector<16xi32>
      %swap3A_587 = arith.constant 0 : i32
      %swap3A_588 = arith.index_cast %swap3A_587 : i32 to index
      %swap3A_589 = arith.constant 0 : index
      %swap3A_590 = tpu.vector_load %arg6[%swap3A_588, %swap3A_589] {strides = array<i32>} : memref<5x80xi32, #tpu.memory_space<vmem>>, vector<1x16xi32>,
      %swap3A_591 = vector.shape_cast %swap3A_590 : vector<1x16xi32> to vector<16xi32>
      %swap3A_592 = vector.shape_cast %get3A_586 : vector<16xi32> to vector<1x16xi32>
      tpu.vector_store %arg6[%swap3A_588, %swap3A_589], %swap3A_592 {strides = array<i32>} : memref<5x80xi32, #tpu.memory_space<vmem>>, vector<1x16xi32>,
      %mul3A_593 = arith.constant 5 : i32
      %mul3A_594 = arith.muli %add3A_570, %mul3A_593 : i32
      %add3A_595 = arith.constant 0 : i32
      %add3A_596 = arith.addi %mul3A_594, %add3A_595 : i32
      %mul3A_597 = arith.constant 80 : i32
      %mul3A_598 = arith.muli %add3A_596, %mul3A_597 : i32
      %add3A_599 = arith.constant 16 : i32
      %add3A_600 = arith.addi %mul3A_598, %add3A_599 : i32
      %get3A_601 = arith.index_cast %add3A_600 : i32 to index
      %get3A_602 = tpu.vector_load %arg4[%get3A_601] {strides = array<i32>} : memref<20000xi32, #tpu.memory_space<vmem>>, vector<16xi32>,
      %get3A_603 = vector.shape_cast %get3A_602 : vector<16xi32> to vector<16xi32>
      %swap3A_604 = arith.constant 0 : i32
      %swap3A_605 = arith.index_cast %swap3A_604 : i32 to index
      %swap3A_606 = arith.constant 16 : index
      %swap3A_607 = tpu.vector_load %arg6[%swap3A_605, %swap3A_606] {strides = array<i32>} : memref<5x80xi32, #tpu.memory_space<vmem>>, vector<1x16xi32>,
      %swap3A_608 = vector.shape_cast %swap3A_607 : vector<1x16xi32> to vector<16xi32>
      %swap3A_609 = vector.shape_cast %get3A_603 : vector<16xi32> to vector<1x16xi32>
      tpu.vector_store %arg6[%swap3A_605, %swap3A_606], %swap3A_609 {strides = array<i32>} : memref<5x80xi32, #tpu.memory_space<vmem>>, vector<1x16xi32>,
      %mul3A_610 = arith.constant 5 : i32
      %mul3A_611 = arith.muli %add3A_570, %mul3A_610 : i32
      %add3A_612 = arith.constant 0 : i32
      %add3A_613 = arith.addi %mul3A_611, %add3A_612 : i32
      %mul3A_614 = arith.constant 80 : i32
      %mul3A_615 = arith.muli %add3A_613, %mul3A_614 : i32
      %add3A_616 = arith.constant 32 : i32
      %add3A_617 = arith.addi %mul3A_615, %add3A_616 : i32
      %get3A_618 = arith.index_cast %add3A_617 : i32 to index
      %get3A_619 = tpu.vector_load %arg4[%get3A_618] {strides = array<i32>} : memref<20000xi32, #tpu.memory_space<vmem>>, vector<16xi32>,
      %get3A_620 = vector.shape_cast %get3A_619 : vector<16xi32> to vector<16xi32>
      %swap3A_621 = arith.constant 0 : i32
      %swap3A_622 = arith.index_cast %swap3A_621 : i32 to index
      %swap3A_623 = arith.constant 32 : index
      %swap3A_624 = tpu.vector_load %arg6[%swap3A_622, %swap3A_623] {strides = array<i32>} : memref<5x80xi32, #tpu.memory_space<vmem>>, vector<1x16xi32>,
      %swap3A_625 = vector.shape_cast %swap3A_624 : vector<1x16xi32> to vector<16xi32>
      %swap3A_626 = vector.shape_cast %get3A_620 : vector<16xi32> to vector<1x16xi32>
      tpu.vector_store %arg6[%swap3A_622, %swap3A_623], %swap3A_626 {strides = array<i32>} : memref<5x80xi32, #tpu.memory_space<vmem>>, vector<1x16xi32>,
      %mul3A_627 = arith.constant 5 : i32
      %mul3A_628 = arith.muli %add3A_570, %mul3A_627 : i32
      %add3A_629 = arith.constant 0 : i32
      %add3A_630 = arith.addi %mul3A_628, %add3A_629 : i32
      %mul3A_631 = arith.constant 80 : i32
      %mul3A_632 = arith.muli %add3A_630, %mul3A_631 : i32
      %add3A_633 = arith.constant 48 : i32
      %add3A_634 = arith.addi %mul3A_632, %add3A_633 : i32
      %get3A_635 = arith.index_cast %add3A_634 : i32 to index
      %get3A_636 = tpu.vector_load %arg4[%get3A_635] {strides = array<i32>} : memref<20000xi32, #tpu.memory_space<vmem>>, vector<16xi32>,
      %get3A_637 = vector.shape_cast %get3A_636 : vector<16xi32> to vector<16xi32>
      %swap3A_638 = arith.constant 0 : i32
      %swap3A_639 = arith.index_cast %swap3A_638 : i32 to index
      %swap3A_640 = arith.constant 48 : index
      %swap3A_641 = tpu.vector_load %arg6[%swap3A_639, %swap3A_640] {strides = array<i32>} : memref<5x80xi32, #tpu.memory_space<vmem>>, vector<1x16xi32>,
      %swap3A_642 = vector.shape_cast %swap3A_641 : vector<1x16xi32> to vector<16xi32>
      %swap3A_643 = vector.shape_cast %get3A_637 : vector<16xi32> to vector<1x16xi32>
      tpu.vector_store %arg6[%swap3A_639, %swap3A_640], %swap3A_643 {strides = array<i32>} : memref<5x80xi32, #tpu.memory_space<vmem>>, vector<1x16xi32>,
      %mul3A_644 = arith.constant 5 : i32
      %mul3A_645 = arith.muli %add3A_570, %mul3A_644 : i32
      %add3A_646 = arith.constant 0 : i32
      %add3A_647 = arith.addi %mul3A_645, %add3A_646 : i32
      %mul3A_648 = arith.constant 80 : i32
      %mul3A_649 = arith.muli %add3A_647, %mul3A_648 : i32
      %add3A_650 = arith.constant 64 : i32
      %add3A_651 = arith.addi %mul3A_649, %add3A_650 : i32
      %get3A_652 = arith.index_cast %add3A_651 : i32 to index
      %get3A_653 = tpu.vector_load %arg4[%get3A_652] {strides = array<i32>} : memref<20000xi32, #tpu.memory_space<vmem>>, vector<16xi32>,
      %get3A_654 = vector.shape_cast %get3A_653 : vector<16xi32> to vector<16xi32>
      %swap3A_655 = arith.constant 0 : i32
      %swap3A_656 = arith.index_cast %swap3A_655 : i32 to index
      %swap3A_657 = arith.constant 64 : index
      %swap3A_658 = tpu.vector_load %arg6[%swap3A_656, %swap3A_657] {strides = array<i32>} : memref<5x80xi32, #tpu.memory_space<vmem>>, vector<1x16xi32>,
      %swap3A_659 = vector.shape_cast %swap3A_658 : vector<1x16xi32> to vector<16xi32>
      %swap3A_660 = vector.shape_cast %get3A_654 : vector<16xi32> to vector<1x16xi32>
      tpu.vector_store %arg6[%swap3A_656, %swap3A_657], %swap3A_660 {strides = array<i32>} : memref<5x80xi32, #tpu.memory_space<vmem>>, vector<1x16xi32>,
      %mul3A_661 = arith.constant 5 : i32
      %mul3A_662 = arith.muli %add3A_570, %mul3A_661 : i32
      %add3A_663 = arith.constant 1 : i32
      %add3A_664 = arith.addi %mul3A_662, %add3A_663 : i32
      %mul3A_665 = arith.constant 80 : i32
      %mul3A_666 = arith.muli %add3A_664, %mul3A_665 : i32
      %add3A_667 = arith.constant 0 : i32
      %add3A_668 = arith.addi %mul3A_666, %add3A_667 : i32
      %get3A_669 = arith.index_cast %add3A_668 : i32 to index
      %get3A_670 = tpu.vector_load %arg4[%get3A_669] {strides = array<i32>} : memref<20000xi32, #tpu.memory_space<vmem>>, vector<16xi32>,
      %get3A_671 = vector.shape_cast %get3A_670 : vector<16xi32> to vector<16xi32>
      %swap3A_672 = arith.constant 1 : i32
      %swap3A_673 = arith.index_cast %swap3A_672 : i32 to index
      %swap3A_674 = arith.constant 0 : index
      %swap3A_675 = tpu.vector_load %arg6[%swap3A_673, %swap3A_674] {strides = array<i32>} : memref<5x80xi32, #tpu.memory_space<vmem>>, vector<1x16xi32>,
      %swap3A_676 = vector.shape_cast %swap3A_675 : vector<1x16xi32> to vector<16xi32>
      %swap3A_677 = vector.shape_cast %get3A_671 : vector<16xi32> to vector<1x16xi32>
      tpu.vector_store %arg6[%swap3A_673, %swap3A_674], %swap3A_677 {strides = array<i32>} : memref<5x80xi32, #tpu.memory_space<vmem>>, vector<1x16xi32>,
      %mul3A_678 = arith.constant 5 : i32
      %mul3A_679 = arith.muli %add3A_570, %mul3A_678 : i32
      %add3A_680 = arith.constant 1 : i32
      %add3A_681 = arith.addi %mul3A_679, %add3A_680 : i32
      %mul3A_682 = arith.constant 80 : i32
      %mul3A_683 = arith.muli %add3A_681, %mul3A_682 : i32
      %add3A_684 = arith.constant 16 : i32
      %add3A_685 = arith.addi %mul3A_683, %add3A_684 : i32
      %get3A_686 = arith.index_cast %add3A_685 : i32 to index
      %get3A_687 = tpu.vector_load %arg4[%get3A_686] {strides = array<i32>} : memref<20000xi32, #tpu.memory_space<vmem>>, vector<16xi32>,
      %get3A_688 = vector.shape_cast %get3A_687 : vector<16xi32> to vector<16xi32>
      %swap3A_689 = arith.constant 1 : i32
      %swap3A_690 = arith.index_cast %swap3A_689 : i32 to index
      %swap3A_691 = arith.constant 16 : index
      %swap3A_692 = tpu.vector_load %arg6[%swap3A_690, %swap3A_691] {strides = array<i32>} : memref<5x80xi32, #tpu.memory_space<vmem>>, vector<1x16xi32>,
      %swap3A_693 = vector.shape_cast %swap3A_692 : vector<1x16xi32> to vector<16xi32>
      %swap3A_694 = vector.shape_cast %get3A_688 : vector<16xi32> to vector<1x16xi32>
      tpu.vector_store %arg6[%swap3A_690, %swap3A_691], %swap3A_694 {strides = array<i32>} : memref<5x80xi32, #tpu.memory_space<vmem>>, vector<1x16xi32>,
      %mul3A_695 = arith.constant 5 : i32
      %mul3A_696 = arith.muli %add3A_570, %mul3A_695 : i32
      %add3A_697 = arith.constant 1 : i32
      %add3A_698 = arith.addi %mul3A_696, %add3A_697 : i32
      %mul3A_699 = arith.constant 80 : i32
      %mul3A_700 = arith.muli %add3A_698, %mul3A_699 : i32
      %add3A_701 = arith.constant 32 : i32
      %add3A_702 = arith.addi %mul3A_700, %add3A_701 : i32
      %get3A_703 = arith.index_cast %add3A_702 : i32 to index
      %get3A_704 = tpu.vector_load %arg4[%get3A_703] {strides = array<i32>} : memref<20000xi32, #tpu.memory_space<vmem>>, vector<16xi32>,
      %get3A_705 = vector.shape_cast %get3A_704 : vector<16xi32> to vector<16xi32>
      %swap3A_706 = arith.constant 1 : i32
      %swap3A_707 = arith.index_cast %swap3A_706 : i32 to index
      %swap3A_708 = arith.constant 32 : index
      %swap3A_709 = tpu.vector_load %arg6[%swap3A_707, %swap3A_708] {strides = array<i32>} : memref<5x80xi32, #tpu.memory_space<vmem>>, vector<1x16xi32>,
      %swap3A_710 = vector.shape_cast %swap3A_709 : vector<1x16xi32> to vector<16xi32>
      %swap3A_711 = vector.shape_cast %get3A_705 : vector<16xi32> to vector<1x16xi32>
      tpu.vector_store %arg6[%swap3A_707, %swap3A_708], %swap3A_711 {strides = array<i32>} : memref<5x80xi32, #tpu.memory_space<vmem>>, vector<1x16xi32>,
      %mul3A_712 = arith.constant 5 : i32
      %mul3A_713 = arith.muli %add3A_570, %mul3A_712 : i32
      %add3A_714 = arith.constant 1 : i32
      %add3A_715 = arith.addi %mul3A_713, %add3A_714 : i32
      %mul3A_716 = arith.constant 80 : i32
      %mul3A_717 = arith.muli %add3A_715, %mul3A_716 : i32
      %add3A_718 = arith.constant 48 : i32
      %add3A_719 = arith.addi %mul3A_717, %add3A_718 : i32
      %get3A_720 = arith.index_cast %add3A_719 : i32 to index
      %get3A_721 = tpu.vector_load %arg4[%get3A_720] {strides = array<i32>} : memref<20000xi32, #tpu.memory_space<vmem>>, vector<16xi32>,
      %get3A_722 = vector.shape_cast %get3A_721 : vector<16xi32> to vector<16xi32>
      %swap3A_723 = arith.constant 1 : i32
      %swap3A_724 = arith.index_cast %swap3A_723 : i32 to index
      %swap3A_725 = arith.constant 48 : index
      %swap3A_726 = tpu.vector_load %arg6[%swap3A_724, %swap3A_725] {strides = array<i32>} : memref<5x80xi32, #tpu.memory_space<vmem>>, vector<1x16xi32>,
      %swap3A_727 = vector.shape_cast %swap3A_726 : vector<1x16xi32> to vector<16xi32>
      %swap3A_728 = vector.shape_cast %get3A_722 : vector<16xi32> to vector<1x16xi32>
      tpu.vector_store %arg6[%swap3A_724, %swap3A_725], %swap3A_728 {strides = array<i32>} : memref<5x80xi32, #tpu.memory_space<vmem>>, vector<1x16xi32>,
      %mul3A_729 = arith.constant 5 : i32
      %mul3A_730 = arith.muli %add3A_570, %mul3A_729 : i32
      %add3A_731 = arith.constant 1 : i32
      %add3A_732 = arith.addi %mul3A_730, %add3A_731 : i32
      %mul3A_733 = arith.constant 80 : i32
      %mul3A_734 = arith.muli %add3A_732, %mul3A_733 : i32
      %add3A_735 = arith.constant 64 : i32
      %add3A_736 = arith.addi %mul3A_734, %add3A_735 : i32
      %get3A_737 = arith.index_cast %add3A_736 : i32 to index
      %get3A_738 = tpu.vector_load %arg4[%get3A_737] {strides = array<i32>} : memref<20000xi32, #tpu.memory_space<vmem>>, vector<16xi32>,
      %get3A_739 = vector.shape_cast %get3A_738 : vector<16xi32> to vector<16xi32>
      %swap3A_740 = arith.constant 1 : i32
      %swap3A_741 = arith.index_cast %swap3A_740 : i32 to index
      %swap3A_742 = arith.constant 64 : index
      %swap3A_743 = tpu.vector_load %arg6[%swap3A_741, %swap3A_742] {strides = array<i32>} : memref<5x80xi32, #tpu.memory_space<vmem>>, vector<1x16xi32>,
      %swap3A_744 = vector.shape_cast %swap3A_743 : vector<1x16xi32> to vector<16xi32>
      %swap3A_745 = vector.shape_cast %get3A_739 : vector<16xi32> to vector<1x16xi32>
      tpu.vector_store %arg6[%swap3A_741, %swap3A_742], %swap3A_745 {strides = array<i32>} : memref<5x80xi32, #tpu.memory_space<vmem>>, vector<1x16xi32>,
      %mul3A_746 = arith.constant 5 : i32
      %mul3A_747 = arith.muli %add3A_570, %mul3A_746 : i32
      %add3A_748 = arith.constant 2 : i32
      %add3A_749 = arith.addi %mul3A_747, %add3A_748 : i32
      %mul3A_750 = arith.constant 80 : i32
      %mul3A_751 = arith.muli %add3A_749, %mul3A_750 : i32
      %add3A_752 = arith.constant 0 : i32
      %add3A_753 = arith.addi %mul3A_751, %add3A_752 : i32
      %get3A_754 = arith.index_cast %add3A_753 : i32 to index
      %get3A_755 = tpu.vector_load %arg4[%get3A_754] {strides = array<i32>} : memref<20000xi32, #tpu.memory_space<vmem>>, vector<16xi32>,
      %get3A_756 = vector.shape_cast %get3A_755 : vector<16xi32> to vector<16xi32>
      %swap3A_757 = arith.constant 2 : i32
      %swap3A_758 = arith.index_cast %swap3A_757 : i32 to index
      %swap3A_759 = arith.constant 0 : index
      %swap3A_760 = tpu.vector_load %arg6[%swap3A_758, %swap3A_759] {strides = array<i32>} : memref<5x80xi32, #tpu.memory_space<vmem>>, vector<1x16xi32>,
      %swap3A_761 = vector.shape_cast %swap3A_760 : vector<1x16xi32> to vector<16xi32>
      %swap3A_762 = vector.shape_cast %get3A_756 : vector<16xi32> to vector<1x16xi32>
      tpu.vector_store %arg6[%swap3A_758, %swap3A_759], %swap3A_762 {strides = array<i32>} : memref<5x80xi32, #tpu.memory_space<vmem>>, vector<1x16xi32>,
      %mul3A_763 = arith.constant 5 : i32
      %mul3A_764 = arith.muli %add3A_570, %mul3A_763 : i32
      %add3A_765 = arith.constant 2 : i32
      %add3A_766 = arith.addi %mul3A_764, %add3A_765 : i32
      %mul3A_767 = arith.constant 80 : i32
      %mul3A_768 = arith.muli %add3A_766, %mul3A_767 : i32
      %add3A_769 = arith.constant 16 : i32
      %add3A_770 = arith.addi %mul3A_768, %add3A_769 : i32
      %get3A_771 = arith.index_cast %add3A_770 : i32 to index
      %get3A_772 = tpu.vector_load %arg4[%get3A_771] {strides = array<i32>} : memref<20000xi32, #tpu.memory_space<vmem>>, vector<16xi32>,
      %get3A_773 = vector.shape_cast %get3A_772 : vector<16xi32> to vector<16xi32>
      %swap3A_774 = arith.constant 2 : i32
      %swap3A_775 = arith.index_cast %swap3A_774 : i32 to index
      %swap3A_776 = arith.constant 16 : index
      %swap3A_777 = tpu.vector_load %arg6[%swap3A_775, %swap3A_776] {strides = array<i32>} : memref<5x80xi32, #tpu.memory_space<vmem>>, vector<1x16xi32>,
      %swap3A_778 = vector.shape_cast %swap3A_777 : vector<1x16xi32> to vector<16xi32>
      %swap3A_779 = vector.shape_cast %get3A_773 : vector<16xi32> to vector<1x16xi32>
      tpu.vector_store %arg6[%swap3A_775, %swap3A_776], %swap3A_779 {strides = array<i32>} : memref<5x80xi32, #tpu.memory_space<vmem>>, vector<1x16xi32>,
      %mul3A_780 = arith.constant 5 : i32
      %mul3A_781 = arith.muli %add3A_570, %mul3A_780 : i32
      %add3A_782 = arith.constant 2 : i32
      %add3A_783 = arith.addi %mul3A_781, %add3A_782 : i32
      %mul3A_784 = arith.constant 80 : i32
      %mul3A_785 = arith.muli %add3A_783, %mul3A_784 : i32
      %add3A_786 = arith.constant 32 : i32
      %add3A_787 = arith.addi %mul3A_785, %add3A_786 : i32
      %get3A_788 = arith.index_cast %add3A_787 : i32 to index
      %get3A_789 = tpu.vector_load %arg4[%get3A_788] {strides = array<i32>} : memref<20000xi32, #tpu.memory_space<vmem>>, vector<16xi32>,
      %get3A_790 = vector.shape_cast %get3A_789 : vector<16xi32> to vector<16xi32>
      %swap3A_791 = arith.constant 2 : i32
      %swap3A_792 = arith.index_cast %swap3A_791 : i32 to index
      %swap3A_793 = arith.constant 32 : index
      %swap3A_794 = tpu.vector_load %arg6[%swap3A_792, %swap3A_793] {strides = array<i32>} : memref<5x80xi32, #tpu.memory_space<vmem>>, vector<1x16xi32>,
      %swap3A_795 = vector.shape_cast %swap3A_794 : vector<1x16xi32> to vector<16xi32>
      %swap3A_796 = vector.shape_cast %get3A_790 : vector<16xi32> to vector<1x16xi32>
      tpu.vector_store %arg6[%swap3A_792, %swap3A_793], %swap3A_796 {strides = array<i32>} : memref<5x80xi32, #tpu.memory_space<vmem>>, vector<1x16xi32>,
      %mul3A_797 = arith.constant 5 : i32
      %mul3A_798 = arith.muli %add3A_570, %mul3A_797 : i32
      %add3A_799 = arith.constant 2 : i32
      %add3A_800 = arith.addi %mul3A_798, %add3A_799 : i32
      %mul3A_801 = arith.constant 80 : i32
      %mul3A_802 = arith.muli %add3A_800, %mul3A_801 : i32
      %add3A_803 = arith.constant 48 : i32
      %add3A_804 = arith.addi %mul3A_802, %add3A_803 : i32
      %get3A_805 = arith.index_cast %add3A_804 : i32 to index
      %get3A_806 = tpu.vector_load %arg4[%get3A_805] {strides = array<i32>} : memref<20000xi32, #tpu.memory_space<vmem>>, vector<16xi32>,
      %get3A_807 = vector.shape_cast %get3A_806 : vector<16xi32> to vector<16xi32>
      %swap3A_808 = arith.constant 2 : i32
      %swap3A_809 = arith.index_cast %swap3A_808 : i32 to index
      %swap3A_810 = arith.constant 48 : index
      %swap3A_811 = tpu.vector_load %arg6[%swap3A_809, %swap3A_810] {strides = array<i32>} : memref<5x80xi32, #tpu.memory_space<vmem>>, vector<1x16xi32>,
      %swap3A_812 = vector.shape_cast %swap3A_811 : vector<1x16xi32> to vector<16xi32>
      %swap3A_813 = vector.shape_cast %get3A_807 : vector<16xi32> to vector<1x16xi32>
      tpu.vector_store %arg6[%swap3A_809, %swap3A_810], %swap3A_813 {strides = array<i32>} : memref<5x80xi32, #tpu.memory_space<vmem>>, vector<1x16xi32>,
      %mul3A_814 = arith.constant 5 : i32
      %mul3A_815 = arith.muli %add3A_570, %mul3A_814 : i32
      %add3A_816 = arith.constant 2 : i32
      %add3A_817 = arith.addi %mul3A_815, %add3A_816 : i32
      %mul3A_818 = arith.constant 80 : i32
      %mul3A_819 = arith.muli %add3A_817, %mul3A_818 : i32
      %add3A_820 = arith.constant 64 : i32
      %add3A_821 = arith.addi %mul3A_819, %add3A_820 : i32
      %get3A_822 = arith.index_cast %add3A_821 : i32 to index
      %get3A_823 = tpu.vector_load %arg4[%get3A_822] {strides = array<i32>} : memref<20000xi32, #tpu.memory_space<vmem>>, vector<16xi32>,
      %get3A_824 = vector.shape_cast %get3A_823 : vector<16xi32> to vector<16xi32>
      %swap3A_825 = arith.constant 2 : i32
      %swap3A_826 = arith.index_cast %swap3A_825 : i32 to index
      %swap3A_827 = arith.constant 64 : index
      %swap3A_828 = tpu.vector_load %arg6[%swap3A_826, %swap3A_827] {strides = array<i32>} : memref<5x80xi32, #tpu.memory_space<vmem>>, vector<1x16xi32>,
      %swap3A_829 = vector.shape_cast %swap3A_828 : vector<1x16xi32> to vector<16xi32>
      %swap3A_830 = vector.shape_cast %get3A_824 : vector<16xi32> to vector<1x16xi32>
      tpu.vector_store %arg6[%swap3A_826, %swap3A_827], %swap3A_830 {strides = array<i32>} : memref<5x80xi32, #tpu.memory_space<vmem>>, vector<1x16xi32>,
      %mul3A_831 = arith.constant 5 : i32
      %mul3A_832 = arith.muli %add3A_570, %mul3A_831 : i32
      %add3A_833 = arith.constant 3 : i32
      %add3A_834 = arith.addi %mul3A_832, %add3A_833 : i32
      %mul3A_835 = arith.constant 80 : i32
      %mul3A_836 = arith.muli %add3A_834, %mul3A_835 : i32
      %add3A_837 = arith.constant 0 : i32
      %add3A_838 = arith.addi %mul3A_836, %add3A_837 : i32
      %get3A_839 = arith.index_cast %add3A_838 : i32 to index
      %get3A_840 = tpu.vector_load %arg4[%get3A_839] {strides = array<i32>} : memref<20000xi32, #tpu.memory_space<vmem>>, vector<16xi32>,
      %get3A_841 = vector.shape_cast %get3A_840 : vector<16xi32> to vector<16xi32>
      %swap3A_842 = arith.constant 3 : i32
      %swap3A_843 = arith.index_cast %swap3A_842 : i32 to index
      %swap3A_844 = arith.constant 0 : index
      %swap3A_845 = tpu.vector_load %arg6[%swap3A_843, %swap3A_844] {strides = array<i32>} : memref<5x80xi32, #tpu.memory_space<vmem>>, vector<1x16xi32>,
      %swap3A_846 = vector.shape_cast %swap3A_845 : vector<1x16xi32> to vector<16xi32>
      %swap3A_847 = vector.shape_cast %get3A_841 : vector<16xi32> to vector<1x16xi32>
      tpu.vector_store %arg6[%swap3A_843, %swap3A_844], %swap3A_847 {strides = array<i32>} : memref<5x80xi32, #tpu.memory_space<vmem>>, vector<1x16xi32>,
      %mul3A_848 = arith.constant 5 : i32
      %mul3A_849 = arith.muli %add3A_570, %mul3A_848 : i32
      %add3A_850 = arith.constant 3 : i32
      %add3A_851 = arith.addi %mul3A_849, %add3A_850 : i32
      %mul3A_852 = arith.constant 80 : i32
      %mul3A_853 = arith.muli %add3A_851, %mul3A_852 : i32
      %add3A_854 = arith.constant 16 : i32
      %add3A_855 = arith.addi %mul3A_853, %add3A_854 : i32
      %get3A_856 = arith.index_cast %add3A_855 : i32 to index
      %get3A_857 = tpu.vector_load %arg4[%get3A_856] {strides = array<i32>} : memref<20000xi32, #tpu.memory_space<vmem>>, vector<16xi32>,
      %get3A_858 = vector.shape_cast %get3A_857 : vector<16xi32> to vector<16xi32>
      %swap3A_859 = arith.constant 3 : i32
      %swap3A_860 = arith.index_cast %swap3A_859 : i32 to index
      %swap3A_861 = arith.constant 16 : index
      %swap3A_862 = tpu.vector_load %arg6[%swap3A_860, %swap3A_861] {strides = array<i32>} : memref<5x80xi32, #tpu.memory_space<vmem>>, vector<1x16xi32>,
      %swap3A_863 = vector.shape_cast %swap3A_862 : vector<1x16xi32> to vector<16xi32>
      %swap3A_864 = vector.shape_cast %get3A_858 : vector<16xi32> to vector<1x16xi32>
      tpu.vector_store %arg6[%swap3A_860, %swap3A_861], %swap3A_864 {strides = array<i32>} : memref<5x80xi32, #tpu.memory_space<vmem>>, vector<1x16xi32>,
      %mul3A_865 = arith.constant 5 : i32
      %mul3A_866 = arith.muli %add3A_570, %mul3A_865 : i32
      %add3A_867 = arith.constant 3 : i32
      %add3A_868 = arith.addi %mul3A_866, %add3A_867 : i32
      %mul3A_869 = arith.constant 80 : i32
      %mul3A_870 = arith.muli %add3A_868, %mul3A_869 : i32
      %add3A_871 = arith.constant 32 : i32
      %add3A_872 = arith.addi %mul3A_870, %add3A_871 : i32
      %get3A_873 = arith.index_cast %add3A_872 : i32 to index
      %get3A_874 = tpu.vector_load %arg4[%get3A_873] {strides = array<i32>} : memref<20000xi32, #tpu.memory_space<vmem>>, vector<16xi32>,
      %get3A_875 = vector.shape_cast %get3A_874 : vector<16xi32> to vector<16xi32>
      %swap3A_876 = arith.constant 3 : i32
      %swap3A_877 = arith.index_cast %swap3A_876 : i32 to index
      %swap3A_878 = arith.constant 32 : index
      %swap3A_879 = tpu.vector_load %arg6[%swap3A_877, %swap3A_878] {strides = array<i32>} : memref<5x80xi32, #tpu.memory_space<vmem>>, vector<1x16xi32>,
      %swap3A_880 = vector.shape_cast %swap3A_879 : vector<1x16xi32> to vector<16xi32>
      %swap3A_881 = vector.shape_cast %get3A_875 : vector<16xi32> to vector<1x16xi32>
      tpu.vector_store %arg6[%swap3A_877, %swap3A_878], %swap3A_881 {strides = array<i32>} : memref<5x80xi32, #tpu.memory_space<vmem>>, vector<1x16xi32>,
      %mul3A_882 = arith.constant 5 : i32
      %mul3A_883 = arith.muli %add3A_570, %mul3A_882 : i32
      %add3A_884 = arith.constant 3 : i32
      %add3A_885 = arith.addi %mul3A_883, %add3A_884 : i32
      %mul3A_886 = arith.constant 80 : i32
      %mul3A_887 = arith.muli %add3A_885, %mul3A_886 : i32
      %add3A_888 = arith.constant 48 : i32
      %add3A_889 = arith.addi %mul3A_887, %add3A_888 : i32
      %get3A_890 = arith.index_cast %add3A_889 : i32 to index
      %get3A_891 = tpu.vector_load %arg4[%get3A_890] {strides = array<i32>} : memref<20000xi32, #tpu.memory_space<vmem>>, vector<16xi32>,
      %get3A_892 = vector.shape_cast %get3A_891 : vector<16xi32> to vector<16xi32>
      %swap3A_893 = arith.constant 3 : i32
      %swap3A_894 = arith.index_cast %swap3A_893 : i32 to index
      %swap3A_895 = arith.constant 48 : index
      %swap3A_896 = tpu.vector_load %arg6[%swap3A_894, %swap3A_895] {strides = array<i32>} : memref<5x80xi32, #tpu.memory_space<vmem>>, vector<1x16xi32>,
      %swap3A_897 = vector.shape_cast %swap3A_896 : vector<1x16xi32> to vector<16xi32>
      %swap3A_898 = vector.shape_cast %get3A_892 : vector<16xi32> to vector<1x16xi32>
      tpu.vector_store %arg6[%swap3A_894, %swap3A_895], %swap3A_898 {strides = array<i32>} : memref<5x80xi32, #tpu.memory_space<vmem>>, vector<1x16xi32>,
      %mul3A_899 = arith.constant 5 : i32
      %mul3A_900 = arith.muli %add3A_570, %mul3A_899 : i32
      %add3A_901 = arith.constant 3 : i32
      %add3A_902 = arith.addi %mul3A_900, %add3A_901 : i32
      %mul3A_903 = arith.constant 80 : i32
      %mul3A_904 = arith.muli %add3A_902, %mul3A_903 : i32
      %add3A_905 = arith.constant 64 : i32
      %add3A_906 = arith.addi %mul3A_904, %add3A_905 : i32
      %get3A_907 = arith.index_cast %add3A_906 : i32 to index
      %get3A_908 = tpu.vector_load %arg4[%get3A_907] {strides = array<i32>} : memref<20000xi32, #tpu.memory_space<vmem>>, vector<16xi32>,
      %get3A_909 = vector.shape_cast %get3A_908 : vector<16xi32> to vector<16xi32>
      %swap3A_910 = arith.constant 3 : i32
      %swap3A_911 = arith.index_cast %swap3A_910 : i32 to index
      %swap3A_912 = arith.constant 64 : index
      %swap3A_913 = tpu.vector_load %arg6[%swap3A_911, %swap3A_912] {strides = array<i32>} : memref<5x80xi32, #tpu.memory_space<vmem>>, vector<1x16xi32>,
      %swap3A_914 = vector.shape_cast %swap3A_913 : vector<1x16xi32> to vector<16xi32>
      %swap3A_915 = vector.shape_cast %get3A_909 : vector<16xi32> to vector<1x16xi32>
      tpu.vector_store %arg6[%swap3A_911, %swap3A_912], %swap3A_915 {strides = array<i32>} : memref<5x80xi32, #tpu.memory_space<vmem>>, vector<1x16xi32>,
      %mul3A_916 = arith.constant 5 : i32
      %mul3A_917 = arith.muli %add3A_570, %mul3A_916 : i32
      %add3A_918 = arith.constant 4 : i32
      %add3A_919 = arith.addi %mul3A_917, %add3A_918 : i32
      %mul3A_920 = arith.constant 80 : i32
      %mul3A_921 = arith.muli %add3A_919, %mul3A_920 : i32
      %add3A_922 = arith.constant 0 : i32
      %add3A_923 = arith.addi %mul3A_921, %add3A_922 : i32
      %get3A_924 = arith.index_cast %add3A_923 : i32 to index
      %get3A_925 = tpu.vector_load %arg4[%get3A_924] {strides = array<i32>} : memref<20000xi32, #tpu.memory_space<vmem>>, vector<16xi32>,
      %get3A_926 = vector.shape_cast %get3A_925 : vector<16xi32> to vector<16xi32>
      %swap3A_927 = arith.constant 4 : i32
      %swap3A_928 = arith.index_cast %swap3A_927 : i32 to index
      %swap3A_929 = arith.constant 0 : index
      %swap3A_930 = tpu.vector_load %arg6[%swap3A_928, %swap3A_929] {strides = array<i32>} : memref<5x80xi32, #tpu.memory_space<vmem>>, vector<1x16xi32>,
      %swap3A_931 = vector.shape_cast %swap3A_930 : vector<1x16xi32> to vector<16xi32>
      %swap3A_932 = vector.shape_cast %get3A_926 : vector<16xi32> to vector<1x16xi32>
      tpu.vector_store %arg6[%swap3A_928, %swap3A_929], %swap3A_932 {strides = array<i32>} : memref<5x80xi32, #tpu.memory_space<vmem>>, vector<1x16xi32>,
      %mul3A_933 = arith.constant 5 : i32
      %mul3A_934 = arith.muli %add3A_570, %mul3A_933 : i32
      %add3A_935 = arith.constant 4 : i32
      %add3A_936 = arith.addi %mul3A_934, %add3A_935 : i32
      %mul3A_937 = arith.constant 80 : i32
      %mul3A_938 = arith.muli %add3A_936, %mul3A_937 : i32
      %add3A_939 = arith.constant 16 : i32
      %add3A_940 = arith.addi %mul3A_938, %add3A_939 : i32
      %get3A_941 = arith.index_cast %add3A_940 : i32 to index
      %get3A_942 = tpu.vector_load %arg4[%get3A_941] {strides = array<i32>} : memref<20000xi32, #tpu.memory_space<vmem>>, vector<16xi32>,
      %get3A_943 = vector.shape_cast %get3A_942 : vector<16xi32> to vector<16xi32>
      %swap3A_944 = arith.constant 4 : i32
      %swap3A_945 = arith.index_cast %swap3A_944 : i32 to index
      %swap3A_946 = arith.constant 16 : index
      %swap3A_947 = tpu.vector_load %arg6[%swap3A_945, %swap3A_946] {strides = array<i32>} : memref<5x80xi32, #tpu.memory_space<vmem>>, vector<1x16xi32>,
      %swap3A_948 = vector.shape_cast %swap3A_947 : vector<1x16xi32> to vector<16xi32>
      %swap3A_949 = vector.shape_cast %get3A_943 : vector<16xi32> to vector<1x16xi32>
      tpu.vector_store %arg6[%swap3A_945, %swap3A_946], %swap3A_949 {strides = array<i32>} : memref<5x80xi32, #tpu.memory_space<vmem>>, vector<1x16xi32>,
      %mul3A_950 = arith.constant 5 : i32
      %mul3A_951 = arith.muli %add3A_570, %mul3A_950 : i32
      %add3A_952 = arith.constant 4 : i32
      %add3A_953 = arith.addi %mul3A_951, %add3A_952 : i32
      %mul3A_954 = arith.constant 80 : i32
      %mul3A_955 = arith.muli %add3A_953, %mul3A_954 : i32
      %add3A_956 = arith.constant 32 : i32
      %add3A_957 = arith.addi %mul3A_955, %add3A_956 : i32
      %get3A_958 = arith.index_cast %add3A_957 : i32 to index
      %get3A_959 = tpu.vector_load %arg4[%get3A_958] {strides = array<i32>} : memref<20000xi32, #tpu.memory_space<vmem>>, vector<16xi32>,
      %get3A_960 = vector.shape_cast %get3A_959 : vector<16xi32> to vector<16xi32>
      %swap3A_961 = arith.constant 4 : i32
      %swap3A_962 = arith.index_cast %swap3A_961 : i32 to index
      %swap3A_963 = arith.constant 32 : index
      %swap3A_964 = tpu.vector_load %arg6[%swap3A_962, %swap3A_963] {strides = array<i32>} : memref<5x80xi32, #tpu.memory_space<vmem>>, vector<1x16xi32>,
      %swap3A_965 = vector.shape_cast %swap3A_964 : vector<1x16xi32> to vector<16xi32>
      %swap3A_966 = vector.shape_cast %get3A_960 : vector<16xi32> to vector<1x16xi32>
      tpu.vector_store %arg6[%swap3A_962, %swap3A_963], %swap3A_966 {strides = array<i32>} : memref<5x80xi32, #tpu.memory_space<vmem>>, vector<1x16xi32>,
      %mul3A_967 = arith.constant 5 : i32
      %mul3A_968 = arith.muli %add3A_570, %mul3A_967 : i32
      %add3A_969 = arith.constant 4 : i32
      %add3A_970 = arith.addi %mul3A_968, %add3A_969 : i32
      %mul3A_971 = arith.constant 80 : i32
      %mul3A_972 = arith.muli %add3A_970, %mul3A_971 : i32
      %add3A_973 = arith.constant 48 : i32
      %add3A_974 = arith.addi %mul3A_972, %add3A_973 : i32
      %get3A_975 = arith.index_cast %add3A_974 : i32 to index
      %get3A_976 = tpu.vector_load %arg4[%get3A_975] {strides = array<i32>} : memref<20000xi32, #tpu.memory_space<vmem>>, vector<16xi32>,
      %get3A_977 = vector.shape_cast %get3A_976 : vector<16xi32> to vector<16xi32>
      %swap3A_978 = arith.constant 4 : i32
      %swap3A_979 = arith.index_cast %swap3A_978 : i32 to index
      %swap3A_980 = arith.constant 48 : index
      %swap3A_981 = tpu.vector_load %arg6[%swap3A_979, %swap3A_980] {strides = array<i32>} : memref<5x80xi32, #tpu.memory_space<vmem>>, vector<1x16xi32>,
      %swap3A_982 = vector.shape_cast %swap3A_981 : vector<1x16xi32> to vector<16xi32>
      %swap3A_983 = vector.shape_cast %get3A_977 : vector<16xi32> to vector<1x16xi32>
      tpu.vector_store %arg6[%swap3A_979, %swap3A_980], %swap3A_983 {strides = array<i32>} : memref<5x80xi32, #tpu.memory_space<vmem>>, vector<1x16xi32>,
      %mul3A_984 = arith.constant 5 : i32
      %mul3A_985 = arith.muli %add3A_570, %mul3A_984 : i32
      %add3A_986 = arith.constant 4 : i32
      %add3A_987 = arith.addi %mul3A_985, %add3A_986 : i32
      %mul3A_988 = arith.constant 80 : i32
      %mul3A_989 = arith.muli %add3A_987, %mul3A_988 : i32
      %add3A_990 = arith.constant 64 : i32
      %add3A_991 = arith.addi %mul3A_989, %add3A_990 : i32
      %get3A_992 = arith.index_cast %add3A_991 : i32 to index
      %get3A_993 = tpu.vector_load %arg4[%get3A_992] {strides = array<i32>} : memref<20000xi32, #tpu.memory_space<vmem>>, vector<16xi32>,
      %get3A_994 = vector.shape_cast %get3A_993 : vector<16xi32> to vector<16xi32>
      %swap3A_995 = arith.constant 4 : i32
      %swap3A_996 = arith.index_cast %swap3A_995 : i32 to index
      %swap3A_997 = arith.constant 64 : index
      %swap3A_998 = tpu.vector_load %arg6[%swap3A_996, %swap3A_997] {strides = array<i32>} : memref<5x80xi32, #tpu.memory_space<vmem>>, vector<1x16xi32>,
      %swap3A_999 = vector.shape_cast %swap3A_998 : vector<1x16xi32> to vector<16xi32>
      %swap3A_1000 = vector.shape_cast %get3A_994 : vector<16xi32> to vector<1x16xi32>
      tpu.vector_store %arg6[%swap3A_996, %swap3A_997], %swap3A_1000 {strides = array<i32>} : memref<5x80xi32, #tpu.memory_space<vmem>>, vector<1x16xi32>,
      %dma_start3A_1001 = arith.constant 0 : i32
      %dma_start3A_1002 = arith.constant 0 : i32
      %dma_start3A_1003 = tpu.memref_slice %arg6[%dma_start3A_1001, %dma_start3A_1002] : memref<5x80xi32, #tpu.memory_space<vmem>> -> memref<1x80xi32, #tpu.memory_space<vmem>>
      %dma_start3A_1004 = tpu.memref_squeeze %dma_start3A_1003 : memref<1x80xi32, #tpu.memory_space<vmem>> -> memref<80xi32, #tpu.memory_space<vmem>>
      %dma_start3A_1005 = arith.constant 0 : i32
      %dma_start3A_1006 = arith.constant 0 : i32
      %dma_start3A_1007 = tpu.memref_slice %arg9[%dma_start3A_1005, %dma_start3A_1006] : memref<10240x16xf32, #tpu.memory_space<vmem_shared>> -> memref<10240x16xf32, #tpu.memory_space<vmem_shared>>
      tpu.enqueue_indirect_dma source(%arg7 : memref<80x16xf32, #tpu.memory_space<vmem>>) target(%dma_start3A_1007 : memref<10240x16xf32, #tpu.memory_space<vmem_shared>>) offsets(%dma_start3A_1004 : memref<80xi32, #tpu.memory_space<vmem>>) semaphore(%arg12 : memref<!tpu.dma_semaphore, #tpu.memory_space<semaphore_mem>>) {add = true}
      %dma_start3A_1008 = arith.constant 1 : i32
      %dma_start3A_1009 = arith.constant 0 : i32
      %dma_start3A_1010 = tpu.memref_slice %arg6[%dma_start3A_1008, %dma_start3A_1009] : memref<5x80xi32, #tpu.memory_space<vmem>> -> memref<1x80xi32, #tpu.memory_space<vmem>>
      %dma_start3A_1011 = tpu.memref_squeeze %dma_start3A_1010 : memref<1x80xi32, #tpu.memory_space<vmem>> -> memref<80xi32, #tpu.memory_space<vmem>>
      %dma_start3A_1012 = arith.constant 0 : i32
      %dma_start3A_1013 = arith.constant 0 : i32
      %dma_start3A_1014 = tpu.memref_slice %arg9[%dma_start3A_1012, %dma_start3A_1013] : memref<10240x16xf32, #tpu.memory_space<vmem_shared>> -> memref<10240x16xf32, #tpu.memory_space<vmem_shared>>
      tpu.enqueue_indirect_dma source(%arg7 : memref<80x16xf32, #tpu.memory_space<vmem>>) target(%dma_start3A_1014 : memref<10240x16xf32, #tpu.memory_space<vmem_shared>>) offsets(%dma_start3A_1011 : memref<80xi32, #tpu.memory_space<vmem>>) semaphore(%arg12 : memref<!tpu.dma_semaphore, #tpu.memory_space<semaphore_mem>>) {add = true}
      %dma_start3A_1015 = arith.constant 2 : i32
      %dma_start3A_1016 = arith.constant 0 : i32
      %dma_start3A_1017 = tpu.memref_slice %arg6[%dma_start3A_1015, %dma_start3A_1016] : memref<5x80xi32, #tpu.memory_space<vmem>> -> memref<1x80xi32, #tpu.memory_space<vmem>>
      %dma_start3A_1018 = tpu.memref_squeeze %dma_start3A_1017 : memref<1x80xi32, #tpu.memory_space<vmem>> -> memref<80xi32, #tpu.memory_space<vmem>>
      %dma_start3A_1019 = arith.constant 0 : i32
      %dma_start3A_1020 = arith.constant 0 : i32
      %dma_start3A_1021 = tpu.memref_slice %arg9[%dma_start3A_1019, %dma_start3A_1020] : memref<10240x16xf32, #tpu.memory_space<vmem_shared>> -> memref<10240x16xf32, #tpu.memory_space<vmem_shared>>
      tpu.enqueue_indirect_dma source(%arg7 : memref<80x16xf32, #tpu.memory_space<vmem>>) target(%dma_start3A_1021 : memref<10240x16xf32, #tpu.memory_space<vmem_shared>>) offsets(%dma_start3A_1018 : memref<80xi32, #tpu.memory_space<vmem>>) semaphore(%arg12 : memref<!tpu.dma_semaphore, #tpu.memory_space<semaphore_mem>>) {add = true}
      %dma_start3A_1022 = arith.constant 3 : i32
      %dma_start3A_1023 = arith.constant 0 : i32
      %dma_start3A_1024 = tpu.memref_slice %arg6[%dma_start3A_1022, %dma_start3A_1023] : memref<5x80xi32, #tpu.memory_space<vmem>> -> memref<1x80xi32, #tpu.memory_space<vmem>>
      %dma_start3A_1025 = tpu.memref_squeeze %dma_start3A_1024 : memref<1x80xi32, #tpu.memory_space<vmem>> -> memref<80xi32, #tpu.memory_space<vmem>>
      %dma_start3A_1026 = arith.constant 0 : i32
      %dma_start3A_1027 = arith.constant 0 : i32
      %dma_start3A_1028 = tpu.memref_slice %arg9[%dma_start3A_1026, %dma_start3A_1027] : memref<10240x16xf32, #tpu.memory_space<vmem_shared>> -> memref<10240x16xf32, #tpu.memory_space<vmem_shared>>
      tpu.enqueue_indirect_dma source(%arg7 : memref<80x16xf32, #tpu.memory_space<vmem>>) target(%dma_start3A_1028 : memref<10240x16xf32, #tpu.memory_space<vmem_shared>>) offsets(%dma_start3A_1025 : memref<80xi32, #tpu.memory_space<vmem>>) semaphore(%arg12 : memref<!tpu.dma_semaphore, #tpu.memory_space<semaphore_mem>>) {add = true}
      %dma_start3A_1029 = arith.constant 4 : i32
      %dma_start3A_1030 = arith.constant 0 : i32
      %dma_start3A_1031 = tpu.memref_slice %arg6[%dma_start3A_1029, %dma_start3A_1030] : memref<5x80xi32, #tpu.memory_space<vmem>> -> memref<1x80xi32, #tpu.memory_space<vmem>>
      %dma_start3A_1032 = tpu.memref_squeeze %dma_start3A_1031 : memref<1x80xi32, #tpu.memory_space<vmem>> -> memref<80xi32, #tpu.memory_space<vmem>>
      %dma_start3A_1033 = arith.constant 0 : i32
      %dma_start3A_1034 = arith.constant 0 : i32
      %dma_start3A_1035 = tpu.memref_slice %arg9[%dma_start3A_1033, %dma_start3A_1034] : memref<10240x16xf32, #tpu.memory_space<vmem_shared>> -> memref<10240x16xf32, #tpu.memory_space<vmem_shared>>
      tpu.enqueue_indirect_dma source(%arg7 : memref<80x16xf32, #tpu.memory_space<vmem>>) target(%dma_start3A_1035 : memref<10240x16xf32, #tpu.memory_space<vmem_shared>>) offsets(%dma_start3A_1032 : memref<80xi32, #tpu.memory_space<vmem>>) semaphore(%arg12 : memref<!tpu.dma_semaphore, #tpu.memory_space<semaphore_mem>>) {add = true}
    }
    %scan3A_28 = arith.constant 25 : i32
    %dma_wait3A_29 = arith.constant 0 : i32
    %dma_wait3A_30 = arith.constant 0 : i32
    %dma_wait3A_31 = tpu.memref_slice %arg5[%dma_wait3A_29, %dma_wait3A_30] : memref<5x80xi32, #tpu.memory_space<vmem>> -> memref<1x80xi32, #tpu.memory_space<vmem>>
    %dma_wait3A_32 = tpu.memref_squeeze %dma_wait3A_31 : memref<1x80xi32, #tpu.memory_space<vmem>> -> memref<80xi32, #tpu.memory_space<vmem>>
    %dma_wait3A_33 = arith.constant 0 : i32
    %dma_wait3A_34 = arith.constant 0 : i32
    %dma_wait3A_35 = tpu.memref_slice %arg9[%dma_wait3A_33, %dma_wait3A_34] : memref<10240x16xf32, #tpu.memory_space<vmem_shared>> -> memref<10240x16xf32, #tpu.memory_space<vmem_shared>>
    tpu.wait_indirect_dma semaphore(%arg11 : memref<!tpu.dma_semaphore, #tpu.memory_space<semaphore_mem>>) src(%arg7 : memref<80x16xf32, #tpu.memory_space<vmem>>) dst(%dma_wait3A_35 : memref<10240x16xf32, #tpu.memory_space<vmem_shared>>)
    %dma_wait3A_36 = arith.constant 1 : i32
    %dma_wait3A_37 = arith.constant 0 : i32
    %dma_wait3A_38 = tpu.memref_slice %arg5[%dma_wait3A_36, %dma_wait3A_37] : memref<5x80xi32, #tpu.memory_space<vmem>> -> memref<1x80xi32, #tpu.memory_space<vmem>>
    %dma_wait3A_39 = tpu.memref_squeeze %dma_wait3A_38 : memref<1x80xi32, #tpu.memory_space<vmem>> -> memref<80xi32, #tpu.memory_space<vmem>>
    %dma_wait3A_40 = arith.constant 0 : i32
    %dma_wait3A_41 = arith.constant 0 : i32
    %dma_wait3A_42 = tpu.memref_slice %arg9[%dma_wait3A_40, %dma_wait3A_41] : memref<10240x16xf32, #tpu.memory_space<vmem_shared>> -> memref<10240x16xf32, #tpu.memory_space<vmem_shared>>
    tpu.wait_indirect_dma semaphore(%arg11 : memref<!tpu.dma_semaphore, #tpu.memory_space<semaphore_mem>>) src(%arg7 : memref<80x16xf32, #tpu.memory_space<vmem>>) dst(%dma_wait3A_42 : memref<10240x16xf32, #tpu.memory_space<vmem_shared>>)
    %dma_wait3A_43 = arith.constant 2 : i32
    %dma_wait3A_44 = arith.constant 0 : i32
    %dma_wait3A_45 = tpu.memref_slice %arg5[%dma_wait3A_43, %dma_wait3A_44] : memref<5x80xi32, #tpu.memory_space<vmem>> -> memref<1x80xi32, #tpu.memory_space<vmem>>
    %dma_wait3A_46 = tpu.memref_squeeze %dma_wait3A_45 : memref<1x80xi32, #tpu.memory_space<vmem>> -> memref<80xi32, #tpu.memory_space<vmem>>
    %dma_wait3A_47 = arith.constant 0 : i32
    %dma_wait3A_48 = arith.constant 0 : i32
    %dma_wait3A_49 = tpu.memref_slice %arg9[%dma_wait3A_47, %dma_wait3A_48] : memref<10240x16xf32, #tpu.memory_space<vmem_shared>> -> memref<10240x16xf32, #tpu.memory_space<vmem_shared>>
    tpu.wait_indirect_dma semaphore(%arg11 : memref<!tpu.dma_semaphore, #tpu.memory_space<semaphore_mem>>) src(%arg7 : memref<80x16xf32, #tpu.memory_space<vmem>>) dst(%dma_wait3A_49 : memref<10240x16xf32, #tpu.memory_space<vmem_shared>>)
    %dma_wait3A_50 = arith.constant 3 : i32
    %dma_wait3A_51 = arith.constant 0 : i32
    %dma_wait3A_52 = tpu.memref_slice %arg5[%dma_wait3A_50, %dma_wait3A_51] : memref<5x80xi32, #tpu.memory_space<vmem>> -> memref<1x80xi32, #tpu.memory_space<vmem>>
    %dma_wait3A_53 = tpu.memref_squeeze %dma_wait3A_52 : memref<1x80xi32, #tpu.memory_space<vmem>> -> memref<80xi32, #tpu.memory_space<vmem>>
    %dma_wait3A_54 = arith.constant 0 : i32
    %dma_wait3A_55 = arith.constant 0 : i32
    %dma_wait3A_56 = tpu.memref_slice %arg9[%dma_wait3A_54, %dma_wait3A_55] : memref<10240x16xf32, #tpu.memory_space<vmem_shared>> -> memref<10240x16xf32, #tpu.memory_space<vmem_shared>>
    tpu.wait_indirect_dma semaphore(%arg11 : memref<!tpu.dma_semaphore, #tpu.memory_space<semaphore_mem>>) src(%arg7 : memref<80x16xf32, #tpu.memory_space<vmem>>) dst(%dma_wait3A_56 : memref<10240x16xf32, #tpu.memory_space<vmem_shared>>)
    %dma_wait3A_57 = arith.constant 4 : i32
    %dma_wait3A_58 = arith.constant 0 : i32
    %dma_wait3A_59 = tpu.memref_slice %arg5[%dma_wait3A_57, %dma_wait3A_58] : memref<5x80xi32, #tpu.memory_space<vmem>> -> memref<1x80xi32, #tpu.memory_space<vmem>>
    %dma_wait3A_60 = tpu.memref_squeeze %dma_wait3A_59 : memref<1x80xi32, #tpu.memory_space<vmem>> -> memref<80xi32, #tpu.memory_space<vmem>>
    %dma_wait3A_61 = arith.constant 0 : i32
    %dma_wait3A_62 = arith.constant 0 : i32
    %dma_wait3A_63 = tpu.memref_slice %arg9[%dma_wait3A_61, %dma_wait3A_62] : memref<10240x16xf32, #tpu.memory_space<vmem_shared>> -> memref<10240x16xf32, #tpu.memory_space<vmem_shared>>
    tpu.wait_indirect_dma semaphore(%arg11 : memref<!tpu.dma_semaphore, #tpu.memory_space<semaphore_mem>>) src(%arg7 : memref<80x16xf32, #tpu.memory_space<vmem>>) dst(%dma_wait3A_63 : memref<10240x16xf32, #tpu.memory_space<vmem_shared>>)
    %dma_wait3A_64 = arith.constant 0 : i32
    %dma_wait3A_65 = arith.constant 0 : i32
    %dma_wait3A_66 = tpu.memref_slice %arg6[%dma_wait3A_64, %dma_wait3A_65] : memref<5x80xi32, #tpu.memory_space<vmem>> -> memref<1x80xi32, #tpu.memory_space<vmem>>
    %dma_wait3A_67 = tpu.memref_squeeze %dma_wait3A_66 : memref<1x80xi32, #tpu.memory_space<vmem>> -> memref<80xi32, #tpu.memory_space<vmem>>
    %dma_wait3A_68 = arith.constant 0 : i32
    %dma_wait3A_69 = arith.constant 0 : i32
    %dma_wait3A_70 = tpu.memref_slice %arg9[%dma_wait3A_68, %dma_wait3A_69] : memref<10240x16xf32, #tpu.memory_space<vmem_shared>> -> memref<10240x16xf32, #tpu.memory_space<vmem_shared>>
    tpu.wait_indirect_dma semaphore(%arg12 : memref<!tpu.dma_semaphore, #tpu.memory_space<semaphore_mem>>) src(%arg7 : memref<80x16xf32, #tpu.memory_space<vmem>>) dst(%dma_wait3A_70 : memref<10240x16xf32, #tpu.memory_space<vmem_shared>>)
    %dma_wait3A_71 = arith.constant 1 : i32
    %dma_wait3A_72 = arith.constant 0 : i32
    %dma_wait3A_73 = tpu.memref_slice %arg6[%dma_wait3A_71, %dma_wait3A_72] : memref<5x80xi32, #tpu.memory_space<vmem>> -> memref<1x80xi32, #tpu.memory_space<vmem>>
    %dma_wait3A_74 = tpu.memref_squeeze %dma_wait3A_73 : memref<1x80xi32, #tpu.memory_space<vmem>> -> memref<80xi32, #tpu.memory_space<vmem>>
    %dma_wait3A_75 = arith.constant 0 : i32
    %dma_wait3A_76 = arith.constant 0 : i32
    %dma_wait3A_77 = tpu.memref_slice %arg9[%dma_wait3A_75, %dma_wait3A_76] : memref<10240x16xf32, #tpu.memory_space<vmem_shared>> -> memref<10240x16xf32, #tpu.memory_space<vmem_shared>>
    tpu.wait_indirect_dma semaphore(%arg12 : memref<!tpu.dma_semaphore, #tpu.memory_space<semaphore_mem>>) src(%arg7 : memref<80x16xf32, #tpu.memory_space<vmem>>) dst(%dma_wait3A_77 : memref<10240x16xf32, #tpu.memory_space<vmem_shared>>)
    %dma_wait3A_78 = arith.constant 2 : i32
    %dma_wait3A_79 = arith.constant 0 : i32
    %dma_wait3A_80 = tpu.memref_slice %arg6[%dma_wait3A_78, %dma_wait3A_79] : memref<5x80xi32, #tpu.memory_space<vmem>> -> memref<1x80xi32, #tpu.memory_space<vmem>>
    %dma_wait3A_81 = tpu.memref_squeeze %dma_wait3A_80 : memref<1x80xi32, #tpu.memory_space<vmem>> -> memref<80xi32, #tpu.memory_space<vmem>>
    %dma_wait3A_82 = arith.constant 0 : i32
    %dma_wait3A_83 = arith.constant 0 : i32
    %dma_wait3A_84 = tpu.memref_slice %arg9[%dma_wait3A_82, %dma_wait3A_83] : memref<10240x16xf32, #tpu.memory_space<vmem_shared>> -> memref<10240x16xf32, #tpu.memory_space<vmem_shared>>
    tpu.wait_indirect_dma semaphore(%arg12 : memref<!tpu.dma_semaphore, #tpu.memory_space<semaphore_mem>>) src(%arg7 : memref<80x16xf32, #tpu.memory_space<vmem>>) dst(%dma_wait3A_84 : memref<10240x16xf32, #tpu.memory_space<vmem_shared>>)
    %dma_wait3A_85 = arith.constant 3 : i32
    %dma_wait3A_86 = arith.constant 0 : i32
    %dma_wait3A_87 = tpu.memref_slice %arg6[%dma_wait3A_85, %dma_wait3A_86] : memref<5x80xi32, #tpu.memory_space<vmem>> -> memref<1x80xi32, #tpu.memory_space<vmem>>
    %dma_wait3A_88 = tpu.memref_squeeze %dma_wait3A_87 : memref<1x80xi32, #tpu.memory_space<vmem>> -> memref<80xi32, #tpu.memory_space<vmem>>
    %dma_wait3A_89 = arith.constant 0 : i32
    %dma_wait3A_90 = arith.constant 0 : i32
    %dma_wait3A_91 = tpu.memref_slice %arg9[%dma_wait3A_89, %dma_wait3A_90] : memref<10240x16xf32, #tpu.memory_space<vmem_shared>> -> memref<10240x16xf32, #tpu.memory_space<vmem_shared>>
    tpu.wait_indirect_dma semaphore(%arg12 : memref<!tpu.dma_semaphore, #tpu.memory_space<semaphore_mem>>) src(%arg7 : memref<80x16xf32, #tpu.memory_space<vmem>>) dst(%dma_wait3A_91 : memref<10240x16xf32, #tpu.memory_space<vmem_shared>>)
    %dma_wait3A_92 = arith.constant 4 : i32
    %dma_wait3A_93 = arith.constant 0 : i32
    %dma_wait3A_94 = tpu.memref_slice %arg6[%dma_wait3A_92, %dma_wait3A_93] : memref<5x80xi32, #tpu.memory_space<vmem>> -> memref<1x80xi32, #tpu.memory_space<vmem>>
    %dma_wait3A_95 = tpu.memref_squeeze %dma_wait3A_94 : memref<1x80xi32, #tpu.memory_space<vmem>> -> memref<80xi32, #tpu.memory_space<vmem>>
    %dma_wait3A_96 = arith.constant 0 : i32
    %dma_wait3A_97 = arith.constant 0 : i32
    %dma_wait3A_98 = tpu.memref_slice %arg9[%dma_wait3A_96, %dma_wait3A_97] : memref<10240x16xf32, #tpu.memory_space<vmem_shared>> -> memref<10240x16xf32, #tpu.memory_space<vmem_shared>>
    tpu.wait_indirect_dma semaphore(%arg12 : memref<!tpu.dma_semaphore, #tpu.memory_space<semaphore_mem>>) src(%arg7 : memref<80x16xf32, #tpu.memory_space<vmem>>) dst(%dma_wait3A_98 : memref<10240x16xf32, #tpu.memory_space<vmem_shared>>)
    %barrier3A_99 = arith.constant 0 : index
    tpu.barrier barrier_id(%barrier3A_99)
    %mul3A_100 = arith.constant 640 : i32
    %mul3A_101 = arith.muli %arg1, %mul3A_100 : i32
    %mul3A_102 = arith.constant 640 : i32
    %mul3A_103 = arith.muli %arg1, %mul3A_102 : i32
    "tpu.region"() ({
      %run_scoped3A = tpu.sem_alloc : memref<!tpu.dma_semaphore, #tpu.memory_space<semaphore_mem>>
      %dma_start3A_104 = arith.constant 0 : i32
      %dma_start3A_105 = tpu.memref_slice %arg3[%arg0, %mul3A_103, %dma_start3A_104] : memref<2x10240x16xf32, #tpu.memory_space<hbm>> -> memref<1x640x16xf32, #tpu.memory_space<hbm>>
      %dma_start3A_106 = tpu.memref_squeeze %dma_start3A_105 : memref<1x640x16xf32, #tpu.memory_space<hbm>> -> memref<640x16xf32, #tpu.memory_space<hbm>>
      %dma_start3A_107 = arith.constant 0 : i32
      %dma_start3A_108 = tpu.memref_slice %arg9[%mul3A_101, %dma_start3A_107] : memref<10240x16xf32, #tpu.memory_space<vmem_shared>> -> memref<640x16xf32, #tpu.memory_space<vmem_shared>>
      tpu.enqueue_dma source(%dma_start3A_108 : memref<640x16xf32, #tpu.memory_space<vmem_shared>>) target(%dma_start3A_106 : memref<640x16xf32, #tpu.memory_space<hbm>>) target_semaphore(%run_scoped3A : memref<!tpu.dma_semaphore, #tpu.memory_space<semaphore_mem>>)
      %dma_wait3A_109 = arith.constant 0 : i32
      %dma_wait3A_110 = tpu.memref_slice %arg3[%arg0, %mul3A_103, %dma_wait3A_109] : memref<2x10240x16xf32, #tpu.memory_space<hbm>> -> memref<1x640x16xf32, #tpu.memory_space<hbm>>
      %dma_wait3A_111 = tpu.memref_squeeze %dma_wait3A_110 : memref<1x640x16xf32, #tpu.memory_space<hbm>> -> memref<640x16xf32, #tpu.memory_space<hbm>>
      %dma_wait3A_112 = arith.constant 0 : i32
      %dma_wait3A_113 = tpu.memref_slice %arg9[%mul3A_101, %dma_wait3A_112] : memref<10240x16xf32, #tpu.memory_space<vmem_shared>> -> memref<640x16xf32, #tpu.memory_space<vmem_shared>>
      tpu.wait_dma2 semaphore(%run_scoped3A : memref<!tpu.dma_semaphore, #tpu.memory_space<semaphore_mem>>) src(%dma_wait3A_113 : memref<640x16xf32, #tpu.memory_space<vmem_shared>>) dst(%dma_wait3A_111 : memref<640x16xf32, #tpu.memory_space<hbm>>)
      tpu.yield
    }) : () -> ()
    return
  }
}

#map = affine_map<(d0, d1) -> (0, 0)>
#map1 = affine_map<(d0, d1) -> (0)>
#map2 = affine_map<(d0, d1) -> (0, 0, 0)>
module attributes {stable_mosaic.version = 14 : i64} {
  func.func @prop_kernel(%arg0: i32, %arg1: i32, %arg2: memref<10240x128xf32, #tpu.memory_space<hbm>>, %arg3: memref<640000xi32, #tpu.memory_space<hbm>>, %arg4: memref<2x10240x128xf32, #tpu.memory_space<hbm>>, %arg5: memref<10000xi32, #tpu.memory_space<vmem>>, %arg6: memref<3x80xi32, #tpu.memory_space<vmem>>, %arg7: memref<3x80x128xf32, #tpu.memory_space<vmem>>, %arg8: memref<16x128xf32, #tpu.memory_space<vmem>>, %arg9: memref<10240x128xf32, #tpu.memory_space<vmem_shared>>, %arg10: memref<!tpu.dma_semaphore, #tpu.memory_space<semaphore_mem>>, %arg11: memref<!tpu.dma_semaphore, #tpu.memory_space<semaphore_mem>>, %arg12: memref<!tpu.dma_semaphore, #tpu.memory_space<semaphore_mem>>, %arg13: memref<!tpu.dma_semaphore, #tpu.memory_space<semaphore_mem>>, %arg14: memref<!tpu.dma_semaphore, #tpu.memory_space<semaphore_mem>>) attributes {dimension_semantics = [#tpu.dimension_semantics<core_parallel>, #tpu.dimension_semantics<subcore_parallel>], iteration_bounds = array<i64: 2, 16>, scalar_prefetch = 0 : i64, scratch_operands = 10 : i64, tpu.core_type = #tpu.core_type<sc_vector_subcore>, window_params = [{transform_indices = #map}, {transform_indices = #map1}, {transform_indices = #map2}]} {
    %mul3A = arith.constant 16 : i32
    %mul3A_0 = arith.muli %arg0, %mul3A : i32
    %add3A = arith.addi %mul3A_0, %arg1 : i32
    %mul3A_1 = arith.constant 10000 : i32
    %mul3A_2 = arith.muli %add3A, %mul3A_1 : i32
    %dma_start3A = tpu.memref_slice %arg3[%mul3A_2] : memref<640000xi32, #tpu.memory_space<hbm>> -> memref<10000xi32, #tpu.memory_space<hbm>>
    %dma_start3A_3 = tpu.memref_slice %arg3[%mul3A_2] : memref<640000xi32, #tpu.memory_space<hbm>> -> memref<10000xi32, #tpu.memory_space<hbm>>
    tpu.enqueue_dma source(%dma_start3A_3 : memref<10000xi32, #tpu.memory_space<hbm>>) target(%arg5 : memref<10000xi32, #tpu.memory_space<vmem>>) target_semaphore(%arg10 : memref<!tpu.dma_semaphore, #tpu.memory_space<semaphore_mem>>)
    %scan3A = arith.constant 0 : i32
    %scan3A_4 = arith.constant 16 : i32
    %scan3A_5 = arith.addi %scan3A, %scan3A_4 : i32
    %scan3A_6 = arith.constant 1 : i32
    scf.for %scan3A_197 = %scan3A to %scan3A_5 step %scan3A_6  : i32 {
      %mul3A_198 = arith.constant 1 : i32
      %mul3A_199 = arith.muli %scan3A_197, %mul3A_198 : i32
      %add3A_200 = arith.constant 0 : i32
      %add3A_201 = arith.addi %add3A_200, %mul3A_199 : i32
      %scan3A_202 = arith.constant 0 : i32
      %scan3A_203 = arith.constant 8 : i32
      %scan3A_204 = arith.addi %scan3A_202, %scan3A_203 : i32
      %scan3A_205 = arith.constant 1 : i32
      scf.for %scan3A_207 = %scan3A_202 to %scan3A_204 step %scan3A_205  : i32 {
        %mul3A_208 = arith.constant 1 : i32
        %mul3A_209 = arith.muli %scan3A_207, %mul3A_208 : i32
        %add3A_210 = arith.constant 0 : i32
        %add3A_211 = arith.addi %add3A_210, %mul3A_209 : i32
        %broadcast_in_dim3A = arith.constant 0.000000e+00 : f32
        %broadcast_in_dim3A_212 = vector.broadcast %broadcast_in_dim3A : f32 to vector<16xf32>
        %mul3A_213 = arith.constant 16 : i32
        %mul3A_214 = arith.muli %add3A_211, %mul3A_213 : i32
        %swap3A = arith.index_cast %add3A_201 : i32 to index
        %swap3A_215 = arith.index_cast %mul3A_214 : i32 to index
        %swap3A_216 = tpu.vector_load %arg8[%swap3A, %swap3A_215] {strides = array<i32>} : memref<16x128xf32, #tpu.memory_space<vmem>>, vector<1x16xf32>,
        %swap3A_217 = vector.shape_cast %swap3A_216 : vector<1x16xf32> to vector<16xf32>
        %swap3A_218 = vector.shape_cast %broadcast_in_dim3A_212 : vector<16xf32> to vector<1x16xf32>
        tpu.vector_store %arg8[%swap3A, %swap3A_215], %swap3A_218 {strides = array<i32>} : memref<16x128xf32, #tpu.memory_space<vmem>>, vector<1x16xf32>,
      }
      %scan3A_206 = arith.constant 8 : i32
    }
    %scan3A_7 = arith.constant 16 : i32
    %scan3A_8 = arith.constant 0 : i32
    %scan3A_9 = arith.constant 40 : i32
    %scan3A_10 = arith.addi %scan3A_8, %scan3A_9 : i32
    %scan3A_11 = arith.constant 1 : i32
    scf.for %scan3A_197 = %scan3A_8 to %scan3A_10 step %scan3A_11  : i32 {
      %mul3A_198 = arith.constant 1 : i32
      %mul3A_199 = arith.muli %scan3A_197, %mul3A_198 : i32
      %add3A_200 = arith.constant 0 : i32
      %add3A_201 = arith.addi %add3A_200, %mul3A_199 : i32
      %mul3A_202 = arith.constant 640 : i32
      %mul3A_203 = arith.muli %arg1, %mul3A_202 : i32
      %mul3A_204 = arith.constant 16 : i32
      %mul3A_205 = arith.muli %add3A_201, %mul3A_204 : i32
      %add3A_206 = arith.addi %mul3A_203, %mul3A_205 : i32
      %dma_start3A_207 = arith.constant 0 : i32
      %dma_start3A_208 = tpu.memref_slice %arg9[%add3A_206, %dma_start3A_207] : memref<10240x128xf32, #tpu.memory_space<vmem_shared>> -> memref<16x128xf32, #tpu.memory_space<vmem_shared>>
      %dma_start3A_209 = arith.constant 0 : i32
      %dma_start3A_210 = tpu.memref_slice %arg9[%add3A_206, %dma_start3A_209] : memref<10240x128xf32, #tpu.memory_space<vmem_shared>> -> memref<16x128xf32, #tpu.memory_space<vmem_shared>>
      tpu.enqueue_dma source(%arg8 : memref<16x128xf32, #tpu.memory_space<vmem>>) target(%dma_start3A_210 : memref<16x128xf32, #tpu.memory_space<vmem_shared>>) target_semaphore(%arg11 : memref<!tpu.dma_semaphore, #tpu.memory_space<semaphore_mem>>)
    }
    %scan3A_12 = arith.constant 40 : i32
    %scan3A_13 = arith.constant 0 : i32
    %scan3A_14 = arith.constant 40 : i32
    %scan3A_15 = arith.addi %scan3A_13, %scan3A_14 : i32
    %scan3A_16 = arith.constant 1 : i32
    scf.for %scan3A_197 = %scan3A_13 to %scan3A_15 step %scan3A_16  : i32 {
      %mul3A_198 = arith.constant 1 : i32
      %mul3A_199 = arith.muli %scan3A_197, %mul3A_198 : i32
      %add3A_200 = arith.constant 0 : i32
      %add3A_201 = arith.addi %add3A_200, %mul3A_199 : i32
      %mul3A_202 = arith.constant 640 : i32
      %mul3A_203 = arith.muli %arg1, %mul3A_202 : i32
      %mul3A_204 = arith.constant 16 : i32
      %mul3A_205 = arith.muli %add3A_201, %mul3A_204 : i32
      %add3A_206 = arith.addi %mul3A_203, %mul3A_205 : i32
      %dma_wait3A_207 = arith.constant 0 : i32
      %dma_wait3A_208 = tpu.memref_slice %arg9[%add3A_206, %dma_wait3A_207] : memref<10240x128xf32, #tpu.memory_space<vmem_shared>> -> memref<16x128xf32, #tpu.memory_space<vmem_shared>>
      %dma_wait3A_209 = arith.constant 0 : i32
      %dma_wait3A_210 = tpu.memref_slice %arg9[%add3A_206, %dma_wait3A_209] : memref<10240x128xf32, #tpu.memory_space<vmem_shared>> -> memref<16x128xf32, #tpu.memory_space<vmem_shared>>
      tpu.wait_dma2 semaphore(%arg11 : memref<!tpu.dma_semaphore, #tpu.memory_space<semaphore_mem>>) src(%arg8 : memref<16x128xf32, #tpu.memory_space<vmem>>) dst(%dma_wait3A_210 : memref<16x128xf32, #tpu.memory_space<vmem_shared>>)
    }
    %scan3A_17 = arith.constant 40 : i32
    %barrier3A = arith.constant 0 : index
    tpu.barrier barrier_id(%barrier3A)
    %dma_wait3A = tpu.memref_slice %arg3[%mul3A_2] : memref<640000xi32, #tpu.memory_space<hbm>> -> memref<10000xi32, #tpu.memory_space<hbm>>
    %dma_wait3A_18 = tpu.memref_slice %arg3[%mul3A_2] : memref<640000xi32, #tpu.memory_space<hbm>> -> memref<10000xi32, #tpu.memory_space<hbm>>
    tpu.wait_dma2 semaphore(%arg10 : memref<!tpu.dma_semaphore, #tpu.memory_space<semaphore_mem>>) src(%dma_wait3A_18 : memref<10000xi32, #tpu.memory_space<hbm>>) dst(%arg5 : memref<10000xi32, #tpu.memory_space<vmem>>)
    %scan3A_19 = arith.constant 0 : i32
    %scan3A_20 = arith.constant 41 : i32
    %scan3A_21 = arith.addi %scan3A_19, %scan3A_20 : i32
    %scan3A_22 = arith.constant 1 : i32
    scf.for %scan3A_197 = %scan3A_19 to %scan3A_21 step %scan3A_22  : i32 {
      %mul3A_198 = arith.constant 3 : i32
      %mul3A_199 = arith.muli %scan3A_197, %mul3A_198 : i32
      %add3A_200 = arith.constant 0 : i32
      %add3A_201 = arith.addi %add3A_200, %mul3A_199 : i32
      %add3A_202 = arith.constant 0 : i32
      %add3A_203 = arith.addi %add3A_201, %add3A_202 : i32
      %ge3A = arith.constant 3 : i32
      %ge3A_204 = arith.cmpi sge, %add3A_203, %ge3A : i32
      %convert_element_type3A = arith.extui %ge3A_204 : i1 to i32
      %cond3A = arith.constant 0 : i32
      %cond3A_205 = arith.cmpi ne, %convert_element_type3A, %cond3A : i32
      scf.if %cond3A_205 {
        %dma_wait3A_385 = arith.constant 0 : i32
        %dma_wait3A_386 = arith.constant 0 : i32
        %dma_wait3A_387 = arith.constant 0 : i32
        %dma_wait3A_388 = arith.constant 0 : i32
        %dma_wait3A_389 = tpu.memref_slice %arg7[%dma_wait3A_385, %dma_wait3A_387, %dma_wait3A_388] : memref<3x80x128xf32, #tpu.memory_space<vmem>> -> memref<1x80x128xf32, #tpu.memory_space<vmem>>
        %dma_wait3A_390 = tpu.memref_squeeze %dma_wait3A_389 : memref<1x80x128xf32, #tpu.memory_space<vmem>> -> memref<80x128xf32, #tpu.memory_space<vmem>>
        %dma_wait3A_391 = arith.constant 0 : i32
        %dma_wait3A_392 = tpu.memref_slice %arg6[%dma_wait3A_386, %dma_wait3A_391] : memref<3x80xi32, #tpu.memory_space<vmem>> -> memref<1x80xi32, #tpu.memory_space<vmem>>
        %dma_wait3A_393 = tpu.memref_squeeze %dma_wait3A_392 : memref<1x80xi32, #tpu.memory_space<vmem>> -> memref<80xi32, #tpu.memory_space<vmem>>
        %dma_wait3A_394 = arith.constant 0 : i32
        %dma_wait3A_395 = arith.constant 0 : i32
        %dma_wait3A_396 = tpu.memref_slice %arg9[%dma_wait3A_394, %dma_wait3A_395] : memref<10240x128xf32, #tpu.memory_space<vmem_shared>> -> memref<10240x128xf32, #tpu.memory_space<vmem_shared>>
        tpu.wait_indirect_dma semaphore(%arg12 : memref<!tpu.dma_semaphore, #tpu.memory_space<semaphore_mem>>) src(%dma_wait3A_390 : memref<80x128xf32, #tpu.memory_space<vmem>>) dst(%dma_wait3A_396 : memref<10240x128xf32, #tpu.memory_space<vmem_shared>>)
      } else {
      }
      %add3A_206 = arith.constant 320000 : i32
      %add3A_207 = arith.addi %add3A_206, %mul3A_2 : i32
      %mul3A_208 = arith.constant 80 : i32
      %mul3A_209 = arith.muli %add3A_203, %mul3A_208 : i32
      %add3A_210 = arith.addi %add3A_207, %mul3A_209 : i32
      %dma_start3A_211 = arith.constant 0 : i32
      %dma_start3A_212 = arith.constant 0 : i32
      %dma_start3A_213 = tpu.memref_slice %arg6[%dma_start3A_211, %dma_start3A_212] : memref<3x80xi32, #tpu.memory_space<vmem>> -> memref<1x80xi32, #tpu.memory_space<vmem>>
      %dma_start3A_214 = tpu.memref_squeeze %dma_start3A_213 : memref<1x80xi32, #tpu.memory_space<vmem>> -> memref<80xi32, #tpu.memory_space<vmem>>
      %dma_start3A_215 = tpu.memref_slice %arg3[%add3A_210] : memref<640000xi32, #tpu.memory_space<hbm>> -> memref<80xi32, #tpu.memory_space<hbm>>
      %dma_start3A_216 = arith.constant 0 : i32
      %dma_start3A_217 = tpu.memref_slice %arg6[%dma_start3A_211, %dma_start3A_216] : memref<3x80xi32, #tpu.memory_space<vmem>> -> memref<1x80xi32, #tpu.memory_space<vmem>>
      %dma_start3A_218 = tpu.memref_squeeze %dma_start3A_217 : memref<1x80xi32, #tpu.memory_space<vmem>> -> memref<80xi32, #tpu.memory_space<vmem>>
      %dma_start3A_219 = tpu.memref_slice %arg3[%add3A_210] : memref<640000xi32, #tpu.memory_space<hbm>> -> memref<80xi32, #tpu.memory_space<hbm>>
      tpu.enqueue_dma source(%dma_start3A_219 : memref<80xi32, #tpu.memory_space<hbm>>) target(%dma_start3A_218 : memref<80xi32, #tpu.memory_space<vmem>>) target_semaphore(%arg10 : memref<!tpu.dma_semaphore, #tpu.memory_space<semaphore_mem>>)
      %mul3A_220 = arith.constant 80 : i32
      %mul3A_221 = arith.muli %add3A_203, %mul3A_220 : i32
      %dma_start3A_222 = arith.constant 0 : i32
      %dma_start3A_223 = arith.constant 0 : i32
      %dma_start3A_224 = arith.constant 0 : i32
      %dma_start3A_225 = tpu.memref_slice %arg7[%dma_start3A_222, %dma_start3A_223, %dma_start3A_224] : memref<3x80x128xf32, #tpu.memory_space<vmem>> -> memref<1x80x128xf32, #tpu.memory_space<vmem>>
      %dma_start3A_226 = tpu.memref_squeeze %dma_start3A_225 : memref<1x80x128xf32, #tpu.memory_space<vmem>> -> memref<80x128xf32, #tpu.memory_space<vmem>>
      %dma_start3A_227 = tpu.memref_slice %arg5[%mul3A_221] : memref<10000xi32, #tpu.memory_space<vmem>> -> memref<80xi32, #tpu.memory_space<vmem>>
      %dma_start3A_228 = arith.constant 0 : i32
      %dma_start3A_229 = arith.constant 0 : i32
      %dma_start3A_230 = tpu.memref_slice %arg2[%dma_start3A_228, %dma_start3A_229] : memref<10240x128xf32, #tpu.memory_space<hbm>> -> memref<10240x128xf32, #tpu.memory_space<hbm>>
      tpu.enqueue_indirect_dma source(%dma_start3A_230 : memref<10240x128xf32, #tpu.memory_space<hbm>>) target(%dma_start3A_226 : memref<80x128xf32, #tpu.memory_space<vmem>>) offsets(%dma_start3A_227 : memref<80xi32, #tpu.memory_space<vmem>>) semaphore(%arg11 : memref<!tpu.dma_semaphore, #tpu.memory_space<semaphore_mem>>)
      %add3A_231 = arith.constant 1 : i32
      %add3A_232 = arith.addi %add3A_201, %add3A_231 : i32
      %ge3A_233 = arith.constant 3 : i32
      %ge3A_234 = arith.cmpi sge, %add3A_232, %ge3A_233 : i32
      %convert_element_type3A_235 = arith.extui %ge3A_234 : i1 to i32
      %cond3A_236 = arith.constant 0 : i32
      %cond3A_237 = arith.cmpi ne, %convert_element_type3A_235, %cond3A_236 : i32
      scf.if %cond3A_237 {
        %dma_wait3A_385 = arith.constant 1 : i32
        %dma_wait3A_386 = arith.constant 1 : i32
        %dma_wait3A_387 = arith.constant 0 : i32
        %dma_wait3A_388 = arith.constant 0 : i32
        %dma_wait3A_389 = tpu.memref_slice %arg7[%dma_wait3A_385, %dma_wait3A_387, %dma_wait3A_388] : memref<3x80x128xf32, #tpu.memory_space<vmem>> -> memref<1x80x128xf32, #tpu.memory_space<vmem>>
        %dma_wait3A_390 = tpu.memref_squeeze %dma_wait3A_389 : memref<1x80x128xf32, #tpu.memory_space<vmem>> -> memref<80x128xf32, #tpu.memory_space<vmem>>
        %dma_wait3A_391 = arith.constant 0 : i32
        %dma_wait3A_392 = tpu.memref_slice %arg6[%dma_wait3A_386, %dma_wait3A_391] : memref<3x80xi32, #tpu.memory_space<vmem>> -> memref<1x80xi32, #tpu.memory_space<vmem>>
        %dma_wait3A_393 = tpu.memref_squeeze %dma_wait3A_392 : memref<1x80xi32, #tpu.memory_space<vmem>> -> memref<80xi32, #tpu.memory_space<vmem>>
        %dma_wait3A_394 = arith.constant 0 : i32
        %dma_wait3A_395 = arith.constant 0 : i32
        %dma_wait3A_396 = tpu.memref_slice %arg9[%dma_wait3A_394, %dma_wait3A_395] : memref<10240x128xf32, #tpu.memory_space<vmem_shared>> -> memref<10240x128xf32, #tpu.memory_space<vmem_shared>>
        tpu.wait_indirect_dma semaphore(%arg13 : memref<!tpu.dma_semaphore, #tpu.memory_space<semaphore_mem>>) src(%dma_wait3A_390 : memref<80x128xf32, #tpu.memory_space<vmem>>) dst(%dma_wait3A_396 : memref<10240x128xf32, #tpu.memory_space<vmem_shared>>)
      } else {
      }
      %add3A_238 = arith.constant 320000 : i32
      %add3A_239 = arith.addi %add3A_238, %mul3A_2 : i32
      %mul3A_240 = arith.constant 80 : i32
      %mul3A_241 = arith.muli %add3A_232, %mul3A_240 : i32
      %add3A_242 = arith.addi %add3A_239, %mul3A_241 : i32
      %dma_start3A_243 = arith.constant 1 : i32
      %dma_start3A_244 = arith.constant 0 : i32
      %dma_start3A_245 = tpu.memref_slice %arg6[%dma_start3A_243, %dma_start3A_244] : memref<3x80xi32, #tpu.memory_space<vmem>> -> memref<1x80xi32, #tpu.memory_space<vmem>>
      %dma_start3A_246 = tpu.memref_squeeze %dma_start3A_245 : memref<1x80xi32, #tpu.memory_space<vmem>> -> memref<80xi32, #tpu.memory_space<vmem>>
      %dma_start3A_247 = tpu.memref_slice %arg3[%add3A_242] : memref<640000xi32, #tpu.memory_space<hbm>> -> memref<80xi32, #tpu.memory_space<hbm>>
      %dma_start3A_248 = arith.constant 0 : i32
      %dma_start3A_249 = tpu.memref_slice %arg6[%dma_start3A_243, %dma_start3A_248] : memref<3x80xi32, #tpu.memory_space<vmem>> -> memref<1x80xi32, #tpu.memory_space<vmem>>
      %dma_start3A_250 = tpu.memref_squeeze %dma_start3A_249 : memref<1x80xi32, #tpu.memory_space<vmem>> -> memref<80xi32, #tpu.memory_space<vmem>>
      %dma_start3A_251 = tpu.memref_slice %arg3[%add3A_242] : memref<640000xi32, #tpu.memory_space<hbm>> -> memref<80xi32, #tpu.memory_space<hbm>>
      tpu.enqueue_dma source(%dma_start3A_251 : memref<80xi32, #tpu.memory_space<hbm>>) target(%dma_start3A_250 : memref<80xi32, #tpu.memory_space<vmem>>) target_semaphore(%arg10 : memref<!tpu.dma_semaphore, #tpu.memory_space<semaphore_mem>>)
      %mul3A_252 = arith.constant 80 : i32
      %mul3A_253 = arith.muli %add3A_232, %mul3A_252 : i32
      %dma_start3A_254 = arith.constant 1 : i32
      %dma_start3A_255 = arith.constant 0 : i32
      %dma_start3A_256 = arith.constant 0 : i32
      %dma_start3A_257 = tpu.memref_slice %arg7[%dma_start3A_254, %dma_start3A_255, %dma_start3A_256] : memref<3x80x128xf32, #tpu.memory_space<vmem>> -> memref<1x80x128xf32, #tpu.memory_space<vmem>>
      %dma_start3A_258 = tpu.memref_squeeze %dma_start3A_257 : memref<1x80x128xf32, #tpu.memory_space<vmem>> -> memref<80x128xf32, #tpu.memory_space<vmem>>
      %dma_start3A_259 = tpu.memref_slice %arg5[%mul3A_253] : memref<10000xi32, #tpu.memory_space<vmem>> -> memref<80xi32, #tpu.memory_space<vmem>>
      %dma_start3A_260 = arith.constant 0 : i32
      %dma_start3A_261 = arith.constant 0 : i32
      %dma_start3A_262 = tpu.memref_slice %arg2[%dma_start3A_260, %dma_start3A_261] : memref<10240x128xf32, #tpu.memory_space<hbm>> -> memref<10240x128xf32, #tpu.memory_space<hbm>>
      tpu.enqueue_indirect_dma source(%dma_start3A_262 : memref<10240x128xf32, #tpu.memory_space<hbm>>) target(%dma_start3A_258 : memref<80x128xf32, #tpu.memory_space<vmem>>) offsets(%dma_start3A_259 : memref<80xi32, #tpu.memory_space<vmem>>) semaphore(%arg11 : memref<!tpu.dma_semaphore, #tpu.memory_space<semaphore_mem>>)
      %add3A_263 = arith.constant 2 : i32
      %add3A_264 = arith.addi %add3A_201, %add3A_263 : i32
      %ge3A_265 = arith.constant 3 : i32
      %ge3A_266 = arith.cmpi sge, %add3A_264, %ge3A_265 : i32
      %convert_element_type3A_267 = arith.extui %ge3A_266 : i1 to i32
      %cond3A_268 = arith.constant 0 : i32
      %cond3A_269 = arith.cmpi ne, %convert_element_type3A_267, %cond3A_268 : i32
      scf.if %cond3A_269 {
        %dma_wait3A_385 = arith.constant 2 : i32
        %dma_wait3A_386 = arith.constant 2 : i32
        %dma_wait3A_387 = arith.constant 0 : i32
        %dma_wait3A_388 = arith.constant 0 : i32
        %dma_wait3A_389 = tpu.memref_slice %arg7[%dma_wait3A_385, %dma_wait3A_387, %dma_wait3A_388] : memref<3x80x128xf32, #tpu.memory_space<vmem>> -> memref<1x80x128xf32, #tpu.memory_space<vmem>>
        %dma_wait3A_390 = tpu.memref_squeeze %dma_wait3A_389 : memref<1x80x128xf32, #tpu.memory_space<vmem>> -> memref<80x128xf32, #tpu.memory_space<vmem>>
        %dma_wait3A_391 = arith.constant 0 : i32
        %dma_wait3A_392 = tpu.memref_slice %arg6[%dma_wait3A_386, %dma_wait3A_391] : memref<3x80xi32, #tpu.memory_space<vmem>> -> memref<1x80xi32, #tpu.memory_space<vmem>>
        %dma_wait3A_393 = tpu.memref_squeeze %dma_wait3A_392 : memref<1x80xi32, #tpu.memory_space<vmem>> -> memref<80xi32, #tpu.memory_space<vmem>>
        %dma_wait3A_394 = arith.constant 0 : i32
        %dma_wait3A_395 = arith.constant 0 : i32
        %dma_wait3A_396 = tpu.memref_slice %arg9[%dma_wait3A_394, %dma_wait3A_395] : memref<10240x128xf32, #tpu.memory_space<vmem_shared>> -> memref<10240x128xf32, #tpu.memory_space<vmem_shared>>
        tpu.wait_indirect_dma semaphore(%arg14 : memref<!tpu.dma_semaphore, #tpu.memory_space<semaphore_mem>>) src(%dma_wait3A_390 : memref<80x128xf32, #tpu.memory_space<vmem>>) dst(%dma_wait3A_396 : memref<10240x128xf32, #tpu.memory_space<vmem_shared>>)
      } else {
      }
      %add3A_270 = arith.constant 320000 : i32
      %add3A_271 = arith.addi %add3A_270, %mul3A_2 : i32
      %mul3A_272 = arith.constant 80 : i32
      %mul3A_273 = arith.muli %add3A_264, %mul3A_272 : i32
      %add3A_274 = arith.addi %add3A_271, %mul3A_273 : i32
      %dma_start3A_275 = arith.constant 2 : i32
      %dma_start3A_276 = arith.constant 0 : i32
      %dma_start3A_277 = tpu.memref_slice %arg6[%dma_start3A_275, %dma_start3A_276] : memref<3x80xi32, #tpu.memory_space<vmem>> -> memref<1x80xi32, #tpu.memory_space<vmem>>
      %dma_start3A_278 = tpu.memref_squeeze %dma_start3A_277 : memref<1x80xi32, #tpu.memory_space<vmem>> -> memref<80xi32, #tpu.memory_space<vmem>>
      %dma_start3A_279 = tpu.memref_slice %arg3[%add3A_274] : memref<640000xi32, #tpu.memory_space<hbm>> -> memref<80xi32, #tpu.memory_space<hbm>>
      %dma_start3A_280 = arith.constant 0 : i32
      %dma_start3A_281 = tpu.memref_slice %arg6[%dma_start3A_275, %dma_start3A_280] : memref<3x80xi32, #tpu.memory_space<vmem>> -> memref<1x80xi32, #tpu.memory_space<vmem>>
      %dma_start3A_282 = tpu.memref_squeeze %dma_start3A_281 : memref<1x80xi32, #tpu.memory_space<vmem>> -> memref<80xi32, #tpu.memory_space<vmem>>
      %dma_start3A_283 = tpu.memref_slice %arg3[%add3A_274] : memref<640000xi32, #tpu.memory_space<hbm>> -> memref<80xi32, #tpu.memory_space<hbm>>
      tpu.enqueue_dma source(%dma_start3A_283 : memref<80xi32, #tpu.memory_space<hbm>>) target(%dma_start3A_282 : memref<80xi32, #tpu.memory_space<vmem>>) target_semaphore(%arg10 : memref<!tpu.dma_semaphore, #tpu.memory_space<semaphore_mem>>)
      %mul3A_284 = arith.constant 80 : i32
      %mul3A_285 = arith.muli %add3A_264, %mul3A_284 : i32
      %dma_start3A_286 = arith.constant 2 : i32
      %dma_start3A_287 = arith.constant 0 : i32
      %dma_start3A_288 = arith.constant 0 : i32
      %dma_start3A_289 = tpu.memref_slice %arg7[%dma_start3A_286, %dma_start3A_287, %dma_start3A_288] : memref<3x80x128xf32, #tpu.memory_space<vmem>> -> memref<1x80x128xf32, #tpu.memory_space<vmem>>
      %dma_start3A_290 = tpu.memref_squeeze %dma_start3A_289 : memref<1x80x128xf32, #tpu.memory_space<vmem>> -> memref<80x128xf32, #tpu.memory_space<vmem>>
      %dma_start3A_291 = tpu.memref_slice %arg5[%mul3A_285] : memref<10000xi32, #tpu.memory_space<vmem>> -> memref<80xi32, #tpu.memory_space<vmem>>
      %dma_start3A_292 = arith.constant 0 : i32
      %dma_start3A_293 = arith.constant 0 : i32
      %dma_start3A_294 = tpu.memref_slice %arg2[%dma_start3A_292, %dma_start3A_293] : memref<10240x128xf32, #tpu.memory_space<hbm>> -> memref<10240x128xf32, #tpu.memory_space<hbm>>
      tpu.enqueue_indirect_dma source(%dma_start3A_294 : memref<10240x128xf32, #tpu.memory_space<hbm>>) target(%dma_start3A_290 : memref<80x128xf32, #tpu.memory_space<vmem>>) offsets(%dma_start3A_291 : memref<80xi32, #tpu.memory_space<vmem>>) semaphore(%arg11 : memref<!tpu.dma_semaphore, #tpu.memory_space<semaphore_mem>>)
      %dma_wait3A_295 = arith.constant 0 : i32
      %dma_wait3A_296 = arith.constant 0 : i32
      %dma_wait3A_297 = tpu.memref_slice %arg6[%dma_wait3A_295, %dma_wait3A_296] : memref<3x80xi32, #tpu.memory_space<vmem>> -> memref<1x80xi32, #tpu.memory_space<vmem>>
      %dma_wait3A_298 = tpu.memref_squeeze %dma_wait3A_297 : memref<1x80xi32, #tpu.memory_space<vmem>> -> memref<80xi32, #tpu.memory_space<vmem>>
      %dma_wait3A_299 = tpu.memref_slice %arg3[%add3A_210] : memref<640000xi32, #tpu.memory_space<hbm>> -> memref<80xi32, #tpu.memory_space<hbm>>
      %dma_wait3A_300 = arith.constant 0 : i32
      %dma_wait3A_301 = tpu.memref_slice %arg6[%dma_wait3A_295, %dma_wait3A_300] : memref<3x80xi32, #tpu.memory_space<vmem>> -> memref<1x80xi32, #tpu.memory_space<vmem>>
      %dma_wait3A_302 = tpu.memref_squeeze %dma_wait3A_301 : memref<1x80xi32, #tpu.memory_space<vmem>> -> memref<80xi32, #tpu.memory_space<vmem>>
      %dma_wait3A_303 = tpu.memref_slice %arg3[%add3A_210] : memref<640000xi32, #tpu.memory_space<hbm>> -> memref<80xi32, #tpu.memory_space<hbm>>
      tpu.wait_dma2 semaphore(%arg10 : memref<!tpu.dma_semaphore, #tpu.memory_space<semaphore_mem>>) src(%dma_wait3A_303 : memref<80xi32, #tpu.memory_space<hbm>>) dst(%dma_wait3A_302 : memref<80xi32, #tpu.memory_space<vmem>>)
      %dma_wait3A_304 = arith.constant 1 : i32
      %dma_wait3A_305 = arith.constant 0 : i32
      %dma_wait3A_306 = tpu.memref_slice %arg6[%dma_wait3A_304, %dma_wait3A_305] : memref<3x80xi32, #tpu.memory_space<vmem>> -> memref<1x80xi32, #tpu.memory_space<vmem>>
      %dma_wait3A_307 = tpu.memref_squeeze %dma_wait3A_306 : memref<1x80xi32, #tpu.memory_space<vmem>> -> memref<80xi32, #tpu.memory_space<vmem>>
      %dma_wait3A_308 = tpu.memref_slice %arg3[%add3A_242] : memref<640000xi32, #tpu.memory_space<hbm>> -> memref<80xi32, #tpu.memory_space<hbm>>
      %dma_wait3A_309 = arith.constant 0 : i32
      %dma_wait3A_310 = tpu.memref_slice %arg6[%dma_wait3A_304, %dma_wait3A_309] : memref<3x80xi32, #tpu.memory_space<vmem>> -> memref<1x80xi32, #tpu.memory_space<vmem>>
      %dma_wait3A_311 = tpu.memref_squeeze %dma_wait3A_310 : memref<1x80xi32, #tpu.memory_space<vmem>> -> memref<80xi32, #tpu.memory_space<vmem>>
      %dma_wait3A_312 = tpu.memref_slice %arg3[%add3A_242] : memref<640000xi32, #tpu.memory_space<hbm>> -> memref<80xi32, #tpu.memory_space<hbm>>
      tpu.wait_dma2 semaphore(%arg10 : memref<!tpu.dma_semaphore, #tpu.memory_space<semaphore_mem>>) src(%dma_wait3A_312 : memref<80xi32, #tpu.memory_space<hbm>>) dst(%dma_wait3A_311 : memref<80xi32, #tpu.memory_space<vmem>>)
      %dma_wait3A_313 = arith.constant 2 : i32
      %dma_wait3A_314 = arith.constant 0 : i32
      %dma_wait3A_315 = tpu.memref_slice %arg6[%dma_wait3A_313, %dma_wait3A_314] : memref<3x80xi32, #tpu.memory_space<vmem>> -> memref<1x80xi32, #tpu.memory_space<vmem>>
      %dma_wait3A_316 = tpu.memref_squeeze %dma_wait3A_315 : memref<1x80xi32, #tpu.memory_space<vmem>> -> memref<80xi32, #tpu.memory_space<vmem>>
      %dma_wait3A_317 = tpu.memref_slice %arg3[%add3A_274] : memref<640000xi32, #tpu.memory_space<hbm>> -> memref<80xi32, #tpu.memory_space<hbm>>
      %dma_wait3A_318 = arith.constant 0 : i32
      %dma_wait3A_319 = tpu.memref_slice %arg6[%dma_wait3A_313, %dma_wait3A_318] : memref<3x80xi32, #tpu.memory_space<vmem>> -> memref<1x80xi32, #tpu.memory_space<vmem>>
      %dma_wait3A_320 = tpu.memref_squeeze %dma_wait3A_319 : memref<1x80xi32, #tpu.memory_space<vmem>> -> memref<80xi32, #tpu.memory_space<vmem>>
      %dma_wait3A_321 = tpu.memref_slice %arg3[%add3A_274] : memref<640000xi32, #tpu.memory_space<hbm>> -> memref<80xi32, #tpu.memory_space<hbm>>
      tpu.wait_dma2 semaphore(%arg10 : memref<!tpu.dma_semaphore, #tpu.memory_space<semaphore_mem>>) src(%dma_wait3A_321 : memref<80xi32, #tpu.memory_space<hbm>>) dst(%dma_wait3A_320 : memref<80xi32, #tpu.memory_space<vmem>>)
      %dma_wait3A_322 = arith.constant 0 : i32
      %dma_wait3A_323 = arith.constant 0 : i32
      %dma_wait3A_324 = arith.constant 0 : i32
      %dma_wait3A_325 = tpu.memref_slice %arg7[%dma_wait3A_322, %dma_wait3A_323, %dma_wait3A_324] : memref<3x80x128xf32, #tpu.memory_space<vmem>> -> memref<1x80x128xf32, #tpu.memory_space<vmem>>
      %dma_wait3A_326 = tpu.memref_squeeze %dma_wait3A_325 : memref<1x80x128xf32, #tpu.memory_space<vmem>> -> memref<80x128xf32, #tpu.memory_space<vmem>>
      %dma_wait3A_327 = tpu.memref_slice %arg5[%mul3A_221] : memref<10000xi32, #tpu.memory_space<vmem>> -> memref<80xi32, #tpu.memory_space<vmem>>
      %dma_wait3A_328 = arith.constant 0 : i32
      %dma_wait3A_329 = arith.constant 0 : i32
      %dma_wait3A_330 = tpu.memref_slice %arg2[%dma_wait3A_328, %dma_wait3A_329] : memref<10240x128xf32, #tpu.memory_space<hbm>> -> memref<10240x128xf32, #tpu.memory_space<hbm>>
      tpu.wait_indirect_dma semaphore(%arg11 : memref<!tpu.dma_semaphore, #tpu.memory_space<semaphore_mem>>) src(%dma_wait3A_330 : memref<10240x128xf32, #tpu.memory_space<hbm>>) dst(%dma_wait3A_326 : memref<80x128xf32, #tpu.memory_space<vmem>>)
      %dma_start3A_331 = arith.constant 0 : i32
      %dma_start3A_332 = arith.constant 0 : i32
      %dma_start3A_333 = arith.constant 0 : i32
      %dma_start3A_334 = arith.constant 0 : i32
      %dma_start3A_335 = tpu.memref_slice %arg7[%dma_start3A_331, %dma_start3A_333, %dma_start3A_334] : memref<3x80x128xf32, #tpu.memory_space<vmem>> -> memref<1x80x128xf32, #tpu.memory_space<vmem>>
      %dma_start3A_336 = tpu.memref_squeeze %dma_start3A_335 : memref<1x80x128xf32, #tpu.memory_space<vmem>> -> memref<80x128xf32, #tpu.memory_space<vmem>>
      %dma_start3A_337 = arith.constant 0 : i32
      %dma_start3A_338 = tpu.memref_slice %arg6[%dma_start3A_332, %dma_start3A_337] : memref<3x80xi32, #tpu.memory_space<vmem>> -> memref<1x80xi32, #tpu.memory_space<vmem>>
      %dma_start3A_339 = tpu.memref_squeeze %dma_start3A_338 : memref<1x80xi32, #tpu.memory_space<vmem>> -> memref<80xi32, #tpu.memory_space<vmem>>
      %dma_start3A_340 = arith.constant 0 : i32
      %dma_start3A_341 = arith.constant 0 : i32
      %dma_start3A_342 = tpu.memref_slice %arg9[%dma_start3A_340, %dma_start3A_341] : memref<10240x128xf32, #tpu.memory_space<vmem_shared>> -> memref<10240x128xf32, #tpu.memory_space<vmem_shared>>
      tpu.enqueue_indirect_dma source(%dma_start3A_336 : memref<80x128xf32, #tpu.memory_space<vmem>>) target(%dma_start3A_342 : memref<10240x128xf32, #tpu.memory_space<vmem_shared>>) offsets(%dma_start3A_339 : memref<80xi32, #tpu.memory_space<vmem>>) semaphore(%arg12 : memref<!tpu.dma_semaphore, #tpu.memory_space<semaphore_mem>>) {add = true}
      %dma_wait3A_343 = arith.constant 1 : i32
      %dma_wait3A_344 = arith.constant 0 : i32
      %dma_wait3A_345 = arith.constant 0 : i32
      %dma_wait3A_346 = tpu.memref_slice %arg7[%dma_wait3A_343, %dma_wait3A_344, %dma_wait3A_345] : memref<3x80x128xf32, #tpu.memory_space<vmem>> -> memref<1x80x128xf32, #tpu.memory_space<vmem>>
      %dma_wait3A_347 = tpu.memref_squeeze %dma_wait3A_346 : memref<1x80x128xf32, #tpu.memory_space<vmem>> -> memref<80x128xf32, #tpu.memory_space<vmem>>
      %dma_wait3A_348 = tpu.memref_slice %arg5[%mul3A_253] : memref<10000xi32, #tpu.memory_space<vmem>> -> memref<80xi32, #tpu.memory_space<vmem>>
      %dma_wait3A_349 = arith.constant 0 : i32
      %dma_wait3A_350 = arith.constant 0 : i32
      %dma_wait3A_351 = tpu.memref_slice %arg2[%dma_wait3A_349, %dma_wait3A_350] : memref<10240x128xf32, #tpu.memory_space<hbm>> -> memref<10240x128xf32, #tpu.memory_space<hbm>>
      tpu.wait_indirect_dma semaphore(%arg11 : memref<!tpu.dma_semaphore, #tpu.memory_space<semaphore_mem>>) src(%dma_wait3A_351 : memref<10240x128xf32, #tpu.memory_space<hbm>>) dst(%dma_wait3A_347 : memref<80x128xf32, #tpu.memory_space<vmem>>)
      %dma_start3A_352 = arith.constant 1 : i32
      %dma_start3A_353 = arith.constant 1 : i32
      %dma_start3A_354 = arith.constant 0 : i32
      %dma_start3A_355 = arith.constant 0 : i32
      %dma_start3A_356 = tpu.memref_slice %arg7[%dma_start3A_352, %dma_start3A_354, %dma_start3A_355] : memref<3x80x128xf32, #tpu.memory_space<vmem>> -> memref<1x80x128xf32, #tpu.memory_space<vmem>>
      %dma_start3A_357 = tpu.memref_squeeze %dma_start3A_356 : memref<1x80x128xf32, #tpu.memory_space<vmem>> -> memref<80x128xf32, #tpu.memory_space<vmem>>
      %dma_start3A_358 = arith.constant 0 : i32
      %dma_start3A_359 = tpu.memref_slice %arg6[%dma_start3A_353, %dma_start3A_358] : memref<3x80xi32, #tpu.memory_space<vmem>> -> memref<1x80xi32, #tpu.memory_space<vmem>>
      %dma_start3A_360 = tpu.memref_squeeze %dma_start3A_359 : memref<1x80xi32, #tpu.memory_space<vmem>> -> memref<80xi32, #tpu.memory_space<vmem>>
      %dma_start3A_361 = arith.constant 0 : i32
      %dma_start3A_362 = arith.constant 0 : i32
      %dma_start3A_363 = tpu.memref_slice %arg9[%dma_start3A_361, %dma_start3A_362] : memref<10240x128xf32, #tpu.memory_space<vmem_shared>> -> memref<10240x128xf32, #tpu.memory_space<vmem_shared>>
      tpu.enqueue_indirect_dma source(%dma_start3A_357 : memref<80x128xf32, #tpu.memory_space<vmem>>) target(%dma_start3A_363 : memref<10240x128xf32, #tpu.memory_space<vmem_shared>>) offsets(%dma_start3A_360 : memref<80xi32, #tpu.memory_space<vmem>>) semaphore(%arg13 : memref<!tpu.dma_semaphore, #tpu.memory_space<semaphore_mem>>) {add = true}
      %dma_wait3A_364 = arith.constant 2 : i32
      %dma_wait3A_365 = arith.constant 0 : i32
      %dma_wait3A_366 = arith.constant 0 : i32
      %dma_wait3A_367 = tpu.memref_slice %arg7[%dma_wait3A_364, %dma_wait3A_365, %dma_wait3A_366] : memref<3x80x128xf32, #tpu.memory_space<vmem>> -> memref<1x80x128xf32, #tpu.memory_space<vmem>>
      %dma_wait3A_368 = tpu.memref_squeeze %dma_wait3A_367 : memref<1x80x128xf32, #tpu.memory_space<vmem>> -> memref<80x128xf32, #tpu.memory_space<vmem>>
      %dma_wait3A_369 = tpu.memref_slice %arg5[%mul3A_285] : memref<10000xi32, #tpu.memory_space<vmem>> -> memref<80xi32, #tpu.memory_space<vmem>>
      %dma_wait3A_370 = arith.constant 0 : i32
      %dma_wait3A_371 = arith.constant 0 : i32
      %dma_wait3A_372 = tpu.memref_slice %arg2[%dma_wait3A_370, %dma_wait3A_371] : memref<10240x128xf32, #tpu.memory_space<hbm>> -> memref<10240x128xf32, #tpu.memory_space<hbm>>
      tpu.wait_indirect_dma semaphore(%arg11 : memref<!tpu.dma_semaphore, #tpu.memory_space<semaphore_mem>>) src(%dma_wait3A_372 : memref<10240x128xf32, #tpu.memory_space<hbm>>) dst(%dma_wait3A_368 : memref<80x128xf32, #tpu.memory_space<vmem>>)
      %dma_start3A_373 = arith.constant 2 : i32
      %dma_start3A_374 = arith.constant 2 : i32
      %dma_start3A_375 = arith.constant 0 : i32
      %dma_start3A_376 = arith.constant 0 : i32
      %dma_start3A_377 = tpu.memref_slice %arg7[%dma_start3A_373, %dma_start3A_375, %dma_start3A_376] : memref<3x80x128xf32, #tpu.memory_space<vmem>> -> memref<1x80x128xf32, #tpu.memory_space<vmem>>
      %dma_start3A_378 = tpu.memref_squeeze %dma_start3A_377 : memref<1x80x128xf32, #tpu.memory_space<vmem>> -> memref<80x128xf32, #tpu.memory_space<vmem>>
      %dma_start3A_379 = arith.constant 0 : i32
      %dma_start3A_380 = tpu.memref_slice %arg6[%dma_start3A_374, %dma_start3A_379] : memref<3x80xi32, #tpu.memory_space<vmem>> -> memref<1x80xi32, #tpu.memory_space<vmem>>
      %dma_start3A_381 = tpu.memref_squeeze %dma_start3A_380 : memref<1x80xi32, #tpu.memory_space<vmem>> -> memref<80xi32, #tpu.memory_space<vmem>>
      %dma_start3A_382 = arith.constant 0 : i32
      %dma_start3A_383 = arith.constant 0 : i32
      %dma_start3A_384 = tpu.memref_slice %arg9[%dma_start3A_382, %dma_start3A_383] : memref<10240x128xf32, #tpu.memory_space<vmem_shared>> -> memref<10240x128xf32, #tpu.memory_space<vmem_shared>>
      tpu.enqueue_indirect_dma source(%dma_start3A_378 : memref<80x128xf32, #tpu.memory_space<vmem>>) target(%dma_start3A_384 : memref<10240x128xf32, #tpu.memory_space<vmem_shared>>) offsets(%dma_start3A_381 : memref<80xi32, #tpu.memory_space<vmem>>) semaphore(%arg14 : memref<!tpu.dma_semaphore, #tpu.memory_space<semaphore_mem>>) {add = true}
    }
    %scan3A_23 = arith.constant 41 : i32
    %dma_wait3A_24 = arith.constant 0 : i32
    %dma_wait3A_25 = arith.constant 0 : i32
    %dma_wait3A_26 = arith.constant 0 : i32
    %dma_wait3A_27 = arith.constant 0 : i32
    %dma_wait3A_28 = tpu.memref_slice %arg7[%dma_wait3A_24, %dma_wait3A_26, %dma_wait3A_27] : memref<3x80x128xf32, #tpu.memory_space<vmem>> -> memref<1x80x128xf32, #tpu.memory_space<vmem>>
    %dma_wait3A_29 = tpu.memref_squeeze %dma_wait3A_28 : memref<1x80x128xf32, #tpu.memory_space<vmem>> -> memref<80x128xf32, #tpu.memory_space<vmem>>
    %dma_wait3A_30 = arith.constant 0 : i32
    %dma_wait3A_31 = tpu.memref_slice %arg6[%dma_wait3A_25, %dma_wait3A_30] : memref<3x80xi32, #tpu.memory_space<vmem>> -> memref<1x80xi32, #tpu.memory_space<vmem>>
    %dma_wait3A_32 = tpu.memref_squeeze %dma_wait3A_31 : memref<1x80xi32, #tpu.memory_space<vmem>> -> memref<80xi32, #tpu.memory_space<vmem>>
    %dma_wait3A_33 = arith.constant 0 : i32
    %dma_wait3A_34 = arith.constant 0 : i32
    %dma_wait3A_35 = tpu.memref_slice %arg9[%dma_wait3A_33, %dma_wait3A_34] : memref<10240x128xf32, #tpu.memory_space<vmem_shared>> -> memref<10240x128xf32, #tpu.memory_space<vmem_shared>>
    tpu.wait_indirect_dma semaphore(%arg12 : memref<!tpu.dma_semaphore, #tpu.memory_space<semaphore_mem>>) src(%dma_wait3A_29 : memref<80x128xf32, #tpu.memory_space<vmem>>) dst(%dma_wait3A_35 : memref<10240x128xf32, #tpu.memory_space<vmem_shared>>)
    %add3A_36 = arith.constant 320000 : i32
    %add3A_37 = arith.addi %add3A_36, %mul3A_2 : i32
    %add3A_38 = arith.constant 9840 : i32
    %add3A_39 = arith.addi %add3A_37, %add3A_38 : i32
    %dma_start3A_40 = arith.constant 0 : i32
    %dma_start3A_41 = arith.constant 0 : i32
    %dma_start3A_42 = tpu.memref_slice %arg6[%dma_start3A_40, %dma_start3A_41] : memref<3x80xi32, #tpu.memory_space<vmem>> -> memref<1x80xi32, #tpu.memory_space<vmem>>
    %dma_start3A_43 = tpu.memref_squeeze %dma_start3A_42 : memref<1x80xi32, #tpu.memory_space<vmem>> -> memref<80xi32, #tpu.memory_space<vmem>>
    %dma_start3A_44 = tpu.memref_slice %arg3[%add3A_39] : memref<640000xi32, #tpu.memory_space<hbm>> -> memref<80xi32, #tpu.memory_space<hbm>>
    %dma_start3A_45 = arith.constant 0 : i32
    %dma_start3A_46 = tpu.memref_slice %arg6[%dma_start3A_40, %dma_start3A_45] : memref<3x80xi32, #tpu.memory_space<vmem>> -> memref<1x80xi32, #tpu.memory_space<vmem>>
    %dma_start3A_47 = tpu.memref_squeeze %dma_start3A_46 : memref<1x80xi32, #tpu.memory_space<vmem>> -> memref<80xi32, #tpu.memory_space<vmem>>
    %dma_start3A_48 = tpu.memref_slice %arg3[%add3A_39] : memref<640000xi32, #tpu.memory_space<hbm>> -> memref<80xi32, #tpu.memory_space<hbm>>
    tpu.enqueue_dma source(%dma_start3A_48 : memref<80xi32, #tpu.memory_space<hbm>>) target(%dma_start3A_47 : memref<80xi32, #tpu.memory_space<vmem>>) target_semaphore(%arg10 : memref<!tpu.dma_semaphore, #tpu.memory_space<semaphore_mem>>)
    %dma_start3A_49 = arith.constant 0 : i32
    %dma_start3A_50 = arith.constant 0 : i32
    %dma_start3A_51 = arith.constant 0 : i32
    %dma_start3A_52 = tpu.memref_slice %arg7[%dma_start3A_49, %dma_start3A_50, %dma_start3A_51] : memref<3x80x128xf32, #tpu.memory_space<vmem>> -> memref<1x80x128xf32, #tpu.memory_space<vmem>>
    %dma_start3A_53 = tpu.memref_squeeze %dma_start3A_52 : memref<1x80x128xf32, #tpu.memory_space<vmem>> -> memref<80x128xf32, #tpu.memory_space<vmem>>
    %dma_start3A_54 = arith.constant 9840 : i32
    %dma_start3A_55 = tpu.memref_slice %arg5[%dma_start3A_54] : memref<10000xi32, #tpu.memory_space<vmem>> -> memref<80xi32, #tpu.memory_space<vmem>>
    %dma_start3A_56 = arith.constant 0 : i32
    %dma_start3A_57 = arith.constant 0 : i32
    %dma_start3A_58 = tpu.memref_slice %arg2[%dma_start3A_56, %dma_start3A_57] : memref<10240x128xf32, #tpu.memory_space<hbm>> -> memref<10240x128xf32, #tpu.memory_space<hbm>>
    tpu.enqueue_indirect_dma source(%dma_start3A_58 : memref<10240x128xf32, #tpu.memory_space<hbm>>) target(%dma_start3A_53 : memref<80x128xf32, #tpu.memory_space<vmem>>) offsets(%dma_start3A_55 : memref<80xi32, #tpu.memory_space<vmem>>) semaphore(%arg11 : memref<!tpu.dma_semaphore, #tpu.memory_space<semaphore_mem>>)
    %dma_wait3A_59 = arith.constant 1 : i32
    %dma_wait3A_60 = arith.constant 1 : i32
    %dma_wait3A_61 = arith.constant 0 : i32
    %dma_wait3A_62 = arith.constant 0 : i32
    %dma_wait3A_63 = tpu.memref_slice %arg7[%dma_wait3A_59, %dma_wait3A_61, %dma_wait3A_62] : memref<3x80x128xf32, #tpu.memory_space<vmem>> -> memref<1x80x128xf32, #tpu.memory_space<vmem>>
    %dma_wait3A_64 = tpu.memref_squeeze %dma_wait3A_63 : memref<1x80x128xf32, #tpu.memory_space<vmem>> -> memref<80x128xf32, #tpu.memory_space<vmem>>
    %dma_wait3A_65 = arith.constant 0 : i32
    %dma_wait3A_66 = tpu.memref_slice %arg6[%dma_wait3A_60, %dma_wait3A_65] : memref<3x80xi32, #tpu.memory_space<vmem>> -> memref<1x80xi32, #tpu.memory_space<vmem>>
    %dma_wait3A_67 = tpu.memref_squeeze %dma_wait3A_66 : memref<1x80xi32, #tpu.memory_space<vmem>> -> memref<80xi32, #tpu.memory_space<vmem>>
    %dma_wait3A_68 = arith.constant 0 : i32
    %dma_wait3A_69 = arith.constant 0 : i32
    %dma_wait3A_70 = tpu.memref_slice %arg9[%dma_wait3A_68, %dma_wait3A_69] : memref<10240x128xf32, #tpu.memory_space<vmem_shared>> -> memref<10240x128xf32, #tpu.memory_space<vmem_shared>>
    tpu.wait_indirect_dma semaphore(%arg13 : memref<!tpu.dma_semaphore, #tpu.memory_space<semaphore_mem>>) src(%dma_wait3A_64 : memref<80x128xf32, #tpu.memory_space<vmem>>) dst(%dma_wait3A_70 : memref<10240x128xf32, #tpu.memory_space<vmem_shared>>)
    %add3A_71 = arith.constant 320000 : i32
    %add3A_72 = arith.addi %add3A_71, %mul3A_2 : i32
    %add3A_73 = arith.constant 9920 : i32
    %add3A_74 = arith.addi %add3A_72, %add3A_73 : i32
    %dma_start3A_75 = arith.constant 1 : i32
    %dma_start3A_76 = arith.constant 0 : i32
    %dma_start3A_77 = tpu.memref_slice %arg6[%dma_start3A_75, %dma_start3A_76] : memref<3x80xi32, #tpu.memory_space<vmem>> -> memref<1x80xi32, #tpu.memory_space<vmem>>
    %dma_start3A_78 = tpu.memref_squeeze %dma_start3A_77 : memref<1x80xi32, #tpu.memory_space<vmem>> -> memref<80xi32, #tpu.memory_space<vmem>>
    %dma_start3A_79 = tpu.memref_slice %arg3[%add3A_74] : memref<640000xi32, #tpu.memory_space<hbm>> -> memref<80xi32, #tpu.memory_space<hbm>>
    %dma_start3A_80 = arith.constant 0 : i32
    %dma_start3A_81 = tpu.memref_slice %arg6[%dma_start3A_75, %dma_start3A_80] : memref<3x80xi32, #tpu.memory_space<vmem>> -> memref<1x80xi32, #tpu.memory_space<vmem>>
    %dma_start3A_82 = tpu.memref_squeeze %dma_start3A_81 : memref<1x80xi32, #tpu.memory_space<vmem>> -> memref<80xi32, #tpu.memory_space<vmem>>
    %dma_start3A_83 = tpu.memref_slice %arg3[%add3A_74] : memref<640000xi32, #tpu.memory_space<hbm>> -> memref<80xi32, #tpu.memory_space<hbm>>
    tpu.enqueue_dma source(%dma_start3A_83 : memref<80xi32, #tpu.memory_space<hbm>>) target(%dma_start3A_82 : memref<80xi32, #tpu.memory_space<vmem>>) target_semaphore(%arg10 : memref<!tpu.dma_semaphore, #tpu.memory_space<semaphore_mem>>)
    %dma_start3A_84 = arith.constant 1 : i32
    %dma_start3A_85 = arith.constant 0 : i32
    %dma_start3A_86 = arith.constant 0 : i32
    %dma_start3A_87 = tpu.memref_slice %arg7[%dma_start3A_84, %dma_start3A_85, %dma_start3A_86] : memref<3x80x128xf32, #tpu.memory_space<vmem>> -> memref<1x80x128xf32, #tpu.memory_space<vmem>>
    %dma_start3A_88 = tpu.memref_squeeze %dma_start3A_87 : memref<1x80x128xf32, #tpu.memory_space<vmem>> -> memref<80x128xf32, #tpu.memory_space<vmem>>
    %dma_start3A_89 = arith.constant 9920 : i32
    %dma_start3A_90 = tpu.memref_slice %arg5[%dma_start3A_89] : memref<10000xi32, #tpu.memory_space<vmem>> -> memref<80xi32, #tpu.memory_space<vmem>>
    %dma_start3A_91 = arith.constant 0 : i32
    %dma_start3A_92 = arith.constant 0 : i32
    %dma_start3A_93 = tpu.memref_slice %arg2[%dma_start3A_91, %dma_start3A_92] : memref<10240x128xf32, #tpu.memory_space<hbm>> -> memref<10240x128xf32, #tpu.memory_space<hbm>>
    tpu.enqueue_indirect_dma source(%dma_start3A_93 : memref<10240x128xf32, #tpu.memory_space<hbm>>) target(%dma_start3A_88 : memref<80x128xf32, #tpu.memory_space<vmem>>) offsets(%dma_start3A_90 : memref<80xi32, #tpu.memory_space<vmem>>) semaphore(%arg11 : memref<!tpu.dma_semaphore, #tpu.memory_space<semaphore_mem>>)
    %dma_wait3A_94 = arith.constant 0 : i32
    %dma_wait3A_95 = arith.constant 0 : i32
    %dma_wait3A_96 = tpu.memref_slice %arg6[%dma_wait3A_94, %dma_wait3A_95] : memref<3x80xi32, #tpu.memory_space<vmem>> -> memref<1x80xi32, #tpu.memory_space<vmem>>
    %dma_wait3A_97 = tpu.memref_squeeze %dma_wait3A_96 : memref<1x80xi32, #tpu.memory_space<vmem>> -> memref<80xi32, #tpu.memory_space<vmem>>
    %dma_wait3A_98 = tpu.memref_slice %arg3[%add3A_39] : memref<640000xi32, #tpu.memory_space<hbm>> -> memref<80xi32, #tpu.memory_space<hbm>>
    %dma_wait3A_99 = arith.constant 0 : i32
    %dma_wait3A_100 = tpu.memref_slice %arg6[%dma_wait3A_94, %dma_wait3A_99] : memref<3x80xi32, #tpu.memory_space<vmem>> -> memref<1x80xi32, #tpu.memory_space<vmem>>
    %dma_wait3A_101 = tpu.memref_squeeze %dma_wait3A_100 : memref<1x80xi32, #tpu.memory_space<vmem>> -> memref<80xi32, #tpu.memory_space<vmem>>
    %dma_wait3A_102 = tpu.memref_slice %arg3[%add3A_39] : memref<640000xi32, #tpu.memory_space<hbm>> -> memref<80xi32, #tpu.memory_space<hbm>>
    tpu.wait_dma2 semaphore(%arg10 : memref<!tpu.dma_semaphore, #tpu.memory_space<semaphore_mem>>) src(%dma_wait3A_102 : memref<80xi32, #tpu.memory_space<hbm>>) dst(%dma_wait3A_101 : memref<80xi32, #tpu.memory_space<vmem>>)
    %dma_wait3A_103 = arith.constant 1 : i32
    %dma_wait3A_104 = arith.constant 0 : i32
    %dma_wait3A_105 = tpu.memref_slice %arg6[%dma_wait3A_103, %dma_wait3A_104] : memref<3x80xi32, #tpu.memory_space<vmem>> -> memref<1x80xi32, #tpu.memory_space<vmem>>
    %dma_wait3A_106 = tpu.memref_squeeze %dma_wait3A_105 : memref<1x80xi32, #tpu.memory_space<vmem>> -> memref<80xi32, #tpu.memory_space<vmem>>
    %dma_wait3A_107 = tpu.memref_slice %arg3[%add3A_74] : memref<640000xi32, #tpu.memory_space<hbm>> -> memref<80xi32, #tpu.memory_space<hbm>>
    %dma_wait3A_108 = arith.constant 0 : i32
    %dma_wait3A_109 = tpu.memref_slice %arg6[%dma_wait3A_103, %dma_wait3A_108] : memref<3x80xi32, #tpu.memory_space<vmem>> -> memref<1x80xi32, #tpu.memory_space<vmem>>
    %dma_wait3A_110 = tpu.memref_squeeze %dma_wait3A_109 : memref<1x80xi32, #tpu.memory_space<vmem>> -> memref<80xi32, #tpu.memory_space<vmem>>
    %dma_wait3A_111 = tpu.memref_slice %arg3[%add3A_74] : memref<640000xi32, #tpu.memory_space<hbm>> -> memref<80xi32, #tpu.memory_space<hbm>>
    tpu.wait_dma2 semaphore(%arg10 : memref<!tpu.dma_semaphore, #tpu.memory_space<semaphore_mem>>) src(%dma_wait3A_111 : memref<80xi32, #tpu.memory_space<hbm>>) dst(%dma_wait3A_110 : memref<80xi32, #tpu.memory_space<vmem>>)
    %dma_wait3A_112 = arith.constant 0 : i32
    %dma_wait3A_113 = arith.constant 0 : i32
    %dma_wait3A_114 = arith.constant 0 : i32
    %dma_wait3A_115 = tpu.memref_slice %arg7[%dma_wait3A_112, %dma_wait3A_113, %dma_wait3A_114] : memref<3x80x128xf32, #tpu.memory_space<vmem>> -> memref<1x80x128xf32, #tpu.memory_space<vmem>>
    %dma_wait3A_116 = tpu.memref_squeeze %dma_wait3A_115 : memref<1x80x128xf32, #tpu.memory_space<vmem>> -> memref<80x128xf32, #tpu.memory_space<vmem>>
    %dma_wait3A_117 = arith.constant 9840 : i32
    %dma_wait3A_118 = tpu.memref_slice %arg5[%dma_wait3A_117] : memref<10000xi32, #tpu.memory_space<vmem>> -> memref<80xi32, #tpu.memory_space<vmem>>
    %dma_wait3A_119 = arith.constant 0 : i32
    %dma_wait3A_120 = arith.constant 0 : i32
    %dma_wait3A_121 = tpu.memref_slice %arg2[%dma_wait3A_119, %dma_wait3A_120] : memref<10240x128xf32, #tpu.memory_space<hbm>> -> memref<10240x128xf32, #tpu.memory_space<hbm>>
    tpu.wait_indirect_dma semaphore(%arg11 : memref<!tpu.dma_semaphore, #tpu.memory_space<semaphore_mem>>) src(%dma_wait3A_121 : memref<10240x128xf32, #tpu.memory_space<hbm>>) dst(%dma_wait3A_116 : memref<80x128xf32, #tpu.memory_space<vmem>>)
    %dma_start3A_122 = arith.constant 0 : i32
    %dma_start3A_123 = arith.constant 0 : i32
    %dma_start3A_124 = arith.constant 0 : i32
    %dma_start3A_125 = arith.constant 0 : i32
    %dma_start3A_126 = tpu.memref_slice %arg7[%dma_start3A_122, %dma_start3A_124, %dma_start3A_125] : memref<3x80x128xf32, #tpu.memory_space<vmem>> -> memref<1x80x128xf32, #tpu.memory_space<vmem>>
    %dma_start3A_127 = tpu.memref_squeeze %dma_start3A_126 : memref<1x80x128xf32, #tpu.memory_space<vmem>> -> memref<80x128xf32, #tpu.memory_space<vmem>>
    %dma_start3A_128 = arith.constant 0 : i32
    %dma_start3A_129 = tpu.memref_slice %arg6[%dma_start3A_123, %dma_start3A_128] : memref<3x80xi32, #tpu.memory_space<vmem>> -> memref<1x80xi32, #tpu.memory_space<vmem>>
    %dma_start3A_130 = tpu.memref_squeeze %dma_start3A_129 : memref<1x80xi32, #tpu.memory_space<vmem>> -> memref<80xi32, #tpu.memory_space<vmem>>
    %dma_start3A_131 = arith.constant 0 : i32
    %dma_start3A_132 = arith.constant 0 : i32
    %dma_start3A_133 = tpu.memref_slice %arg9[%dma_start3A_131, %dma_start3A_132] : memref<10240x128xf32, #tpu.memory_space<vmem_shared>> -> memref<10240x128xf32, #tpu.memory_space<vmem_shared>>
    tpu.enqueue_indirect_dma source(%dma_start3A_127 : memref<80x128xf32, #tpu.memory_space<vmem>>) target(%dma_start3A_133 : memref<10240x128xf32, #tpu.memory_space<vmem_shared>>) offsets(%dma_start3A_130 : memref<80xi32, #tpu.memory_space<vmem>>) semaphore(%arg12 : memref<!tpu.dma_semaphore, #tpu.memory_space<semaphore_mem>>) {add = true}
    %dma_wait3A_134 = arith.constant 1 : i32
    %dma_wait3A_135 = arith.constant 0 : i32
    %dma_wait3A_136 = arith.constant 0 : i32
    %dma_wait3A_137 = tpu.memref_slice %arg7[%dma_wait3A_134, %dma_wait3A_135, %dma_wait3A_136] : memref<3x80x128xf32, #tpu.memory_space<vmem>> -> memref<1x80x128xf32, #tpu.memory_space<vmem>>
    %dma_wait3A_138 = tpu.memref_squeeze %dma_wait3A_137 : memref<1x80x128xf32, #tpu.memory_space<vmem>> -> memref<80x128xf32, #tpu.memory_space<vmem>>
    %dma_wait3A_139 = arith.constant 9920 : i32
    %dma_wait3A_140 = tpu.memref_slice %arg5[%dma_wait3A_139] : memref<10000xi32, #tpu.memory_space<vmem>> -> memref<80xi32, #tpu.memory_space<vmem>>
    %dma_wait3A_141 = arith.constant 0 : i32
    %dma_wait3A_142 = arith.constant 0 : i32
    %dma_wait3A_143 = tpu.memref_slice %arg2[%dma_wait3A_141, %dma_wait3A_142] : memref<10240x128xf32, #tpu.memory_space<hbm>> -> memref<10240x128xf32, #tpu.memory_space<hbm>>
    tpu.wait_indirect_dma semaphore(%arg11 : memref<!tpu.dma_semaphore, #tpu.memory_space<semaphore_mem>>) src(%dma_wait3A_143 : memref<10240x128xf32, #tpu.memory_space<hbm>>) dst(%dma_wait3A_138 : memref<80x128xf32, #tpu.memory_space<vmem>>)
    %dma_start3A_144 = arith.constant 1 : i32
    %dma_start3A_145 = arith.constant 1 : i32
    %dma_start3A_146 = arith.constant 0 : i32
    %dma_start3A_147 = arith.constant 0 : i32
    %dma_start3A_148 = tpu.memref_slice %arg7[%dma_start3A_144, %dma_start3A_146, %dma_start3A_147] : memref<3x80x128xf32, #tpu.memory_space<vmem>> -> memref<1x80x128xf32, #tpu.memory_space<vmem>>
    %dma_start3A_149 = tpu.memref_squeeze %dma_start3A_148 : memref<1x80x128xf32, #tpu.memory_space<vmem>> -> memref<80x128xf32, #tpu.memory_space<vmem>>
    %dma_start3A_150 = arith.constant 0 : i32
    %dma_start3A_151 = tpu.memref_slice %arg6[%dma_start3A_145, %dma_start3A_150] : memref<3x80xi32, #tpu.memory_space<vmem>> -> memref<1x80xi32, #tpu.memory_space<vmem>>
    %dma_start3A_152 = tpu.memref_squeeze %dma_start3A_151 : memref<1x80xi32, #tpu.memory_space<vmem>> -> memref<80xi32, #tpu.memory_space<vmem>>
    %dma_start3A_153 = arith.constant 0 : i32
    %dma_start3A_154 = arith.constant 0 : i32
    %dma_start3A_155 = tpu.memref_slice %arg9[%dma_start3A_153, %dma_start3A_154] : memref<10240x128xf32, #tpu.memory_space<vmem_shared>> -> memref<10240x128xf32, #tpu.memory_space<vmem_shared>>
    tpu.enqueue_indirect_dma source(%dma_start3A_149 : memref<80x128xf32, #tpu.memory_space<vmem>>) target(%dma_start3A_155 : memref<10240x128xf32, #tpu.memory_space<vmem_shared>>) offsets(%dma_start3A_152 : memref<80xi32, #tpu.memory_space<vmem>>) semaphore(%arg13 : memref<!tpu.dma_semaphore, #tpu.memory_space<semaphore_mem>>) {add = true}
    %dma_wait3A_156 = arith.constant 0 : i32
    %dma_wait3A_157 = arith.constant 0 : i32
    %dma_wait3A_158 = arith.constant 0 : i32
    %dma_wait3A_159 = arith.constant 0 : i32
    %dma_wait3A_160 = tpu.memref_slice %arg7[%dma_wait3A_156, %dma_wait3A_158, %dma_wait3A_159] : memref<3x80x128xf32, #tpu.memory_space<vmem>> -> memref<1x80x128xf32, #tpu.memory_space<vmem>>
    %dma_wait3A_161 = tpu.memref_squeeze %dma_wait3A_160 : memref<1x80x128xf32, #tpu.memory_space<vmem>> -> memref<80x128xf32, #tpu.memory_space<vmem>>
    %dma_wait3A_162 = arith.constant 0 : i32
    %dma_wait3A_163 = tpu.memref_slice %arg6[%dma_wait3A_157, %dma_wait3A_162] : memref<3x80xi32, #tpu.memory_space<vmem>> -> memref<1x80xi32, #tpu.memory_space<vmem>>
    %dma_wait3A_164 = tpu.memref_squeeze %dma_wait3A_163 : memref<1x80xi32, #tpu.memory_space<vmem>> -> memref<80xi32, #tpu.memory_space<vmem>>
    %dma_wait3A_165 = arith.constant 0 : i32
    %dma_wait3A_166 = arith.constant 0 : i32
    %dma_wait3A_167 = tpu.memref_slice %arg9[%dma_wait3A_165, %dma_wait3A_166] : memref<10240x128xf32, #tpu.memory_space<vmem_shared>> -> memref<10240x128xf32, #tpu.memory_space<vmem_shared>>
    tpu.wait_indirect_dma semaphore(%arg12 : memref<!tpu.dma_semaphore, #tpu.memory_space<semaphore_mem>>) src(%dma_wait3A_161 : memref<80x128xf32, #tpu.memory_space<vmem>>) dst(%dma_wait3A_167 : memref<10240x128xf32, #tpu.memory_space<vmem_shared>>)
    %dma_wait3A_168 = arith.constant 1 : i32
    %dma_wait3A_169 = arith.constant 1 : i32
    %dma_wait3A_170 = arith.constant 0 : i32
    %dma_wait3A_171 = arith.constant 0 : i32
    %dma_wait3A_172 = tpu.memref_slice %arg7[%dma_wait3A_168, %dma_wait3A_170, %dma_wait3A_171] : memref<3x80x128xf32, #tpu.memory_space<vmem>> -> memref<1x80x128xf32, #tpu.memory_space<vmem>>
    %dma_wait3A_173 = tpu.memref_squeeze %dma_wait3A_172 : memref<1x80x128xf32, #tpu.memory_space<vmem>> -> memref<80x128xf32, #tpu.memory_space<vmem>>
    %dma_wait3A_174 = arith.constant 0 : i32
    %dma_wait3A_175 = tpu.memref_slice %arg6[%dma_wait3A_169, %dma_wait3A_174] : memref<3x80xi32, #tpu.memory_space<vmem>> -> memref<1x80xi32, #tpu.memory_space<vmem>>
    %dma_wait3A_176 = tpu.memref_squeeze %dma_wait3A_175 : memref<1x80xi32, #tpu.memory_space<vmem>> -> memref<80xi32, #tpu.memory_space<vmem>>
    %dma_wait3A_177 = arith.constant 0 : i32
    %dma_wait3A_178 = arith.constant 0 : i32
    %dma_wait3A_179 = tpu.memref_slice %arg9[%dma_wait3A_177, %dma_wait3A_178] : memref<10240x128xf32, #tpu.memory_space<vmem_shared>> -> memref<10240x128xf32, #tpu.memory_space<vmem_shared>>
    tpu.wait_indirect_dma semaphore(%arg13 : memref<!tpu.dma_semaphore, #tpu.memory_space<semaphore_mem>>) src(%dma_wait3A_173 : memref<80x128xf32, #tpu.memory_space<vmem>>) dst(%dma_wait3A_179 : memref<10240x128xf32, #tpu.memory_space<vmem_shared>>)
    %dma_wait3A_180 = arith.constant 2 : i32
    %dma_wait3A_181 = arith.constant 2 : i32
    %dma_wait3A_182 = arith.constant 0 : i32
    %dma_wait3A_183 = arith.constant 0 : i32
    %dma_wait3A_184 = tpu.memref_slice %arg7[%dma_wait3A_180, %dma_wait3A_182, %dma_wait3A_183] : memref<3x80x128xf32, #tpu.memory_space<vmem>> -> memref<1x80x128xf32, #tpu.memory_space<vmem>>
    %dma_wait3A_185 = tpu.memref_squeeze %dma_wait3A_184 : memref<1x80x128xf32, #tpu.memory_space<vmem>> -> memref<80x128xf32, #tpu.memory_space<vmem>>
    %dma_wait3A_186 = arith.constant 0 : i32
    %dma_wait3A_187 = tpu.memref_slice %arg6[%dma_wait3A_181, %dma_wait3A_186] : memref<3x80xi32, #tpu.memory_space<vmem>> -> memref<1x80xi32, #tpu.memory_space<vmem>>
    %dma_wait3A_188 = tpu.memref_squeeze %dma_wait3A_187 : memref<1x80xi32, #tpu.memory_space<vmem>> -> memref<80xi32, #tpu.memory_space<vmem>>
    %dma_wait3A_189 = arith.constant 0 : i32
    %dma_wait3A_190 = arith.constant 0 : i32
    %dma_wait3A_191 = tpu.memref_slice %arg9[%dma_wait3A_189, %dma_wait3A_190] : memref<10240x128xf32, #tpu.memory_space<vmem_shared>> -> memref<10240x128xf32, #tpu.memory_space<vmem_shared>>
    tpu.wait_indirect_dma semaphore(%arg14 : memref<!tpu.dma_semaphore, #tpu.memory_space<semaphore_mem>>) src(%dma_wait3A_185 : memref<80x128xf32, #tpu.memory_space<vmem>>) dst(%dma_wait3A_191 : memref<10240x128xf32, #tpu.memory_space<vmem_shared>>)
    %barrier3A_192 = arith.constant 0 : index
    tpu.barrier barrier_id(%barrier3A_192)
    %mul3A_193 = arith.constant 640 : i32
    %mul3A_194 = arith.muli %arg1, %mul3A_193 : i32
    %mul3A_195 = arith.constant 640 : i32
    %mul3A_196 = arith.muli %arg1, %mul3A_195 : i32
    "tpu.region"() ({
      %run_scoped3A = tpu.sem_alloc : memref<!tpu.dma_semaphore, #tpu.memory_space<semaphore_mem>>
      %dma_start3A_197 = arith.constant 0 : i32
      %dma_start3A_198 = tpu.memref_slice %arg4[%arg0, %mul3A_196, %dma_start3A_197] : memref<2x10240x128xf32, #tpu.memory_space<hbm>> -> memref<1x640x128xf32, #tpu.memory_space<hbm>>
      %dma_start3A_199 = tpu.memref_squeeze %dma_start3A_198 : memref<1x640x128xf32, #tpu.memory_space<hbm>> -> memref<640x128xf32, #tpu.memory_space<hbm>>
      %dma_start3A_200 = arith.constant 0 : i32
      %dma_start3A_201 = tpu.memref_slice %arg9[%mul3A_194, %dma_start3A_200] : memref<10240x128xf32, #tpu.memory_space<vmem_shared>> -> memref<640x128xf32, #tpu.memory_space<vmem_shared>>
      tpu.enqueue_dma source(%dma_start3A_201 : memref<640x128xf32, #tpu.memory_space<vmem_shared>>) target(%dma_start3A_199 : memref<640x128xf32, #tpu.memory_space<hbm>>) target_semaphore(%run_scoped3A : memref<!tpu.dma_semaphore, #tpu.memory_space<semaphore_mem>>)
      %dma_wait3A_202 = arith.constant 0 : i32
      %dma_wait3A_203 = tpu.memref_slice %arg4[%arg0, %mul3A_196, %dma_wait3A_202] : memref<2x10240x128xf32, #tpu.memory_space<hbm>> -> memref<1x640x128xf32, #tpu.memory_space<hbm>>
      %dma_wait3A_204 = tpu.memref_squeeze %dma_wait3A_203 : memref<1x640x128xf32, #tpu.memory_space<hbm>> -> memref<640x128xf32, #tpu.memory_space<hbm>>
      %dma_wait3A_205 = arith.constant 0 : i32
      %dma_wait3A_206 = tpu.memref_slice %arg9[%mul3A_194, %dma_wait3A_205] : memref<10240x128xf32, #tpu.memory_space<vmem_shared>> -> memref<640x128xf32, #tpu.memory_space<vmem_shared>>
      tpu.wait_dma2 semaphore(%run_scoped3A : memref<!tpu.dma_semaphore, #tpu.memory_space<semaphore_mem>>) src(%dma_wait3A_206 : memref<640x128xf32, #tpu.memory_space<vmem_shared>>) dst(%dma_wait3A_204 : memref<640x128xf32, #tpu.memory_space<hbm>>)
      tpu.yield
    }) : () -> ()
    return
  }
}

#map = affine_map<(d0, d1) -> (0, 0)>
#map1 = affine_map<(d0, d1) -> (0)>
#map2 = affine_map<(d0, d1) -> (0, 0, 0)>
module attributes {stable_mosaic.version = 14 : i64} {
  func.func @prop_kernel(%arg0: i32, %arg1: i32, %arg2: memref<10240x128xf32, #tpu.memory_space<hbm>>, %arg3: memref<640000xi32, #tpu.memory_space<hbm>>, %arg4: memref<2x10240x128xf32, #tpu.memory_space<hbm>>, %arg5: memref<10000xi32, #tpu.memory_space<vmem>>, %arg6: memref<3x80xi32, #tpu.memory_space<vmem>>, %arg7: memref<3x80x128xf32, #tpu.memory_space<vmem>>, %arg8: memref<16x128xf32, #tpu.memory_space<vmem>>, %arg9: memref<10240x128xf32, #tpu.memory_space<vmem_shared>>, %arg10: memref<!tpu.dma_semaphore, #tpu.memory_space<semaphore_mem>>, %arg11: memref<!tpu.dma_semaphore, #tpu.memory_space<semaphore_mem>>, %arg12: memref<!tpu.dma_semaphore, #tpu.memory_space<semaphore_mem>>, %arg13: memref<!tpu.dma_semaphore, #tpu.memory_space<semaphore_mem>>, %arg14: memref<!tpu.dma_semaphore, #tpu.memory_space<semaphore_mem>>) attributes {dimension_semantics = [#tpu.dimension_semantics<core_parallel>, #tpu.dimension_semantics<subcore_parallel>], iteration_bounds = array<i64: 2, 16>, scalar_prefetch = 0 : i64, scratch_operands = 10 : i64, tpu.core_type = #tpu.core_type<sc_vector_subcore>, window_params = [{transform_indices = #map}, {transform_indices = #map1}, {transform_indices = #map2}]} {
    %mul3A = arith.constant 16 : i32
    %mul3A_0 = arith.muli %arg0, %mul3A : i32
    %add3A = arith.addi %mul3A_0, %arg1 : i32
    %mul3A_1 = arith.constant 10000 : i32
    %mul3A_2 = arith.muli %add3A, %mul3A_1 : i32
    %dma_start3A = tpu.memref_slice %arg3[%mul3A_2] : memref<640000xi32, #tpu.memory_space<hbm>> -> memref<10000xi32, #tpu.memory_space<hbm>>
    %dma_start3A_3 = tpu.memref_slice %arg3[%mul3A_2] : memref<640000xi32, #tpu.memory_space<hbm>> -> memref<10000xi32, #tpu.memory_space<hbm>>
    tpu.enqueue_dma source(%dma_start3A_3 : memref<10000xi32, #tpu.memory_space<hbm>>) target(%arg5 : memref<10000xi32, #tpu.memory_space<vmem>>) target_semaphore(%arg10 : memref<!tpu.dma_semaphore, #tpu.memory_space<semaphore_mem>>)
    %scan3A = arith.constant 0 : i32
    %scan3A_4 = arith.constant 16 : i32
    %scan3A_5 = arith.addi %scan3A, %scan3A_4 : i32
    %scan3A_6 = arith.constant 1 : i32
    scf.for %scan3A_197 = %scan3A to %scan3A_5 step %scan3A_6  : i32 {
      %mul3A_198 = arith.constant 1 : i32
      %mul3A_199 = arith.muli %scan3A_197, %mul3A_198 : i32
      %add3A_200 = arith.constant 0 : i32
      %add3A_201 = arith.addi %add3A_200, %mul3A_199 : i32
      %scan3A_202 = arith.constant 0 : i32
      %scan3A_203 = arith.constant 8 : i32
      %scan3A_204 = arith.addi %scan3A_202, %scan3A_203 : i32
      %scan3A_205 = arith.constant 1 : i32
      scf.for %scan3A_207 = %scan3A_202 to %scan3A_204 step %scan3A_205  : i32 {
        %mul3A_208 = arith.constant 1 : i32
        %mul3A_209 = arith.muli %scan3A_207, %mul3A_208 : i32
        %add3A_210 = arith.constant 0 : i32
        %add3A_211 = arith.addi %add3A_210, %mul3A_209 : i32
        %broadcast_in_dim3A = arith.constant 0.000000e+00 : f32
        %broadcast_in_dim3A_212 = vector.broadcast %broadcast_in_dim3A : f32 to vector<16xf32>
        %mul3A_213 = arith.constant 16 : i32
        %mul3A_214 = arith.muli %add3A_211, %mul3A_213 : i32
        %swap3A = arith.index_cast %add3A_201 : i32 to index
        %swap3A_215 = arith.index_cast %mul3A_214 : i32 to index
        %swap3A_216 = tpu.vector_load %arg8[%swap3A, %swap3A_215] {strides = array<i32>} : memref<16x128xf32, #tpu.memory_space<vmem>>, vector<1x16xf32>,
        %swap3A_217 = vector.shape_cast %swap3A_216 : vector<1x16xf32> to vector<16xf32>
        %swap3A_218 = vector.shape_cast %broadcast_in_dim3A_212 : vector<16xf32> to vector<1x16xf32>
        tpu.vector_store %arg8[%swap3A, %swap3A_215], %swap3A_218 {strides = array<i32>} : memref<16x128xf32, #tpu.memory_space<vmem>>, vector<1x16xf32>,
      }
      %scan3A_206 = arith.constant 8 : i32
    }
    %scan3A_7 = arith.constant 16 : i32
    %scan3A_8 = arith.constant 0 : i32
    %scan3A_9 = arith.constant 40 : i32
    %scan3A_10 = arith.addi %scan3A_8, %scan3A_9 : i32
    %scan3A_11 = arith.constant 1 : i32
    scf.for %scan3A_197 = %scan3A_8 to %scan3A_10 step %scan3A_11  : i32 {
      %mul3A_198 = arith.constant 1 : i32
      %mul3A_199 = arith.muli %scan3A_197, %mul3A_198 : i32
      %add3A_200 = arith.constant 0 : i32
      %add3A_201 = arith.addi %add3A_200, %mul3A_199 : i32
      %mul3A_202 = arith.constant 640 : i32
      %mul3A_203 = arith.muli %arg1, %mul3A_202 : i32
      %mul3A_204 = arith.constant 16 : i32
      %mul3A_205 = arith.muli %add3A_201, %mul3A_204 : i32
      %add3A_206 = arith.addi %mul3A_203, %mul3A_205 : i32
      %dma_start3A_207 = arith.constant 0 : i32
      %dma_start3A_208 = tpu.memref_slice %arg9[%add3A_206, %dma_start3A_207] : memref<10240x128xf32, #tpu.memory_space<vmem_shared>> -> memref<16x128xf32, #tpu.memory_space<vmem_shared>>
      %dma_start3A_209 = arith.constant 0 : i32
      %dma_start3A_210 = tpu.memref_slice %arg9[%add3A_206, %dma_start3A_209] : memref<10240x128xf32, #tpu.memory_space<vmem_shared>> -> memref<16x128xf32, #tpu.memory_space<vmem_shared>>
      tpu.enqueue_dma source(%arg8 : memref<16x128xf32, #tpu.memory_space<vmem>>) target(%dma_start3A_210 : memref<16x128xf32, #tpu.memory_space<vmem_shared>>) target_semaphore(%arg11 : memref<!tpu.dma_semaphore, #tpu.memory_space<semaphore_mem>>)
    }
    %scan3A_12 = arith.constant 40 : i32
    %scan3A_13 = arith.constant 0 : i32
    %scan3A_14 = arith.constant 40 : i32
    %scan3A_15 = arith.addi %scan3A_13, %scan3A_14 : i32
    %scan3A_16 = arith.constant 1 : i32
    scf.for %scan3A_197 = %scan3A_13 to %scan3A_15 step %scan3A_16  : i32 {
      %mul3A_198 = arith.constant 1 : i32
      %mul3A_199 = arith.muli %scan3A_197, %mul3A_198 : i32
      %add3A_200 = arith.constant 0 : i32
      %add3A_201 = arith.addi %add3A_200, %mul3A_199 : i32
      %mul3A_202 = arith.constant 640 : i32
      %mul3A_203 = arith.muli %arg1, %mul3A_202 : i32
      %mul3A_204 = arith.constant 16 : i32
      %mul3A_205 = arith.muli %add3A_201, %mul3A_204 : i32
      %add3A_206 = arith.addi %mul3A_203, %mul3A_205 : i32
      %dma_wait3A_207 = arith.constant 0 : i32
      %dma_wait3A_208 = tpu.memref_slice %arg9[%add3A_206, %dma_wait3A_207] : memref<10240x128xf32, #tpu.memory_space<vmem_shared>> -> memref<16x128xf32, #tpu.memory_space<vmem_shared>>
      %dma_wait3A_209 = arith.constant 0 : i32
      %dma_wait3A_210 = tpu.memref_slice %arg9[%add3A_206, %dma_wait3A_209] : memref<10240x128xf32, #tpu.memory_space<vmem_shared>> -> memref<16x128xf32, #tpu.memory_space<vmem_shared>>
      tpu.wait_dma2 semaphore(%arg11 : memref<!tpu.dma_semaphore, #tpu.memory_space<semaphore_mem>>) src(%arg8 : memref<16x128xf32, #tpu.memory_space<vmem>>) dst(%dma_wait3A_210 : memref<16x128xf32, #tpu.memory_space<vmem_shared>>)
    }
    %scan3A_17 = arith.constant 40 : i32
    %barrier3A = arith.constant 0 : index
    tpu.barrier barrier_id(%barrier3A)
    %dma_wait3A = tpu.memref_slice %arg3[%mul3A_2] : memref<640000xi32, #tpu.memory_space<hbm>> -> memref<10000xi32, #tpu.memory_space<hbm>>
    %dma_wait3A_18 = tpu.memref_slice %arg3[%mul3A_2] : memref<640000xi32, #tpu.memory_space<hbm>> -> memref<10000xi32, #tpu.memory_space<hbm>>
    tpu.wait_dma2 semaphore(%arg10 : memref<!tpu.dma_semaphore, #tpu.memory_space<semaphore_mem>>) src(%dma_wait3A_18 : memref<10000xi32, #tpu.memory_space<hbm>>) dst(%arg5 : memref<10000xi32, #tpu.memory_space<vmem>>)
    %scan3A_19 = arith.constant 0 : i32
    %scan3A_20 = arith.constant 41 : i32
    %scan3A_21 = arith.addi %scan3A_19, %scan3A_20 : i32
    %scan3A_22 = arith.constant 1 : i32
    scf.for %scan3A_197 = %scan3A_19 to %scan3A_21 step %scan3A_22  : i32 {
      %mul3A_198 = arith.constant 3 : i32
      %mul3A_199 = arith.muli %scan3A_197, %mul3A_198 : i32
      %add3A_200 = arith.constant 0 : i32
      %add3A_201 = arith.addi %add3A_200, %mul3A_199 : i32
      %add3A_202 = arith.constant 0 : i32
      %add3A_203 = arith.addi %add3A_201, %add3A_202 : i32
      %ge3A = arith.constant 3 : i32
      %ge3A_204 = arith.cmpi sge, %add3A_203, %ge3A : i32
      %convert_element_type3A = arith.extui %ge3A_204 : i1 to i32
      %cond3A = arith.constant 0 : i32
      %cond3A_205 = arith.cmpi ne, %convert_element_type3A, %cond3A : i32
      scf.if %cond3A_205 {
        %dma_wait3A_385 = arith.constant 0 : i32
        %dma_wait3A_386 = arith.constant 0 : i32
        %dma_wait3A_387 = arith.constant 0 : i32
        %dma_wait3A_388 = arith.constant 0 : i32
        %dma_wait3A_389 = tpu.memref_slice %arg7[%dma_wait3A_385, %dma_wait3A_387, %dma_wait3A_388] : memref<3x80x128xf32, #tpu.memory_space<vmem>> -> memref<1x80x128xf32, #tpu.memory_space<vmem>>
        %dma_wait3A_390 = tpu.memref_squeeze %dma_wait3A_389 : memref<1x80x128xf32, #tpu.memory_space<vmem>> -> memref<80x128xf32, #tpu.memory_space<vmem>>
        %dma_wait3A_391 = arith.constant 0 : i32
        %dma_wait3A_392 = tpu.memref_slice %arg6[%dma_wait3A_386, %dma_wait3A_391] : memref<3x80xi32, #tpu.memory_space<vmem>> -> memref<1x80xi32, #tpu.memory_space<vmem>>
        %dma_wait3A_393 = tpu.memref_squeeze %dma_wait3A_392 : memref<1x80xi32, #tpu.memory_space<vmem>> -> memref<80xi32, #tpu.memory_space<vmem>>
        %dma_wait3A_394 = arith.constant 0 : i32
        %dma_wait3A_395 = arith.constant 0 : i32
        %dma_wait3A_396 = tpu.memref_slice %arg9[%dma_wait3A_394, %dma_wait3A_395] : memref<10240x128xf32, #tpu.memory_space<vmem_shared>> -> memref<10240x128xf32, #tpu.memory_space<vmem_shared>>
        tpu.wait_indirect_dma semaphore(%arg12 : memref<!tpu.dma_semaphore, #tpu.memory_space<semaphore_mem>>) src(%dma_wait3A_390 : memref<80x128xf32, #tpu.memory_space<vmem>>) dst(%dma_wait3A_396 : memref<10240x128xf32, #tpu.memory_space<vmem_shared>>)
      } else {
      }
      %add3A_206 = arith.constant 320000 : i32
      %add3A_207 = arith.addi %add3A_206, %mul3A_2 : i32
      %mul3A_208 = arith.constant 80 : i32
      %mul3A_209 = arith.muli %add3A_203, %mul3A_208 : i32
      %add3A_210 = arith.addi %add3A_207, %mul3A_209 : i32
      %dma_start3A_211 = arith.constant 0 : i32
      %dma_start3A_212 = arith.constant 0 : i32
      %dma_start3A_213 = tpu.memref_slice %arg6[%dma_start3A_211, %dma_start3A_212] : memref<3x80xi32, #tpu.memory_space<vmem>> -> memref<1x80xi32, #tpu.memory_space<vmem>>
      %dma_start3A_214 = tpu.memref_squeeze %dma_start3A_213 : memref<1x80xi32, #tpu.memory_space<vmem>> -> memref<80xi32, #tpu.memory_space<vmem>>
      %dma_start3A_215 = tpu.memref_slice %arg3[%add3A_210] : memref<640000xi32, #tpu.memory_space<hbm>> -> memref<80xi32, #tpu.memory_space<hbm>>
      %dma_start3A_216 = arith.constant 0 : i32
      %dma_start3A_217 = tpu.memref_slice %arg6[%dma_start3A_211, %dma_start3A_216] : memref<3x80xi32, #tpu.memory_space<vmem>> -> memref<1x80xi32, #tpu.memory_space<vmem>>
      %dma_start3A_218 = tpu.memref_squeeze %dma_start3A_217 : memref<1x80xi32, #tpu.memory_space<vmem>> -> memref<80xi32, #tpu.memory_space<vmem>>
      %dma_start3A_219 = tpu.memref_slice %arg3[%add3A_210] : memref<640000xi32, #tpu.memory_space<hbm>> -> memref<80xi32, #tpu.memory_space<hbm>>
      tpu.enqueue_dma source(%dma_start3A_219 : memref<80xi32, #tpu.memory_space<hbm>>) target(%dma_start3A_218 : memref<80xi32, #tpu.memory_space<vmem>>) target_semaphore(%arg10 : memref<!tpu.dma_semaphore, #tpu.memory_space<semaphore_mem>>)
      %mul3A_220 = arith.constant 80 : i32
      %mul3A_221 = arith.muli %add3A_203, %mul3A_220 : i32
      %dma_start3A_222 = arith.constant 0 : i32
      %dma_start3A_223 = arith.constant 0 : i32
      %dma_start3A_224 = arith.constant 0 : i32
      %dma_start3A_225 = tpu.memref_slice %arg7[%dma_start3A_222, %dma_start3A_223, %dma_start3A_224] : memref<3x80x128xf32, #tpu.memory_space<vmem>> -> memref<1x80x128xf32, #tpu.memory_space<vmem>>
      %dma_start3A_226 = tpu.memref_squeeze %dma_start3A_225 : memref<1x80x128xf32, #tpu.memory_space<vmem>> -> memref<80x128xf32, #tpu.memory_space<vmem>>
      %dma_start3A_227 = tpu.memref_slice %arg5[%mul3A_221] : memref<10000xi32, #tpu.memory_space<vmem>> -> memref<80xi32, #tpu.memory_space<vmem>>
      %dma_start3A_228 = arith.constant 0 : i32
      %dma_start3A_229 = arith.constant 0 : i32
      %dma_start3A_230 = tpu.memref_slice %arg2[%dma_start3A_228, %dma_start3A_229] : memref<10240x128xf32, #tpu.memory_space<hbm>> -> memref<10240x128xf32, #tpu.memory_space<hbm>>
      tpu.enqueue_indirect_dma source(%dma_start3A_230 : memref<10240x128xf32, #tpu.memory_space<hbm>>) target(%dma_start3A_226 : memref<80x128xf32, #tpu.memory_space<vmem>>) offsets(%dma_start3A_227 : memref<80xi32, #tpu.memory_space<vmem>>) semaphore(%arg11 : memref<!tpu.dma_semaphore, #tpu.memory_space<semaphore_mem>>)
      %add3A_231 = arith.constant 1 : i32
      %add3A_232 = arith.addi %add3A_201, %add3A_231 : i32
      %ge3A_233 = arith.constant 3 : i32
      %ge3A_234 = arith.cmpi sge, %add3A_232, %ge3A_233 : i32
      %convert_element_type3A_235 = arith.extui %ge3A_234 : i1 to i32
      %cond3A_236 = arith.constant 0 : i32
      %cond3A_237 = arith.cmpi ne, %convert_element_type3A_235, %cond3A_236 : i32
      scf.if %cond3A_237 {
        %dma_wait3A_385 = arith.constant 1 : i32
        %dma_wait3A_386 = arith.constant 1 : i32
        %dma_wait3A_387 = arith.constant 0 : i32
        %dma_wait3A_388 = arith.constant 0 : i32
        %dma_wait3A_389 = tpu.memref_slice %arg7[%dma_wait3A_385, %dma_wait3A_387, %dma_wait3A_388] : memref<3x80x128xf32, #tpu.memory_space<vmem>> -> memref<1x80x128xf32, #tpu.memory_space<vmem>>
        %dma_wait3A_390 = tpu.memref_squeeze %dma_wait3A_389 : memref<1x80x128xf32, #tpu.memory_space<vmem>> -> memref<80x128xf32, #tpu.memory_space<vmem>>
        %dma_wait3A_391 = arith.constant 0 : i32
        %dma_wait3A_392 = tpu.memref_slice %arg6[%dma_wait3A_386, %dma_wait3A_391] : memref<3x80xi32, #tpu.memory_space<vmem>> -> memref<1x80xi32, #tpu.memory_space<vmem>>
        %dma_wait3A_393 = tpu.memref_squeeze %dma_wait3A_392 : memref<1x80xi32, #tpu.memory_space<vmem>> -> memref<80xi32, #tpu.memory_space<vmem>>
        %dma_wait3A_394 = arith.constant 0 : i32
        %dma_wait3A_395 = arith.constant 0 : i32
        %dma_wait3A_396 = tpu.memref_slice %arg9[%dma_wait3A_394, %dma_wait3A_395] : memref<10240x128xf32, #tpu.memory_space<vmem_shared>> -> memref<10240x128xf32, #tpu.memory_space<vmem_shared>>
        tpu.wait_indirect_dma semaphore(%arg13 : memref<!tpu.dma_semaphore, #tpu.memory_space<semaphore_mem>>) src(%dma_wait3A_390 : memref<80x128xf32, #tpu.memory_space<vmem>>) dst(%dma_wait3A_396 : memref<10240x128xf32, #tpu.memory_space<vmem_shared>>)
      } else {
      }
      %add3A_238 = arith.constant 320000 : i32
      %add3A_239 = arith.addi %add3A_238, %mul3A_2 : i32
      %mul3A_240 = arith.constant 80 : i32
      %mul3A_241 = arith.muli %add3A_232, %mul3A_240 : i32
      %add3A_242 = arith.addi %add3A_239, %mul3A_241 : i32
      %dma_start3A_243 = arith.constant 1 : i32
      %dma_start3A_244 = arith.constant 0 : i32
      %dma_start3A_245 = tpu.memref_slice %arg6[%dma_start3A_243, %dma_start3A_244] : memref<3x80xi32, #tpu.memory_space<vmem>> -> memref<1x80xi32, #tpu.memory_space<vmem>>
      %dma_start3A_246 = tpu.memref_squeeze %dma_start3A_245 : memref<1x80xi32, #tpu.memory_space<vmem>> -> memref<80xi32, #tpu.memory_space<vmem>>
      %dma_start3A_247 = tpu.memref_slice %arg3[%add3A_242] : memref<640000xi32, #tpu.memory_space<hbm>> -> memref<80xi32, #tpu.memory_space<hbm>>
      %dma_start3A_248 = arith.constant 0 : i32
      %dma_start3A_249 = tpu.memref_slice %arg6[%dma_start3A_243, %dma_start3A_248] : memref<3x80xi32, #tpu.memory_space<vmem>> -> memref<1x80xi32, #tpu.memory_space<vmem>>
      %dma_start3A_250 = tpu.memref_squeeze %dma_start3A_249 : memref<1x80xi32, #tpu.memory_space<vmem>> -> memref<80xi32, #tpu.memory_space<vmem>>
      %dma_start3A_251 = tpu.memref_slice %arg3[%add3A_242] : memref<640000xi32, #tpu.memory_space<hbm>> -> memref<80xi32, #tpu.memory_space<hbm>>
      tpu.enqueue_dma source(%dma_start3A_251 : memref<80xi32, #tpu.memory_space<hbm>>) target(%dma_start3A_250 : memref<80xi32, #tpu.memory_space<vmem>>) target_semaphore(%arg10 : memref<!tpu.dma_semaphore, #tpu.memory_space<semaphore_mem>>)
      %mul3A_252 = arith.constant 80 : i32
      %mul3A_253 = arith.muli %add3A_232, %mul3A_252 : i32
      %dma_start3A_254 = arith.constant 1 : i32
      %dma_start3A_255 = arith.constant 0 : i32
      %dma_start3A_256 = arith.constant 0 : i32
      %dma_start3A_257 = tpu.memref_slice %arg7[%dma_start3A_254, %dma_start3A_255, %dma_start3A_256] : memref<3x80x128xf32, #tpu.memory_space<vmem>> -> memref<1x80x128xf32, #tpu.memory_space<vmem>>
      %dma_start3A_258 = tpu.memref_squeeze %dma_start3A_257 : memref<1x80x128xf32, #tpu.memory_space<vmem>> -> memref<80x128xf32, #tpu.memory_space<vmem>>
      %dma_start3A_259 = tpu.memref_slice %arg5[%mul3A_253] : memref<10000xi32, #tpu.memory_space<vmem>> -> memref<80xi32, #tpu.memory_space<vmem>>
      %dma_start3A_260 = arith.constant 0 : i32
      %dma_start3A_261 = arith.constant 0 : i32
      %dma_start3A_262 = tpu.memref_slice %arg2[%dma_start3A_260, %dma_start3A_261] : memref<10240x128xf32, #tpu.memory_space<hbm>> -> memref<10240x128xf32, #tpu.memory_space<hbm>>
      tpu.enqueue_indirect_dma source(%dma_start3A_262 : memref<10240x128xf32, #tpu.memory_space<hbm>>) target(%dma_start3A_258 : memref<80x128xf32, #tpu.memory_space<vmem>>) offsets(%dma_start3A_259 : memref<80xi32, #tpu.memory_space<vmem>>) semaphore(%arg11 : memref<!tpu.dma_semaphore, #tpu.memory_space<semaphore_mem>>)
      %add3A_263 = arith.constant 2 : i32
      %add3A_264 = arith.addi %add3A_201, %add3A_263 : i32
      %ge3A_265 = arith.constant 3 : i32
      %ge3A_266 = arith.cmpi sge, %add3A_264, %ge3A_265 : i32
      %convert_element_type3A_267 = arith.extui %ge3A_266 : i1 to i32
      %cond3A_268 = arith.constant 0 : i32
      %cond3A_269 = arith.cmpi ne, %convert_element_type3A_267, %cond3A_268 : i32
      scf.if %cond3A_269 {
        %dma_wait3A_385 = arith.constant 2 : i32
        %dma_wait3A_386 = arith.constant 2 : i32
        %dma_wait3A_387 = arith.constant 0 : i32
        %dma_wait3A_388 = arith.constant 0 : i32
        %dma_wait3A_389 = tpu.memref_slice %arg7[%dma_wait3A_385, %dma_wait3A_387, %dma_wait3A_388] : memref<3x80x128xf32, #tpu.memory_space<vmem>> -> memref<1x80x128xf32, #tpu.memory_space<vmem>>
        %dma_wait3A_390 = tpu.memref_squeeze %dma_wait3A_389 : memref<1x80x128xf32, #tpu.memory_space<vmem>> -> memref<80x128xf32, #tpu.memory_space<vmem>>
        %dma_wait3A_391 = arith.constant 0 : i32
        %dma_wait3A_392 = tpu.memref_slice %arg6[%dma_wait3A_386, %dma_wait3A_391] : memref<3x80xi32, #tpu.memory_space<vmem>> -> memref<1x80xi32, #tpu.memory_space<vmem>>
        %dma_wait3A_393 = tpu.memref_squeeze %dma_wait3A_392 : memref<1x80xi32, #tpu.memory_space<vmem>> -> memref<80xi32, #tpu.memory_space<vmem>>
        %dma_wait3A_394 = arith.constant 0 : i32
        %dma_wait3A_395 = arith.constant 0 : i32
        %dma_wait3A_396 = tpu.memref_slice %arg9[%dma_wait3A_394, %dma_wait3A_395] : memref<10240x128xf32, #tpu.memory_space<vmem_shared>> -> memref<10240x128xf32, #tpu.memory_space<vmem_shared>>
        tpu.wait_indirect_dma semaphore(%arg14 : memref<!tpu.dma_semaphore, #tpu.memory_space<semaphore_mem>>) src(%dma_wait3A_390 : memref<80x128xf32, #tpu.memory_space<vmem>>) dst(%dma_wait3A_396 : memref<10240x128xf32, #tpu.memory_space<vmem_shared>>)
      } else {
      }
      %add3A_270 = arith.constant 320000 : i32
      %add3A_271 = arith.addi %add3A_270, %mul3A_2 : i32
      %mul3A_272 = arith.constant 80 : i32
      %mul3A_273 = arith.muli %add3A_264, %mul3A_272 : i32
      %add3A_274 = arith.addi %add3A_271, %mul3A_273 : i32
      %dma_start3A_275 = arith.constant 2 : i32
      %dma_start3A_276 = arith.constant 0 : i32
      %dma_start3A_277 = tpu.memref_slice %arg6[%dma_start3A_275, %dma_start3A_276] : memref<3x80xi32, #tpu.memory_space<vmem>> -> memref<1x80xi32, #tpu.memory_space<vmem>>
      %dma_start3A_278 = tpu.memref_squeeze %dma_start3A_277 : memref<1x80xi32, #tpu.memory_space<vmem>> -> memref<80xi32, #tpu.memory_space<vmem>>
      %dma_start3A_279 = tpu.memref_slice %arg3[%add3A_274] : memref<640000xi32, #tpu.memory_space<hbm>> -> memref<80xi32, #tpu.memory_space<hbm>>
      %dma_start3A_280 = arith.constant 0 : i32
      %dma_start3A_281 = tpu.memref_slice %arg6[%dma_start3A_275, %dma_start3A_280] : memref<3x80xi32, #tpu.memory_space<vmem>> -> memref<1x80xi32, #tpu.memory_space<vmem>>
      %dma_start3A_282 = tpu.memref_squeeze %dma_start3A_281 : memref<1x80xi32, #tpu.memory_space<vmem>> -> memref<80xi32, #tpu.memory_space<vmem>>
      %dma_start3A_283 = tpu.memref_slice %arg3[%add3A_274] : memref<640000xi32, #tpu.memory_space<hbm>> -> memref<80xi32, #tpu.memory_space<hbm>>
      tpu.enqueue_dma source(%dma_start3A_283 : memref<80xi32, #tpu.memory_space<hbm>>) target(%dma_start3A_282 : memref<80xi32, #tpu.memory_space<vmem>>) target_semaphore(%arg10 : memref<!tpu.dma_semaphore, #tpu.memory_space<semaphore_mem>>)
      %mul3A_284 = arith.constant 80 : i32
      %mul3A_285 = arith.muli %add3A_264, %mul3A_284 : i32
      %dma_start3A_286 = arith.constant 2 : i32
      %dma_start3A_287 = arith.constant 0 : i32
      %dma_start3A_288 = arith.constant 0 : i32
      %dma_start3A_289 = tpu.memref_slice %arg7[%dma_start3A_286, %dma_start3A_287, %dma_start3A_288] : memref<3x80x128xf32, #tpu.memory_space<vmem>> -> memref<1x80x128xf32, #tpu.memory_space<vmem>>
      %dma_start3A_290 = tpu.memref_squeeze %dma_start3A_289 : memref<1x80x128xf32, #tpu.memory_space<vmem>> -> memref<80x128xf32, #tpu.memory_space<vmem>>
      %dma_start3A_291 = tpu.memref_slice %arg5[%mul3A_285] : memref<10000xi32, #tpu.memory_space<vmem>> -> memref<80xi32, #tpu.memory_space<vmem>>
      %dma_start3A_292 = arith.constant 0 : i32
      %dma_start3A_293 = arith.constant 0 : i32
      %dma_start3A_294 = tpu.memref_slice %arg2[%dma_start3A_292, %dma_start3A_293] : memref<10240x128xf32, #tpu.memory_space<hbm>> -> memref<10240x128xf32, #tpu.memory_space<hbm>>
      tpu.enqueue_indirect_dma source(%dma_start3A_294 : memref<10240x128xf32, #tpu.memory_space<hbm>>) target(%dma_start3A_290 : memref<80x128xf32, #tpu.memory_space<vmem>>) offsets(%dma_start3A_291 : memref<80xi32, #tpu.memory_space<vmem>>) semaphore(%arg11 : memref<!tpu.dma_semaphore, #tpu.memory_space<semaphore_mem>>)
      %dma_wait3A_295 = arith.constant 0 : i32
      %dma_wait3A_296 = arith.constant 0 : i32
      %dma_wait3A_297 = tpu.memref_slice %arg6[%dma_wait3A_295, %dma_wait3A_296] : memref<3x80xi32, #tpu.memory_space<vmem>> -> memref<1x80xi32, #tpu.memory_space<vmem>>
      %dma_wait3A_298 = tpu.memref_squeeze %dma_wait3A_297 : memref<1x80xi32, #tpu.memory_space<vmem>> -> memref<80xi32, #tpu.memory_space<vmem>>
      %dma_wait3A_299 = tpu.memref_slice %arg3[%add3A_210] : memref<640000xi32, #tpu.memory_space<hbm>> -> memref<80xi32, #tpu.memory_space<hbm>>
      %dma_wait3A_300 = arith.constant 0 : i32
      %dma_wait3A_301 = tpu.memref_slice %arg6[%dma_wait3A_295, %dma_wait3A_300] : memref<3x80xi32, #tpu.memory_space<vmem>> -> memref<1x80xi32, #tpu.memory_space<vmem>>
      %dma_wait3A_302 = tpu.memref_squeeze %dma_wait3A_301 : memref<1x80xi32, #tpu.memory_space<vmem>> -> memref<80xi32, #tpu.memory_space<vmem>>
      %dma_wait3A_303 = tpu.memref_slice %arg3[%add3A_210] : memref<640000xi32, #tpu.memory_space<hbm>> -> memref<80xi32, #tpu.memory_space<hbm>>
      tpu.wait_dma2 semaphore(%arg10 : memref<!tpu.dma_semaphore, #tpu.memory_space<semaphore_mem>>) src(%dma_wait3A_303 : memref<80xi32, #tpu.memory_space<hbm>>) dst(%dma_wait3A_302 : memref<80xi32, #tpu.memory_space<vmem>>)
      %dma_wait3A_304 = arith.constant 1 : i32
      %dma_wait3A_305 = arith.constant 0 : i32
      %dma_wait3A_306 = tpu.memref_slice %arg6[%dma_wait3A_304, %dma_wait3A_305] : memref<3x80xi32, #tpu.memory_space<vmem>> -> memref<1x80xi32, #tpu.memory_space<vmem>>
      %dma_wait3A_307 = tpu.memref_squeeze %dma_wait3A_306 : memref<1x80xi32, #tpu.memory_space<vmem>> -> memref<80xi32, #tpu.memory_space<vmem>>
      %dma_wait3A_308 = tpu.memref_slice %arg3[%add3A_242] : memref<640000xi32, #tpu.memory_space<hbm>> -> memref<80xi32, #tpu.memory_space<hbm>>
      %dma_wait3A_309 = arith.constant 0 : i32
      %dma_wait3A_310 = tpu.memref_slice %arg6[%dma_wait3A_304, %dma_wait3A_309] : memref<3x80xi32, #tpu.memory_space<vmem>> -> memref<1x80xi32, #tpu.memory_space<vmem>>
      %dma_wait3A_311 = tpu.memref_squeeze %dma_wait3A_310 : memref<1x80xi32, #tpu.memory_space<vmem>> -> memref<80xi32, #tpu.memory_space<vmem>>
      %dma_wait3A_312 = tpu.memref_slice %arg3[%add3A_242] : memref<640000xi32, #tpu.memory_space<hbm>> -> memref<80xi32, #tpu.memory_space<hbm>>
      tpu.wait_dma2 semaphore(%arg10 : memref<!tpu.dma_semaphore, #tpu.memory_space<semaphore_mem>>) src(%dma_wait3A_312 : memref<80xi32, #tpu.memory_space<hbm>>) dst(%dma_wait3A_311 : memref<80xi32, #tpu.memory_space<vmem>>)
      %dma_wait3A_313 = arith.constant 2 : i32
      %dma_wait3A_314 = arith.constant 0 : i32
      %dma_wait3A_315 = tpu.memref_slice %arg6[%dma_wait3A_313, %dma_wait3A_314] : memref<3x80xi32, #tpu.memory_space<vmem>> -> memref<1x80xi32, #tpu.memory_space<vmem>>
      %dma_wait3A_316 = tpu.memref_squeeze %dma_wait3A_315 : memref<1x80xi32, #tpu.memory_space<vmem>> -> memref<80xi32, #tpu.memory_space<vmem>>
      %dma_wait3A_317 = tpu.memref_slice %arg3[%add3A_274] : memref<640000xi32, #tpu.memory_space<hbm>> -> memref<80xi32, #tpu.memory_space<hbm>>
      %dma_wait3A_318 = arith.constant 0 : i32
      %dma_wait3A_319 = tpu.memref_slice %arg6[%dma_wait3A_313, %dma_wait3A_318] : memref<3x80xi32, #tpu.memory_space<vmem>> -> memref<1x80xi32, #tpu.memory_space<vmem>>
      %dma_wait3A_320 = tpu.memref_squeeze %dma_wait3A_319 : memref<1x80xi32, #tpu.memory_space<vmem>> -> memref<80xi32, #tpu.memory_space<vmem>>
      %dma_wait3A_321 = tpu.memref_slice %arg3[%add3A_274] : memref<640000xi32, #tpu.memory_space<hbm>> -> memref<80xi32, #tpu.memory_space<hbm>>
      tpu.wait_dma2 semaphore(%arg10 : memref<!tpu.dma_semaphore, #tpu.memory_space<semaphore_mem>>) src(%dma_wait3A_321 : memref<80xi32, #tpu.memory_space<hbm>>) dst(%dma_wait3A_320 : memref<80xi32, #tpu.memory_space<vmem>>)
      %dma_wait3A_322 = arith.constant 0 : i32
      %dma_wait3A_323 = arith.constant 0 : i32
      %dma_wait3A_324 = arith.constant 0 : i32
      %dma_wait3A_325 = tpu.memref_slice %arg7[%dma_wait3A_322, %dma_wait3A_323, %dma_wait3A_324] : memref<3x80x128xf32, #tpu.memory_space<vmem>> -> memref<1x80x128xf32, #tpu.memory_space<vmem>>
      %dma_wait3A_326 = tpu.memref_squeeze %dma_wait3A_325 : memref<1x80x128xf32, #tpu.memory_space<vmem>> -> memref<80x128xf32, #tpu.memory_space<vmem>>
      %dma_wait3A_327 = tpu.memref_slice %arg5[%mul3A_221] : memref<10000xi32, #tpu.memory_space<vmem>> -> memref<80xi32, #tpu.memory_space<vmem>>
      %dma_wait3A_328 = arith.constant 0 : i32
      %dma_wait3A_329 = arith.constant 0 : i32
      %dma_wait3A_330 = tpu.memref_slice %arg2[%dma_wait3A_328, %dma_wait3A_329] : memref<10240x128xf32, #tpu.memory_space<hbm>> -> memref<10240x128xf32, #tpu.memory_space<hbm>>
      tpu.wait_indirect_dma semaphore(%arg11 : memref<!tpu.dma_semaphore, #tpu.memory_space<semaphore_mem>>) src(%dma_wait3A_330 : memref<10240x128xf32, #tpu.memory_space<hbm>>) dst(%dma_wait3A_326 : memref<80x128xf32, #tpu.memory_space<vmem>>)
      %dma_start3A_331 = arith.constant 0 : i32
      %dma_start3A_332 = arith.constant 0 : i32
      %dma_start3A_333 = arith.constant 0 : i32
      %dma_start3A_334 = arith.constant 0 : i32
      %dma_start3A_335 = tpu.memref_slice %arg7[%dma_start3A_331, %dma_start3A_333, %dma_start3A_334] : memref<3x80x128xf32, #tpu.memory_space<vmem>> -> memref<1x80x128xf32, #tpu.memory_space<vmem>>
      %dma_start3A_336 = tpu.memref_squeeze %dma_start3A_335 : memref<1x80x128xf32, #tpu.memory_space<vmem>> -> memref<80x128xf32, #tpu.memory_space<vmem>>
      %dma_start3A_337 = arith.constant 0 : i32
      %dma_start3A_338 = tpu.memref_slice %arg6[%dma_start3A_332, %dma_start3A_337] : memref<3x80xi32, #tpu.memory_space<vmem>> -> memref<1x80xi32, #tpu.memory_space<vmem>>
      %dma_start3A_339 = tpu.memref_squeeze %dma_start3A_338 : memref<1x80xi32, #tpu.memory_space<vmem>> -> memref<80xi32, #tpu.memory_space<vmem>>
      %dma_start3A_340 = arith.constant 0 : i32
      %dma_start3A_341 = arith.constant 0 : i32
      %dma_start3A_342 = tpu.memref_slice %arg9[%dma_start3A_340, %dma_start3A_341] : memref<10240x128xf32, #tpu.memory_space<vmem_shared>> -> memref<10240x128xf32, #tpu.memory_space<vmem_shared>>
      tpu.enqueue_indirect_dma source(%dma_start3A_336 : memref<80x128xf32, #tpu.memory_space<vmem>>) target(%dma_start3A_342 : memref<10240x128xf32, #tpu.memory_space<vmem_shared>>) offsets(%dma_start3A_339 : memref<80xi32, #tpu.memory_space<vmem>>) semaphore(%arg12 : memref<!tpu.dma_semaphore, #tpu.memory_space<semaphore_mem>>) {add = true}
      %dma_wait3A_343 = arith.constant 1 : i32
      %dma_wait3A_344 = arith.constant 0 : i32
      %dma_wait3A_345 = arith.constant 0 : i32
      %dma_wait3A_346 = tpu.memref_slice %arg7[%dma_wait3A_343, %dma_wait3A_344, %dma_wait3A_345] : memref<3x80x128xf32, #tpu.memory_space<vmem>> -> memref<1x80x128xf32, #tpu.memory_space<vmem>>
      %dma_wait3A_347 = tpu.memref_squeeze %dma_wait3A_346 : memref<1x80x128xf32, #tpu.memory_space<vmem>> -> memref<80x128xf32, #tpu.memory_space<vmem>>
      %dma_wait3A_348 = tpu.memref_slice %arg5[%mul3A_253] : memref<10000xi32, #tpu.memory_space<vmem>> -> memref<80xi32, #tpu.memory_space<vmem>>
      %dma_wait3A_349 = arith.constant 0 : i32
      %dma_wait3A_350 = arith.constant 0 : i32
      %dma_wait3A_351 = tpu.memref_slice %arg2[%dma_wait3A_349, %dma_wait3A_350] : memref<10240x128xf32, #tpu.memory_space<hbm>> -> memref<10240x128xf32, #tpu.memory_space<hbm>>
      tpu.wait_indirect_dma semaphore(%arg11 : memref<!tpu.dma_semaphore, #tpu.memory_space<semaphore_mem>>) src(%dma_wait3A_351 : memref<10240x128xf32, #tpu.memory_space<hbm>>) dst(%dma_wait3A_347 : memref<80x128xf32, #tpu.memory_space<vmem>>)
      %dma_start3A_352 = arith.constant 1 : i32
      %dma_start3A_353 = arith.constant 1 : i32
      %dma_start3A_354 = arith.constant 0 : i32
      %dma_start3A_355 = arith.constant 0 : i32
      %dma_start3A_356 = tpu.memref_slice %arg7[%dma_start3A_352, %dma_start3A_354, %dma_start3A_355] : memref<3x80x128xf32, #tpu.memory_space<vmem>> -> memref<1x80x128xf32, #tpu.memory_space<vmem>>
      %dma_start3A_357 = tpu.memref_squeeze %dma_start3A_356 : memref<1x80x128xf32, #tpu.memory_space<vmem>> -> memref<80x128xf32, #tpu.memory_space<vmem>>
      %dma_start3A_358 = arith.constant 0 : i32
      %dma_start3A_359 = tpu.memref_slice %arg6[%dma_start3A_353, %dma_start3A_358] : memref<3x80xi32, #tpu.memory_space<vmem>> -> memref<1x80xi32, #tpu.memory_space<vmem>>
      %dma_start3A_360 = tpu.memref_squeeze %dma_start3A_359 : memref<1x80xi32, #tpu.memory_space<vmem>> -> memref<80xi32, #tpu.memory_space<vmem>>
      %dma_start3A_361 = arith.constant 0 : i32
      %dma_start3A_362 = arith.constant 0 : i32
      %dma_start3A_363 = tpu.memref_slice %arg9[%dma_start3A_361, %dma_start3A_362] : memref<10240x128xf32, #tpu.memory_space<vmem_shared>> -> memref<10240x128xf32, #tpu.memory_space<vmem_shared>>
      tpu.enqueue_indirect_dma source(%dma_start3A_357 : memref<80x128xf32, #tpu.memory_space<vmem>>) target(%dma_start3A_363 : memref<10240x128xf32, #tpu.memory_space<vmem_shared>>) offsets(%dma_start3A_360 : memref<80xi32, #tpu.memory_space<vmem>>) semaphore(%arg13 : memref<!tpu.dma_semaphore, #tpu.memory_space<semaphore_mem>>) {add = true}
      %dma_wait3A_364 = arith.constant 2 : i32
      %dma_wait3A_365 = arith.constant 0 : i32
      %dma_wait3A_366 = arith.constant 0 : i32
      %dma_wait3A_367 = tpu.memref_slice %arg7[%dma_wait3A_364, %dma_wait3A_365, %dma_wait3A_366] : memref<3x80x128xf32, #tpu.memory_space<vmem>> -> memref<1x80x128xf32, #tpu.memory_space<vmem>>
      %dma_wait3A_368 = tpu.memref_squeeze %dma_wait3A_367 : memref<1x80x128xf32, #tpu.memory_space<vmem>> -> memref<80x128xf32, #tpu.memory_space<vmem>>
      %dma_wait3A_369 = tpu.memref_slice %arg5[%mul3A_285] : memref<10000xi32, #tpu.memory_space<vmem>> -> memref<80xi32, #tpu.memory_space<vmem>>
      %dma_wait3A_370 = arith.constant 0 : i32
      %dma_wait3A_371 = arith.constant 0 : i32
      %dma_wait3A_372 = tpu.memref_slice %arg2[%dma_wait3A_370, %dma_wait3A_371] : memref<10240x128xf32, #tpu.memory_space<hbm>> -> memref<10240x128xf32, #tpu.memory_space<hbm>>
      tpu.wait_indirect_dma semaphore(%arg11 : memref<!tpu.dma_semaphore, #tpu.memory_space<semaphore_mem>>) src(%dma_wait3A_372 : memref<10240x128xf32, #tpu.memory_space<hbm>>) dst(%dma_wait3A_368 : memref<80x128xf32, #tpu.memory_space<vmem>>)
      %dma_start3A_373 = arith.constant 2 : i32
      %dma_start3A_374 = arith.constant 2 : i32
      %dma_start3A_375 = arith.constant 0 : i32
      %dma_start3A_376 = arith.constant 0 : i32
      %dma_start3A_377 = tpu.memref_slice %arg7[%dma_start3A_373, %dma_start3A_375, %dma_start3A_376] : memref<3x80x128xf32, #tpu.memory_space<vmem>> -> memref<1x80x128xf32, #tpu.memory_space<vmem>>
      %dma_start3A_378 = tpu.memref_squeeze %dma_start3A_377 : memref<1x80x128xf32, #tpu.memory_space<vmem>> -> memref<80x128xf32, #tpu.memory_space<vmem>>
      %dma_start3A_379 = arith.constant 0 : i32
      %dma_start3A_380 = tpu.memref_slice %arg6[%dma_start3A_374, %dma_start3A_379] : memref<3x80xi32, #tpu.memory_space<vmem>> -> memref<1x80xi32, #tpu.memory_space<vmem>>
      %dma_start3A_381 = tpu.memref_squeeze %dma_start3A_380 : memref<1x80xi32, #tpu.memory_space<vmem>> -> memref<80xi32, #tpu.memory_space<vmem>>
      %dma_start3A_382 = arith.constant 0 : i32
      %dma_start3A_383 = arith.constant 0 : i32
      %dma_start3A_384 = tpu.memref_slice %arg9[%dma_start3A_382, %dma_start3A_383] : memref<10240x128xf32, #tpu.memory_space<vmem_shared>> -> memref<10240x128xf32, #tpu.memory_space<vmem_shared>>
      tpu.enqueue_indirect_dma source(%dma_start3A_378 : memref<80x128xf32, #tpu.memory_space<vmem>>) target(%dma_start3A_384 : memref<10240x128xf32, #tpu.memory_space<vmem_shared>>) offsets(%dma_start3A_381 : memref<80xi32, #tpu.memory_space<vmem>>) semaphore(%arg14 : memref<!tpu.dma_semaphore, #tpu.memory_space<semaphore_mem>>) {add = true}
    }
    %scan3A_23 = arith.constant 41 : i32
    %dma_wait3A_24 = arith.constant 0 : i32
    %dma_wait3A_25 = arith.constant 0 : i32
    %dma_wait3A_26 = arith.constant 0 : i32
    %dma_wait3A_27 = arith.constant 0 : i32
    %dma_wait3A_28 = tpu.memref_slice %arg7[%dma_wait3A_24, %dma_wait3A_26, %dma_wait3A_27] : memref<3x80x128xf32, #tpu.memory_space<vmem>> -> memref<1x80x128xf32, #tpu.memory_space<vmem>>
    %dma_wait3A_29 = tpu.memref_squeeze %dma_wait3A_28 : memref<1x80x128xf32, #tpu.memory_space<vmem>> -> memref<80x128xf32, #tpu.memory_space<vmem>>
    %dma_wait3A_30 = arith.constant 0 : i32
    %dma_wait3A_31 = tpu.memref_slice %arg6[%dma_wait3A_25, %dma_wait3A_30] : memref<3x80xi32, #tpu.memory_space<vmem>> -> memref<1x80xi32, #tpu.memory_space<vmem>>
    %dma_wait3A_32 = tpu.memref_squeeze %dma_wait3A_31 : memref<1x80xi32, #tpu.memory_space<vmem>> -> memref<80xi32, #tpu.memory_space<vmem>>
    %dma_wait3A_33 = arith.constant 0 : i32
    %dma_wait3A_34 = arith.constant 0 : i32
    %dma_wait3A_35 = tpu.memref_slice %arg9[%dma_wait3A_33, %dma_wait3A_34] : memref<10240x128xf32, #tpu.memory_space<vmem_shared>> -> memref<10240x128xf32, #tpu.memory_space<vmem_shared>>
    tpu.wait_indirect_dma semaphore(%arg12 : memref<!tpu.dma_semaphore, #tpu.memory_space<semaphore_mem>>) src(%dma_wait3A_29 : memref<80x128xf32, #tpu.memory_space<vmem>>) dst(%dma_wait3A_35 : memref<10240x128xf32, #tpu.memory_space<vmem_shared>>)
    %add3A_36 = arith.constant 320000 : i32
    %add3A_37 = arith.addi %add3A_36, %mul3A_2 : i32
    %add3A_38 = arith.constant 9840 : i32
    %add3A_39 = arith.addi %add3A_37, %add3A_38 : i32
    %dma_start3A_40 = arith.constant 0 : i32
    %dma_start3A_41 = arith.constant 0 : i32
    %dma_start3A_42 = tpu.memref_slice %arg6[%dma_start3A_40, %dma_start3A_41] : memref<3x80xi32, #tpu.memory_space<vmem>> -> memref<1x80xi32, #tpu.memory_space<vmem>>
    %dma_start3A_43 = tpu.memref_squeeze %dma_start3A_42 : memref<1x80xi32, #tpu.memory_space<vmem>> -> memref<80xi32, #tpu.memory_space<vmem>>
    %dma_start3A_44 = tpu.memref_slice %arg3[%add3A_39] : memref<640000xi32, #tpu.memory_space<hbm>> -> memref<80xi32, #tpu.memory_space<hbm>>
    %dma_start3A_45 = arith.constant 0 : i32
    %dma_start3A_46 = tpu.memref_slice %arg6[%dma_start3A_40, %dma_start3A_45] : memref<3x80xi32, #tpu.memory_space<vmem>> -> memref<1x80xi32, #tpu.memory_space<vmem>>
    %dma_start3A_47 = tpu.memref_squeeze %dma_start3A_46 : memref<1x80xi32, #tpu.memory_space<vmem>> -> memref<80xi32, #tpu.memory_space<vmem>>
    %dma_start3A_48 = tpu.memref_slice %arg3[%add3A_39] : memref<640000xi32, #tpu.memory_space<hbm>> -> memref<80xi32, #tpu.memory_space<hbm>>
    tpu.enqueue_dma source(%dma_start3A_48 : memref<80xi32, #tpu.memory_space<hbm>>) target(%dma_start3A_47 : memref<80xi32, #tpu.memory_space<vmem>>) target_semaphore(%arg10 : memref<!tpu.dma_semaphore, #tpu.memory_space<semaphore_mem>>)
    %dma_start3A_49 = arith.constant 0 : i32
    %dma_start3A_50 = arith.constant 0 : i32
    %dma_start3A_51 = arith.constant 0 : i32
    %dma_start3A_52 = tpu.memref_slice %arg7[%dma_start3A_49, %dma_start3A_50, %dma_start3A_51] : memref<3x80x128xf32, #tpu.memory_space<vmem>> -> memref<1x80x128xf32, #tpu.memory_space<vmem>>
    %dma_start3A_53 = tpu.memref_squeeze %dma_start3A_52 : memref<1x80x128xf32, #tpu.memory_space<vmem>> -> memref<80x128xf32, #tpu.memory_space<vmem>>
    %dma_start3A_54 = arith.constant 9840 : i32
    %dma_start3A_55 = tpu.memref_slice %arg5[%dma_start3A_54] : memref<10000xi32, #tpu.memory_space<vmem>> -> memref<80xi32, #tpu.memory_space<vmem>>
    %dma_start3A_56 = arith.constant 0 : i32
    %dma_start3A_57 = arith.constant 0 : i32
    %dma_start3A_58 = tpu.memref_slice %arg2[%dma_start3A_56, %dma_start3A_57] : memref<10240x128xf32, #tpu.memory_space<hbm>> -> memref<10240x128xf32, #tpu.memory_space<hbm>>
    tpu.enqueue_indirect_dma source(%dma_start3A_58 : memref<10240x128xf32, #tpu.memory_space<hbm>>) target(%dma_start3A_53 : memref<80x128xf32, #tpu.memory_space<vmem>>) offsets(%dma_start3A_55 : memref<80xi32, #tpu.memory_space<vmem>>) semaphore(%arg11 : memref<!tpu.dma_semaphore, #tpu.memory_space<semaphore_mem>>)
    %dma_wait3A_59 = arith.constant 1 : i32
    %dma_wait3A_60 = arith.constant 1 : i32
    %dma_wait3A_61 = arith.constant 0 : i32
    %dma_wait3A_62 = arith.constant 0 : i32
    %dma_wait3A_63 = tpu.memref_slice %arg7[%dma_wait3A_59, %dma_wait3A_61, %dma_wait3A_62] : memref<3x80x128xf32, #tpu.memory_space<vmem>> -> memref<1x80x128xf32, #tpu.memory_space<vmem>>
    %dma_wait3A_64 = tpu.memref_squeeze %dma_wait3A_63 : memref<1x80x128xf32, #tpu.memory_space<vmem>> -> memref<80x128xf32, #tpu.memory_space<vmem>>
    %dma_wait3A_65 = arith.constant 0 : i32
    %dma_wait3A_66 = tpu.memref_slice %arg6[%dma_wait3A_60, %dma_wait3A_65] : memref<3x80xi32, #tpu.memory_space<vmem>> -> memref<1x80xi32, #tpu.memory_space<vmem>>
    %dma_wait3A_67 = tpu.memref_squeeze %dma_wait3A_66 : memref<1x80xi32, #tpu.memory_space<vmem>> -> memref<80xi32, #tpu.memory_space<vmem>>
    %dma_wait3A_68 = arith.constant 0 : i32
    %dma_wait3A_69 = arith.constant 0 : i32
    %dma_wait3A_70 = tpu.memref_slice %arg9[%dma_wait3A_68, %dma_wait3A_69] : memref<10240x128xf32, #tpu.memory_space<vmem_shared>> -> memref<10240x128xf32, #tpu.memory_space<vmem_shared>>
    tpu.wait_indirect_dma semaphore(%arg13 : memref<!tpu.dma_semaphore, #tpu.memory_space<semaphore_mem>>) src(%dma_wait3A_64 : memref<80x128xf32, #tpu.memory_space<vmem>>) dst(%dma_wait3A_70 : memref<10240x128xf32, #tpu.memory_space<vmem_shared>>)
    %add3A_71 = arith.constant 320000 : i32
    %add3A_72 = arith.addi %add3A_71, %mul3A_2 : i32
    %add3A_73 = arith.constant 9920 : i32
    %add3A_74 = arith.addi %add3A_72, %add3A_73 : i32
    %dma_start3A_75 = arith.constant 1 : i32
    %dma_start3A_76 = arith.constant 0 : i32
    %dma_start3A_77 = tpu.memref_slice %arg6[%dma_start3A_75, %dma_start3A_76] : memref<3x80xi32, #tpu.memory_space<vmem>> -> memref<1x80xi32, #tpu.memory_space<vmem>>
    %dma_start3A_78 = tpu.memref_squeeze %dma_start3A_77 : memref<1x80xi32, #tpu.memory_space<vmem>> -> memref<80xi32, #tpu.memory_space<vmem>>
    %dma_start3A_79 = tpu.memref_slice %arg3[%add3A_74] : memref<640000xi32, #tpu.memory_space<hbm>> -> memref<80xi32, #tpu.memory_space<hbm>>
    %dma_start3A_80 = arith.constant 0 : i32
    %dma_start3A_81 = tpu.memref_slice %arg6[%dma_start3A_75, %dma_start3A_80] : memref<3x80xi32, #tpu.memory_space<vmem>> -> memref<1x80xi32, #tpu.memory_space<vmem>>
    %dma_start3A_82 = tpu.memref_squeeze %dma_start3A_81 : memref<1x80xi32, #tpu.memory_space<vmem>> -> memref<80xi32, #tpu.memory_space<vmem>>
    %dma_start3A_83 = tpu.memref_slice %arg3[%add3A_74] : memref<640000xi32, #tpu.memory_space<hbm>> -> memref<80xi32, #tpu.memory_space<hbm>>
    tpu.enqueue_dma source(%dma_start3A_83 : memref<80xi32, #tpu.memory_space<hbm>>) target(%dma_start3A_82 : memref<80xi32, #tpu.memory_space<vmem>>) target_semaphore(%arg10 : memref<!tpu.dma_semaphore, #tpu.memory_space<semaphore_mem>>)
    %dma_start3A_84 = arith.constant 1 : i32
    %dma_start3A_85 = arith.constant 0 : i32
    %dma_start3A_86 = arith.constant 0 : i32
    %dma_start3A_87 = tpu.memref_slice %arg7[%dma_start3A_84, %dma_start3A_85, %dma_start3A_86] : memref<3x80x128xf32, #tpu.memory_space<vmem>> -> memref<1x80x128xf32, #tpu.memory_space<vmem>>
    %dma_start3A_88 = tpu.memref_squeeze %dma_start3A_87 : memref<1x80x128xf32, #tpu.memory_space<vmem>> -> memref<80x128xf32, #tpu.memory_space<vmem>>
    %dma_start3A_89 = arith.constant 9920 : i32
    %dma_start3A_90 = tpu.memref_slice %arg5[%dma_start3A_89] : memref<10000xi32, #tpu.memory_space<vmem>> -> memref<80xi32, #tpu.memory_space<vmem>>
    %dma_start3A_91 = arith.constant 0 : i32
    %dma_start3A_92 = arith.constant 0 : i32
    %dma_start3A_93 = tpu.memref_slice %arg2[%dma_start3A_91, %dma_start3A_92] : memref<10240x128xf32, #tpu.memory_space<hbm>> -> memref<10240x128xf32, #tpu.memory_space<hbm>>
    tpu.enqueue_indirect_dma source(%dma_start3A_93 : memref<10240x128xf32, #tpu.memory_space<hbm>>) target(%dma_start3A_88 : memref<80x128xf32, #tpu.memory_space<vmem>>) offsets(%dma_start3A_90 : memref<80xi32, #tpu.memory_space<vmem>>) semaphore(%arg11 : memref<!tpu.dma_semaphore, #tpu.memory_space<semaphore_mem>>)
    %dma_wait3A_94 = arith.constant 0 : i32
    %dma_wait3A_95 = arith.constant 0 : i32
    %dma_wait3A_96 = tpu.memref_slice %arg6[%dma_wait3A_94, %dma_wait3A_95] : memref<3x80xi32, #tpu.memory_space<vmem>> -> memref<1x80xi32, #tpu.memory_space<vmem>>
    %dma_wait3A_97 = tpu.memref_squeeze %dma_wait3A_96 : memref<1x80xi32, #tpu.memory_space<vmem>> -> memref<80xi32, #tpu.memory_space<vmem>>
    %dma_wait3A_98 = tpu.memref_slice %arg3[%add3A_39] : memref<640000xi32, #tpu.memory_space<hbm>> -> memref<80xi32, #tpu.memory_space<hbm>>
    %dma_wait3A_99 = arith.constant 0 : i32
    %dma_wait3A_100 = tpu.memref_slice %arg6[%dma_wait3A_94, %dma_wait3A_99] : memref<3x80xi32, #tpu.memory_space<vmem>> -> memref<1x80xi32, #tpu.memory_space<vmem>>
    %dma_wait3A_101 = tpu.memref_squeeze %dma_wait3A_100 : memref<1x80xi32, #tpu.memory_space<vmem>> -> memref<80xi32, #tpu.memory_space<vmem>>
    %dma_wait3A_102 = tpu.memref_slice %arg3[%add3A_39] : memref<640000xi32, #tpu.memory_space<hbm>> -> memref<80xi32, #tpu.memory_space<hbm>>
    tpu.wait_dma2 semaphore(%arg10 : memref<!tpu.dma_semaphore, #tpu.memory_space<semaphore_mem>>) src(%dma_wait3A_102 : memref<80xi32, #tpu.memory_space<hbm>>) dst(%dma_wait3A_101 : memref<80xi32, #tpu.memory_space<vmem>>)
    %dma_wait3A_103 = arith.constant 1 : i32
    %dma_wait3A_104 = arith.constant 0 : i32
    %dma_wait3A_105 = tpu.memref_slice %arg6[%dma_wait3A_103, %dma_wait3A_104] : memref<3x80xi32, #tpu.memory_space<vmem>> -> memref<1x80xi32, #tpu.memory_space<vmem>>
    %dma_wait3A_106 = tpu.memref_squeeze %dma_wait3A_105 : memref<1x80xi32, #tpu.memory_space<vmem>> -> memref<80xi32, #tpu.memory_space<vmem>>
    %dma_wait3A_107 = tpu.memref_slice %arg3[%add3A_74] : memref<640000xi32, #tpu.memory_space<hbm>> -> memref<80xi32, #tpu.memory_space<hbm>>
    %dma_wait3A_108 = arith.constant 0 : i32
    %dma_wait3A_109 = tpu.memref_slice %arg6[%dma_wait3A_103, %dma_wait3A_108] : memref<3x80xi32, #tpu.memory_space<vmem>> -> memref<1x80xi32, #tpu.memory_space<vmem>>
    %dma_wait3A_110 = tpu.memref_squeeze %dma_wait3A_109 : memref<1x80xi32, #tpu.memory_space<vmem>> -> memref<80xi32, #tpu.memory_space<vmem>>
    %dma_wait3A_111 = tpu.memref_slice %arg3[%add3A_74] : memref<640000xi32, #tpu.memory_space<hbm>> -> memref<80xi32, #tpu.memory_space<hbm>>
    tpu.wait_dma2 semaphore(%arg10 : memref<!tpu.dma_semaphore, #tpu.memory_space<semaphore_mem>>) src(%dma_wait3A_111 : memref<80xi32, #tpu.memory_space<hbm>>) dst(%dma_wait3A_110 : memref<80xi32, #tpu.memory_space<vmem>>)
    %dma_wait3A_112 = arith.constant 0 : i32
    %dma_wait3A_113 = arith.constant 0 : i32
    %dma_wait3A_114 = arith.constant 0 : i32
    %dma_wait3A_115 = tpu.memref_slice %arg7[%dma_wait3A_112, %dma_wait3A_113, %dma_wait3A_114] : memref<3x80x128xf32, #tpu.memory_space<vmem>> -> memref<1x80x128xf32, #tpu.memory_space<vmem>>
    %dma_wait3A_116 = tpu.memref_squeeze %dma_wait3A_115 : memref<1x80x128xf32, #tpu.memory_space<vmem>> -> memref<80x128xf32, #tpu.memory_space<vmem>>
    %dma_wait3A_117 = arith.constant 9840 : i32
    %dma_wait3A_118 = tpu.memref_slice %arg5[%dma_wait3A_117] : memref<10000xi32, #tpu.memory_space<vmem>> -> memref<80xi32, #tpu.memory_space<vmem>>
    %dma_wait3A_119 = arith.constant 0 : i32
    %dma_wait3A_120 = arith.constant 0 : i32
    %dma_wait3A_121 = tpu.memref_slice %arg2[%dma_wait3A_119, %dma_wait3A_120] : memref<10240x128xf32, #tpu.memory_space<hbm>> -> memref<10240x128xf32, #tpu.memory_space<hbm>>
    tpu.wait_indirect_dma semaphore(%arg11 : memref<!tpu.dma_semaphore, #tpu.memory_space<semaphore_mem>>) src(%dma_wait3A_121 : memref<10240x128xf32, #tpu.memory_space<hbm>>) dst(%dma_wait3A_116 : memref<80x128xf32, #tpu.memory_space<vmem>>)
    %dma_start3A_122 = arith.constant 0 : i32
    %dma_start3A_123 = arith.constant 0 : i32
    %dma_start3A_124 = arith.constant 0 : i32
    %dma_start3A_125 = arith.constant 0 : i32
    %dma_start3A_126 = tpu.memref_slice %arg7[%dma_start3A_122, %dma_start3A_124, %dma_start3A_125] : memref<3x80x128xf32, #tpu.memory_space<vmem>> -> memref<1x80x128xf32, #tpu.memory_space<vmem>>
    %dma_start3A_127 = tpu.memref_squeeze %dma_start3A_126 : memref<1x80x128xf32, #tpu.memory_space<vmem>> -> memref<80x128xf32, #tpu.memory_space<vmem>>
    %dma_start3A_128 = arith.constant 0 : i32
    %dma_start3A_129 = tpu.memref_slice %arg6[%dma_start3A_123, %dma_start3A_128] : memref<3x80xi32, #tpu.memory_space<vmem>> -> memref<1x80xi32, #tpu.memory_space<vmem>>
    %dma_start3A_130 = tpu.memref_squeeze %dma_start3A_129 : memref<1x80xi32, #tpu.memory_space<vmem>> -> memref<80xi32, #tpu.memory_space<vmem>>
    %dma_start3A_131 = arith.constant 0 : i32
    %dma_start3A_132 = arith.constant 0 : i32
    %dma_start3A_133 = tpu.memref_slice %arg9[%dma_start3A_131, %dma_start3A_132] : memref<10240x128xf32, #tpu.memory_space<vmem_shared>> -> memref<10240x128xf32, #tpu.memory_space<vmem_shared>>
    tpu.enqueue_indirect_dma source(%dma_start3A_127 : memref<80x128xf32, #tpu.memory_space<vmem>>) target(%dma_start3A_133 : memref<10240x128xf32, #tpu.memory_space<vmem_shared>>) offsets(%dma_start3A_130 : memref<80xi32, #tpu.memory_space<vmem>>) semaphore(%arg12 : memref<!tpu.dma_semaphore, #tpu.memory_space<semaphore_mem>>) {add = true}
    %dma_wait3A_134 = arith.constant 1 : i32
    %dma_wait3A_135 = arith.constant 0 : i32
    %dma_wait3A_136 = arith.constant 0 : i32
    %dma_wait3A_137 = tpu.memref_slice %arg7[%dma_wait3A_134, %dma_wait3A_135, %dma_wait3A_136] : memref<3x80x128xf32, #tpu.memory_space<vmem>> -> memref<1x80x128xf32, #tpu.memory_space<vmem>>
    %dma_wait3A_138 = tpu.memref_squeeze %dma_wait3A_137 : memref<1x80x128xf32, #tpu.memory_space<vmem>> -> memref<80x128xf32, #tpu.memory_space<vmem>>
    %dma_wait3A_139 = arith.constant 9920 : i32
    %dma_wait3A_140 = tpu.memref_slice %arg5[%dma_wait3A_139] : memref<10000xi32, #tpu.memory_space<vmem>> -> memref<80xi32, #tpu.memory_space<vmem>>
    %dma_wait3A_141 = arith.constant 0 : i32
    %dma_wait3A_142 = arith.constant 0 : i32
    %dma_wait3A_143 = tpu.memref_slice %arg2[%dma_wait3A_141, %dma_wait3A_142] : memref<10240x128xf32, #tpu.memory_space<hbm>> -> memref<10240x128xf32, #tpu.memory_space<hbm>>
    tpu.wait_indirect_dma semaphore(%arg11 : memref<!tpu.dma_semaphore, #tpu.memory_space<semaphore_mem>>) src(%dma_wait3A_143 : memref<10240x128xf32, #tpu.memory_space<hbm>>) dst(%dma_wait3A_138 : memref<80x128xf32, #tpu.memory_space<vmem>>)
    %dma_start3A_144 = arith.constant 1 : i32
    %dma_start3A_145 = arith.constant 1 : i32
    %dma_start3A_146 = arith.constant 0 : i32
    %dma_start3A_147 = arith.constant 0 : i32
    %dma_start3A_148 = tpu.memref_slice %arg7[%dma_start3A_144, %dma_start3A_146, %dma_start3A_147] : memref<3x80x128xf32, #tpu.memory_space<vmem>> -> memref<1x80x128xf32, #tpu.memory_space<vmem>>
    %dma_start3A_149 = tpu.memref_squeeze %dma_start3A_148 : memref<1x80x128xf32, #tpu.memory_space<vmem>> -> memref<80x128xf32, #tpu.memory_space<vmem>>
    %dma_start3A_150 = arith.constant 0 : i32
    %dma_start3A_151 = tpu.memref_slice %arg6[%dma_start3A_145, %dma_start3A_150] : memref<3x80xi32, #tpu.memory_space<vmem>> -> memref<1x80xi32, #tpu.memory_space<vmem>>
    %dma_start3A_152 = tpu.memref_squeeze %dma_start3A_151 : memref<1x80xi32, #tpu.memory_space<vmem>> -> memref<80xi32, #tpu.memory_space<vmem>>
    %dma_start3A_153 = arith.constant 0 : i32
    %dma_start3A_154 = arith.constant 0 : i32
    %dma_start3A_155 = tpu.memref_slice %arg9[%dma_start3A_153, %dma_start3A_154] : memref<10240x128xf32, #tpu.memory_space<vmem_shared>> -> memref<10240x128xf32, #tpu.memory_space<vmem_shared>>
    tpu.enqueue_indirect_dma source(%dma_start3A_149 : memref<80x128xf32, #tpu.memory_space<vmem>>) target(%dma_start3A_155 : memref<10240x128xf32, #tpu.memory_space<vmem_shared>>) offsets(%dma_start3A_152 : memref<80xi32, #tpu.memory_space<vmem>>) semaphore(%arg13 : memref<!tpu.dma_semaphore, #tpu.memory_space<semaphore_mem>>) {add = true}
    %dma_wait3A_156 = arith.constant 0 : i32
    %dma_wait3A_157 = arith.constant 0 : i32
    %dma_wait3A_158 = arith.constant 0 : i32
    %dma_wait3A_159 = arith.constant 0 : i32
    %dma_wait3A_160 = tpu.memref_slice %arg7[%dma_wait3A_156, %dma_wait3A_158, %dma_wait3A_159] : memref<3x80x128xf32, #tpu.memory_space<vmem>> -> memref<1x80x128xf32, #tpu.memory_space<vmem>>
    %dma_wait3A_161 = tpu.memref_squeeze %dma_wait3A_160 : memref<1x80x128xf32, #tpu.memory_space<vmem>> -> memref<80x128xf32, #tpu.memory_space<vmem>>
    %dma_wait3A_162 = arith.constant 0 : i32
    %dma_wait3A_163 = tpu.memref_slice %arg6[%dma_wait3A_157, %dma_wait3A_162] : memref<3x80xi32, #tpu.memory_space<vmem>> -> memref<1x80xi32, #tpu.memory_space<vmem>>
    %dma_wait3A_164 = tpu.memref_squeeze %dma_wait3A_163 : memref<1x80xi32, #tpu.memory_space<vmem>> -> memref<80xi32, #tpu.memory_space<vmem>>
    %dma_wait3A_165 = arith.constant 0 : i32
    %dma_wait3A_166 = arith.constant 0 : i32
    %dma_wait3A_167 = tpu.memref_slice %arg9[%dma_wait3A_165, %dma_wait3A_166] : memref<10240x128xf32, #tpu.memory_space<vmem_shared>> -> memref<10240x128xf32, #tpu.memory_space<vmem_shared>>
    tpu.wait_indirect_dma semaphore(%arg12 : memref<!tpu.dma_semaphore, #tpu.memory_space<semaphore_mem>>) src(%dma_wait3A_161 : memref<80x128xf32, #tpu.memory_space<vmem>>) dst(%dma_wait3A_167 : memref<10240x128xf32, #tpu.memory_space<vmem_shared>>)
    %dma_wait3A_168 = arith.constant 1 : i32
    %dma_wait3A_169 = arith.constant 1 : i32
    %dma_wait3A_170 = arith.constant 0 : i32
    %dma_wait3A_171 = arith.constant 0 : i32
    %dma_wait3A_172 = tpu.memref_slice %arg7[%dma_wait3A_168, %dma_wait3A_170, %dma_wait3A_171] : memref<3x80x128xf32, #tpu.memory_space<vmem>> -> memref<1x80x128xf32, #tpu.memory_space<vmem>>
    %dma_wait3A_173 = tpu.memref_squeeze %dma_wait3A_172 : memref<1x80x128xf32, #tpu.memory_space<vmem>> -> memref<80x128xf32, #tpu.memory_space<vmem>>
    %dma_wait3A_174 = arith.constant 0 : i32
    %dma_wait3A_175 = tpu.memref_slice %arg6[%dma_wait3A_169, %dma_wait3A_174] : memref<3x80xi32, #tpu.memory_space<vmem>> -> memref<1x80xi32, #tpu.memory_space<vmem>>
    %dma_wait3A_176 = tpu.memref_squeeze %dma_wait3A_175 : memref<1x80xi32, #tpu.memory_space<vmem>> -> memref<80xi32, #tpu.memory_space<vmem>>
    %dma_wait3A_177 = arith.constant 0 : i32
    %dma_wait3A_178 = arith.constant 0 : i32
    %dma_wait3A_179 = tpu.memref_slice %arg9[%dma_wait3A_177, %dma_wait3A_178] : memref<10240x128xf32, #tpu.memory_space<vmem_shared>> -> memref<10240x128xf32, #tpu.memory_space<vmem_shared>>
    tpu.wait_indirect_dma semaphore(%arg13 : memref<!tpu.dma_semaphore, #tpu.memory_space<semaphore_mem>>) src(%dma_wait3A_173 : memref<80x128xf32, #tpu.memory_space<vmem>>) dst(%dma_wait3A_179 : memref<10240x128xf32, #tpu.memory_space<vmem_shared>>)
    %dma_wait3A_180 = arith.constant 2 : i32
    %dma_wait3A_181 = arith.constant 2 : i32
    %dma_wait3A_182 = arith.constant 0 : i32
    %dma_wait3A_183 = arith.constant 0 : i32
    %dma_wait3A_184 = tpu.memref_slice %arg7[%dma_wait3A_180, %dma_wait3A_182, %dma_wait3A_183] : memref<3x80x128xf32, #tpu.memory_space<vmem>> -> memref<1x80x128xf32, #tpu.memory_space<vmem>>
    %dma_wait3A_185 = tpu.memref_squeeze %dma_wait3A_184 : memref<1x80x128xf32, #tpu.memory_space<vmem>> -> memref<80x128xf32, #tpu.memory_space<vmem>>
    %dma_wait3A_186 = arith.constant 0 : i32
    %dma_wait3A_187 = tpu.memref_slice %arg6[%dma_wait3A_181, %dma_wait3A_186] : memref<3x80xi32, #tpu.memory_space<vmem>> -> memref<1x80xi32, #tpu.memory_space<vmem>>
    %dma_wait3A_188 = tpu.memref_squeeze %dma_wait3A_187 : memref<1x80xi32, #tpu.memory_space<vmem>> -> memref<80xi32, #tpu.memory_space<vmem>>
    %dma_wait3A_189 = arith.constant 0 : i32
    %dma_wait3A_190 = arith.constant 0 : i32
    %dma_wait3A_191 = tpu.memref_slice %arg9[%dma_wait3A_189, %dma_wait3A_190] : memref<10240x128xf32, #tpu.memory_space<vmem_shared>> -> memref<10240x128xf32, #tpu.memory_space<vmem_shared>>
    tpu.wait_indirect_dma semaphore(%arg14 : memref<!tpu.dma_semaphore, #tpu.memory_space<semaphore_mem>>) src(%dma_wait3A_185 : memref<80x128xf32, #tpu.memory_space<vmem>>) dst(%dma_wait3A_191 : memref<10240x128xf32, #tpu.memory_space<vmem_shared>>)
    %barrier3A_192 = arith.constant 0 : index
    tpu.barrier barrier_id(%barrier3A_192)
    %mul3A_193 = arith.constant 640 : i32
    %mul3A_194 = arith.muli %arg1, %mul3A_193 : i32
    %mul3A_195 = arith.constant 640 : i32
    %mul3A_196 = arith.muli %arg1, %mul3A_195 : i32
    "tpu.region"() ({
      %run_scoped3A = tpu.sem_alloc : memref<!tpu.dma_semaphore, #tpu.memory_space<semaphore_mem>>
      %dma_start3A_197 = arith.constant 0 : i32
      %dma_start3A_198 = tpu.memref_slice %arg4[%arg0, %mul3A_196, %dma_start3A_197] : memref<2x10240x128xf32, #tpu.memory_space<hbm>> -> memref<1x640x128xf32, #tpu.memory_space<hbm>>
      %dma_start3A_199 = tpu.memref_squeeze %dma_start3A_198 : memref<1x640x128xf32, #tpu.memory_space<hbm>> -> memref<640x128xf32, #tpu.memory_space<hbm>>
      %dma_start3A_200 = arith.constant 0 : i32
      %dma_start3A_201 = tpu.memref_slice %arg9[%mul3A_194, %dma_start3A_200] : memref<10240x128xf32, #tpu.memory_space<vmem_shared>> -> memref<640x128xf32, #tpu.memory_space<vmem_shared>>
      tpu.enqueue_dma source(%dma_start3A_201 : memref<640x128xf32, #tpu.memory_space<vmem_shared>>) target(%dma_start3A_199 : memref<640x128xf32, #tpu.memory_space<hbm>>) target_semaphore(%run_scoped3A : memref<!tpu.dma_semaphore, #tpu.memory_space<semaphore_mem>>)
      %dma_wait3A_202 = arith.constant 0 : i32
      %dma_wait3A_203 = tpu.memref_slice %arg4[%arg0, %mul3A_196, %dma_wait3A_202] : memref<2x10240x128xf32, #tpu.memory_space<hbm>> -> memref<1x640x128xf32, #tpu.memory_space<hbm>>
      %dma_wait3A_204 = tpu.memref_squeeze %dma_wait3A_203 : memref<1x640x128xf32, #tpu.memory_space<hbm>> -> memref<640x128xf32, #tpu.memory_space<hbm>>
      %dma_wait3A_205 = arith.constant 0 : i32
      %dma_wait3A_206 = tpu.memref_slice %arg9[%mul3A_194, %dma_wait3A_205] : memref<10240x128xf32, #tpu.memory_space<vmem_shared>> -> memref<640x128xf32, #tpu.memory_space<vmem_shared>>
      tpu.wait_dma2 semaphore(%run_scoped3A : memref<!tpu.dma_semaphore, #tpu.memory_space<semaphore_mem>>) src(%dma_wait3A_206 : memref<640x128xf32, #tpu.memory_space<vmem_shared>>) dst(%dma_wait3A_204 : memref<640x128xf32, #tpu.memory_space<hbm>>)
      tpu.yield
    }) : () -> ()
    return
  }
}

#map = affine_map<(d0, d1) -> (0, 0)>
#map1 = affine_map<(d0, d1) -> (0)>
#map2 = affine_map<(d0, d1) -> (0, 0, 0)>
module attributes {stable_mosaic.version = 14 : i64} {
  func.func @prop_kernel(%arg0: i32, %arg1: i32, %arg2: memref<10240x128xf32, #tpu.memory_space<hbm>>, %arg3: memref<640000xi32, #tpu.memory_space<hbm>>, %arg4: memref<2x10240x128xf32, #tpu.memory_space<hbm>>, %arg5: memref<10000xi32, #tpu.memory_space<vmem>>, %arg6: memref<3x80xi32, #tpu.memory_space<vmem>>, %arg7: memref<3x80x128xf32, #tpu.memory_space<vmem>>, %arg8: memref<16x128xf32, #tpu.memory_space<vmem>>, %arg9: memref<10240x128xf32, #tpu.memory_space<vmem_shared>>, %arg10: memref<!tpu.dma_semaphore, #tpu.memory_space<semaphore_mem>>, %arg11: memref<!tpu.dma_semaphore, #tpu.memory_space<semaphore_mem>>, %arg12: memref<!tpu.dma_semaphore, #tpu.memory_space<semaphore_mem>>, %arg13: memref<!tpu.dma_semaphore, #tpu.memory_space<semaphore_mem>>, %arg14: memref<!tpu.dma_semaphore, #tpu.memory_space<semaphore_mem>>) attributes {dimension_semantics = [#tpu.dimension_semantics<core_parallel>, #tpu.dimension_semantics<subcore_parallel>], iteration_bounds = array<i64: 2, 16>, scalar_prefetch = 0 : i64, scratch_operands = 10 : i64, tpu.core_type = #tpu.core_type<sc_vector_subcore>, window_params = [{transform_indices = #map}, {transform_indices = #map1}, {transform_indices = #map2}]} {
    %mul3A = arith.constant 16 : i32
    %mul3A_0 = arith.muli %arg0, %mul3A : i32
    %add3A = arith.addi %mul3A_0, %arg1 : i32
    %mul3A_1 = arith.constant 10000 : i32
    %mul3A_2 = arith.muli %add3A, %mul3A_1 : i32
    %dma_start3A = tpu.memref_slice %arg3[%mul3A_2] : memref<640000xi32, #tpu.memory_space<hbm>> -> memref<10000xi32, #tpu.memory_space<hbm>>
    %dma_start3A_3 = tpu.memref_slice %arg3[%mul3A_2] : memref<640000xi32, #tpu.memory_space<hbm>> -> memref<10000xi32, #tpu.memory_space<hbm>>
    tpu.enqueue_dma source(%dma_start3A_3 : memref<10000xi32, #tpu.memory_space<hbm>>) target(%arg5 : memref<10000xi32, #tpu.memory_space<vmem>>) target_semaphore(%arg10 : memref<!tpu.dma_semaphore, #tpu.memory_space<semaphore_mem>>)
    %scan3A = arith.constant 0 : i32
    %scan3A_4 = arith.constant 16 : i32
    %scan3A_5 = arith.addi %scan3A, %scan3A_4 : i32
    %scan3A_6 = arith.constant 1 : i32
    scf.for %scan3A_197 = %scan3A to %scan3A_5 step %scan3A_6  : i32 {
      %mul3A_198 = arith.constant 1 : i32
      %mul3A_199 = arith.muli %scan3A_197, %mul3A_198 : i32
      %add3A_200 = arith.constant 0 : i32
      %add3A_201 = arith.addi %add3A_200, %mul3A_199 : i32
      %scan3A_202 = arith.constant 0 : i32
      %scan3A_203 = arith.constant 8 : i32
      %scan3A_204 = arith.addi %scan3A_202, %scan3A_203 : i32
      %scan3A_205 = arith.constant 1 : i32
      scf.for %scan3A_207 = %scan3A_202 to %scan3A_204 step %scan3A_205  : i32 {
        %mul3A_208 = arith.constant 1 : i32
        %mul3A_209 = arith.muli %scan3A_207, %mul3A_208 : i32
        %add3A_210 = arith.constant 0 : i32
        %add3A_211 = arith.addi %add3A_210, %mul3A_209 : i32
        %broadcast_in_dim3A = arith.constant 0.000000e+00 : f32
        %broadcast_in_dim3A_212 = vector.broadcast %broadcast_in_dim3A : f32 to vector<16xf32>
        %mul3A_213 = arith.constant 16 : i32
        %mul3A_214 = arith.muli %add3A_211, %mul3A_213 : i32
        %swap3A = arith.index_cast %add3A_201 : i32 to index
        %swap3A_215 = arith.index_cast %mul3A_214 : i32 to index
        %swap3A_216 = tpu.vector_load %arg8[%swap3A, %swap3A_215] {strides = array<i32>} : memref<16x128xf32, #tpu.memory_space<vmem>>, vector<1x16xf32>,
        %swap3A_217 = vector.shape_cast %swap3A_216 : vector<1x16xf32> to vector<16xf32>
        %swap3A_218 = vector.shape_cast %broadcast_in_dim3A_212 : vector<16xf32> to vector<1x16xf32>
        tpu.vector_store %arg8[%swap3A, %swap3A_215], %swap3A_218 {strides = array<i32>} : memref<16x128xf32, #tpu.memory_space<vmem>>, vector<1x16xf32>,
      }
      %scan3A_206 = arith.constant 8 : i32
    }
    %scan3A_7 = arith.constant 16 : i32
    %scan3A_8 = arith.constant 0 : i32
    %scan3A_9 = arith.constant 40 : i32
    %scan3A_10 = arith.addi %scan3A_8, %scan3A_9 : i32
    %scan3A_11 = arith.constant 1 : i32
    scf.for %scan3A_197 = %scan3A_8 to %scan3A_10 step %scan3A_11  : i32 {
      %mul3A_198 = arith.constant 1 : i32
      %mul3A_199 = arith.muli %scan3A_197, %mul3A_198 : i32
      %add3A_200 = arith.constant 0 : i32
      %add3A_201 = arith.addi %add3A_200, %mul3A_199 : i32
      %mul3A_202 = arith.constant 640 : i32
      %mul3A_203 = arith.muli %arg1, %mul3A_202 : i32
      %mul3A_204 = arith.constant 16 : i32
      %mul3A_205 = arith.muli %add3A_201, %mul3A_204 : i32
      %add3A_206 = arith.addi %mul3A_203, %mul3A_205 : i32
      %dma_start3A_207 = arith.constant 0 : i32
      %dma_start3A_208 = tpu.memref_slice %arg9[%add3A_206, %dma_start3A_207] : memref<10240x128xf32, #tpu.memory_space<vmem_shared>> -> memref<16x128xf32, #tpu.memory_space<vmem_shared>>
      %dma_start3A_209 = arith.constant 0 : i32
      %dma_start3A_210 = tpu.memref_slice %arg9[%add3A_206, %dma_start3A_209] : memref<10240x128xf32, #tpu.memory_space<vmem_shared>> -> memref<16x128xf32, #tpu.memory_space<vmem_shared>>
      tpu.enqueue_dma source(%arg8 : memref<16x128xf32, #tpu.memory_space<vmem>>) target(%dma_start3A_210 : memref<16x128xf32, #tpu.memory_space<vmem_shared>>) target_semaphore(%arg11 : memref<!tpu.dma_semaphore, #tpu.memory_space<semaphore_mem>>)
    }
    %scan3A_12 = arith.constant 40 : i32
    %scan3A_13 = arith.constant 0 : i32
    %scan3A_14 = arith.constant 40 : i32
    %scan3A_15 = arith.addi %scan3A_13, %scan3A_14 : i32
    %scan3A_16 = arith.constant 1 : i32
    scf.for %scan3A_197 = %scan3A_13 to %scan3A_15 step %scan3A_16  : i32 {
      %mul3A_198 = arith.constant 1 : i32
      %mul3A_199 = arith.muli %scan3A_197, %mul3A_198 : i32
      %add3A_200 = arith.constant 0 : i32
      %add3A_201 = arith.addi %add3A_200, %mul3A_199 : i32
      %mul3A_202 = arith.constant 640 : i32
      %mul3A_203 = arith.muli %arg1, %mul3A_202 : i32
      %mul3A_204 = arith.constant 16 : i32
      %mul3A_205 = arith.muli %add3A_201, %mul3A_204 : i32
      %add3A_206 = arith.addi %mul3A_203, %mul3A_205 : i32
      %dma_wait3A_207 = arith.constant 0 : i32
      %dma_wait3A_208 = tpu.memref_slice %arg9[%add3A_206, %dma_wait3A_207] : memref<10240x128xf32, #tpu.memory_space<vmem_shared>> -> memref<16x128xf32, #tpu.memory_space<vmem_shared>>
      %dma_wait3A_209 = arith.constant 0 : i32
      %dma_wait3A_210 = tpu.memref_slice %arg9[%add3A_206, %dma_wait3A_209] : memref<10240x128xf32, #tpu.memory_space<vmem_shared>> -> memref<16x128xf32, #tpu.memory_space<vmem_shared>>
      tpu.wait_dma2 semaphore(%arg11 : memref<!tpu.dma_semaphore, #tpu.memory_space<semaphore_mem>>) src(%arg8 : memref<16x128xf32, #tpu.memory_space<vmem>>) dst(%dma_wait3A_210 : memref<16x128xf32, #tpu.memory_space<vmem_shared>>)
    }
    %scan3A_17 = arith.constant 40 : i32
    %barrier3A = arith.constant 0 : index
    tpu.barrier barrier_id(%barrier3A)
    %dma_wait3A = tpu.memref_slice %arg3[%mul3A_2] : memref<640000xi32, #tpu.memory_space<hbm>> -> memref<10000xi32, #tpu.memory_space<hbm>>
    %dma_wait3A_18 = tpu.memref_slice %arg3[%mul3A_2] : memref<640000xi32, #tpu.memory_space<hbm>> -> memref<10000xi32, #tpu.memory_space<hbm>>
    tpu.wait_dma2 semaphore(%arg10 : memref<!tpu.dma_semaphore, #tpu.memory_space<semaphore_mem>>) src(%dma_wait3A_18 : memref<10000xi32, #tpu.memory_space<hbm>>) dst(%arg5 : memref<10000xi32, #tpu.memory_space<vmem>>)
    %scan3A_19 = arith.constant 0 : i32
    %scan3A_20 = arith.constant 41 : i32
    %scan3A_21 = arith.addi %scan3A_19, %scan3A_20 : i32
    %scan3A_22 = arith.constant 1 : i32
    scf.for %scan3A_197 = %scan3A_19 to %scan3A_21 step %scan3A_22  : i32 {
      %mul3A_198 = arith.constant 3 : i32
      %mul3A_199 = arith.muli %scan3A_197, %mul3A_198 : i32
      %add3A_200 = arith.constant 0 : i32
      %add3A_201 = arith.addi %add3A_200, %mul3A_199 : i32
      %add3A_202 = arith.constant 0 : i32
      %add3A_203 = arith.addi %add3A_201, %add3A_202 : i32
      %ge3A = arith.constant 3 : i32
      %ge3A_204 = arith.cmpi sge, %add3A_203, %ge3A : i32
      %convert_element_type3A = arith.extui %ge3A_204 : i1 to i32
      %cond3A = arith.constant 0 : i32
      %cond3A_205 = arith.cmpi ne, %convert_element_type3A, %cond3A : i32
      scf.if %cond3A_205 {
        %dma_wait3A_385 = arith.constant 0 : i32
        %dma_wait3A_386 = arith.constant 0 : i32
        %dma_wait3A_387 = arith.constant 0 : i32
        %dma_wait3A_388 = arith.constant 0 : i32
        %dma_wait3A_389 = tpu.memref_slice %arg7[%dma_wait3A_385, %dma_wait3A_387, %dma_wait3A_388] : memref<3x80x128xf32, #tpu.memory_space<vmem>> -> memref<1x80x128xf32, #tpu.memory_space<vmem>>
        %dma_wait3A_390 = tpu.memref_squeeze %dma_wait3A_389 : memref<1x80x128xf32, #tpu.memory_space<vmem>> -> memref<80x128xf32, #tpu.memory_space<vmem>>
        %dma_wait3A_391 = arith.constant 0 : i32
        %dma_wait3A_392 = tpu.memref_slice %arg6[%dma_wait3A_386, %dma_wait3A_391] : memref<3x80xi32, #tpu.memory_space<vmem>> -> memref<1x80xi32, #tpu.memory_space<vmem>>
        %dma_wait3A_393 = tpu.memref_squeeze %dma_wait3A_392 : memref<1x80xi32, #tpu.memory_space<vmem>> -> memref<80xi32, #tpu.memory_space<vmem>>
        %dma_wait3A_394 = arith.constant 0 : i32
        %dma_wait3A_395 = arith.constant 0 : i32
        %dma_wait3A_396 = tpu.memref_slice %arg9[%dma_wait3A_394, %dma_wait3A_395] : memref<10240x128xf32, #tpu.memory_space<vmem_shared>> -> memref<10240x128xf32, #tpu.memory_space<vmem_shared>>
        tpu.wait_indirect_dma semaphore(%arg12 : memref<!tpu.dma_semaphore, #tpu.memory_space<semaphore_mem>>) src(%dma_wait3A_390 : memref<80x128xf32, #tpu.memory_space<vmem>>) dst(%dma_wait3A_396 : memref<10240x128xf32, #tpu.memory_space<vmem_shared>>)
      } else {
      }
      %add3A_206 = arith.constant 320000 : i32
      %add3A_207 = arith.addi %add3A_206, %mul3A_2 : i32
      %mul3A_208 = arith.constant 80 : i32
      %mul3A_209 = arith.muli %add3A_203, %mul3A_208 : i32
      %add3A_210 = arith.addi %add3A_207, %mul3A_209 : i32
      %dma_start3A_211 = arith.constant 0 : i32
      %dma_start3A_212 = arith.constant 0 : i32
      %dma_start3A_213 = tpu.memref_slice %arg6[%dma_start3A_211, %dma_start3A_212] : memref<3x80xi32, #tpu.memory_space<vmem>> -> memref<1x80xi32, #tpu.memory_space<vmem>>
      %dma_start3A_214 = tpu.memref_squeeze %dma_start3A_213 : memref<1x80xi32, #tpu.memory_space<vmem>> -> memref<80xi32, #tpu.memory_space<vmem>>
      %dma_start3A_215 = tpu.memref_slice %arg3[%add3A_210] : memref<640000xi32, #tpu.memory_space<hbm>> -> memref<80xi32, #tpu.memory_space<hbm>>
      %dma_start3A_216 = arith.constant 0 : i32
      %dma_start3A_217 = tpu.memref_slice %arg6[%dma_start3A_211, %dma_start3A_216] : memref<3x80xi32, #tpu.memory_space<vmem>> -> memref<1x80xi32, #tpu.memory_space<vmem>>
      %dma_start3A_218 = tpu.memref_squeeze %dma_start3A_217 : memref<1x80xi32, #tpu.memory_space<vmem>> -> memref<80xi32, #tpu.memory_space<vmem>>
      %dma_start3A_219 = tpu.memref_slice %arg3[%add3A_210] : memref<640000xi32, #tpu.memory_space<hbm>> -> memref<80xi32, #tpu.memory_space<hbm>>
      tpu.enqueue_dma source(%dma_start3A_219 : memref<80xi32, #tpu.memory_space<hbm>>) target(%dma_start3A_218 : memref<80xi32, #tpu.memory_space<vmem>>) target_semaphore(%arg10 : memref<!tpu.dma_semaphore, #tpu.memory_space<semaphore_mem>>)
      %mul3A_220 = arith.constant 80 : i32
      %mul3A_221 = arith.muli %add3A_203, %mul3A_220 : i32
      %dma_start3A_222 = arith.constant 0 : i32
      %dma_start3A_223 = arith.constant 0 : i32
      %dma_start3A_224 = arith.constant 0 : i32
      %dma_start3A_225 = tpu.memref_slice %arg7[%dma_start3A_222, %dma_start3A_223, %dma_start3A_224] : memref<3x80x128xf32, #tpu.memory_space<vmem>> -> memref<1x80x128xf32, #tpu.memory_space<vmem>>
      %dma_start3A_226 = tpu.memref_squeeze %dma_start3A_225 : memref<1x80x128xf32, #tpu.memory_space<vmem>> -> memref<80x128xf32, #tpu.memory_space<vmem>>
      %dma_start3A_227 = tpu.memref_slice %arg5[%mul3A_221] : memref<10000xi32, #tpu.memory_space<vmem>> -> memref<80xi32, #tpu.memory_space<vmem>>
      %dma_start3A_228 = arith.constant 0 : i32
      %dma_start3A_229 = arith.constant 0 : i32
      %dma_start3A_230 = tpu.memref_slice %arg2[%dma_start3A_228, %dma_start3A_229] : memref<10240x128xf32, #tpu.memory_space<hbm>> -> memref<10240x128xf32, #tpu.memory_space<hbm>>
      tpu.enqueue_indirect_dma source(%dma_start3A_230 : memref<10240x128xf32, #tpu.memory_space<hbm>>) target(%dma_start3A_226 : memref<80x128xf32, #tpu.memory_space<vmem>>) offsets(%dma_start3A_227 : memref<80xi32, #tpu.memory_space<vmem>>) semaphore(%arg11 : memref<!tpu.dma_semaphore, #tpu.memory_space<semaphore_mem>>)
      %add3A_231 = arith.constant 1 : i32
      %add3A_232 = arith.addi %add3A_201, %add3A_231 : i32
      %ge3A_233 = arith.constant 3 : i32
      %ge3A_234 = arith.cmpi sge, %add3A_232, %ge3A_233 : i32
      %convert_element_type3A_235 = arith.extui %ge3A_234 : i1 to i32
      %cond3A_236 = arith.constant 0 : i32
      %cond3A_237 = arith.cmpi ne, %convert_element_type3A_235, %cond3A_236 : i32
      scf.if %cond3A_237 {
        %dma_wait3A_385 = arith.constant 1 : i32
        %dma_wait3A_386 = arith.constant 1 : i32
        %dma_wait3A_387 = arith.constant 0 : i32
        %dma_wait3A_388 = arith.constant 0 : i32
        %dma_wait3A_389 = tpu.memref_slice %arg7[%dma_wait3A_385, %dma_wait3A_387, %dma_wait3A_388] : memref<3x80x128xf32, #tpu.memory_space<vmem>> -> memref<1x80x128xf32, #tpu.memory_space<vmem>>
        %dma_wait3A_390 = tpu.memref_squeeze %dma_wait3A_389 : memref<1x80x128xf32, #tpu.memory_space<vmem>> -> memref<80x128xf32, #tpu.memory_space<vmem>>
        %dma_wait3A_391 = arith.constant 0 : i32
        %dma_wait3A_392 = tpu.memref_slice %arg6[%dma_wait3A_386, %dma_wait3A_391] : memref<3x80xi32, #tpu.memory_space<vmem>> -> memref<1x80xi32, #tpu.memory_space<vmem>>
        %dma_wait3A_393 = tpu.memref_squeeze %dma_wait3A_392 : memref<1x80xi32, #tpu.memory_space<vmem>> -> memref<80xi32, #tpu.memory_space<vmem>>
        %dma_wait3A_394 = arith.constant 0 : i32
        %dma_wait3A_395 = arith.constant 0 : i32
        %dma_wait3A_396 = tpu.memref_slice %arg9[%dma_wait3A_394, %dma_wait3A_395] : memref<10240x128xf32, #tpu.memory_space<vmem_shared>> -> memref<10240x128xf32, #tpu.memory_space<vmem_shared>>
        tpu.wait_indirect_dma semaphore(%arg13 : memref<!tpu.dma_semaphore, #tpu.memory_space<semaphore_mem>>) src(%dma_wait3A_390 : memref<80x128xf32, #tpu.memory_space<vmem>>) dst(%dma_wait3A_396 : memref<10240x128xf32, #tpu.memory_space<vmem_shared>>)
      } else {
      }
      %add3A_238 = arith.constant 320000 : i32
      %add3A_239 = arith.addi %add3A_238, %mul3A_2 : i32
      %mul3A_240 = arith.constant 80 : i32
      %mul3A_241 = arith.muli %add3A_232, %mul3A_240 : i32
      %add3A_242 = arith.addi %add3A_239, %mul3A_241 : i32
      %dma_start3A_243 = arith.constant 1 : i32
      %dma_start3A_244 = arith.constant 0 : i32
      %dma_start3A_245 = tpu.memref_slice %arg6[%dma_start3A_243, %dma_start3A_244] : memref<3x80xi32, #tpu.memory_space<vmem>> -> memref<1x80xi32, #tpu.memory_space<vmem>>
      %dma_start3A_246 = tpu.memref_squeeze %dma_start3A_245 : memref<1x80xi32, #tpu.memory_space<vmem>> -> memref<80xi32, #tpu.memory_space<vmem>>
      %dma_start3A_247 = tpu.memref_slice %arg3[%add3A_242] : memref<640000xi32, #tpu.memory_space<hbm>> -> memref<80xi32, #tpu.memory_space<hbm>>
      %dma_start3A_248 = arith.constant 0 : i32
      %dma_start3A_249 = tpu.memref_slice %arg6[%dma_start3A_243, %dma_start3A_248] : memref<3x80xi32, #tpu.memory_space<vmem>> -> memref<1x80xi32, #tpu.memory_space<vmem>>
      %dma_start3A_250 = tpu.memref_squeeze %dma_start3A_249 : memref<1x80xi32, #tpu.memory_space<vmem>> -> memref<80xi32, #tpu.memory_space<vmem>>
      %dma_start3A_251 = tpu.memref_slice %arg3[%add3A_242] : memref<640000xi32, #tpu.memory_space<hbm>> -> memref<80xi32, #tpu.memory_space<hbm>>
      tpu.enqueue_dma source(%dma_start3A_251 : memref<80xi32, #tpu.memory_space<hbm>>) target(%dma_start3A_250 : memref<80xi32, #tpu.memory_space<vmem>>) target_semaphore(%arg10 : memref<!tpu.dma_semaphore, #tpu.memory_space<semaphore_mem>>)
      %mul3A_252 = arith.constant 80 : i32
      %mul3A_253 = arith.muli %add3A_232, %mul3A_252 : i32
      %dma_start3A_254 = arith.constant 1 : i32
      %dma_start3A_255 = arith.constant 0 : i32
      %dma_start3A_256 = arith.constant 0 : i32
      %dma_start3A_257 = tpu.memref_slice %arg7[%dma_start3A_254, %dma_start3A_255, %dma_start3A_256] : memref<3x80x128xf32, #tpu.memory_space<vmem>> -> memref<1x80x128xf32, #tpu.memory_space<vmem>>
      %dma_start3A_258 = tpu.memref_squeeze %dma_start3A_257 : memref<1x80x128xf32, #tpu.memory_space<vmem>> -> memref<80x128xf32, #tpu.memory_space<vmem>>
      %dma_start3A_259 = tpu.memref_slice %arg5[%mul3A_253] : memref<10000xi32, #tpu.memory_space<vmem>> -> memref<80xi32, #tpu.memory_space<vmem>>
      %dma_start3A_260 = arith.constant 0 : i32
      %dma_start3A_261 = arith.constant 0 : i32
      %dma_start3A_262 = tpu.memref_slice %arg2[%dma_start3A_260, %dma_start3A_261] : memref<10240x128xf32, #tpu.memory_space<hbm>> -> memref<10240x128xf32, #tpu.memory_space<hbm>>
      tpu.enqueue_indirect_dma source(%dma_start3A_262 : memref<10240x128xf32, #tpu.memory_space<hbm>>) target(%dma_start3A_258 : memref<80x128xf32, #tpu.memory_space<vmem>>) offsets(%dma_start3A_259 : memref<80xi32, #tpu.memory_space<vmem>>) semaphore(%arg11 : memref<!tpu.dma_semaphore, #tpu.memory_space<semaphore_mem>>)
      %add3A_263 = arith.constant 2 : i32
      %add3A_264 = arith.addi %add3A_201, %add3A_263 : i32
      %ge3A_265 = arith.constant 3 : i32
      %ge3A_266 = arith.cmpi sge, %add3A_264, %ge3A_265 : i32
      %convert_element_type3A_267 = arith.extui %ge3A_266 : i1 to i32
      %cond3A_268 = arith.constant 0 : i32
      %cond3A_269 = arith.cmpi ne, %convert_element_type3A_267, %cond3A_268 : i32
      scf.if %cond3A_269 {
        %dma_wait3A_385 = arith.constant 2 : i32
        %dma_wait3A_386 = arith.constant 2 : i32
        %dma_wait3A_387 = arith.constant 0 : i32
        %dma_wait3A_388 = arith.constant 0 : i32
        %dma_wait3A_389 = tpu.memref_slice %arg7[%dma_wait3A_385, %dma_wait3A_387, %dma_wait3A_388] : memref<3x80x128xf32, #tpu.memory_space<vmem>> -> memref<1x80x128xf32, #tpu.memory_space<vmem>>
        %dma_wait3A_390 = tpu.memref_squeeze %dma_wait3A_389 : memref<1x80x128xf32, #tpu.memory_space<vmem>> -> memref<80x128xf32, #tpu.memory_space<vmem>>
        %dma_wait3A_391 = arith.constant 0 : i32
        %dma_wait3A_392 = tpu.memref_slice %arg6[%dma_wait3A_386, %dma_wait3A_391] : memref<3x80xi32, #tpu.memory_space<vmem>> -> memref<1x80xi32, #tpu.memory_space<vmem>>
        %dma_wait3A_393 = tpu.memref_squeeze %dma_wait3A_392 : memref<1x80xi32, #tpu.memory_space<vmem>> -> memref<80xi32, #tpu.memory_space<vmem>>
        %dma_wait3A_394 = arith.constant 0 : i32
        %dma_wait3A_395 = arith.constant 0 : i32
        %dma_wait3A_396 = tpu.memref_slice %arg9[%dma_wait3A_394, %dma_wait3A_395] : memref<10240x128xf32, #tpu.memory_space<vmem_shared>> -> memref<10240x128xf32, #tpu.memory_space<vmem_shared>>
        tpu.wait_indirect_dma semaphore(%arg14 : memref<!tpu.dma_semaphore, #tpu.memory_space<semaphore_mem>>) src(%dma_wait3A_390 : memref<80x128xf32, #tpu.memory_space<vmem>>) dst(%dma_wait3A_396 : memref<10240x128xf32, #tpu.memory_space<vmem_shared>>)
      } else {
      }
      %add3A_270 = arith.constant 320000 : i32
      %add3A_271 = arith.addi %add3A_270, %mul3A_2 : i32
      %mul3A_272 = arith.constant 80 : i32
      %mul3A_273 = arith.muli %add3A_264, %mul3A_272 : i32
      %add3A_274 = arith.addi %add3A_271, %mul3A_273 : i32
      %dma_start3A_275 = arith.constant 2 : i32
      %dma_start3A_276 = arith.constant 0 : i32
      %dma_start3A_277 = tpu.memref_slice %arg6[%dma_start3A_275, %dma_start3A_276] : memref<3x80xi32, #tpu.memory_space<vmem>> -> memref<1x80xi32, #tpu.memory_space<vmem>>
      %dma_start3A_278 = tpu.memref_squeeze %dma_start3A_277 : memref<1x80xi32, #tpu.memory_space<vmem>> -> memref<80xi32, #tpu.memory_space<vmem>>
      %dma_start3A_279 = tpu.memref_slice %arg3[%add3A_274] : memref<640000xi32, #tpu.memory_space<hbm>> -> memref<80xi32, #tpu.memory_space<hbm>>
      %dma_start3A_280 = arith.constant 0 : i32
      %dma_start3A_281 = tpu.memref_slice %arg6[%dma_start3A_275, %dma_start3A_280] : memref<3x80xi32, #tpu.memory_space<vmem>> -> memref<1x80xi32, #tpu.memory_space<vmem>>
      %dma_start3A_282 = tpu.memref_squeeze %dma_start3A_281 : memref<1x80xi32, #tpu.memory_space<vmem>> -> memref<80xi32, #tpu.memory_space<vmem>>
      %dma_start3A_283 = tpu.memref_slice %arg3[%add3A_274] : memref<640000xi32, #tpu.memory_space<hbm>> -> memref<80xi32, #tpu.memory_space<hbm>>
      tpu.enqueue_dma source(%dma_start3A_283 : memref<80xi32, #tpu.memory_space<hbm>>) target(%dma_start3A_282 : memref<80xi32, #tpu.memory_space<vmem>>) target_semaphore(%arg10 : memref<!tpu.dma_semaphore, #tpu.memory_space<semaphore_mem>>)
      %mul3A_284 = arith.constant 80 : i32
      %mul3A_285 = arith.muli %add3A_264, %mul3A_284 : i32
      %dma_start3A_286 = arith.constant 2 : i32
      %dma_start3A_287 = arith.constant 0 : i32
      %dma_start3A_288 = arith.constant 0 : i32
      %dma_start3A_289 = tpu.memref_slice %arg7[%dma_start3A_286, %dma_start3A_287, %dma_start3A_288] : memref<3x80x128xf32, #tpu.memory_space<vmem>> -> memref<1x80x128xf32, #tpu.memory_space<vmem>>
      %dma_start3A_290 = tpu.memref_squeeze %dma_start3A_289 : memref<1x80x128xf32, #tpu.memory_space<vmem>> -> memref<80x128xf32, #tpu.memory_space<vmem>>
      %dma_start3A_291 = tpu.memref_slice %arg5[%mul3A_285] : memref<10000xi32, #tpu.memory_space<vmem>> -> memref<80xi32, #tpu.memory_space<vmem>>
      %dma_start3A_292 = arith.constant 0 : i32
      %dma_start3A_293 = arith.constant 0 : i32
      %dma_start3A_294 = tpu.memref_slice %arg2[%dma_start3A_292, %dma_start3A_293] : memref<10240x128xf32, #tpu.memory_space<hbm>> -> memref<10240x128xf32, #tpu.memory_space<hbm>>
      tpu.enqueue_indirect_dma source(%dma_start3A_294 : memref<10240x128xf32, #tpu.memory_space<hbm>>) target(%dma_start3A_290 : memref<80x128xf32, #tpu.memory_space<vmem>>) offsets(%dma_start3A_291 : memref<80xi32, #tpu.memory_space<vmem>>) semaphore(%arg11 : memref<!tpu.dma_semaphore, #tpu.memory_space<semaphore_mem>>)
      %dma_wait3A_295 = arith.constant 0 : i32
      %dma_wait3A_296 = arith.constant 0 : i32
      %dma_wait3A_297 = tpu.memref_slice %arg6[%dma_wait3A_295, %dma_wait3A_296] : memref<3x80xi32, #tpu.memory_space<vmem>> -> memref<1x80xi32, #tpu.memory_space<vmem>>
      %dma_wait3A_298 = tpu.memref_squeeze %dma_wait3A_297 : memref<1x80xi32, #tpu.memory_space<vmem>> -> memref<80xi32, #tpu.memory_space<vmem>>
      %dma_wait3A_299 = tpu.memref_slice %arg3[%add3A_210] : memref<640000xi32, #tpu.memory_space<hbm>> -> memref<80xi32, #tpu.memory_space<hbm>>
      %dma_wait3A_300 = arith.constant 0 : i32
      %dma_wait3A_301 = tpu.memref_slice %arg6[%dma_wait3A_295, %dma_wait3A_300] : memref<3x80xi32, #tpu.memory_space<vmem>> -> memref<1x80xi32, #tpu.memory_space<vmem>>
      %dma_wait3A_302 = tpu.memref_squeeze %dma_wait3A_301 : memref<1x80xi32, #tpu.memory_space<vmem>> -> memref<80xi32, #tpu.memory_space<vmem>>
      %dma_wait3A_303 = tpu.memref_slice %arg3[%add3A_210] : memref<640000xi32, #tpu.memory_space<hbm>> -> memref<80xi32, #tpu.memory_space<hbm>>
      tpu.wait_dma2 semaphore(%arg10 : memref<!tpu.dma_semaphore, #tpu.memory_space<semaphore_mem>>) src(%dma_wait3A_303 : memref<80xi32, #tpu.memory_space<hbm>>) dst(%dma_wait3A_302 : memref<80xi32, #tpu.memory_space<vmem>>)
      %dma_wait3A_304 = arith.constant 1 : i32
      %dma_wait3A_305 = arith.constant 0 : i32
      %dma_wait3A_306 = tpu.memref_slice %arg6[%dma_wait3A_304, %dma_wait3A_305] : memref<3x80xi32, #tpu.memory_space<vmem>> -> memref<1x80xi32, #tpu.memory_space<vmem>>
      %dma_wait3A_307 = tpu.memref_squeeze %dma_wait3A_306 : memref<1x80xi32, #tpu.memory_space<vmem>> -> memref<80xi32, #tpu.memory_space<vmem>>
      %dma_wait3A_308 = tpu.memref_slice %arg3[%add3A_242] : memref<640000xi32, #tpu.memory_space<hbm>> -> memref<80xi32, #tpu.memory_space<hbm>>
      %dma_wait3A_309 = arith.constant 0 : i32
      %dma_wait3A_310 = tpu.memref_slice %arg6[%dma_wait3A_304, %dma_wait3A_309] : memref<3x80xi32, #tpu.memory_space<vmem>> -> memref<1x80xi32, #tpu.memory_space<vmem>>
      %dma_wait3A_311 = tpu.memref_squeeze %dma_wait3A_310 : memref<1x80xi32, #tpu.memory_space<vmem>> -> memref<80xi32, #tpu.memory_space<vmem>>
      %dma_wait3A_312 = tpu.memref_slice %arg3[%add3A_242] : memref<640000xi32, #tpu.memory_space<hbm>> -> memref<80xi32, #tpu.memory_space<hbm>>
      tpu.wait_dma2 semaphore(%arg10 : memref<!tpu.dma_semaphore, #tpu.memory_space<semaphore_mem>>) src(%dma_wait3A_312 : memref<80xi32, #tpu.memory_space<hbm>>) dst(%dma_wait3A_311 : memref<80xi32, #tpu.memory_space<vmem>>)
      %dma_wait3A_313 = arith.constant 2 : i32
      %dma_wait3A_314 = arith.constant 0 : i32
      %dma_wait3A_315 = tpu.memref_slice %arg6[%dma_wait3A_313, %dma_wait3A_314] : memref<3x80xi32, #tpu.memory_space<vmem>> -> memref<1x80xi32, #tpu.memory_space<vmem>>
      %dma_wait3A_316 = tpu.memref_squeeze %dma_wait3A_315 : memref<1x80xi32, #tpu.memory_space<vmem>> -> memref<80xi32, #tpu.memory_space<vmem>>
      %dma_wait3A_317 = tpu.memref_slice %arg3[%add3A_274] : memref<640000xi32, #tpu.memory_space<hbm>> -> memref<80xi32, #tpu.memory_space<hbm>>
      %dma_wait3A_318 = arith.constant 0 : i32
      %dma_wait3A_319 = tpu.memref_slice %arg6[%dma_wait3A_313, %dma_wait3A_318] : memref<3x80xi32, #tpu.memory_space<vmem>> -> memref<1x80xi32, #tpu.memory_space<vmem>>
      %dma_wait3A_320 = tpu.memref_squeeze %dma_wait3A_319 : memref<1x80xi32, #tpu.memory_space<vmem>> -> memref<80xi32, #tpu.memory_space<vmem>>
      %dma_wait3A_321 = tpu.memref_slice %arg3[%add3A_274] : memref<640000xi32, #tpu.memory_space<hbm>> -> memref<80xi32, #tpu.memory_space<hbm>>
      tpu.wait_dma2 semaphore(%arg10 : memref<!tpu.dma_semaphore, #tpu.memory_space<semaphore_mem>>) src(%dma_wait3A_321 : memref<80xi32, #tpu.memory_space<hbm>>) dst(%dma_wait3A_320 : memref<80xi32, #tpu.memory_space<vmem>>)
      %dma_wait3A_322 = arith.constant 0 : i32
      %dma_wait3A_323 = arith.constant 0 : i32
      %dma_wait3A_324 = arith.constant 0 : i32
      %dma_wait3A_325 = tpu.memref_slice %arg7[%dma_wait3A_322, %dma_wait3A_323, %dma_wait3A_324] : memref<3x80x128xf32, #tpu.memory_space<vmem>> -> memref<1x80x128xf32, #tpu.memory_space<vmem>>
      %dma_wait3A_326 = tpu.memref_squeeze %dma_wait3A_325 : memref<1x80x128xf32, #tpu.memory_space<vmem>> -> memref<80x128xf32, #tpu.memory_space<vmem>>
      %dma_wait3A_327 = tpu.memref_slice %arg5[%mul3A_221] : memref<10000xi32, #tpu.memory_space<vmem>> -> memref<80xi32, #tpu.memory_space<vmem>>
      %dma_wait3A_328 = arith.constant 0 : i32
      %dma_wait3A_329 = arith.constant 0 : i32
      %dma_wait3A_330 = tpu.memref_slice %arg2[%dma_wait3A_328, %dma_wait3A_329] : memref<10240x128xf32, #tpu.memory_space<hbm>> -> memref<10240x128xf32, #tpu.memory_space<hbm>>
      tpu.wait_indirect_dma semaphore(%arg11 : memref<!tpu.dma_semaphore, #tpu.memory_space<semaphore_mem>>) src(%dma_wait3A_330 : memref<10240x128xf32, #tpu.memory_space<hbm>>) dst(%dma_wait3A_326 : memref<80x128xf32, #tpu.memory_space<vmem>>)
      %dma_start3A_331 = arith.constant 0 : i32
      %dma_start3A_332 = arith.constant 0 : i32
      %dma_start3A_333 = arith.constant 0 : i32
      %dma_start3A_334 = arith.constant 0 : i32
      %dma_start3A_335 = tpu.memref_slice %arg7[%dma_start3A_331, %dma_start3A_333, %dma_start3A_334] : memref<3x80x128xf32, #tpu.memory_space<vmem>> -> memref<1x80x128xf32, #tpu.memory_space<vmem>>
      %dma_start3A_336 = tpu.memref_squeeze %dma_start3A_335 : memref<1x80x128xf32, #tpu.memory_space<vmem>> -> memref<80x128xf32, #tpu.memory_space<vmem>>
      %dma_start3A_337 = arith.constant 0 : i32
      %dma_start3A_338 = tpu.memref_slice %arg6[%dma_start3A_332, %dma_start3A_337] : memref<3x80xi32, #tpu.memory_space<vmem>> -> memref<1x80xi32, #tpu.memory_space<vmem>>
      %dma_start3A_339 = tpu.memref_squeeze %dma_start3A_338 : memref<1x80xi32, #tpu.memory_space<vmem>> -> memref<80xi32, #tpu.memory_space<vmem>>
      %dma_start3A_340 = arith.constant 0 : i32
      %dma_start3A_341 = arith.constant 0 : i32
      %dma_start3A_342 = tpu.memref_slice %arg9[%dma_start3A_340, %dma_start3A_341] : memref<10240x128xf32, #tpu.memory_space<vmem_shared>> -> memref<10240x128xf32, #tpu.memory_space<vmem_shared>>
      tpu.enqueue_indirect_dma source(%dma_start3A_336 : memref<80x128xf32, #tpu.memory_space<vmem>>) target(%dma_start3A_342 : memref<10240x128xf32, #tpu.memory_space<vmem_shared>>) offsets(%dma_start3A_339 : memref<80xi32, #tpu.memory_space<vmem>>) semaphore(%arg12 : memref<!tpu.dma_semaphore, #tpu.memory_space<semaphore_mem>>) {add = true}
      %dma_wait3A_343 = arith.constant 1 : i32
      %dma_wait3A_344 = arith.constant 0 : i32
      %dma_wait3A_345 = arith.constant 0 : i32
      %dma_wait3A_346 = tpu.memref_slice %arg7[%dma_wait3A_343, %dma_wait3A_344, %dma_wait3A_345] : memref<3x80x128xf32, #tpu.memory_space<vmem>> -> memref<1x80x128xf32, #tpu.memory_space<vmem>>
      %dma_wait3A_347 = tpu.memref_squeeze %dma_wait3A_346 : memref<1x80x128xf32, #tpu.memory_space<vmem>> -> memref<80x128xf32, #tpu.memory_space<vmem>>
      %dma_wait3A_348 = tpu.memref_slice %arg5[%mul3A_253] : memref<10000xi32, #tpu.memory_space<vmem>> -> memref<80xi32, #tpu.memory_space<vmem>>
      %dma_wait3A_349 = arith.constant 0 : i32
      %dma_wait3A_350 = arith.constant 0 : i32
      %dma_wait3A_351 = tpu.memref_slice %arg2[%dma_wait3A_349, %dma_wait3A_350] : memref<10240x128xf32, #tpu.memory_space<hbm>> -> memref<10240x128xf32, #tpu.memory_space<hbm>>
      tpu.wait_indirect_dma semaphore(%arg11 : memref<!tpu.dma_semaphore, #tpu.memory_space<semaphore_mem>>) src(%dma_wait3A_351 : memref<10240x128xf32, #tpu.memory_space<hbm>>) dst(%dma_wait3A_347 : memref<80x128xf32, #tpu.memory_space<vmem>>)
      %dma_start3A_352 = arith.constant 1 : i32
      %dma_start3A_353 = arith.constant 1 : i32
      %dma_start3A_354 = arith.constant 0 : i32
      %dma_start3A_355 = arith.constant 0 : i32
      %dma_start3A_356 = tpu.memref_slice %arg7[%dma_start3A_352, %dma_start3A_354, %dma_start3A_355] : memref<3x80x128xf32, #tpu.memory_space<vmem>> -> memref<1x80x128xf32, #tpu.memory_space<vmem>>
      %dma_start3A_357 = tpu.memref_squeeze %dma_start3A_356 : memref<1x80x128xf32, #tpu.memory_space<vmem>> -> memref<80x128xf32, #tpu.memory_space<vmem>>
      %dma_start3A_358 = arith.constant 0 : i32
      %dma_start3A_359 = tpu.memref_slice %arg6[%dma_start3A_353, %dma_start3A_358] : memref<3x80xi32, #tpu.memory_space<vmem>> -> memref<1x80xi32, #tpu.memory_space<vmem>>
      %dma_start3A_360 = tpu.memref_squeeze %dma_start3A_359 : memref<1x80xi32, #tpu.memory_space<vmem>> -> memref<80xi32, #tpu.memory_space<vmem>>
      %dma_start3A_361 = arith.constant 0 : i32
      %dma_start3A_362 = arith.constant 0 : i32
      %dma_start3A_363 = tpu.memref_slice %arg9[%dma_start3A_361, %dma_start3A_362] : memref<10240x128xf32, #tpu.memory_space<vmem_shared>> -> memref<10240x128xf32, #tpu.memory_space<vmem_shared>>
      tpu.enqueue_indirect_dma source(%dma_start3A_357 : memref<80x128xf32, #tpu.memory_space<vmem>>) target(%dma_start3A_363 : memref<10240x128xf32, #tpu.memory_space<vmem_shared>>) offsets(%dma_start3A_360 : memref<80xi32, #tpu.memory_space<vmem>>) semaphore(%arg13 : memref<!tpu.dma_semaphore, #tpu.memory_space<semaphore_mem>>) {add = true}
      %dma_wait3A_364 = arith.constant 2 : i32
      %dma_wait3A_365 = arith.constant 0 : i32
      %dma_wait3A_366 = arith.constant 0 : i32
      %dma_wait3A_367 = tpu.memref_slice %arg7[%dma_wait3A_364, %dma_wait3A_365, %dma_wait3A_366] : memref<3x80x128xf32, #tpu.memory_space<vmem>> -> memref<1x80x128xf32, #tpu.memory_space<vmem>>
      %dma_wait3A_368 = tpu.memref_squeeze %dma_wait3A_367 : memref<1x80x128xf32, #tpu.memory_space<vmem>> -> memref<80x128xf32, #tpu.memory_space<vmem>>
      %dma_wait3A_369 = tpu.memref_slice %arg5[%mul3A_285] : memref<10000xi32, #tpu.memory_space<vmem>> -> memref<80xi32, #tpu.memory_space<vmem>>
      %dma_wait3A_370 = arith.constant 0 : i32
      %dma_wait3A_371 = arith.constant 0 : i32
      %dma_wait3A_372 = tpu.memref_slice %arg2[%dma_wait3A_370, %dma_wait3A_371] : memref<10240x128xf32, #tpu.memory_space<hbm>> -> memref<10240x128xf32, #tpu.memory_space<hbm>>
      tpu.wait_indirect_dma semaphore(%arg11 : memref<!tpu.dma_semaphore, #tpu.memory_space<semaphore_mem>>) src(%dma_wait3A_372 : memref<10240x128xf32, #tpu.memory_space<hbm>>) dst(%dma_wait3A_368 : memref<80x128xf32, #tpu.memory_space<vmem>>)
      %dma_start3A_373 = arith.constant 2 : i32
      %dma_start3A_374 = arith.constant 2 : i32
      %dma_start3A_375 = arith.constant 0 : i32
      %dma_start3A_376 = arith.constant 0 : i32
      %dma_start3A_377 = tpu.memref_slice %arg7[%dma_start3A_373, %dma_start3A_375, %dma_start3A_376] : memref<3x80x128xf32, #tpu.memory_space<vmem>> -> memref<1x80x128xf32, #tpu.memory_space<vmem>>
      %dma_start3A_378 = tpu.memref_squeeze %dma_start3A_377 : memref<1x80x128xf32, #tpu.memory_space<vmem>> -> memref<80x128xf32, #tpu.memory_space<vmem>>
      %dma_start3A_379 = arith.constant 0 : i32
      %dma_start3A_380 = tpu.memref_slice %arg6[%dma_start3A_374, %dma_start3A_379] : memref<3x80xi32, #tpu.memory_space<vmem>> -> memref<1x80xi32, #tpu.memory_space<vmem>>
      %dma_start3A_381 = tpu.memref_squeeze %dma_start3A_380 : memref<1x80xi32, #tpu.memory_space<vmem>> -> memref<80xi32, #tpu.memory_space<vmem>>
      %dma_start3A_382 = arith.constant 0 : i32
      %dma_start3A_383 = arith.constant 0 : i32
      %dma_start3A_384 = tpu.memref_slice %arg9[%dma_start3A_382, %dma_start3A_383] : memref<10240x128xf32, #tpu.memory_space<vmem_shared>> -> memref<10240x128xf32, #tpu.memory_space<vmem_shared>>
      tpu.enqueue_indirect_dma source(%dma_start3A_378 : memref<80x128xf32, #tpu.memory_space<vmem>>) target(%dma_start3A_384 : memref<10240x128xf32, #tpu.memory_space<vmem_shared>>) offsets(%dma_start3A_381 : memref<80xi32, #tpu.memory_space<vmem>>) semaphore(%arg14 : memref<!tpu.dma_semaphore, #tpu.memory_space<semaphore_mem>>) {add = true}
    }
    %scan3A_23 = arith.constant 41 : i32
    %dma_wait3A_24 = arith.constant 0 : i32
    %dma_wait3A_25 = arith.constant 0 : i32
    %dma_wait3A_26 = arith.constant 0 : i32
    %dma_wait3A_27 = arith.constant 0 : i32
    %dma_wait3A_28 = tpu.memref_slice %arg7[%dma_wait3A_24, %dma_wait3A_26, %dma_wait3A_27] : memref<3x80x128xf32, #tpu.memory_space<vmem>> -> memref<1x80x128xf32, #tpu.memory_space<vmem>>
    %dma_wait3A_29 = tpu.memref_squeeze %dma_wait3A_28 : memref<1x80x128xf32, #tpu.memory_space<vmem>> -> memref<80x128xf32, #tpu.memory_space<vmem>>
    %dma_wait3A_30 = arith.constant 0 : i32
    %dma_wait3A_31 = tpu.memref_slice %arg6[%dma_wait3A_25, %dma_wait3A_30] : memref<3x80xi32, #tpu.memory_space<vmem>> -> memref<1x80xi32, #tpu.memory_space<vmem>>
    %dma_wait3A_32 = tpu.memref_squeeze %dma_wait3A_31 : memref<1x80xi32, #tpu.memory_space<vmem>> -> memref<80xi32, #tpu.memory_space<vmem>>
    %dma_wait3A_33 = arith.constant 0 : i32
    %dma_wait3A_34 = arith.constant 0 : i32
    %dma_wait3A_35 = tpu.memref_slice %arg9[%dma_wait3A_33, %dma_wait3A_34] : memref<10240x128xf32, #tpu.memory_space<vmem_shared>> -> memref<10240x128xf32, #tpu.memory_space<vmem_shared>>
    tpu.wait_indirect_dma semaphore(%arg12 : memref<!tpu.dma_semaphore, #tpu.memory_space<semaphore_mem>>) src(%dma_wait3A_29 : memref<80x128xf32, #tpu.memory_space<vmem>>) dst(%dma_wait3A_35 : memref<10240x128xf32, #tpu.memory_space<vmem_shared>>)
    %add3A_36 = arith.constant 320000 : i32
    %add3A_37 = arith.addi %add3A_36, %mul3A_2 : i32
    %add3A_38 = arith.constant 9840 : i32
    %add3A_39 = arith.addi %add3A_37, %add3A_38 : i32
    %dma_start3A_40 = arith.constant 0 : i32
    %dma_start3A_41 = arith.constant 0 : i32
    %dma_start3A_42 = tpu.memref_slice %arg6[%dma_start3A_40, %dma_start3A_41] : memref<3x80xi32, #tpu.memory_space<vmem>> -> memref<1x80xi32, #tpu.memory_space<vmem>>
    %dma_start3A_43 = tpu.memref_squeeze %dma_start3A_42 : memref<1x80xi32, #tpu.memory_space<vmem>> -> memref<80xi32, #tpu.memory_space<vmem>>
    %dma_start3A_44 = tpu.memref_slice %arg3[%add3A_39] : memref<640000xi32, #tpu.memory_space<hbm>> -> memref<80xi32, #tpu.memory_space<hbm>>
    %dma_start3A_45 = arith.constant 0 : i32
    %dma_start3A_46 = tpu.memref_slice %arg6[%dma_start3A_40, %dma_start3A_45] : memref<3x80xi32, #tpu.memory_space<vmem>> -> memref<1x80xi32, #tpu.memory_space<vmem>>
    %dma_start3A_47 = tpu.memref_squeeze %dma_start3A_46 : memref<1x80xi32, #tpu.memory_space<vmem>> -> memref<80xi32, #tpu.memory_space<vmem>>
    %dma_start3A_48 = tpu.memref_slice %arg3[%add3A_39] : memref<640000xi32, #tpu.memory_space<hbm>> -> memref<80xi32, #tpu.memory_space<hbm>>
    tpu.enqueue_dma source(%dma_start3A_48 : memref<80xi32, #tpu.memory_space<hbm>>) target(%dma_start3A_47 : memref<80xi32, #tpu.memory_space<vmem>>) target_semaphore(%arg10 : memref<!tpu.dma_semaphore, #tpu.memory_space<semaphore_mem>>)
    %dma_start3A_49 = arith.constant 0 : i32
    %dma_start3A_50 = arith.constant 0 : i32
    %dma_start3A_51 = arith.constant 0 : i32
    %dma_start3A_52 = tpu.memref_slice %arg7[%dma_start3A_49, %dma_start3A_50, %dma_start3A_51] : memref<3x80x128xf32, #tpu.memory_space<vmem>> -> memref<1x80x128xf32, #tpu.memory_space<vmem>>
    %dma_start3A_53 = tpu.memref_squeeze %dma_start3A_52 : memref<1x80x128xf32, #tpu.memory_space<vmem>> -> memref<80x128xf32, #tpu.memory_space<vmem>>
    %dma_start3A_54 = arith.constant 9840 : i32
    %dma_start3A_55 = tpu.memref_slice %arg5[%dma_start3A_54] : memref<10000xi32, #tpu.memory_space<vmem>> -> memref<80xi32, #tpu.memory_space<vmem>>
    %dma_start3A_56 = arith.constant 0 : i32
    %dma_start3A_57 = arith.constant 0 : i32
    %dma_start3A_58 = tpu.memref_slice %arg2[%dma_start3A_56, %dma_start3A_57] : memref<10240x128xf32, #tpu.memory_space<hbm>> -> memref<10240x128xf32, #tpu.memory_space<hbm>>
    tpu.enqueue_indirect_dma source(%dma_start3A_58 : memref<10240x128xf32, #tpu.memory_space<hbm>>) target(%dma_start3A_53 : memref<80x128xf32, #tpu.memory_space<vmem>>) offsets(%dma_start3A_55 : memref<80xi32, #tpu.memory_space<vmem>>) semaphore(%arg11 : memref<!tpu.dma_semaphore, #tpu.memory_space<semaphore_mem>>)
    %dma_wait3A_59 = arith.constant 1 : i32
    %dma_wait3A_60 = arith.constant 1 : i32
    %dma_wait3A_61 = arith.constant 0 : i32
    %dma_wait3A_62 = arith.constant 0 : i32
    %dma_wait3A_63 = tpu.memref_slice %arg7[%dma_wait3A_59, %dma_wait3A_61, %dma_wait3A_62] : memref<3x80x128xf32, #tpu.memory_space<vmem>> -> memref<1x80x128xf32, #tpu.memory_space<vmem>>
    %dma_wait3A_64 = tpu.memref_squeeze %dma_wait3A_63 : memref<1x80x128xf32, #tpu.memory_space<vmem>> -> memref<80x128xf32, #tpu.memory_space<vmem>>
    %dma_wait3A_65 = arith.constant 0 : i32
    %dma_wait3A_66 = tpu.memref_slice %arg6[%dma_wait3A_60, %dma_wait3A_65] : memref<3x80xi32, #tpu.memory_space<vmem>> -> memref<1x80xi32, #tpu.memory_space<vmem>>
    %dma_wait3A_67 = tpu.memref_squeeze %dma_wait3A_66 : memref<1x80xi32, #tpu.memory_space<vmem>> -> memref<80xi32, #tpu.memory_space<vmem>>
    %dma_wait3A_68 = arith.constant 0 : i32
    %dma_wait3A_69 = arith.constant 0 : i32
    %dma_wait3A_70 = tpu.memref_slice %arg9[%dma_wait3A_68, %dma_wait3A_69] : memref<10240x128xf32, #tpu.memory_space<vmem_shared>> -> memref<10240x128xf32, #tpu.memory_space<vmem_shared>>
    tpu.wait_indirect_dma semaphore(%arg13 : memref<!tpu.dma_semaphore, #tpu.memory_space<semaphore_mem>>) src(%dma_wait3A_64 : memref<80x128xf32, #tpu.memory_space<vmem>>) dst(%dma_wait3A_70 : memref<10240x128xf32, #tpu.memory_space<vmem_shared>>)
    %add3A_71 = arith.constant 320000 : i32
    %add3A_72 = arith.addi %add3A_71, %mul3A_2 : i32
    %add3A_73 = arith.constant 9920 : i32
    %add3A_74 = arith.addi %add3A_72, %add3A_73 : i32
    %dma_start3A_75 = arith.constant 1 : i32
    %dma_start3A_76 = arith.constant 0 : i32
    %dma_start3A_77 = tpu.memref_slice %arg6[%dma_start3A_75, %dma_start3A_76] : memref<3x80xi32, #tpu.memory_space<vmem>> -> memref<1x80xi32, #tpu.memory_space<vmem>>
    %dma_start3A_78 = tpu.memref_squeeze %dma_start3A_77 : memref<1x80xi32, #tpu.memory_space<vmem>> -> memref<80xi32, #tpu.memory_space<vmem>>
    %dma_start3A_79 = tpu.memref_slice %arg3[%add3A_74] : memref<640000xi32, #tpu.memory_space<hbm>> -> memref<80xi32, #tpu.memory_space<hbm>>
    %dma_start3A_80 = arith.constant 0 : i32
    %dma_start3A_81 = tpu.memref_slice %arg6[%dma_start3A_75, %dma_start3A_80] : memref<3x80xi32, #tpu.memory_space<vmem>> -> memref<1x80xi32, #tpu.memory_space<vmem>>
    %dma_start3A_82 = tpu.memref_squeeze %dma_start3A_81 : memref<1x80xi32, #tpu.memory_space<vmem>> -> memref<80xi32, #tpu.memory_space<vmem>>
    %dma_start3A_83 = tpu.memref_slice %arg3[%add3A_74] : memref<640000xi32, #tpu.memory_space<hbm>> -> memref<80xi32, #tpu.memory_space<hbm>>
    tpu.enqueue_dma source(%dma_start3A_83 : memref<80xi32, #tpu.memory_space<hbm>>) target(%dma_start3A_82 : memref<80xi32, #tpu.memory_space<vmem>>) target_semaphore(%arg10 : memref<!tpu.dma_semaphore, #tpu.memory_space<semaphore_mem>>)
    %dma_start3A_84 = arith.constant 1 : i32
    %dma_start3A_85 = arith.constant 0 : i32
    %dma_start3A_86 = arith.constant 0 : i32
    %dma_start3A_87 = tpu.memref_slice %arg7[%dma_start3A_84, %dma_start3A_85, %dma_start3A_86] : memref<3x80x128xf32, #tpu.memory_space<vmem>> -> memref<1x80x128xf32, #tpu.memory_space<vmem>>
    %dma_start3A_88 = tpu.memref_squeeze %dma_start3A_87 : memref<1x80x128xf32, #tpu.memory_space<vmem>> -> memref<80x128xf32, #tpu.memory_space<vmem>>
    %dma_start3A_89 = arith.constant 9920 : i32
    %dma_start3A_90 = tpu.memref_slice %arg5[%dma_start3A_89] : memref<10000xi32, #tpu.memory_space<vmem>> -> memref<80xi32, #tpu.memory_space<vmem>>
    %dma_start3A_91 = arith.constant 0 : i32
    %dma_start3A_92 = arith.constant 0 : i32
    %dma_start3A_93 = tpu.memref_slice %arg2[%dma_start3A_91, %dma_start3A_92] : memref<10240x128xf32, #tpu.memory_space<hbm>> -> memref<10240x128xf32, #tpu.memory_space<hbm>>
    tpu.enqueue_indirect_dma source(%dma_start3A_93 : memref<10240x128xf32, #tpu.memory_space<hbm>>) target(%dma_start3A_88 : memref<80x128xf32, #tpu.memory_space<vmem>>) offsets(%dma_start3A_90 : memref<80xi32, #tpu.memory_space<vmem>>) semaphore(%arg11 : memref<!tpu.dma_semaphore, #tpu.memory_space<semaphore_mem>>)
    %dma_wait3A_94 = arith.constant 0 : i32
    %dma_wait3A_95 = arith.constant 0 : i32
    %dma_wait3A_96 = tpu.memref_slice %arg6[%dma_wait3A_94, %dma_wait3A_95] : memref<3x80xi32, #tpu.memory_space<vmem>> -> memref<1x80xi32, #tpu.memory_space<vmem>>
    %dma_wait3A_97 = tpu.memref_squeeze %dma_wait3A_96 : memref<1x80xi32, #tpu.memory_space<vmem>> -> memref<80xi32, #tpu.memory_space<vmem>>
    %dma_wait3A_98 = tpu.memref_slice %arg3[%add3A_39] : memref<640000xi32, #tpu.memory_space<hbm>> -> memref<80xi32, #tpu.memory_space<hbm>>
    %dma_wait3A_99 = arith.constant 0 : i32
    %dma_wait3A_100 = tpu.memref_slice %arg6[%dma_wait3A_94, %dma_wait3A_99] : memref<3x80xi32, #tpu.memory_space<vmem>> -> memref<1x80xi32, #tpu.memory_space<vmem>>
    %dma_wait3A_101 = tpu.memref_squeeze %dma_wait3A_100 : memref<1x80xi32, #tpu.memory_space<vmem>> -> memref<80xi32, #tpu.memory_space<vmem>>
    %dma_wait3A_102 = tpu.memref_slice %arg3[%add3A_39] : memref<640000xi32, #tpu.memory_space<hbm>> -> memref<80xi32, #tpu.memory_space<hbm>>
    tpu.wait_dma2 semaphore(%arg10 : memref<!tpu.dma_semaphore, #tpu.memory_space<semaphore_mem>>) src(%dma_wait3A_102 : memref<80xi32, #tpu.memory_space<hbm>>) dst(%dma_wait3A_101 : memref<80xi32, #tpu.memory_space<vmem>>)
    %dma_wait3A_103 = arith.constant 1 : i32
    %dma_wait3A_104 = arith.constant 0 : i32
    %dma_wait3A_105 = tpu.memref_slice %arg6[%dma_wait3A_103, %dma_wait3A_104] : memref<3x80xi32, #tpu.memory_space<vmem>> -> memref<1x80xi32, #tpu.memory_space<vmem>>
    %dma_wait3A_106 = tpu.memref_squeeze %dma_wait3A_105 : memref<1x80xi32, #tpu.memory_space<vmem>> -> memref<80xi32, #tpu.memory_space<vmem>>
    %dma_wait3A_107 = tpu.memref_slice %arg3[%add3A_74] : memref<640000xi32, #tpu.memory_space<hbm>> -> memref<80xi32, #tpu.memory_space<hbm>>
    %dma_wait3A_108 = arith.constant 0 : i32
    %dma_wait3A_109 = tpu.memref_slice %arg6[%dma_wait3A_103, %dma_wait3A_108] : memref<3x80xi32, #tpu.memory_space<vmem>> -> memref<1x80xi32, #tpu.memory_space<vmem>>
    %dma_wait3A_110 = tpu.memref_squeeze %dma_wait3A_109 : memref<1x80xi32, #tpu.memory_space<vmem>> -> memref<80xi32, #tpu.memory_space<vmem>>
    %dma_wait3A_111 = tpu.memref_slice %arg3[%add3A_74] : memref<640000xi32, #tpu.memory_space<hbm>> -> memref<80xi32, #tpu.memory_space<hbm>>
    tpu.wait_dma2 semaphore(%arg10 : memref<!tpu.dma_semaphore, #tpu.memory_space<semaphore_mem>>) src(%dma_wait3A_111 : memref<80xi32, #tpu.memory_space<hbm>>) dst(%dma_wait3A_110 : memref<80xi32, #tpu.memory_space<vmem>>)
    %dma_wait3A_112 = arith.constant 0 : i32
    %dma_wait3A_113 = arith.constant 0 : i32
    %dma_wait3A_114 = arith.constant 0 : i32
    %dma_wait3A_115 = tpu.memref_slice %arg7[%dma_wait3A_112, %dma_wait3A_113, %dma_wait3A_114] : memref<3x80x128xf32, #tpu.memory_space<vmem>> -> memref<1x80x128xf32, #tpu.memory_space<vmem>>
    %dma_wait3A_116 = tpu.memref_squeeze %dma_wait3A_115 : memref<1x80x128xf32, #tpu.memory_space<vmem>> -> memref<80x128xf32, #tpu.memory_space<vmem>>
    %dma_wait3A_117 = arith.constant 9840 : i32
    %dma_wait3A_118 = tpu.memref_slice %arg5[%dma_wait3A_117] : memref<10000xi32, #tpu.memory_space<vmem>> -> memref<80xi32, #tpu.memory_space<vmem>>
    %dma_wait3A_119 = arith.constant 0 : i32
    %dma_wait3A_120 = arith.constant 0 : i32
    %dma_wait3A_121 = tpu.memref_slice %arg2[%dma_wait3A_119, %dma_wait3A_120] : memref<10240x128xf32, #tpu.memory_space<hbm>> -> memref<10240x128xf32, #tpu.memory_space<hbm>>
    tpu.wait_indirect_dma semaphore(%arg11 : memref<!tpu.dma_semaphore, #tpu.memory_space<semaphore_mem>>) src(%dma_wait3A_121 : memref<10240x128xf32, #tpu.memory_space<hbm>>) dst(%dma_wait3A_116 : memref<80x128xf32, #tpu.memory_space<vmem>>)
    %dma_start3A_122 = arith.constant 0 : i32
    %dma_start3A_123 = arith.constant 0 : i32
    %dma_start3A_124 = arith.constant 0 : i32
    %dma_start3A_125 = arith.constant 0 : i32
    %dma_start3A_126 = tpu.memref_slice %arg7[%dma_start3A_122, %dma_start3A_124, %dma_start3A_125] : memref<3x80x128xf32, #tpu.memory_space<vmem>> -> memref<1x80x128xf32, #tpu.memory_space<vmem>>
    %dma_start3A_127 = tpu.memref_squeeze %dma_start3A_126 : memref<1x80x128xf32, #tpu.memory_space<vmem>> -> memref<80x128xf32, #tpu.memory_space<vmem>>
    %dma_start3A_128 = arith.constant 0 : i32
    %dma_start3A_129 = tpu.memref_slice %arg6[%dma_start3A_123, %dma_start3A_128] : memref<3x80xi32, #tpu.memory_space<vmem>> -> memref<1x80xi32, #tpu.memory_space<vmem>>
    %dma_start3A_130 = tpu.memref_squeeze %dma_start3A_129 : memref<1x80xi32, #tpu.memory_space<vmem>> -> memref<80xi32, #tpu.memory_space<vmem>>
    %dma_start3A_131 = arith.constant 0 : i32
    %dma_start3A_132 = arith.constant 0 : i32
    %dma_start3A_133 = tpu.memref_slice %arg9[%dma_start3A_131, %dma_start3A_132] : memref<10240x128xf32, #tpu.memory_space<vmem_shared>> -> memref<10240x128xf32, #tpu.memory_space<vmem_shared>>
    tpu.enqueue_indirect_dma source(%dma_start3A_127 : memref<80x128xf32, #tpu.memory_space<vmem>>) target(%dma_start3A_133 : memref<10240x128xf32, #tpu.memory_space<vmem_shared>>) offsets(%dma_start3A_130 : memref<80xi32, #tpu.memory_space<vmem>>) semaphore(%arg12 : memref<!tpu.dma_semaphore, #tpu.memory_space<semaphore_mem>>) {add = true}
    %dma_wait3A_134 = arith.constant 1 : i32
    %dma_wait3A_135 = arith.constant 0 : i32
    %dma_wait3A_136 = arith.constant 0 : i32
    %dma_wait3A_137 = tpu.memref_slice %arg7[%dma_wait3A_134, %dma_wait3A_135, %dma_wait3A_136] : memref<3x80x128xf32, #tpu.memory_space<vmem>> -> memref<1x80x128xf32, #tpu.memory_space<vmem>>
    %dma_wait3A_138 = tpu.memref_squeeze %dma_wait3A_137 : memref<1x80x128xf32, #tpu.memory_space<vmem>> -> memref<80x128xf32, #tpu.memory_space<vmem>>
    %dma_wait3A_139 = arith.constant 9920 : i32
    %dma_wait3A_140 = tpu.memref_slice %arg5[%dma_wait3A_139] : memref<10000xi32, #tpu.memory_space<vmem>> -> memref<80xi32, #tpu.memory_space<vmem>>
    %dma_wait3A_141 = arith.constant 0 : i32
    %dma_wait3A_142 = arith.constant 0 : i32
    %dma_wait3A_143 = tpu.memref_slice %arg2[%dma_wait3A_141, %dma_wait3A_142] : memref<10240x128xf32, #tpu.memory_space<hbm>> -> memref<10240x128xf32, #tpu.memory_space<hbm>>
    tpu.wait_indirect_dma semaphore(%arg11 : memref<!tpu.dma_semaphore, #tpu.memory_space<semaphore_mem>>) src(%dma_wait3A_143 : memref<10240x128xf32, #tpu.memory_space<hbm>>) dst(%dma_wait3A_138 : memref<80x128xf32, #tpu.memory_space<vmem>>)
    %dma_start3A_144 = arith.constant 1 : i32
    %dma_start3A_145 = arith.constant 1 : i32
    %dma_start3A_146 = arith.constant 0 : i32
    %dma_start3A_147 = arith.constant 0 : i32
    %dma_start3A_148 = tpu.memref_slice %arg7[%dma_start3A_144, %dma_start3A_146, %dma_start3A_147] : memref<3x80x128xf32, #tpu.memory_space<vmem>> -> memref<1x80x128xf32, #tpu.memory_space<vmem>>
    %dma_start3A_149 = tpu.memref_squeeze %dma_start3A_148 : memref<1x80x128xf32, #tpu.memory_space<vmem>> -> memref<80x128xf32, #tpu.memory_space<vmem>>
    %dma_start3A_150 = arith.constant 0 : i32
    %dma_start3A_151 = tpu.memref_slice %arg6[%dma_start3A_145, %dma_start3A_150] : memref<3x80xi32, #tpu.memory_space<vmem>> -> memref<1x80xi32, #tpu.memory_space<vmem>>
    %dma_start3A_152 = tpu.memref_squeeze %dma_start3A_151 : memref<1x80xi32, #tpu.memory_space<vmem>> -> memref<80xi32, #tpu.memory_space<vmem>>
    %dma_start3A_153 = arith.constant 0 : i32
    %dma_start3A_154 = arith.constant 0 : i32
    %dma_start3A_155 = tpu.memref_slice %arg9[%dma_start3A_153, %dma_start3A_154] : memref<10240x128xf32, #tpu.memory_space<vmem_shared>> -> memref<10240x128xf32, #tpu.memory_space<vmem_shared>>
    tpu.enqueue_indirect_dma source(%dma_start3A_149 : memref<80x128xf32, #tpu.memory_space<vmem>>) target(%dma_start3A_155 : memref<10240x128xf32, #tpu.memory_space<vmem_shared>>) offsets(%dma_start3A_152 : memref<80xi32, #tpu.memory_space<vmem>>) semaphore(%arg13 : memref<!tpu.dma_semaphore, #tpu.memory_space<semaphore_mem>>) {add = true}
    %dma_wait3A_156 = arith.constant 0 : i32
    %dma_wait3A_157 = arith.constant 0 : i32
    %dma_wait3A_158 = arith.constant 0 : i32
    %dma_wait3A_159 = arith.constant 0 : i32
    %dma_wait3A_160 = tpu.memref_slice %arg7[%dma_wait3A_156, %dma_wait3A_158, %dma_wait3A_159] : memref<3x80x128xf32, #tpu.memory_space<vmem>> -> memref<1x80x128xf32, #tpu.memory_space<vmem>>
    %dma_wait3A_161 = tpu.memref_squeeze %dma_wait3A_160 : memref<1x80x128xf32, #tpu.memory_space<vmem>> -> memref<80x128xf32, #tpu.memory_space<vmem>>
    %dma_wait3A_162 = arith.constant 0 : i32
    %dma_wait3A_163 = tpu.memref_slice %arg6[%dma_wait3A_157, %dma_wait3A_162] : memref<3x80xi32, #tpu.memory_space<vmem>> -> memref<1x80xi32, #tpu.memory_space<vmem>>
    %dma_wait3A_164 = tpu.memref_squeeze %dma_wait3A_163 : memref<1x80xi32, #tpu.memory_space<vmem>> -> memref<80xi32, #tpu.memory_space<vmem>>
    %dma_wait3A_165 = arith.constant 0 : i32
    %dma_wait3A_166 = arith.constant 0 : i32
    %dma_wait3A_167 = tpu.memref_slice %arg9[%dma_wait3A_165, %dma_wait3A_166] : memref<10240x128xf32, #tpu.memory_space<vmem_shared>> -> memref<10240x128xf32, #tpu.memory_space<vmem_shared>>
    tpu.wait_indirect_dma semaphore(%arg12 : memref<!tpu.dma_semaphore, #tpu.memory_space<semaphore_mem>>) src(%dma_wait3A_161 : memref<80x128xf32, #tpu.memory_space<vmem>>) dst(%dma_wait3A_167 : memref<10240x128xf32, #tpu.memory_space<vmem_shared>>)
    %dma_wait3A_168 = arith.constant 1 : i32
    %dma_wait3A_169 = arith.constant 1 : i32
    %dma_wait3A_170 = arith.constant 0 : i32
    %dma_wait3A_171 = arith.constant 0 : i32
    %dma_wait3A_172 = tpu.memref_slice %arg7[%dma_wait3A_168, %dma_wait3A_170, %dma_wait3A_171] : memref<3x80x128xf32, #tpu.memory_space<vmem>> -> memref<1x80x128xf32, #tpu.memory_space<vmem>>
    %dma_wait3A_173 = tpu.memref_squeeze %dma_wait3A_172 : memref<1x80x128xf32, #tpu.memory_space<vmem>> -> memref<80x128xf32, #tpu.memory_space<vmem>>
    %dma_wait3A_174 = arith.constant 0 : i32
    %dma_wait3A_175 = tpu.memref_slice %arg6[%dma_wait3A_169, %dma_wait3A_174] : memref<3x80xi32, #tpu.memory_space<vmem>> -> memref<1x80xi32, #tpu.memory_space<vmem>>
    %dma_wait3A_176 = tpu.memref_squeeze %dma_wait3A_175 : memref<1x80xi32, #tpu.memory_space<vmem>> -> memref<80xi32, #tpu.memory_space<vmem>>
    %dma_wait3A_177 = arith.constant 0 : i32
    %dma_wait3A_178 = arith.constant 0 : i32
    %dma_wait3A_179 = tpu.memref_slice %arg9[%dma_wait3A_177, %dma_wait3A_178] : memref<10240x128xf32, #tpu.memory_space<vmem_shared>> -> memref<10240x128xf32, #tpu.memory_space<vmem_shared>>
    tpu.wait_indirect_dma semaphore(%arg13 : memref<!tpu.dma_semaphore, #tpu.memory_space<semaphore_mem>>) src(%dma_wait3A_173 : memref<80x128xf32, #tpu.memory_space<vmem>>) dst(%dma_wait3A_179 : memref<10240x128xf32, #tpu.memory_space<vmem_shared>>)
    %dma_wait3A_180 = arith.constant 2 : i32
    %dma_wait3A_181 = arith.constant 2 : i32
    %dma_wait3A_182 = arith.constant 0 : i32
    %dma_wait3A_183 = arith.constant 0 : i32
    %dma_wait3A_184 = tpu.memref_slice %arg7[%dma_wait3A_180, %dma_wait3A_182, %dma_wait3A_183] : memref<3x80x128xf32, #tpu.memory_space<vmem>> -> memref<1x80x128xf32, #tpu.memory_space<vmem>>
    %dma_wait3A_185 = tpu.memref_squeeze %dma_wait3A_184 : memref<1x80x128xf32, #tpu.memory_space<vmem>> -> memref<80x128xf32, #tpu.memory_space<vmem>>
    %dma_wait3A_186 = arith.constant 0 : i32
    %dma_wait3A_187 = tpu.memref_slice %arg6[%dma_wait3A_181, %dma_wait3A_186] : memref<3x80xi32, #tpu.memory_space<vmem>> -> memref<1x80xi32, #tpu.memory_space<vmem>>
    %dma_wait3A_188 = tpu.memref_squeeze %dma_wait3A_187 : memref<1x80xi32, #tpu.memory_space<vmem>> -> memref<80xi32, #tpu.memory_space<vmem>>
    %dma_wait3A_189 = arith.constant 0 : i32
    %dma_wait3A_190 = arith.constant 0 : i32
    %dma_wait3A_191 = tpu.memref_slice %arg9[%dma_wait3A_189, %dma_wait3A_190] : memref<10240x128xf32, #tpu.memory_space<vmem_shared>> -> memref<10240x128xf32, #tpu.memory_space<vmem_shared>>
    tpu.wait_indirect_dma semaphore(%arg14 : memref<!tpu.dma_semaphore, #tpu.memory_space<semaphore_mem>>) src(%dma_wait3A_185 : memref<80x128xf32, #tpu.memory_space<vmem>>) dst(%dma_wait3A_191 : memref<10240x128xf32, #tpu.memory_space<vmem_shared>>)
    %barrier3A_192 = arith.constant 0 : index
    tpu.barrier barrier_id(%barrier3A_192)
    %mul3A_193 = arith.constant 640 : i32
    %mul3A_194 = arith.muli %arg1, %mul3A_193 : i32
    %mul3A_195 = arith.constant 640 : i32
    %mul3A_196 = arith.muli %arg1, %mul3A_195 : i32
    "tpu.region"() ({
      %run_scoped3A = tpu.sem_alloc : memref<!tpu.dma_semaphore, #tpu.memory_space<semaphore_mem>>
      %dma_start3A_197 = arith.constant 0 : i32
      %dma_start3A_198 = tpu.memref_slice %arg4[%arg0, %mul3A_196, %dma_start3A_197] : memref<2x10240x128xf32, #tpu.memory_space<hbm>> -> memref<1x640x128xf32, #tpu.memory_space<hbm>>
      %dma_start3A_199 = tpu.memref_squeeze %dma_start3A_198 : memref<1x640x128xf32, #tpu.memory_space<hbm>> -> memref<640x128xf32, #tpu.memory_space<hbm>>
      %dma_start3A_200 = arith.constant 0 : i32
      %dma_start3A_201 = tpu.memref_slice %arg9[%mul3A_194, %dma_start3A_200] : memref<10240x128xf32, #tpu.memory_space<vmem_shared>> -> memref<640x128xf32, #tpu.memory_space<vmem_shared>>
      tpu.enqueue_dma source(%dma_start3A_201 : memref<640x128xf32, #tpu.memory_space<vmem_shared>>) target(%dma_start3A_199 : memref<640x128xf32, #tpu.memory_space<hbm>>) target_semaphore(%run_scoped3A : memref<!tpu.dma_semaphore, #tpu.memory_space<semaphore_mem>>)
      %dma_wait3A_202 = arith.constant 0 : i32
      %dma_wait3A_203 = tpu.memref_slice %arg4[%arg0, %mul3A_196, %dma_wait3A_202] : memref<2x10240x128xf32, #tpu.memory_space<hbm>> -> memref<1x640x128xf32, #tpu.memory_space<hbm>>
      %dma_wait3A_204 = tpu.memref_squeeze %dma_wait3A_203 : memref<1x640x128xf32, #tpu.memory_space<hbm>> -> memref<640x128xf32, #tpu.memory_space<hbm>>
      %dma_wait3A_205 = arith.constant 0 : i32
      %dma_wait3A_206 = tpu.memref_slice %arg9[%mul3A_194, %dma_wait3A_205] : memref<10240x128xf32, #tpu.memory_space<vmem_shared>> -> memref<640x128xf32, #tpu.memory_space<vmem_shared>>
      tpu.wait_dma2 semaphore(%run_scoped3A : memref<!tpu.dma_semaphore, #tpu.memory_space<semaphore_mem>>) src(%dma_wait3A_206 : memref<640x128xf32, #tpu.memory_space<vmem_shared>>) dst(%dma_wait3A_204 : memref<640x128xf32, #tpu.memory_space<hbm>>)
      tpu.yield
    }) : () -> ()
    return
  }
}

module attributes {stable_mosaic.version = 14 : i64} {
  func.func @_head_body(%arg0: i32, %arg1: memref<2x1280x16xf32, #tpu.memory_space<vmem>>, %arg2: memref<2x1280x128xf32, #tpu.memory_space<vmem>>, %arg3: memref<128x128xf32, #tpu.memory_space<vmem>>, %arg4: memref<1x128xf32, #tpu.memory_space<vmem>>, %arg5: memref<128x128xf32, #tpu.memory_space<vmem>>, %arg6: memref<1x128xf32, #tpu.memory_space<vmem>>, %arg7: memref<128x128xf32, #tpu.memory_space<vmem>>, %arg8: memref<1x128xf32, #tpu.memory_space<vmem>>, %arg9: memref<128x1xf32, #tpu.memory_space<vmem>>, %arg10: memref<1x1xf32, #tpu.memory_space<vmem>>, %arg11: memref<1x1xf32, #tpu.memory_space<vmem>>, %arg12: memref<1x128xf32, #tpu.memory_space<vmem>>) attributes {dimension_semantics = [#tpu.dimension_semantics<arbitrary>], iteration_bounds = array<i64: 8>, scalar_prefetch = 0 : i64, scratch_operands = 1 : i64, tpu.core_type = #tpu.core_type<tc>, window_params = [{transform_indices = @transform_0, window_bounds = array<i64: 2, 1280, 16>}, {transform_indices = @transform_1, window_bounds = array<i64: 2, 1280, 128>}, {pipeline_mode = #tpu.pipeline_mode<synchronous>, transform_indices = @transform_2, window_bounds = array<i64: 128, 128>}, {pipeline_mode = #tpu.pipeline_mode<synchronous>, transform_indices = @transform_3, window_bounds = array<i64: 1, 128>}, {pipeline_mode = #tpu.pipeline_mode<synchronous>, transform_indices = @transform_4, window_bounds = array<i64: 128, 128>}, {pipeline_mode = #tpu.pipeline_mode<synchronous>, transform_indices = @transform_5, window_bounds = array<i64: 1, 128>}, {pipeline_mode = #tpu.pipeline_mode<synchronous>, transform_indices = @transform_6, window_bounds = array<i64: 128, 128>}, {pipeline_mode = #tpu.pipeline_mode<synchronous>, transform_indices = @transform_7, window_bounds = array<i64: 1, 128>}, {pipeline_mode = #tpu.pipeline_mode<synchronous>, transform_indices = @transform_8, window_bounds = array<i64: 128, 1>}, {pipeline_mode = #tpu.pipeline_mode<synchronous>, transform_indices = @transform_9, window_bounds = array<i64: 1, 1>}, {pipeline_mode = #tpu.pipeline_mode<synchronous>, transform_indices = @transform_10, window_bounds = array<i64: 1, 1>}]} {
    %get3A = arith.constant 0 : index
    %get3A_0 = arith.constant 0 : index
    %get3A_1 = arith.constant 0 : index
    %get3A_2 = vector.load %arg1[%get3A, %get3A_0, %get3A_1] : memref<2x1280x16xf32, #tpu.memory_space<vmem>>, vector<2x1280x16xf32>
    %slice3A = vector.extract_strided_slice %get3A_2 {offsets = [1, 0, 0], sizes = [1, 1280, 16], strides = [1, 1, 1]} : vector<2x1280x16xf32> to vector<1x1280x16xf32>
    %squeeze3A = vector.shape_cast %slice3A : vector<1x1280x16xf32> to vector<1280x16xf32>
    %slice3A_3 = vector.extract_strided_slice %squeeze3A {offsets = [0, 0], sizes = [1280, 1], strides = [1, 1]} : vector<1280x16xf32> to vector<1280x1xf32>
    %gt3A = arith.constant 0.000000e+00 : f32
    %gt3A_4 = vector.broadcast %gt3A : f32 to vector<1280x1xf32>
    %gt3A_5 = arith.cmpf ogt, %slice3A_3, %gt3A_4 : vector<1280x1xf32>
    %rsqrt3A = math.rsqrt %slice3A_3 : vector<1280x1xf32>
    %jit3A = arith.constant 0.000000e+00 : f32
    %broadcast_in_dim3A = vector.broadcast %jit3A : f32 to vector<1280x1xf32>
    %select_n3A = arith.select %gt3A_5, %rsqrt3A, %broadcast_in_dim3A : vector<1280x1xi1>, vector<1280x1xf32>
    %get3A_6 = arith.constant 0 : index
    %get3A_7 = arith.constant 0 : index
    %get3A_8 = arith.constant 0 : index
    %get3A_9 = vector.load %arg2[%get3A_6, %get3A_7, %get3A_8] : memref<2x1280x128xf32, #tpu.memory_space<vmem>>, vector<1x1280x128xf32>
    %get3A_10 = vector.shape_cast %get3A_9 : vector<1x1280x128xf32> to vector<1280x128xf32>
    %get3A_11 = arith.constant 1 : index
    %get3A_12 = arith.constant 0 : index
    %get3A_13 = arith.constant 0 : index
    %get3A_14 = vector.load %arg2[%get3A_11, %get3A_12, %get3A_13] : memref<2x1280x128xf32, #tpu.memory_space<vmem>>, vector<1x1280x128xf32>
    %get3A_15 = vector.shape_cast %get3A_14 : vector<1x1280x128xf32> to vector<1280x128xf32>
    %add3A = arith.addf %get3A_10, %get3A_15 : vector<1280x128xf32>
    %mul3A = vector.broadcast %select_n3A : vector<1280x1xf32> to vector<1280x128xf32>
    %mul3A_16 = arith.mulf %add3A, %mul3A : vector<1280x128xf32>
    %reduce_sum3A = arith.constant dense<0.000000e+00> : vector<128xf32>
    %reduce_sum3A_17 = vector.multi_reduction <add>, %mul3A_16, %reduce_sum3A [0] : vector<1280x128xf32> to vector<128xf32>
    %broadcast_in_dim3A_18 = vector.shape_cast %reduce_sum3A_17 : vector<128xf32> to vector<1x128xf32>
    %eq3A = arith.constant 0 : i32
    %eq3A_19 = arith.cmpi eq, %arg0, %eq3A : i32
    %convert_element_type3A = arith.extui %eq3A_19 : i1 to i32
    %cond3A = arith.constant 0 : i32
    %cond3A_20 = arith.cmpi ne, %convert_element_type3A, %cond3A : i32
    scf.if %cond3A_20 {
      %swap3A = arith.constant 0 : index
      %swap3A_31 = arith.constant 0 : index
      %swap3A_32 = vector.load %arg12[%swap3A, %swap3A_31] : memref<1x128xf32, #tpu.memory_space<vmem>>, vector<1x128xf32>
      tpu.vector_store %arg12[%swap3A, %swap3A_31], %broadcast_in_dim3A_18 {strides = array<i32>} : memref<1x128xf32, #tpu.memory_space<vmem>>, vector<1x128xf32>,
    } else {
    }
    %gt3A_21 = arith.constant 0 : i32
    %gt3A_22 = arith.cmpi sgt, %arg0, %gt3A_21 : i32
    %convert_element_type3A_23 = arith.extui %gt3A_22 : i1 to i32
    %cond3A_24 = arith.constant 0 : i32
    %cond3A_25 = arith.cmpi ne, %convert_element_type3A_23, %cond3A_24 : i32
    scf.if %cond3A_25 {
      %get3A_31 = arith.constant 0 : index
      %get3A_32 = arith.constant 0 : index
      %get3A_33 = vector.load %arg12[%get3A_31, %get3A_32] : memref<1x128xf32, #tpu.memory_space<vmem>>, vector<1x128xf32>
      %add3A_34 = arith.addf %get3A_33, %broadcast_in_dim3A_18 : vector<1x128xf32>
      %swap3A = arith.constant 0 : index
      %swap3A_35 = arith.constant 0 : index
      %swap3A_36 = vector.load %arg12[%swap3A, %swap3A_35] : memref<1x128xf32, #tpu.memory_space<vmem>>, vector<1x128xf32>
      tpu.vector_store %arg12[%swap3A, %swap3A_35], %add3A_34 {strides = array<i32>} : memref<1x128xf32, #tpu.memory_space<vmem>>, vector<1x128xf32>,
    } else {
    }
    %eq3A_26 = arith.constant 7 : i32
    %eq3A_27 = arith.cmpi eq, %arg0, %eq3A_26 : i32
    %convert_element_type3A_28 = arith.extui %eq3A_27 : i1 to i32
    %cond3A_29 = arith.constant 0 : i32
    %cond3A_30 = arith.cmpi ne, %convert_element_type3A_28, %cond3A_29 : i32
    scf.if %cond3A_30 {
      %get3A_31 = arith.constant 0 : index
      %get3A_32 = arith.constant 0 : index
      %get3A_33 = vector.load %arg12[%get3A_31, %get3A_32] : memref<1x128xf32, #tpu.memory_space<vmem>>, vector<1x128xf32>
      %mul3A_34 = arith.constant 9.99999974E-5 : f32
      %mul3A_35 = vector.broadcast %mul3A_34 : f32 to vector<1x128xf32>
      %mul3A_36 = arith.mulf %get3A_33, %mul3A_35 : vector<1x128xf32>
      %get3A_37 = arith.constant 0 : index
      %get3A_38 = arith.constant 0 : index
      %get3A_39 = vector.load %arg3[%get3A_37, %get3A_38] : memref<128x128xf32, #tpu.memory_space<vmem>>, vector<128x128xf32>
      %dot_general3A = arith.constant dense<0.000000e+00> : vector<1x128xf32>
      %dot_general3A_40 = tpu.matmul %mul3A_36, %get3A_39, %dot_general3A {dimension_numbers = #tpu.dot_dimension_numbers<[1], [0], [0], [1], [0, 0, 1, 1], [], []>, transpose_lhs_hint = false} : vector<1x128xf32>, vector<128x128xf32>, vector<1x128xf32> -> vector<1x128xf32>
      %get3A_41 = arith.constant 0 : index
      %get3A_42 = arith.constant 0 : index
      %get3A_43 = vector.load %arg4[%get3A_41, %get3A_42] : memref<1x128xf32, #tpu.memory_space<vmem>>, vector<1x128xf32>
      %add3A_44 = arith.addf %dot_general3A_40, %get3A_43 : vector<1x128xf32>
      %get3A_45 = arith.constant 0 : index
      %get3A_46 = arith.constant 0 : index
      %get3A_47 = vector.load %arg5[%get3A_45, %get3A_46] : memref<128x128xf32, #tpu.memory_space<vmem>>, vector<128x128xf32>
      %dot_general3A_48 = arith.constant dense<0.000000e+00> : vector<1x128xf32>
      %dot_general3A_49 = tpu.matmul %add3A_44, %get3A_47, %dot_general3A_48 {dimension_numbers = #tpu.dot_dimension_numbers<[1], [0], [0], [1], [0, 0, 1, 1], [], []>, transpose_lhs_hint = false} : vector<1x128xf32>, vector<128x128xf32>, vector<1x128xf32> -> vector<1x128xf32>
      %get3A_50 = arith.constant 0 : index
      %get3A_51 = arith.constant 0 : index
      %get3A_52 = vector.load %arg6[%get3A_50, %get3A_51] : memref<1x128xf32, #tpu.memory_space<vmem>>, vector<1x128xf32>
      %add3A_53 = arith.addf %dot_general3A_49, %get3A_52 : vector<1x128xf32>
      %max3A = arith.constant 0.000000e+00 : f32
      %max3A_54 = vector.broadcast %max3A : f32 to vector<1x128xf32>
      %max3A_55 = arith.maximumf %add3A_53, %max3A_54 : vector<1x128xf32>
      %get3A_56 = arith.constant 0 : index
      %get3A_57 = arith.constant 0 : index
      %get3A_58 = vector.load %arg7[%get3A_56, %get3A_57] : memref<128x128xf32, #tpu.memory_space<vmem>>, vector<128x128xf32>
      %dot_general3A_59 = arith.constant dense<0.000000e+00> : vector<1x128xf32>
      %dot_general3A_60 = tpu.matmul %max3A_55, %get3A_58, %dot_general3A_59 {dimension_numbers = #tpu.dot_dimension_numbers<[1], [0], [0], [1], [0, 0, 1, 1], [], []>, transpose_lhs_hint = false} : vector<1x128xf32>, vector<128x128xf32>, vector<1x128xf32> -> vector<1x128xf32>
      %get3A_61 = arith.constant 0 : index
      %get3A_62 = arith.constant 0 : index
      %get3A_63 = vector.load %arg8[%get3A_61, %get3A_62] : memref<1x128xf32, #tpu.memory_space<vmem>>, vector<1x128xf32>
      %add3A_64 = arith.addf %dot_general3A_60, %get3A_63 : vector<1x128xf32>
      %max3A_65 = arith.constant 0.000000e+00 : f32
      %max3A_66 = vector.broadcast %max3A_65 : f32 to vector<1x128xf32>
      %max3A_67 = arith.maximumf %add3A_64, %max3A_66 : vector<1x128xf32>
      %get3A_68 = arith.constant 0 : index
      %get3A_69 = arith.constant 0 : index
      %get3A_70 = vector.load %arg9[%get3A_68, %get3A_69] : memref<128x1xf32, #tpu.memory_space<vmem>>, vector<128x1xf32>
      %dot_general3A_71 = arith.constant dense<0.000000e+00> : vector<1x1xf32>
      %dot_general3A_72 = tpu.matmul %max3A_67, %get3A_70, %dot_general3A_71 {dimension_numbers = #tpu.dot_dimension_numbers<[1], [0], [0], [1], [0, 0, 1, 1], [], []>, transpose_lhs_hint = false} : vector<1x128xf32>, vector<128x1xf32>, vector<1x1xf32> -> vector<1x1xf32>
      %get3A_73 = arith.constant 0 : index
      %get3A_74 = arith.constant 0 : index
      %get3A_75 = vector.load %arg10[%get3A_73, %get3A_74] : memref<1x1xf32, #tpu.memory_space<vmem>>, vector<1x1xf32>
      %add3A_76 = arith.addf %dot_general3A_72, %get3A_75 : vector<1x1xf32>
      %neg3A = arith.constant 0.000000e+00 : f32
      %neg3A_77 = vector.broadcast %neg3A : f32 to vector<1x1xf32>
      %neg3A_78 = arith.subf %neg3A_77, %add3A_76 : vector<1x1xf32>
      %exp3A = math.exp %neg3A_78 : vector<1x1xf32>
      %add3A_79 = arith.constant 1.000000e+00 : f32
      %add3A_80 = vector.broadcast %add3A_79 : f32 to vector<1x1xf32>
      %add3A_81 = arith.addf %add3A_80, %exp3A : vector<1x1xf32>
      %div3A = arith.constant 1.000000e+00 : f32
      %div3A_82 = vector.broadcast %div3A : f32 to vector<1x1xf32>
      %div3A_83 = arith.divf %div3A_82, %add3A_81 : vector<1x1xf32>
      %swap3A = arith.constant 0 : index
      %swap3A_84 = arith.constant 0 : index
      %swap3A_85 = vector.load %arg11[%swap3A, %swap3A_84] : memref<1x1xf32, #tpu.memory_space<vmem>>, vector<1x1xf32>
      tpu.vector_store %arg11[%swap3A, %swap3A_84], %div3A_83 {strides = array<i32>} : memref<1x1xf32, #tpu.memory_space<vmem>>, vector<1x1xf32>,
    } else {
    }
    return
  }
  func.func @transform_0(%arg0: i32) -> (i32, i32, i32) {
    %c0_i32 = arith.constant 0 : i32
    %c0_i32_0 = arith.constant 0 : i32
    %c0_i32_1 = arith.constant 0 : i32
    return %c0_i32, %arg0, %c0_i32_0 : i32, i32, i32
  }
  func.func @transform_1(%arg0: i32) -> (i32, i32, i32) {
    %c0_i32 = arith.constant 0 : i32
    %c0_i32_0 = arith.constant 0 : i32
    %c0_i32_1 = arith.constant 0 : i32
    return %c0_i32, %arg0, %c0_i32_0 : i32, i32, i32
  }
  func.func @transform_2(%arg0: i32) -> (i32, i32) {
    %c0_i32 = arith.constant 0 : i32
    %c0_i32_0 = arith.constant 0 : i32
    %c0_i32_1 = arith.constant 0 : i32
    return %c0_i32, %c0_i32_0 : i32, i32
  }
  func.func @transform_3(%arg0: i32) -> (i32, i32) {
    %c0_i32 = arith.constant 0 : i32
    %c0_i32_0 = arith.constant 0 : i32
    %c0_i32_1 = arith.constant 0 : i32
    return %c0_i32, %c0_i32_0 : i32, i32
  }
  func.func @transform_4(%arg0: i32) -> (i32, i32) {
    %c0_i32 = arith.constant 0 : i32
    %c0_i32_0 = arith.constant 0 : i32
    %c0_i32_1 = arith.constant 0 : i32
    return %c0_i32, %c0_i32_0 : i32, i32
  }
  func.func @transform_5(%arg0: i32) -> (i32, i32) {
    %c0_i32 = arith.constant 0 : i32
    %c0_i32_0 = arith.constant 0 : i32
    %c0_i32_1 = arith.constant 0 : i32
    return %c0_i32, %c0_i32_0 : i32, i32
  }
  func.func @transform_6(%arg0: i32) -> (i32, i32) {
    %c0_i32 = arith.constant 0 : i32
    %c0_i32_0 = arith.constant 0 : i32
    %c0_i32_1 = arith.constant 0 : i32
    return %c0_i32, %c0_i32_0 : i32, i32
  }
  func.func @transform_7(%arg0: i32) -> (i32, i32) {
    %c0_i32 = arith.constant 0 : i32
    %c0_i32_0 = arith.constant 0 : i32
    %c0_i32_1 = arith.constant 0 : i32
    return %c0_i32, %c0_i32_0 : i32, i32
  }
  func.func @transform_8(%arg0: i32) -> (i32, i32) {
    %c0_i32 = arith.constant 0 : i32
    %c0_i32_0 = arith.constant 0 : i32
    %c0_i32_1 = arith.constant 0 : i32
    return %c0_i32, %c0_i32_0 : i32, i32
  }
  func.func @transform_9(%arg0: i32) -> (i32, i32) {
    %c0_i32 = arith.constant 0 : i32
    %c0_i32_0 = arith.constant 0 : i32
    %c0_i32_1 = arith.constant 0 : i32
    return %c0_i32, %c0_i32_0 : i32, i32
  }
  func.func @transform_10(%arg0: i32) -> (i32, i32) {
    %c0_i32 = arith.constant 0 : i32
    %c0_i32_0 = arith.constant 0 : i32
    %c0_i32_1 = arith.constant 0 : i32
    return %c0_i32, %c0_i32_0 : i32, i32
  }
}

module attributes {stable_mosaic.version = 14 : i64} {
  func.func @_prescale_body(%arg0: i32, %arg1: memref<2x2000x16xf32, #tpu.memory_space<vmem>>, %arg2: memref<2000x128xf32, #tpu.memory_space<vmem>>, %arg3: memref<2000x128xf32, #tpu.memory_space<vmem>>) attributes {dimension_semantics = [#tpu.dimension_semantics<arbitrary>], iteration_bounds = array<i64: 5>, scalar_prefetch = 0 : i64, scratch_operands = 0 : i64, tpu.core_type = #tpu.core_type<tc>, window_params = [{transform_indices = @transform_0, window_bounds = array<i64: 2, 2000, 16>}, {transform_indices = @transform_1, window_bounds = array<i64: 2000, 128>}, {transform_indices = @transform_2, window_bounds = array<i64: 2000, 128>}]} {
    %get3A = arith.constant 0 : index
    %get3A_0 = arith.constant 0 : index
    %get3A_1 = arith.constant 0 : index
    %get3A_2 = vector.load %arg1[%get3A, %get3A_0, %get3A_1] : memref<2x2000x16xf32, #tpu.memory_space<vmem>>, vector<2x2000x16xf32>
    %slice3A = vector.extract_strided_slice %get3A_2 {offsets = [0, 0, 0], sizes = [1, 2000, 16], strides = [1, 1, 1]} : vector<2x2000x16xf32> to vector<1x2000x16xf32>
    %squeeze3A = vector.shape_cast %slice3A : vector<1x2000x16xf32> to vector<2000x16xf32>
    %slice3A_3 = vector.extract_strided_slice %squeeze3A {offsets = [0, 0], sizes = [2000, 1], strides = [1, 1]} : vector<2000x16xf32> to vector<2000x1xf32>
    %gt3A = arith.constant 0.000000e+00 : f32
    %gt3A_4 = vector.broadcast %gt3A : f32 to vector<2000x1xf32>
    %gt3A_5 = arith.cmpf ogt, %slice3A_3, %gt3A_4 : vector<2000x1xf32>
    %rsqrt3A = math.rsqrt %slice3A_3 : vector<2000x1xf32>
    %jit3A = arith.constant 0.000000e+00 : f32
    %broadcast_in_dim3A = vector.broadcast %jit3A : f32 to vector<2000x1xf32>
    %select_n3A = arith.select %gt3A_5, %rsqrt3A, %broadcast_in_dim3A : vector<2000x1xi1>, vector<2000x1xf32>
    %get3A_6 = arith.constant 0 : index
    %get3A_7 = arith.constant 0 : index
    %get3A_8 = vector.load %arg2[%get3A_6, %get3A_7] : memref<2000x128xf32, #tpu.memory_space<vmem>>, vector<2000x128xf32>
    %mul3A = vector.broadcast %select_n3A : vector<2000x1xf32> to vector<2000x128xf32>
    %mul3A_9 = arith.mulf %get3A_8, %mul3A : vector<2000x128xf32>
    %swap3A = arith.constant 0 : index
    %swap3A_10 = arith.constant 0 : index
    %swap3A_11 = vector.load %arg3[%swap3A, %swap3A_10] : memref<2000x128xf32, #tpu.memory_space<vmem>>, vector<2000x128xf32>
    tpu.vector_store %arg3[%swap3A, %swap3A_10], %mul3A_9 {strides = array<i32>} : memref<2000x128xf32, #tpu.memory_space<vmem>>, vector<2000x128xf32>,
    return
  }
  func.func @transform_0(%arg0: i32) -> (i32, i32, i32) {
    %c0_i32 = arith.constant 0 : i32
    %c0_i32_0 = arith.constant 0 : i32
    %c0_i32_1 = arith.constant 0 : i32
    return %c0_i32, %arg0, %c0_i32_0 : i32, i32, i32
  }
  func.func @transform_1(%arg0: i32) -> (i32, i32) {
    %c0_i32 = arith.constant 0 : i32
    %c0_i32_0 = arith.constant 0 : i32
    return %arg0, %c0_i32 : i32, i32
  }
  func.func @transform_2(%arg0: i32) -> (i32, i32) {
    %c0_i32 = arith.constant 0 : i32
    %c0_i32_0 = arith.constant 0 : i32
    return %arg0, %c0_i32 : i32, i32
  }
}

module attributes {stable_mosaic.version = 14 : i64} {
  func.func @_layer_body(%arg0: i32, %arg1: memref<2x2000x16xf32, #tpu.memory_space<vmem>>, %arg2: memref<2x2000x128xf32, #tpu.memory_space<vmem>>, %arg3: memref<128x128xf32, #tpu.memory_space<vmem>>, %arg4: memref<1x128xf32, #tpu.memory_space<vmem>>, %arg5: memref<2000x128xf32, #tpu.memory_space<vmem>>) attributes {dimension_semantics = [#tpu.dimension_semantics<arbitrary>], iteration_bounds = array<i64: 5>, scalar_prefetch = 0 : i64, scratch_operands = 0 : i64, tpu.core_type = #tpu.core_type<tc>, window_params = [{transform_indices = @transform_0, window_bounds = array<i64: 2, 2000, 16>}, {transform_indices = @transform_1, window_bounds = array<i64: 2, 2000, 128>}, {pipeline_mode = #tpu.pipeline_mode<synchronous>, transform_indices = @transform_2, window_bounds = array<i64: 128, 128>}, {pipeline_mode = #tpu.pipeline_mode<synchronous>, transform_indices = @transform_3, window_bounds = array<i64: 1, 128>}, {transform_indices = @transform_4, window_bounds = array<i64: 2000, 128>}]} {
    %get3A = arith.constant 0 : index
    %get3A_0 = arith.constant 0 : index
    %get3A_1 = arith.constant 0 : index
    %get3A_2 = vector.load %arg1[%get3A, %get3A_0, %get3A_1] : memref<2x2000x16xf32, #tpu.memory_space<vmem>>, vector<2x2000x16xf32>
    %slice3A = vector.extract_strided_slice %get3A_2 {offsets = [0, 0, 0], sizes = [1, 2000, 16], strides = [1, 1, 1]} : vector<2x2000x16xf32> to vector<1x2000x16xf32>
    %squeeze3A = vector.shape_cast %slice3A : vector<1x2000x16xf32> to vector<2000x16xf32>
    %slice3A_3 = vector.extract_strided_slice %squeeze3A {offsets = [0, 0], sizes = [2000, 1], strides = [1, 1]} : vector<2000x16xf32> to vector<2000x1xf32>
    %slice3A_4 = vector.extract_strided_slice %get3A_2 {offsets = [1, 0, 0], sizes = [1, 2000, 16], strides = [1, 1, 1]} : vector<2x2000x16xf32> to vector<1x2000x16xf32>
    %squeeze3A_5 = vector.shape_cast %slice3A_4 : vector<1x2000x16xf32> to vector<2000x16xf32>
    %slice3A_6 = vector.extract_strided_slice %squeeze3A_5 {offsets = [0, 0], sizes = [2000, 1], strides = [1, 1]} : vector<2000x16xf32> to vector<2000x1xf32>
    %gt3A = arith.constant 0.000000e+00 : f32
    %gt3A_7 = vector.broadcast %gt3A : f32 to vector<2000x1xf32>
    %gt3A_8 = arith.cmpf ogt, %slice3A_3, %gt3A_7 : vector<2000x1xf32>
    %rsqrt3A = math.rsqrt %slice3A_3 : vector<2000x1xf32>
    %jit3A = arith.constant 0.000000e+00 : f32
    %broadcast_in_dim3A = vector.broadcast %jit3A : f32 to vector<2000x1xf32>
    %select_n3A = arith.select %gt3A_8, %rsqrt3A, %broadcast_in_dim3A : vector<2000x1xi1>, vector<2000x1xf32>
    %gt3A_9 = arith.constant 0.000000e+00 : f32
    %gt3A_10 = vector.broadcast %gt3A_9 : f32 to vector<2000x1xf32>
    %gt3A_11 = arith.cmpf ogt, %slice3A_6, %gt3A_10 : vector<2000x1xf32>
    %rsqrt3A_12 = math.rsqrt %slice3A_6 : vector<2000x1xf32>
    %jit3A_13 = arith.constant 0.000000e+00 : f32
    %broadcast_in_dim3A_14 = vector.broadcast %jit3A_13 : f32 to vector<2000x1xf32>
    %select_n3A_15 = arith.select %gt3A_11, %rsqrt3A_12, %broadcast_in_dim3A_14 : vector<2000x1xi1>, vector<2000x1xf32>
    %get3A_16 = arith.constant 0 : index
    %get3A_17 = arith.constant 0 : index
    %get3A_18 = arith.constant 0 : index
    %get3A_19 = vector.load %arg2[%get3A_16, %get3A_17, %get3A_18] : memref<2x2000x128xf32, #tpu.memory_space<vmem>>, vector<1x2000x128xf32>
    %get3A_20 = vector.shape_cast %get3A_19 : vector<1x2000x128xf32> to vector<2000x128xf32>
    %get3A_21 = arith.constant 1 : index
    %get3A_22 = arith.constant 0 : index
    %get3A_23 = arith.constant 0 : index
    %get3A_24 = vector.load %arg2[%get3A_21, %get3A_22, %get3A_23] : memref<2x2000x128xf32, #tpu.memory_space<vmem>>, vector<1x2000x128xf32>
    %get3A_25 = vector.shape_cast %get3A_24 : vector<1x2000x128xf32> to vector<2000x128xf32>
    %add3A = arith.addf %get3A_20, %get3A_25 : vector<2000x128xf32>
    %mul3A = vector.broadcast %select_n3A_15 : vector<2000x1xf32> to vector<2000x128xf32>
    %mul3A_26 = arith.mulf %add3A, %mul3A : vector<2000x128xf32>
    %get3A_27 = arith.constant 0 : index
    %get3A_28 = arith.constant 0 : index
    %get3A_29 = vector.load %arg3[%get3A_27, %get3A_28] : memref<128x128xf32, #tpu.memory_space<vmem>>, vector<128x128xf32>
    %dot_general3A = arith.constant dense<0.000000e+00> : vector<2000x128xf32>
    %dot_general3A_30 = tpu.matmul %mul3A_26, %get3A_29, %dot_general3A {dimension_numbers = #tpu.dot_dimension_numbers<[1], [0], [0], [1], [0, 0, 1, 1], [], []>, transpose_lhs_hint = false} : vector<2000x128xf32>, vector<128x128xf32>, vector<2000x128xf32> -> vector<2000x128xf32>
    %get3A_31 = arith.constant 0 : index
    %get3A_32 = arith.constant 0 : index
    %get3A_33 = vector.load %arg4[%get3A_31, %get3A_32] : memref<1x128xf32, #tpu.memory_space<vmem>>, vector<1x128xf32>
    %add3A_34 = vector.broadcast %get3A_33 : vector<1x128xf32> to vector<2000x128xf32>
    %add3A_35 = arith.addf %dot_general3A_30, %add3A_34 : vector<2000x128xf32>
    %max3A = arith.constant 0.000000e+00 : f32
    %max3A_36 = vector.broadcast %max3A : f32 to vector<2000x128xf32>
    %max3A_37 = arith.maximumf %add3A_35, %max3A_36 : vector<2000x128xf32>
    %mul3A_38 = vector.broadcast %select_n3A : vector<2000x1xf32> to vector<2000x128xf32>
    %mul3A_39 = arith.mulf %max3A_37, %mul3A_38 : vector<2000x128xf32>
    %swap3A = arith.constant 0 : index
    %swap3A_40 = arith.constant 0 : index
    %swap3A_41 = vector.load %arg5[%swap3A, %swap3A_40] : memref<2000x128xf32, #tpu.memory_space<vmem>>, vector<2000x128xf32>
    tpu.vector_store %arg5[%swap3A, %swap3A_40], %mul3A_39 {strides = array<i32>} : memref<2000x128xf32, #tpu.memory_space<vmem>>, vector<2000x128xf32>,
    return
  }
  func.func @transform_0(%arg0: i32) -> (i32, i32, i32) {
    %c0_i32 = arith.constant 0 : i32
    %c0_i32_0 = arith.constant 0 : i32
    %c0_i32_1 = arith.constant 0 : i32
    return %c0_i32, %arg0, %c0_i32_0 : i32, i32, i32
  }
  func.func @transform_1(%arg0: i32) -> (i32, i32, i32) {
    %c0_i32 = arith.constant 0 : i32
    %c0_i32_0 = arith.constant 0 : i32
    %c0_i32_1 = arith.constant 0 : i32
    return %c0_i32, %arg0, %c0_i32_0 : i32, i32, i32
  }
  func.func @transform_2(%arg0: i32) -> (i32, i32) {
    %c0_i32 = arith.constant 0 : i32
    %c0_i32_0 = arith.constant 0 : i32
    %c0_i32_1 = arith.constant 0 : i32
    return %c0_i32, %c0_i32_0 : i32, i32
  }
  func.func @transform_3(%arg0: i32) -> (i32, i32) {
    %c0_i32 = arith.constant 0 : i32
    %c0_i32_0 = arith.constant 0 : i32
    %c0_i32_1 = arith.constant 0 : i32
    return %c0_i32, %c0_i32_0 : i32, i32
  }
  func.func @transform_4(%arg0: i32) -> (i32, i32) {
    %c0_i32 = arith.constant 0 : i32
    %c0_i32_0 = arith.constant 0 : i32
    return %arg0, %c0_i32 : i32, i32
  }
}

</mosaic_0001>

<sc_bundles>
// kernel: kernel.10.cloned.1.call-start
scs
__scs_entry_jumppad:
0x0: {  	(pc) =	sbr.rel $0x88, $3  }
0x1: {  	(tag) =	ssettag $0x0;
	lr =	simm.s32 $0x1  }
0x2: {  	[smem:$0x3F93] =	sst lr;
	_ =	strace $0xD0000000  }
0x3: {  	_ = 	snop  }
0x4: {  	_ = 	snop  }
0x5: {  	_ = 	snop  }
0x6: {  	_ = 	snop  }
0x7: {  	_ = 	snop  }
__scs_overlays_trampoline_lowered:
0x8: {  	[smem:$0x3FA2] =	sst s0  }
0x9: {  	[smem:$0x3FA3] =	sst s1  }
0xa: {  	[smem:$0x3FA4] =	sst s2  }
0xb: {  	[smem:$0x3FA5] =	sst s3  }
0xc: {  	[smem:$0x3FA6] =	sst s4  }
0xd: {  	[smem:$0x3FA7] =	sst s5  }
0xe: {  	[smem:$0x3FA8] =	sst s6  }
0xf: {  	[smem:$0x3FA9] =	sst s7  }
0x10: {  	[smem:$0x3FAA] =	sst s8  }
0x11: {  	[smem:$0x3FAB] =	sst s9;
	s0 =	simm.s32 @!p0 $0x0  }
0x12: {  	s1 =	sld [smem:$0x3F91];
	s0 =	simm.s32 @p0 $0x1  }
0x13: {  	[smem:$0x3FAC] =	sst s0;
	s0 =	simm.s32 @!p1 $0x0  }
0x14: {  	s2 =	sld [smem:$0x3F90];
	s0 =	simm.s32 @p1 $0x1  }
0x15: {  	[smem:$0x3FAD] =	sst s0;
	s0 =	simm.s32 @!p2 $0x0  }
0x16: {  	s3 =	sld [smem:$0x3FDB];
	s0 =	simm.s32 @p2 $0x1  }
0x17: {  	s4 =	simm.s32 $0x1BF5;
	[smem:$0x3FAF] =	sst s0  }
0x18: {  	s0 =	sld [smem:$0x3F92];
	_ =	swait.ge [sflag:s4], $0x0  }
0x19: {  	s7 =	sld [smem:$0x3F93]  }
0x1a: {  	s8 =	sadd.s32 $0xFFFFE003, lr  }
0x1b: {  	s9 =	sadd.s32 $0xFFFFFEF7, lr;
	s5 =	simm.s32 $0xFFFFFFFF;
	p2 =	slt.u32 s8, $0xFFFFF086  }
0x1c: {  	p1 =	slt.u32 s9, $0xF7A;
	s5 =	simm.s32 @!p2 $0x0  }
0x1d: {  	s5 =	simm.s32 @p1 $0x1;
	p0 =	seq.s32 s7, s2  }
0x1e: {  	s7 =	smul.u32 @!p0 $0xF7A, s2;
	p2 =	seq.s32 @!p0 s5, $0x0  }
0x1f: {  	s9 =	smul.u32 $0xF7A, s1;
	s8 =	simm.s32 @!p0 $0x1BF5;
	p2 =	por !p2, p0  }
0x20: {  	[sflag:s8] =	ssyncset.s32 @!p0 $0xFFFFF086;
	s6 =	sadd.s32 @!p0 s3, s7;
	s7 =	simm.s32 @!p0 $0x108  }
0x21: {  	s3 =	sadd.s32 s3, s9;
	s6 =	sadd.s32 @!p0 $0x88, s6;
	s7 =	simm.s32 @p2 $0x1082  }
0x22: {  	[simem:s7], [sflag:s8] =	dma.local @!p0 [hbm:s6], $0xF7A  }
0x23: {  	s9 =	sor.u32 $0xD0000000, s2;
	s6 =	simm.s32 $0x108;
	_ =	swait.ge @!p0 [sflag:s8], $0x0  }
0x24: {  	s3 =	sadd.s32 $0x88, s3;
	s6 =	simm.s32 @!p1 $0x1082;
	[sflag:s4] =	ssyncset.s32 $0xFFFFF086  }
0x25: {  	[simem:s6], [sflag:s4] =	dma.local [hbm:s3], $0xF7A  }
0x26: {  	[smem:$0x3F93] =	sst s1;
	(tag) =	ssettag s2;
	_ =	strace s9  }
0x27: {  	s1 =	sld [smem:$0x3FA3]  }
0x28: {  	s2 =	sld [smem:$0x3FA4]  }
0x29: {  	s4 =	sld [smem:$0x3FA6]  }
0x2a: {  	p0 =	seq.s32 s5, $0x0;
	s5 =	sld [smem:$0x3FA7]  }
0x2b: {  	s6 =	sld [smem:$0x3FA8]  }
0x2c: {  	s7 =	sld [smem:$0x3FA9]  }
0x2d: {  	s3 =	simm.s32 $0x108;
	s8 =	sld [smem:$0x3FAA]  }
0x2e: {  	s3 =	simm.s32 @!p0 $0x1082;
	s9 =	sld [smem:$0x3FAB]  }
0x2f: {  	lr =	sadd.s32 s0, s3;
	s0 =	sld [smem:$0x3FA2]  }
0x30: {  	s3 =	sld [smem:$0x3FA5]  }
0x31: {  	[smem:$0x3FAE] =	sst s10  }
0x32: {  	s10 =	sld [smem:$0x3FAC];
	_ =	sdelay $0x3  }
0x33: {  	p0 =	seq.s32 s10, $0x1;
	s10 =	sld [smem:$0x3FAE];
	_ =	sdelay $0x3  }
0x34: {  	[smem:$0x3FAE] =	sst s10  }
0x35: {  	s10 =	sld [smem:$0x3FAD];
	_ =	sdelay $0x3  }
0x36: {  	p1 =	seq.s32 s10, $0x1;
	s10 =	sld [smem:$0x3FAE];
	_ =	sdelay $0x3  }
0x37: {  	[smem:$0x3FAE] =	sst s10  }
0x38: {  	s10 =	sld [smem:$0x3FAF]  }
0x39: {  	_ = 	snop;
	(pc) =	sbr.ind lr, $3  }
0x3a: {  	_ = 	snop  }
0x3b: {  	_ = 	snop  }
0x3c: {  	p2 =	seq.s32 s10, $0x1;
	s10 =	sld [smem:$0x3FAE]  }
0x3d: {  	_ =	shalt  }
0x3e: {  	_ =	shalt  }
0x3f: {  	_ =	shalt  }
0x40: {  	_ =	shalt  }
0x41: {  	_ =	shalt  }
0x42: {  	_ =	shalt  }
0x43: {  	_ =	shalt  }
0x44: {  	_ =	shalt  }
0x45: {  	_ =	shalt  }
0x46: {  	_ =	shalt  }
0x47: {  	_ =	shalt  }
0x48: {  	_ =	shalt  }
0x49: {  	_ =	shalt  }
0x4a: {  	_ =	shalt  }
0x4b: {  	_ =	shalt  }
0x4c: {  	_ =	shalt  }
0x4d: {  	_ =	shalt  }
0x4e: {  	_ =	shalt  }
0x4f: {  	_ =	shalt  }
0x50: {  	_ =	shalt  }
0x51: {  	_ =	shalt  }
0x52: {  	_ =	shalt  }
0x53: {  	_ =	shalt  }
0x54: {  	_ =	shalt  }
0x55: {  	_ =	shalt  }
0x56: {  	_ =	shalt  }
0x57: {  	_ =	shalt  }
0x58: {  	_ =	shalt  }
0x59: {  	_ =	shalt  }
0x5a: {  	_ =	shalt  }
0x5b: {  	_ =	shalt  }
0x5c: {  	_ =	shalt  }
0x5d: {  	_ =	shalt  }
0x5e: {  	_ =	shalt  }
0x5f: {  	_ =	shalt  }
0x60: {  	_ =	shalt  }
0x61: {  	_ =	shalt  }
0x62: {  	_ =	shalt  }
0x63: {  	_ =	shalt  }
0x64: {  	_ =	shalt  }
0x65: {  	_ =	shalt  }
0x66: {  	_ =	shalt  }
0x67: {  	_ =	shalt  }
0x68: {  	_ =	shalt  }
0x69: {  	_ =	shalt  }
0x6a: {  	_ =	shalt  }
0x6b: {  	_ =	shalt  }
0x6c: {  	_ =	shalt  }
0x6d: {  	_ =	shalt  }
0x6e: {  	_ =	shalt  }
0x6f: {  	_ =	shalt  }
0x70: {  	_ =	shalt  }
0x71: {  	_ =	shalt  }
0x72: {  	_ =	shalt  }
0x73: {  	_ =	shalt  }
0x74: {  	_ =	shalt  }
0x75: {  	_ =	shalt  }
0x76: {  	_ =	shalt  }
0x77: {  	_ =	shalt  }
0x78: {  	_ =	shalt  }
0x79: {  	_ =	shalt  }
0x7a: {  	_ =	shalt  }
0x7b: {  	_ =	shalt  }
0x7c: {  	_ =	shalt  }
0x7d: {  	_ =	shalt  }
0x7e: {  	_ =	shalt  }
0x7f: {  	_ =	shalt  }
0x80: {  	_ =	shalt  }
0x81: {  	_ =	shalt  }
0x82: {  	_ =	shalt  }
0x83: {  	_ =	shalt  }
0x84: {  	_ =	shalt  }
0x85: {  	_ =	shalt  }
0x86: {  	_ =	shalt  }
0x87: {  	_ =	shalt  }
.Lfunc_end0:
.L_simem_size_0:
called_computation_lowered:
.L_overlay_start_0:
0x88: {  	s2 =	sld [smem:$0x3FD9]  }
0x89: {  	s3 =	sld [smem:$0x3FFE];
	_ =	sdelay $0x1  }
0x8a: {  	s1 =	srdreg.scid  }
0x8b: {  	s0 =	sand.u32 $0x1, s1  }
0x8c: {  	s16 =	sshll.u32 s0, $0xA;
	s2 =	sadd.s32 s3, s2  }
0x8d: {  	s2 =	sadd.s32 s2, s16  }
0x8e: {  	[smem:$0x3FBA] =	sst s2  }
0x8f: {  	_ = 	snop  }
0x90: {  	(tm) =	ssettm $0x1  }
0x91: {  	s17 =	sld [smem:$0x3FFB];
	_ =	sdelay $0x3  }
0x92: {  	_ =	strace s17  }
0x93: {  	s2 =	sld [smem:$0x3FFC];
	_ =	sdelay $0x3  }
0x94: {  	_ =	strace s2  }
0x95: {  	s2 =	sld [smem:$0x3FFD];
	_ =	sdelay $0x3  }
0x96: {  	_ =	strace s2  }
0x97: {  	_ =	strace $0x8FFFFFFF  }
0x98: {  	s18 =	sld [smem:$0x3FDB];
	_ =	sdelay $0x1  }
0x99: {  	s19 =	simm.s32 $_scs_section_size  }
0x9a: {  	s4 =	simm.s32 $_size__tile_overlayer_lowered;
	s5 =	simm.s32 $_tile_overlayer_lowered  }
0x9b: {  	s22 =	simm.s32 $0x1BFF;
	s21 =	sshll.u32 s5, $0x1;
	s2 =	sadd.s32 s19, s18  }
0x9c: {  	s6 =	simm.s32 $0x0;
	s20 =	sshll.u32 s4, $0x1;
	s4 =	sadd.s32 s21, s2  }
0x9d: {  	[timem:s6], [sflag:s22] =	dma.local [hbm:s4], s20  }
0x9e: {  	_ =	swait.ge [sflag:s22], s20  }
0x9f: {  	s3 =	ssub.s32 $0x0, s20;
	[sflag:s22] =	ssyncset.done $0x0  }
0xa0: {  	[sflag:s22] =	ssyncadd.s32 s3;
	_ =	sdelay $0x1  }
0xa1: {  	s23 =	simm.s32 $0x1B8B  }
0xa2: {  	_ =	swait.ge [sflag:s23], $0x1  }
0xa3: {  	[sflag:s23] =	ssyncset.done $0x0  }
0xa4: {  	s25 =	simm.s32 $0x1B8E;
	s24 =	sld [smem:$0x3FFE];
	[sflag:s23] =	ssyncadd.s32 $0xFFFFFFFF  }
0xa5: {  	s26 =	simm.s32 $execute0_lowered;
	[smem:$0x3FD2] =	sst s25  }
0xa6: {  	s4 =	sshll.u32 s26, $0x1;
	_ =	strace $0x80000046;
	[dreg:$0x1] =	wrdreg $0xFFFFFFFF  }
0xa7: {  	s28 =	simm.s32 $_size_execute0_lowered;
	s2 =	sadd.s32 s2, s4;
	[dreg:$0x0] =	wrdreg $0x0  }
0xa8: {  	s4 =	sshll.u32 s28, $0x1;
	[dreg:$0x2] =	wrdreg s2  }
0xa9: {  	[dreg:$0x3] =	wrdreg s4  }
0xaa: {  	[dreg:$0x4] =	wrdreg $0xC0  }
0xab: {  	_ =	task [dreg:s6], $0x5FFFF  }
0xac: {  	[dreg:$0x1] =	wrdreg $0xFFFFFFFF  }
0xad: {  	[dreg:$0x0] =	wrdreg $0x60  }
0xae: {  	[dreg:$0x2] =	wrdreg s24  }
0xaf: {  	[dreg:$0x3] =	wrdreg $0x9E800  }
0xb0: {  	[dreg:$0x4] =	wrdreg $0x9  }
0xb1: {  	_ =	task.clear_ibuf [dreg:s6], $0x5FFFF;
	_ =	strace $0x90000046  }
0xb2: {  	s29 =	simm.s32 $0x9;
	_ =	strace $0x80000048  }
0xb3: {  	_ =	swait.ge [sflag:s29], $0x1  }
0xb4: {  	[sflag:s29] =	ssyncadd.s32 $0xFFFFFFFF  }
0xb5: {  	_ =	strace $0x90000048  }
0xb6: {  	_ =	sfence  }
0xb7: {  	s30 =	sld [smem:$0x0];
	_ =	sdelay $0x2  }
0xb8: {  	s31 =	sshll.u32 s1, $0xD;
	s1 =	sshrl.u32 s1, $0x2  }
0xb9: {  	s3 =	sand.u32 $0x4000, s31;
	s1 =	sadd.s32 s1, s30  }
0xba: {  	s0 =	sor.u32 s3, s0;
	s1 =	sshll.u32 s1, $0x11  }
0xbb: {  	s0 =	sor.u32 s1, s0  }
0xbc: {  	s0 =	sadd.s32 $0x8F2B, s0  }
0xbd: {  	[sflag:s0] =	ssyncadd.remote.s32 $0x1  }
0xbe: {  	_ =	sfence.sel $0xFFFF  }
0xbf: {  	[dreg:$0x0] =	wrdreg $0xFFFFFFFF;
	(pc) =	sbr.abs _section_cstart, $3  }
0xc0: {  	[dreg:$0x1] =	wrdreg $0xFFFFFFFF  }
0xc1: {  	_ =	task.clear_ibuf [dreg:s6], $0x2FFFF;
	_ =	strace $0x9FFFFFFF  }
0xc2: {  	(tm) =	ssettm $0x7FFFFFFF  }
0xc3: {  	_ =	shalt  }
tec
execute0_lowered:
.L_overlay_start_1:
0x0: {  	(tag) =	ssettag $0x1  }
0x1: {  	s0 =	srdreg.scid;
	s3 =	rddreg [dreg:$0x0]  }
0x2: {  	s7 =	stileid.u32;
	s2 =	rddreg [dreg:$0x1]  }
0x3: {  	s8 =	simm.s32 $0x0;
	s17 =	simm.s32 $0x7E80;
	s18 =	simm.s32 $0x2  }
0x4: {  	s19 =	simm.s32 $0x1;
	s20 =	simm.s32 $0x50;
	s4 =	smul.u32 $0x4E20, s7  }
0x5: {  	s28 =	simm.s32 $0x5280;
	s29 =	simm.s32 $0x5300;
	s6 =	smul.u32 $0x14000, s7  }
0x6: {  	s30 =	simm.s32 $0x5380;
	s0 =	sand.u32 $0x1, s0;
	s22 =	smul.u32 $0x50000, s7  }
0x7: {  	s31 =	simm.s32 $0x5400;
	[smem:$0x7FF] =	sst s8;
	s1 =	smul.u32 $0x4E200, s0  }
0x8: {  	s5 =	smul.u32 $0x140000, s0;
	_ =	strace $0x80000047;
	s0 =	ssub.s32 $0x2, s0  }
0x9: {  	s23 =	sshrl.u32 s0, $0x1;
	s24 =	sshrl.u32 s22, $0x2;
	s22 =	simm.s32 $0x5680  }
0xa: {  	s1 =	sadd.s32 s4, s1;
	s21 =	sadd.s32 s6, s5;
	s0 =	ssub.s32 s0, s23  }
0xb: {  	s5 =	sadd.s32 s24, s2;
	s23 =	simm.s32 $0x4F00;
	s24 =	simm.s32 $0x4F80  }
0xc: {  	s1 =	sshrl.u32 s1, $0x3;
	s4 =	sshrl.u32 s21, $0x3;
	s0 =	smax.u32 s0, $0x1  }
0xd: {  	s26 =	sadd.s32 $0x2000, s5;
	s9 =	sadd.s32 $0x4000, s5;
	s10 =	sadd.s32 $0x6000, s5  }
0xe: {  	s11 =	sadd.s32 $0x8000, s5;
	s12 =	sadd.s32 $0xA000, s5;
	s13 =	sadd.s32 $0xC000, s5  }
0xf: {  	s14 =	sadd.s32 $0xE000, s5;
	s15 =	sadd.s32 $0x10000, s5;
	s16 =	sadd.s32 $0x12000, s5  }
0x10: {  	s21 =	simm.s32 $0x4E80;
	s1 =	sadd.s32 s1, s3;
	[dreg:$0x5] =	wrdreg s0  }
0x11: {  	s3 =	sadd.s32 s4, s3;
	[dreg:$0x6] =	wrdreg s26;
	s26 =	simm.s32 $0x5080  }
0x12: {  	s0 =	simm.s32 $0x4;
	s4 =	simm.s32 $0x0;
	s1 =	sadd.s32 $0x3800, s1  }
0x13: {  	s25 =	sadd.s32 $0x17200, s3;
	s3 =	simm.s32 $0x3;
	[dreg:$0x3] =	wrdreg s1  }
0x14: {  	v0 =	vimm.f32 $1.000000000e+00;
	v1 =	vimm.f32 $0.0e+00;
	[dreg:$0x4] =	wrdreg s25;
	s25 =	simm.s32 $0x5000;
	s1 =	simm.s32 $0x5480  }
.LBB2_1:
0x15: {  	s6 =	simm.s32 $0x0;
	s7 =	rddreg [dreg:$0x3]  }
0x16: {  	[tilespmem:s6], [sflag:$0x1] =	stream.linear.gather [hbm4b:s7+s6], $0x4E20, $0x38;
	[tilespmem:$0xC680] =	vst v63  }
0x17: {  	s6 =	simm.s32 $0x0  }
.LBB2_2:
0x18: {  	p0 =	sne.s32 s6, $0x9E00  }
.Ltmp0:
0x19: {  	_ = 	snop;
	(pc) =	sbr.rel @p0 .LBB2_2-.Ltmp0, $3  }
0x1a: {  	_ =	sdelay $0x1  }
0x1b: {  	s7 =	sshra.s32 s6, $0x2  }
0x1c: {  	s6 =	sadd.s32 $0x200, s6;
	[tilespmem:s7+$0x5680] =	vst v0  }
0x1d: {  	s6 =	simm.s32 $0x200;
	s7 =	simm.s32 $0x0  }
.LBB2_4:
0x1e: {  	p0 =	sne.s32 s6, $0x7E00;
	[tilespmem:s7+$0x7E80] =	vst v1;
	s7 =	smov.u32 s6;
	s6 =	sadd.s32 $0x200, s6  }
.Ltmp1:
0x1f: {  	(pc) =	sbr.rel @p0 .LBB2_4-.Ltmp1, $2  }
0x20: {  	_ =	sdelay $0x2  }
0x21: {  	s7 =	sshra.s32 s7, $0x2  }
0x22: {  	[tilespmem:s7+$0x7E80] =	vst v1  }
0x23: {  	[spmem:s5] =	stream.linear.scatter [tilespmem:s17], [sflag:$0x2], $0x2000, $0x38;
	[tilespmem:$0xC680] =	vst v63  }
0x24: {  	s6 =	rddreg [dreg:$0x6]  }
0x25: {  	[spmem:s6] =	stream.linear.scatter [tilespmem:s17], [sflag:$0x2], $0x2000, $0x38;
	[tilespmem:$0xC680] =	vst v63  }
0x26: {  	_ = 	snop  }
0x27: {  	[spmem:s9] =	stream.linear.scatter [tilespmem:s17], [sflag:$0x2], $0x2000, $0x38;
	[tilespmem:$0xC680] =	vst v63  }
0x28: {  	_ = 	snop  }
0x29: {  	[spmem:s10] =	stream.linear.scatter [tilespmem:s17], [sflag:$0x2], $0x2000, $0x38;
	[tilespmem:$0xC680] =	vst v63  }
0x2a: {  	_ = 	snop  }
0x2b: {  	[spmem:s11] =	stream.linear.scatter [tilespmem:s17], [sflag:$0x2], $0x2000, $0x38;
	[tilespmem:$0xC680] =	vst v63  }
0x2c: {  	_ = 	snop  }
0x2d: {  	[spmem:s12] =	stream.linear.scatter [tilespmem:s17], [sflag:$0x2], $0x2000, $0x38;
	[tilespmem:$0xC680] =	vst v63  }
0x2e: {  	_ = 	snop  }
0x2f: {  	[spmem:s13] =	stream.linear.scatter [tilespmem:s17], [sflag:$0x2], $0x2000, $0x38;
	[tilespmem:$0xC680] =	vst v63  }
0x30: {  	_ = 	snop  }
0x31: {  	[spmem:s14] =	stream.linear.scatter [tilespmem:s17], [sflag:$0x2], $0x2000, $0x38;
	[tilespmem:$0xC680] =	vst v63  }
0x32: {  	_ = 	snop  }
0x33: {  	[spmem:s15] =	stream.linear.scatter [tilespmem:s17], [sflag:$0x2], $0x2000, $0x38;
	[tilespmem:$0xC680] =	vst v63  }
0x34: {  	_ = 	snop  }
0x35: {  	[spmem:s16] =	stream.linear.scatter [tilespmem:s17], [sflag:$0x2], $0x2000, $0x38;
	[tilespmem:$0xC680] =	vst v63  }
0x36: {  	_ =	swait.ge [sflag:s18], $0x2000  }
0x37: {  	[sflag:s18] =	ssyncset.done $0x0  }
0x38: {  	[sflag:s18] =	ssyncadd.s32 $0xFFFFE000  }
0x39: {  	_ =	swait.ge [sflag:s18], $0x2000  }
0x3a: {  	[sflag:s18] =	ssyncset.done $0x0  }
0x3b: {  	[sflag:s18] =	ssyncadd.s32 $0xFFFFE000  }
0x3c: {  	_ =	swait.ge [sflag:s18], $0x2000  }
0x3d: {  	[sflag:s18] =	ssyncset.done $0x0  }
0x3e: {  	[sflag:s18] =	ssyncadd.s32 $0xFFFFE000  }
0x3f: {  	_ =	swait.ge [sflag:s18], $0x2000  }
0x40: {  	[sflag:s18] =	ssyncset.done $0x0  }
0x41: {  	[sflag:s18] =	ssyncadd.s32 $0xFFFFE000  }
0x42: {  	_ =	swait.ge [sflag:s18], $0x2000  }
0x43: {  	[sflag:s18] =	ssyncset.done $0x0  }
0x44: {  	[sflag:s18] =	ssyncadd.s32 $0xFFFFE000  }
0x45: {  	_ =	swait.ge [sflag:s18], $0x2000  }
0x46: {  	[sflag:s18] =	ssyncset.done $0x0  }
0x47: {  	[sflag:s18] =	ssyncadd.s32 $0xFFFFE000  }
0x48: {  	_ =	swait.ge [sflag:s18], $0x2000  }
0x49: {  	[sflag:s18] =	ssyncset.done $0x0  }
0x4a: {  	[sflag:s18] =	ssyncadd.s32 $0xFFFFE000  }
0x4b: {  	_ =	swait.ge [sflag:s18], $0x2000  }
0x4c: {  	[sflag:s18] =	ssyncset.done $0x0  }
0x4d: {  	[sflag:s18] =	ssyncadd.s32 $0xFFFFE000  }
0x4e: {  	_ =	swait.ge [sflag:s18], $0x2000  }
0x4f: {  	[sflag:s18] =	ssyncset.done $0x0  }
0x50: {  	[sflag:s18] =	ssyncadd.s32 $0xFFFFE000  }
0x51: {  	_ =	swait.ge [sflag:s18], $0x2000  }
0x52: {  	[sflag:s18] =	ssyncset.done $0x0  }
0x53: {  	[sflag:s18] =	ssyncadd.s32 $0xFFFFE000  }
0x54: {  	[bflag:$0x0] =	sbarrier.arrive $0xFFFF  }
0x55: {  	_ =	swait.ge [sflag:s19], $0x4E20  }
0x56: {  	[sflag:s19] =	ssyncset.done $0x0  }
0x57: {  	s7 =	simm.s32 $0x190;
	s6 =	simm.s32 $0x0;
	[sflag:s19] =	ssyncadd.s32 $0xFFFFB1E0  }
.LBB2_6:
0x58: {  	p0 =	seq.s32 s6, $0x0  }
0x59: {  	s8 =	simm.s32 @!p0 $0x2  }
0x5a: {  	_ =	swait.ge @!p0 [sflag:s8], $0x500  }
0x5b: {  	[sflag:s8] =	ssyncset.done @!p0 $0x0  }
0x5c: {  	[sflag:s8] =	ssyncadd.s32 @!p0 $0xFFFFFB00  }
0x5d: {  	_ =	swait.ge @!p0 [sflag:s8], $0x500  }
0x5e: {  	[sflag:s8] =	ssyncset.done @!p0 $0x0  }
0x5f: {  	[sflag:s8] =	ssyncadd.s32 @!p0 $0xFFFFFB00  }
0x60: {  	_ =	swait.ge @!p0 [sflag:s8], $0x500  }
0x61: {  	[sflag:s8] =	ssyncset.done @!p0 $0x0  }
0x62: {  	[sflag:s8] =	ssyncadd.s32 @!p0 $0xFFFFFB00  }
0x63: {  	_ =	swait.ge @!p0 [sflag:s8], $0x500  }
0x64: {  	[sflag:s8] =	ssyncset.done @!p0 $0x0  }
0x65: {  	[sflag:s8] =	ssyncadd.s32 @!p0 $0xFFFFFB00  }
0x66: {  	_ =	swait.ge @!p0 [sflag:s8], $0x500  }
0x67: {  	[sflag:s8] =	ssyncset.done @!p0 $0x0  }
0x68: {  	[sflag:s8] =	ssyncadd.s32 @!p0 $0xFFFFFB00  }
0x69: {  	v2 =	vld [tilespmem:s7+$0xFFFFFE70];
	_ =	sdelay $0x4  }
0x6a: {  	[tilespmem:$0x4E80] =	vst v2  }
0x6b: {  	v2 =	vld [tilespmem:s7+$0xFFFFFE80];
	_ =	sdelay $0x4  }
0x6c: {  	[tilespmem:$0x4E90] =	vst v2  }
0x6d: {  	v2 =	vld [tilespmem:s7+$0xFFFFFE90];
	_ =	sdelay $0x4  }
0x6e: {  	[tilespmem:$0x4EA0] =	vst v2  }
0x6f: {  	v2 =	vld [tilespmem:s7+$0xFFFFFEA0];
	_ =	sdelay $0x4  }
0x70: {  	[tilespmem:$0x4EB0] =	vst v2  }
0x71: {  	v2 =	vld [tilespmem:s7+$0xFFFFFEB0];
	_ =	sdelay $0x4  }
0x72: {  	[tilespmem:$0x4EC0] =	vst v2  }
0x73: {  	v2 =	vld [tilespmem:s7+$0xFFFFFEC0];
	_ =	sdelay $0x4  }
0x74: {  	[tilespmem:$0x4F00] =	vst v2  }
0x75: {  	v2 =	vld [tilespmem:s7+$0xFFFFFED0];
	_ =	sdelay $0x4  }
0x76: {  	[tilespmem:$0x4F10] =	vst v2  }
0x77: {  	v2 =	vld [tilespmem:s7+$0xFFFFFEE0];
	_ =	sdelay $0x4  }
0x78: {  	s8 =	sand.u32 $0x7FE0, s6;
	[tilespmem:$0x4F20] =	vst v2  }
0x79: {  	v2 =	vld [tilespmem:s8+$0x80];
	_ =	sdelay $0x4  }
0x7a: {  	[tilespmem:$0x4F30] =	vst v2  }
0x7b: {  	v2 =	vld [tilespmem:s7+$0xFFFFFF00];
	_ =	sdelay $0x4  }
0x7c: {  	[tilespmem:$0x4F40] =	vst v2  }
0x7d: {  	v2 =	vld [tilespmem:s7+$0xFFFFFF10];
	_ =	sdelay $0x4  }
0x7e: {  	[tilespmem:$0x4F80] =	vst v2  }
0x7f: {  	v2 =	vld [tilespmem:s7+$0xFFFFFF20];
	_ =	sdelay $0x4  }
0x80: {  	[tilespmem:$0x4F90] =	vst v2  }
0x81: {  	v2 =	vld [tilespmem:s7+$0xFFFFFF30];
	_ =	sdelay $0x4  }
0x82: {  	[tilespmem:$0x4FA0] =	vst v2  }
0x83: {  	v2 =	vld [tilespmem:s7+$0xFFFFFF40];
	_ =	sdelay $0x4  }
0x84: {  	[tilespmem:$0x4FB0] =	vst v2  }
0x85: {  	v2 =	vld [tilespmem:s7+$0xFFFFFF50];
	_ =	sdelay $0x4  }
0x86: {  	[tilespmem:$0x4FC0] =	vst v2  }
0x87: {  	v2 =	vld [tilespmem:s7+$0xFFFFFF60];
	_ =	sdelay $0x4  }
0x88: {  	[tilespmem:$0x5000] =	vst v2  }
0x89: {  	v2 =	vld [tilespmem:s8+$0x100];
	_ =	sdelay $0x4  }
0x8a: {  	[tilespmem:$0x5010] =	vst v2  }
0x8b: {  	v2 =	vld [tilespmem:s7+$0xFFFFFF80];
	_ =	sdelay $0x4  }
0x8c: {  	[tilespmem:$0x5020] =	vst v2  }
0x8d: {  	v2 =	vld [tilespmem:s7+$0xFFFFFF90];
	_ =	sdelay $0x4  }
0x8e: {  	[tilespmem:$0x5030] =	vst v2  }
0x8f: {  	v2 =	vld [tilespmem:s7+$0xFFFFFFA0];
	_ =	sdelay $0x4  }
0x90: {  	[tilespmem:$0x5040] =	vst v2  }
0x91: {  	v2 =	vld [tilespmem:s7+$0xFFFFFFB0];
	_ =	sdelay $0x4  }
0x92: {  	[tilespmem:$0x5080] =	vst v2  }
0x93: {  	v2 =	vld [tilespmem:s7+$0xFFFFFFC0];
	_ =	sdelay $0x4  }
0x94: {  	[tilespmem:$0x5090] =	vst v2  }
0x95: {  	v2 =	vld [tilespmem:s7+$0xFFFFFFD0];
	_ =	sdelay $0x4  }
0x96: {  	[tilespmem:$0x50A0] =	vst v2  }
0x97: {  	v2 =	vld [tilespmem:s7+$0xFFFFFFE0];
	_ =	sdelay $0x4  }
0x98: {  	[tilespmem:$0x50B0] =	vst v2  }
0x99: {  	v2 =	vld [tilespmem:s8+$0x180];
	_ =	sdelay $0x4  }
0x9a: {  	[tilespmem:$0x50C0] =	vst v2  }
0x9b: {  	[spmem:s2] =	stream.indirect.scatter.add.f32 [tilespmem:s22], [sflag:$0x2], $0x10, s21, s20, $0xb8;
	[tilespmem:$0xC680] =	vst v63  }
0x9c: {  	_ = 	snop  }
0x9d: {  	[spmem:s2] =	stream.indirect.scatter.add.f32 [tilespmem:s22], [sflag:$0x2], $0x10, s23, s20, $0xb8;
	[tilespmem:$0xC680] =	vst v63  }
0x9e: {  	_ = 	snop  }
0x9f: {  	[spmem:s2] =	stream.indirect.scatter.add.f32 [tilespmem:s22], [sflag:$0x2], $0x10, s24, s20, $0xb8;
	[tilespmem:$0xC680] =	vst v63  }
0xa0: {  	_ = 	snop  }
0xa1: {  	[spmem:s2] =	stream.indirect.scatter.add.f32 [tilespmem:s22], [sflag:$0x2], $0x10, s25, s20, $0xb8;
	[tilespmem:$0xC680] =	vst v63  }
0xa2: {  	s8 =	simm.s32 @!p0 $0x3  }
0xa3: {  	[spmem:s2] =	stream.indirect.scatter.add.f32 [tilespmem:s22], [sflag:$0x2], $0x10, s26, s20, $0xb8;
	[tilespmem:$0xC680] =	vst v63  }
0xa4: {  	_ =	swait.ge @!p0 [sflag:s8], $0x500  }
0xa5: {  	[sflag:s8] =	ssyncset.done @!p0 $0x0  }
0xa6: {  	[sflag:s8] =	ssyncadd.s32 @!p0 $0xFFFFFB00  }
0xa7: {  	_ =	swait.ge @!p0 [sflag:s8], $0x500  }
0xa8: {  	[sflag:s8] =	ssyncset.done @!p0 $0x0  }
0xa9: {  	[sflag:s8] =	ssyncadd.s32 @!p0 $0xFFFFFB00  }
0xaa: {  	_ =	swait.ge @!p0 [sflag:s8], $0x500  }
0xab: {  	[sflag:s8] =	ssyncset.done @!p0 $0x0  }
0xac: {  	[sflag:s8] =	ssyncadd.s32 @!p0 $0xFFFFFB00  }
0xad: {  	_ =	swait.ge @!p0 [sflag:s8], $0x500  }
0xae: {  	[sflag:s8] =	ssyncset.done @!p0 $0x0  }
0xaf: {  	[sflag:s8] =	ssyncadd.s32 @!p0 $0xFFFFFB00  }
0xb0: {  	_ =	swait.ge @!p0 [sflag:s8], $0x500  }
0xb1: {  	[sflag:s8] =	ssyncset.done @!p0 $0x0  }
0xb2: {  	[sflag:s8] =	ssyncadd.s32 @!p0 $0xFFFFFB00  }
0xb3: {  	v2 =	vld [tilespmem:s7+$0x0];
	_ =	sdelay $0x4  }
0xb4: {  	[tilespmem:$0x5280] =	vst v2  }
0xb5: {  	v2 =	vld [tilespmem:s7+$0x10];
	_ =	sdelay $0x4  }
0xb6: {  	[tilespmem:$0x5290] =	vst v2  }
0xb7: {  	v2 =	vld [tilespmem:s7+$0x20];
	_ =	sdelay $0x4  }
0xb8: {  	[tilespmem:$0x52A0] =	vst v2  }
0xb9: {  	v2 =	vld [tilespmem:s7+$0x30];
	_ =	sdelay $0x4  }
0xba: {  	[tilespmem:$0x52B0] =	vst v2  }
0xbb: {  	v2 =	vld [tilespmem:s7+$0x40];
	_ =	sdelay $0x4  }
0xbc: {  	[tilespmem:$0x52C0] =	vst v2  }
0xbd: {  	v2 =	vld [tilespmem:s7+$0x50];
	_ =	sdelay $0x4  }
0xbe: {  	[tilespmem:$0x5300] =	vst v2  }
0xbf: {  	v2 =	vld [tilespmem:s7+$0x60];
	_ =	sdelay $0x4  }
0xc0: {  	[tilespmem:$0x5310] =	vst v2  }
0xc1: {  	v2 =	vld [tilespmem:s7+$0x70];
	_ =	sdelay $0x3  }
0xc2: {  	s8 =	sadd.s32 $0x190, s6  }
0xc3: {  	s8 =	sand.u32 $0x7FF0, s8;
	[tilespmem:$0x5320] =	vst v2  }
0xc4: {  	v2 =	vld [tilespmem:s8+$0x80];
	_ =	sdelay $0x4  }
0xc5: {  	[tilespmem:$0x5330] =	vst v2  }
0xc6: {  	v2 =	vld [tilespmem:s7+$0x90];
	_ =	sdelay $0x4  }
0xc7: {  	[tilespmem:$0x5340] =	vst v2  }
0xc8: {  	v2 =	vld [tilespmem:s7+$0xA0];
	_ =	sdelay $0x4  }
0xc9: {  	[tilespmem:$0x5380] =	vst v2  }
0xca: {  	v2 =	vld [tilespmem:s7+$0xB0];
	_ =	sdelay $0x4  }
0xcb: {  	[tilespmem:$0x5390] =	vst v2  }
0xcc: {  	v2 =	vld [tilespmem:s7+$0xC0];
	_ =	sdelay $0x4  }
0xcd: {  	[tilespmem:$0x53A0] =	vst v2  }
0xce: {  	v2 =	vld [tilespmem:s7+$0xD0];
	_ =	sdelay $0x4  }
0xcf: {  	[tilespmem:$0x53B0] =	vst v2  }
0xd0: {  	v2 =	vld [tilespmem:s7+$0xE0];
	_ =	sdelay $0x4  }
0xd1: {  	[tilespmem:$0x53C0] =	vst v2  }
0xd2: {  	v2 =	vld [tilespmem:s7+$0xF0];
	_ =	sdelay $0x4  }
0xd3: {  	[tilespmem:$0x5400] =	vst v2  }
0xd4: {  	v2 =	vld [tilespmem:s8+$0x100];
	_ =	sdelay $0x4  }
0xd5: {  	[tilespmem:$0x5410] =	vst v2  }
0xd6: {  	v2 =	vld [tilespmem:s7+$0x110];
	_ =	sdelay $0x4  }
0xd7: {  	[tilespmem:$0x5420] =	vst v2  }
0xd8: {  	v2 =	vld [tilespmem:s7+$0x120];
	_ =	sdelay $0x4  }
0xd9: {  	[tilespmem:$0x5430] =	vst v2  }
0xda: {  	v2 =	vld [tilespmem:s7+$0x130];
	_ =	sdelay $0x4  }
0xdb: {  	[tilespmem:$0x5440] =	vst v2  }
0xdc: {  	v2 =	vld [tilespmem:s7+$0x140];
	_ =	sdelay $0x4  }
0xdd: {  	[tilespmem:$0x5480] =	vst v2  }
0xde: {  	v2 =	vld [tilespmem:s7+$0x150];
	_ =	sdelay $0x4  }
0xdf: {  	[tilespmem:$0x5490] =	vst v2  }
0xe0: {  	v2 =	vld [tilespmem:s7+$0x160];
	_ =	sdelay $0x4  }
0xe1: {  	[tilespmem:$0x54A0] =	vst v2  }
0xe2: {  	v2 =	vld [tilespmem:s7+$0x170];
	_ =	sdelay $0x4  }
0xe3: {  	[tilespmem:$0x54B0] =	vst v2  }
0xe4: {  	v2 =	vld [tilespmem:s8+$0x180];
	_ =	sdelay $0x4  }
0xe5: {  	[tilespmem:$0x54C0] =	vst v2  }
0xe6: {  	[spmem:s2] =	stream.indirect.scatter.add.f32 [tilespmem:s22], [sflag:$0x3], $0x10, s28, s20, $0xb8;
	[tilespmem:$0xC680] =	vst v63  }
0xe7: {  	s6 =	sadd.s32 $0x320, s6  }
0xe8: {  	[spmem:s2] =	stream.indirect.scatter.add.f32 [tilespmem:s22], [sflag:$0x3], $0x10, s29, s20, $0xb8;
	[tilespmem:$0xC680] =	vst v63  }
0xe9: {  	p0 =	sne.s32 s6, $0x4E20  }
0xea: {  	[spmem:s2] =	stream.indirect.scatter.add.f32 [tilespmem:s22], [sflag:$0x3], $0x10, s30, s20, $0xb8;
	[tilespmem:$0xC680] =	vst v63  }
.Ltmp2:
0xeb: {  	_ = 	snop;
	(pc) =	sbr.rel @p0 .LBB2_6-.Ltmp2, $4  }
0xec: {  	_ = 	snop  }
0xed: {  	[spmem:s2] =	stream.indirect.scatter.add.f32 [tilespmem:s22], [sflag:$0x3], $0x10, s31, s20, $0xb8;
	[tilespmem:$0xC680] =	vst v63  }
0xee: {  	s7 =	sadd.s32 $0x320, s7  }
0xef: {  	[spmem:s2] =	stream.indirect.scatter.add.f32 [tilespmem:s22], [sflag:$0x3], $0x10, s1, s20, $0xb8;
	[tilespmem:$0xC680] =	vst v63  }
0xf0: {  	_ =	swait.ge [sflag:s18], $0x500  }
0xf1: {  	[sflag:s18] =	ssyncset.done $0x0  }
0xf2: {  	[sflag:s18] =	ssyncadd.s32 $0xFFFFFB00  }
0xf3: {  	_ =	swait.ge [sflag:s18], $0x500  }
0xf4: {  	[sflag:s18] =	ssyncset.done $0x0  }
0xf5: {  	[sflag:s18] =	ssyncadd.s32 $0xFFFFFB00  }
0xf6: {  	_ =	swait.ge [sflag:s18], $0x500  }
0xf7: {  	[sflag:s18] =	ssyncset.done $0x0  }
0xf8: {  	[sflag:s18] =	ssyncadd.s32 $0xFFFFFB00  }
0xf9: {  	_ =	swait.ge [sflag:s18], $0x500  }
0xfa: {  	[sflag:s18] =	ssyncset.done $0x0  }
0xfb: {  	[sflag:s18] =	ssyncadd.s32 $0xFFFFFB00  }
0xfc: {  	_ =	swait.ge [sflag:s18], $0x500  }
0xfd: {  	[sflag:s18] =	ssyncset.done $0x0  }
0xfe: {  	[sflag:s18] =	ssyncadd.s32 $0xFFFFFB00  }
0xff: {  	_ =	swait.ge [sflag:s3], $0x500  }
0x100: {  	[sflag:s3] =	ssyncset.done $0x0  }
0x101: {  	[sflag:s3] =	ssyncadd.s32 $0xFFFFFB00  }
0x102: {  	_ =	swait.ge [sflag:s3], $0x500  }
0x103: {  	[sflag:s3] =	ssyncset.done $0x0  }
0x104: {  	[sflag:s3] =	ssyncadd.s32 $0xFFFFFB00  }
0x105: {  	_ =	swait.ge [sflag:s3], $0x500  }
0x106: {  	[sflag:s3] =	ssyncset.done $0x0  }
0x107: {  	[sflag:s3] =	ssyncadd.s32 $0xFFFFFB00  }
0x108: {  	_ =	swait.ge [sflag:s3], $0x500  }
0x109: {  	[sflag:s3] =	ssyncset.done $0x0  }
0x10a: {  	[sflag:s3] =	ssyncadd.s32 $0xFFFFFB00  }
0x10b: {  	_ =	swait.ge [sflag:s3], $0x500  }
0x10c: {  	[sflag:s3] =	ssyncset.done $0x0  }
0x10d: {  	s6 =	stileid.u32;
	[sflag:s3] =	ssyncadd.s32 $0xFFFFFB00  }
0x10e: {  	s6 =	sshll.u32 s6, $0x6;
	[bflag:$0x0] =	sbarrier.arrive $0xFFFF  }
0x10f: {  	s7 =	sshrl.u32 s5, $0x3;
	s6 =	sor.u32 $0x1C04, s6;
	s8 =	rddreg [dreg:$0x4]  }
0x110: {  	[hbm:s8], [sflag:s6] =	dma.local [spmem:s7], $0x2800  }
0x111: {  	_ =	swait.ge [sflag:s0], $0x2800  }
0x112: {  	s4 =	sadd.s32 $0x1, s4;
	s8 =	rddreg [dreg:$0x5]  }
0x113: {  	p0 =	sne.s32 s4, s8  }
.Ltmp3:
0x114: {  	_ = 	snop;
	(pc) =	sbr.rel @p0 .LBB2_1-.Ltmp3, $3  }
0x115: {  	_ =	sdelay $0x1  }
0x116: {  	[sflag:s0] =	ssyncset.done $0x0  }
0x117: {  	[sflag:s0] =	ssyncadd.s32 $0xFFFFD800  }
0x118: {  	_ =	sfence.sel $0x180000  }
0x119: {  	[bflag:$0x0] =	sbarrier.arrive $0xFFFF  }
0x11a: {  	_ =	strace $0x90000047  }
0x11b: {  	s0 =	stileid.u32;
	[bflag:$0x2] =	sbarrier.arrive $0xFFFF  }
0x11c: {  	p0 =	sne.s32 s0, $0x0;
	s0 =	rddreg [dreg:$0x2]  }
0x11d: {  	s0 =	sadd.s32 @!p0 $0x100000, s0  }
0x11e: {  	[sflag:s0] =	ssyncadd.tile.s32 @!p0 $0x1;
	_ =	shalt  }
.Lfunc_end2:
_tile_overlayer_lowered:
.L_overlay_start_2:
0x11f: {  	(tag) =	ssettag $0x2  }
0x120: {  	s0 =	rddreg [dreg:$0x0];
	s2 =	stileid.u32  }
0x121: {  	s1 =	rddreg [dreg:$0x1];
	p0 =	sne.s32 s2, $0x0  }
0x122: {  	s3 =	rddreg [dreg:$0x2];
	[bflag:$0x3] =	sbarrier.arrive $0xFFFF;
	s2 =	simm.s32 @!p0 $0x1C04  }
0x123: {  	[timem:s3], [sflag:s2] =	dma.local @!p0 [hbm:s0], s1  }
0x124: {  	s0 =	simm.s32 @!p0 $0x4  }
0x125: {  	_ =	swait.ge @!p0 [sflag:s0], s1  }
0x126: {  	s1 =	ssub.s32 @!p0 $0x0, s1;
	[sflag:s0] =	ssyncset.done @!p0 $0x0  }
0x127: {  	[sflag:s0] =	ssyncadd.s32 @!p0 s1  }
0x128: {  	[bflag:$0x3] =	sbarrier.arrive $0xFFFF  }
0x129: {  	_ =	shalt  }

// kernel: kernel.13.cloned.1.call-start
scs
__scs_entry_jumppad:
0x0: {  	(pc) =	sbr.rel $0x88, $3  }
0x1: {  	(tag) =	ssettag $0x0;
	lr =	simm.s32 $0x1  }
0x2: {  	[smem:$0x3F93] =	sst lr;
	_ =	strace $0xD0000000  }
0x3: {  	_ = 	snop  }
0x4: {  	_ = 	snop  }
0x5: {  	_ = 	snop  }
0x6: {  	_ = 	snop  }
0x7: {  	_ = 	snop  }
__scs_overlays_trampoline_lowered:
0x8: {  	[smem:$0x3FA2] =	sst s0  }
0x9: {  	[smem:$0x3FA3] =	sst s1  }
0xa: {  	[smem:$0x3FA4] =	sst s2  }
0xb: {  	[smem:$0x3FA5] =	sst s3  }
0xc: {  	[smem:$0x3FA6] =	sst s4  }
0xd: {  	[smem:$0x3FA7] =	sst s5  }
0xe: {  	[smem:$0x3FA8] =	sst s6  }
0xf: {  	[smem:$0x3FA9] =	sst s7  }
0x10: {  	[smem:$0x3FAA] =	sst s8  }
0x11: {  	[smem:$0x3FAB] =	sst s9;
	s0 =	simm.s32 @!p0 $0x0  }
0x12: {  	s1 =	sld [smem:$0x3F91];
	s0 =	simm.s32 @p0 $0x1  }
0x13: {  	[smem:$0x3FAC] =	sst s0;
	s0 =	simm.s32 @!p1 $0x0  }
0x14: {  	s2 =	sld [smem:$0x3F90];
	s0 =	simm.s32 @p1 $0x1  }
0x15: {  	[smem:$0x3FAD] =	sst s0;
	s0 =	simm.s32 @!p2 $0x0  }
0x16: {  	s3 =	sld [smem:$0x3FDB];
	s0 =	simm.s32 @p2 $0x1  }
0x17: {  	s4 =	simm.s32 $0x1BF5;
	[smem:$0x3FAF] =	sst s0  }
0x18: {  	s0 =	sld [smem:$0x3F92];
	_ =	swait.ge [sflag:s4], $0x0  }
0x19: {  	s7 =	sld [smem:$0x3F93]  }
0x1a: {  	s8 =	sadd.s32 $0xFFFFE003, lr  }
0x1b: {  	s9 =	sadd.s32 $0xFFFFFEF7, lr;
	s5 =	simm.s32 $0xFFFFFFFF;
	p2 =	slt.u32 s8, $0xFFFFF086  }
0x1c: {  	p1 =	slt.u32 s9, $0xF7A;
	s5 =	simm.s32 @!p2 $0x0  }
0x1d: {  	s5 =	simm.s32 @p1 $0x1;
	p0 =	seq.s32 s7, s2  }
0x1e: {  	s7 =	smul.u32 @!p0 $0xF7A, s2;
	p2 =	seq.s32 @!p0 s5, $0x0  }
0x1f: {  	s9 =	smul.u32 $0xF7A, s1;
	s8 =	simm.s32 @!p0 $0x1BF5;
	p2 =	por !p2, p0  }
0x20: {  	[sflag:s8] =	ssyncset.s32 @!p0 $0xFFFFF086;
	s6 =	sadd.s32 @!p0 s3, s7;
	s7 =	simm.s32 @!p0 $0x108  }
0x21: {  	s3 =	sadd.s32 s3, s9;
	s6 =	sadd.s32 @!p0 $0x88, s6;
	s7 =	simm.s32 @p2 $0x1082  }
0x22: {  	[simem:s7], [sflag:s8] =	dma.local @!p0 [hbm:s6], $0xF7A  }
0x23: {  	s9 =	sor.u32 $0xD0000000, s2;
	s6 =	simm.s32 $0x108;
	_ =	swait.ge @!p0 [sflag:s8], $0x0  }
0x24: {  	s3 =	sadd.s32 $0x88, s3;
	s6 =	simm.s32 @!p1 $0x1082;
	[sflag:s4] =	ssyncset.s32 $0xFFFFF086  }
0x25: {  	[simem:s6], [sflag:s4] =	dma.local [hbm:s3], $0xF7A  }
0x26: {  	[smem:$0x3F93] =	sst s1;
	(tag) =	ssettag s2;
	_ =	strace s9  }
0x27: {  	s1 =	sld [smem:$0x3FA3]  }
0x28: {  	s2 =	sld [smem:$0x3FA4]  }
0x29: {  	s4 =	sld [smem:$0x3FA6]  }
0x2a: {  	p0 =	seq.s32 s5, $0x0;
	s5 =	sld [smem:$0x3FA7]  }
0x2b: {  	s6 =	sld [smem:$0x3FA8]  }
0x2c: {  	s7 =	sld [smem:$0x3FA9]  }
0x2d: {  	s3 =	simm.s32 $0x108;
	s8 =	sld [smem:$0x3FAA]  }
0x2e: {  	s3 =	simm.s32 @!p0 $0x1082;
	s9 =	sld [smem:$0x3FAB]  }
0x2f: {  	lr =	sadd.s32 s0, s3;
	s0 =	sld [smem:$0x3FA2]  }
0x30: {  	s3 =	sld [smem:$0x3FA5]  }
0x31: {  	[smem:$0x3FAE] =	sst s10  }
0x32: {  	s10 =	sld [smem:$0x3FAC];
	_ =	sdelay $0x3  }
0x33: {  	p0 =	seq.s32 s10, $0x1;
	s10 =	sld [smem:$0x3FAE];
	_ =	sdelay $0x3  }
0x34: {  	[smem:$0x3FAE] =	sst s10  }
0x35: {  	s10 =	sld [smem:$0x3FAD];
	_ =	sdelay $0x3  }
0x36: {  	p1 =	seq.s32 s10, $0x1;
	s10 =	sld [smem:$0x3FAE];
	_ =	sdelay $0x3  }
0x37: {  	[smem:$0x3FAE] =	sst s10  }
0x38: {  	s10 =	sld [smem:$0x3FAF]  }
0x39: {  	_ = 	snop;
	(pc) =	sbr.ind lr, $3  }
0x3a: {  	_ = 	snop  }
0x3b: {  	_ = 	snop  }
0x3c: {  	p2 =	seq.s32 s10, $0x1;
	s10 =	sld [smem:$0x3FAE]  }
0x3d: {  	_ =	shalt  }
0x3e: {  	_ =	shalt  }
0x3f: {  	_ =	shalt  }
0x40: {  	_ =	shalt  }
0x41: {  	_ =	shalt  }
0x42: {  	_ =	shalt  }
0x43: {  	_ =	shalt  }
0x44: {  	_ =	shalt  }
0x45: {  	_ =	shalt  }
0x46: {  	_ =	shalt  }
0x47: {  	_ =	shalt  }
0x48: {  	_ =	shalt  }
0x49: {  	_ =	shalt  }
0x4a: {  	_ =	shalt  }
0x4b: {  	_ =	shalt  }
0x4c: {  	_ =	shalt  }
0x4d: {  	_ =	shalt  }
0x4e: {  	_ =	shalt  }
0x4f: {  	_ =	shalt  }
0x50: {  	_ =	shalt  }
0x51: {  	_ =	shalt  }
0x52: {  	_ =	shalt  }
0x53: {  	_ =	shalt  }
0x54: {  	_ =	shalt  }
0x55: {  	_ =	shalt  }
0x56: {  	_ =	shalt  }
0x57: {  	_ =	shalt  }
0x58: {  	_ =	shalt  }
0x59: {  	_ =	shalt  }
0x5a: {  	_ =	shalt  }
0x5b: {  	_ =	shalt  }
0x5c: {  	_ =	shalt  }
0x5d: {  	_ =	shalt  }
0x5e: {  	_ =	shalt  }
0x5f: {  	_ =	shalt  }
0x60: {  	_ =	shalt  }
0x61: {  	_ =	shalt  }
0x62: {  	_ =	shalt  }
0x63: {  	_ =	shalt  }
0x64: {  	_ =	shalt  }
0x65: {  	_ =	shalt  }
0x66: {  	_ =	shalt  }
0x67: {  	_ =	shalt  }
0x68: {  	_ =	shalt  }
0x69: {  	_ =	shalt  }
0x6a: {  	_ =	shalt  }
0x6b: {  	_ =	shalt  }
0x6c: {  	_ =	shalt  }
0x6d: {  	_ =	shalt  }
0x6e: {  	_ =	shalt  }
0x6f: {  	_ =	shalt  }
0x70: {  	_ =	shalt  }
0x71: {  	_ =	shalt  }
0x72: {  	_ =	shalt  }
0x73: {  	_ =	shalt  }
0x74: {  	_ =	shalt  }
0x75: {  	_ =	shalt  }
0x76: {  	_ =	shalt  }
0x77: {  	_ =	shalt  }
0x78: {  	_ =	shalt  }
0x79: {  	_ =	shalt  }
0x7a: {  	_ =	shalt  }
0x7b: {  	_ =	shalt  }
0x7c: {  	_ =	shalt  }
0x7d: {  	_ =	shalt  }
0x7e: {  	_ =	shalt  }
0x7f: {  	_ =	shalt  }
0x80: {  	_ =	shalt  }
0x81: {  	_ =	shalt  }
0x82: {  	_ =	shalt  }
0x83: {  	_ =	shalt  }
0x84: {  	_ =	shalt  }
0x85: {  	_ =	shalt  }
0x86: {  	_ =	shalt  }
0x87: {  	_ =	shalt  }
.Lfunc_end0:
.L_simem_size_0:
called_computation.1_lowered:
.L_overlay_start_0:
0x88: {  	s2 =	sld [smem:$0x3FD9]  }
0x89: {  	s3 =	sld [smem:$0x3FFE];
	_ =	sdelay $0x1  }
0x8a: {  	s1 =	srdreg.scid  }
0x8b: {  	s0 =	sand.u32 $0x1, s1  }
0x8c: {  	s16 =	sshll.u32 s0, $0xA;
	s2 =	sadd.s32 s3, s2  }
0x8d: {  	s2 =	sadd.s32 s2, s16  }
0x8e: {  	[smem:$0x3FBA] =	sst s2  }
0x8f: {  	_ = 	snop  }
0x90: {  	(tm) =	ssettm $0x1  }
0x91: {  	s17 =	sld [smem:$0x3FFB];
	_ =	sdelay $0x3  }
0x92: {  	_ =	strace s17  }
0x93: {  	s2 =	sld [smem:$0x3FFC];
	_ =	sdelay $0x3  }
0x94: {  	_ =	strace s2  }
0x95: {  	s2 =	sld [smem:$0x3FFD];
	_ =	sdelay $0x3  }
0x96: {  	_ =	strace s2  }
0x97: {  	_ =	strace $0x8FFFFFFF  }
0x98: {  	s18 =	sld [smem:$0x3FDB];
	_ =	sdelay $0x1  }
0x99: {  	s19 =	simm.s32 $_scs_section_size  }
0x9a: {  	s4 =	simm.s32 $_size__tile_overlayer_lowered;
	s5 =	simm.s32 $_tile_overlayer_lowered  }
0x9b: {  	s22 =	simm.s32 $0x1BFF;
	s21 =	sshll.u32 s5, $0x1;
	s2 =	sadd.s32 s19, s18  }
0x9c: {  	s6 =	simm.s32 $0x0;
	s20 =	sshll.u32 s4, $0x1;
	s4 =	sadd.s32 s21, s2  }
0x9d: {  	[timem:s6], [sflag:s22] =	dma.local [hbm:s4], s20  }
0x9e: {  	_ =	swait.ge [sflag:s22], s20  }
0x9f: {  	s3 =	ssub.s32 $0x0, s20;
	[sflag:s22] =	ssyncset.done $0x0  }
0xa0: {  	[sflag:s22] =	ssyncadd.s32 s3;
	_ =	sdelay $0x1  }
0xa1: {  	s23 =	simm.s32 $0x1B8B  }
0xa2: {  	_ =	swait.ge [sflag:s23], $0x1  }
0xa3: {  	[sflag:s23] =	ssyncset.done $0x0  }
0xa4: {  	s25 =	simm.s32 $0x1B8E;
	s24 =	sld [smem:$0x3FFE];
	[sflag:s23] =	ssyncadd.s32 $0xFFFFFFFF  }
0xa5: {  	s26 =	simm.s32 $execute0_lowered;
	[smem:$0x3FD2] =	sst s25  }
0xa6: {  	s4 =	sshll.u32 s26, $0x1;
	_ =	strace $0x80000049;
	[dreg:$0x1] =	wrdreg $0xFFFFFFFF  }
0xa7: {  	s28 =	simm.s32 $_size_execute0_lowered;
	s2 =	sadd.s32 s2, s4;
	[dreg:$0x0] =	wrdreg $0x0  }
0xa8: {  	s4 =	sshll.u32 s28, $0x1;
	[dreg:$0x2] =	wrdreg s2  }
0xa9: {  	[dreg:$0x3] =	wrdreg s4  }
0xaa: {  	[dreg:$0x4] =	wrdreg $0xC0  }
0xab: {  	_ =	task [dreg:s6], $0x5FFFF  }
0xac: {  	[dreg:$0x1] =	wrdreg $0xFFFFFFFF  }
0xad: {  	[dreg:$0x0] =	wrdreg $0x60  }
0xae: {  	[dreg:$0x2] =	wrdreg s24  }
0xaf: {  	[dreg:$0x3] =	wrdreg $0xA9800  }
0xb0: {  	[dreg:$0x4] =	wrdreg $0x9  }
0xb1: {  	_ =	task.clear_ibuf [dreg:s6], $0x5FFFF;
	_ =	strace $0x90000049  }
0xb2: {  	s29 =	simm.s32 $0x9;
	_ =	strace $0x8000004B  }
0xb3: {  	_ =	swait.ge [sflag:s29], $0x1  }
0xb4: {  	[sflag:s29] =	ssyncadd.s32 $0xFFFFFFFF  }
0xb5: {  	_ =	strace $0x9000004B  }
0xb6: {  	_ =	sfence  }
0xb7: {  	s30 =	sld [smem:$0x0];
	_ =	sdelay $0x2  }
0xb8: {  	s31 =	sshll.u32 s1, $0xD;
	s1 =	sshrl.u32 s1, $0x2  }
0xb9: {  	s3 =	sand.u32 $0x4000, s31;
	s1 =	sadd.s32 s1, s30  }
0xba: {  	s0 =	sor.u32 s3, s0;
	s1 =	sshll.u32 s1, $0x11  }
0xbb: {  	s0 =	sor.u32 s1, s0  }
0xbc: {  	s0 =	sadd.s32 $0x8F2B, s0  }
0xbd: {  	[sflag:s0] =	ssyncadd.remote.s32 $0x1  }
0xbe: {  	_ =	sfence.sel $0xFFFF  }
0xbf: {  	[dreg:$0x0] =	wrdreg $0xFFFFFFFF;
	(pc) =	sbr.abs _section_cstart, $3  }
0xc0: {  	[dreg:$0x1] =	wrdreg $0xFFFFFFFF  }
0xc1: {  	_ =	task.clear_ibuf [dreg:s6], $0x2FFFF;
	_ =	strace $0x9FFFFFFF  }
0xc2: {  	(tm) =	ssettm $0x7FFFFFFF  }
0xc3: {  	_ =	shalt  }
tec
execute0_lowered:
.L_overlay_start_1:
0x0: {  	(tag) =	ssettag $0x1  }
0x1: {  	s0 =	rddreg [dreg:$0x0]  }
0x2: {  	s1 =	rddreg [dreg:$0x1]  }
0x3: {  	s2 =	srdreg.scid;
	s10 =	stileid.u32  }
0x4: {  	s3 =	simm.s32 $0x0;
	s2 =	sand.u32 $0x1, s2;
	s6 =	smul.u32 $0x14000, s10  }
0x5: {  	[smem:$0x7FF] =	sst s3;
	s5 =	smul.u32 $0x140000, s2  }
0x6: {  	s8 =	smul.u32 $0x50000, s10;
	s4 =	sshll.u32 s2, $0x4;
	_ =	strace $0x8000004A  }
0x7: {  	s15 =	ssub.s32 $0x2, s2;
	s7 =	sor.u32 s10, s4;
	s5 =	sadd.s32 s6, s5  }
0x8: {  	s4 =	sadd.s32 $0x17200, s0;
	s14 =	smul.u32 $0x2710, s7;
	s5 =	sshrl.u32 s5, $0x3  }
0x9: {  	s9 =	sshrl.u32 s15, $0x1;
	s7 =	sadd.s32 $0x3800, s0;
	s0 =	sadd.s32 s5, s0  }
0xa: {  	s6 =	sshrl.u32 s14, $0x3;
	s5 =	ssub.s32 s15, s9;
	s0 =	sadd.s32 $0x3F200, s0  }
0xb: {  	s11 =	sadd.s32 s7, s6;
	s19 =	smax.u32 s5, $0x1;
	[dreg:$0x5] =	wrdreg s0  }
0xc: {  	s16 =	sshrl.u32 s8, $0x2;
	s17 =	sadd.s32 $0xA10E, s11;
	[dreg:$0x6] =	wrdreg s19  }
0xd: {  	s6 =	sadd.s32 s16, s1;
	s18 =	sadd.s32 $0xA118, s11;
	[dreg:$0x3] =	wrdreg s17  }
0xe: {  	s20 =	sadd.s32 $0x800, s6;
	[dreg:$0x4] =	wrdreg s18  }
0xf: {  	s21 =	sadd.s32 $0x1000, s6;
	[dreg:$0x7] =	wrdreg s20  }
0x10: {  	s23 =	sadd.s32 $0x1800, s6;
	[dreg:$0x8] =	wrdreg s21  }
0x11: {  	s24 =	sadd.s32 $0x2000, s6;
	[dreg:$0x9] =	wrdreg s23  }
0x12: {  	s26 =	sadd.s32 $0x2800, s6;
	[dreg:$0xa] =	wrdreg s24  }
0x13: {  	s28 =	sadd.s32 $0x3000, s6;
	[dreg:$0xb] =	wrdreg s26  }
0x14: {  	s8 =	sadd.s32 $0x3800, s6;
	[dreg:$0xc] =	wrdreg s28  }
0x15: {  	s9 =	sadd.s32 $0x4000, s6;
	[dreg:$0xd] =	wrdreg s8  }
0x16: {  	s25 =	smul.u32 $0x2710, s10;
	s10 =	sadd.s32 $0x4800, s6;
	[dreg:$0xe] =	wrdreg s9  }
0x17: {  	s12 =	sadd.s32 $0x5000, s6;
	[dreg:$0xf] =	wrdreg s10  }
0x18: {  	s22 =	smul.u32 $0x27100, s2;
	s13 =	sadd.s32 $0x5800, s6;
	[dreg:$0x10] =	wrdreg s12  }
0x19: {  	s19 =	sadd.s32 $0x7000, s6;
	[dreg:$0x11] =	wrdreg s13  }
0x1a: {  	s0 =	sadd.s32 s25, s22;
	s25 =	sadd.s32 $0x8800, s6;
	[dreg:$0x14] =	wrdreg s19  }
0x1b: {  	s5 =	sadd.s32 $0xA800, s6;
	[dreg:$0x17] =	wrdreg s25  }
0x1c: {  	s30 =	sadd.s32 $0x13800, s6;
	s17 =	sadd.s32 $0x6000, s6;
	[dreg:$0x1b] =	wrdreg s5  }
0x1d: {  	s31 =	sadd.s32 $0x9C4A, s11;
	s18 =	sadd.s32 $0x6800, s6;
	[dreg:$0x12] =	wrdreg s17  }
0x1e: {  	s29 =	smov.u32 s11;
	s20 =	sadd.s32 $0x7800, s6;
	[dreg:$0x13] =	wrdreg s18  }
0x1f: {  	s14 =	sadd.s32 $0x4E390, s0;
	s21 =	sadd.s32 $0x8000, s6;
	[dreg:$0x15] =	wrdreg s20  }
0x20: {  	s15 =	sadd.s32 $0x4E340, s0;
	s26 =	sadd.s32 $0x9000, s6;
	[dreg:$0x16] =	wrdreg s21  }
0x21: {  	s0 =	sadd.s32 $0x4E2F0, s0;
	s28 =	sadd.s32 $0x9800, s6;
	[dreg:$0x18] =	wrdreg s26  }
0x22: {  	s8 =	sadd.s32 $0xB800, s6;
	s9 =	sadd.s32 $0xC000, s6;
	[dreg:$0x19] =	wrdreg s28  }
0x23: {  	s10 =	sadd.s32 $0xC800, s6;
	s12 =	sadd.s32 $0xD000, s6;
	[dreg:$0x1d] =	wrdreg s8  }
0x24: {  	s13 =	sadd.s32 $0xD800, s6;
	s19 =	sadd.s32 $0x10800, s6;
	[dreg:$0x1e] =	wrdreg s9  }
0x25: {  	s25 =	sadd.s32 $0x12000, s6;
	s2 =	sshrl.u32 s14, $0x3;
	[dreg:$0x1f] =	wrdreg s10  }
0x26: {  	s16 =	sshrl.u32 s15, $0x3;
	s0 =	sshrl.u32 s0, $0x3;
	[smem:$0x7F1] =	sst s12  }
0x27: {  	[smem:$0x7F2] =	sst s13;
	s14 =	sadd.s32 $0xE000, s6;
	s15 =	sadd.s32 $0xE800, s6  }
0x28: {  	s17 =	sadd.s32 $0xF800, s6;
	s18 =	sadd.s32 $0x10000, s6;
	[smem:$0x7F8] =	sst s19  }
0x29: {  	s20 =	sadd.s32 $0x11000, s6;
	s21 =	sadd.s32 $0x11800, s6;
	[smem:$0x7FB] =	sst s25  }
0x2a: {  	s26 =	sadd.s32 $0x12800, s6;
	s28 =	sadd.s32 $0x13000, s6;
	[smem:$0x7F3] =	sst s14  }
0x2b: {  	s8 =	simm.s32 $0x2;
	s9 =	simm.s32 $0x1;
	[smem:$0x7F4] =	sst s15  }
0x2c: {  	s10 =	simm.s32 $0x2780;
	s12 =	simm.s32 $0x2980;
	[smem:$0x7F6] =	sst s17  }
0x2d: {  	s13 =	simm.s32 $0x2800;
	s19 =	simm.s32 $0x5;
	[smem:$0x7F7] =	sst s18  }
0x2e: {  	s22 =	sadd.s32 s2, s7;
	s23 =	sadd.s32 s16, s7;
	[smem:$0x7F9] =	sst s20  }
0x2f: {  	s24 =	sadd.s32 s0, s7;
	s2 =	sadd.s32 $0xA000, s6;
	[smem:$0x7FA] =	sst s21  }
0x30: {  	s7 =	sadd.s32 $0xB000, s6;
	s16 =	sadd.s32 $0xF000, s6;
	[smem:$0x7FC] =	sst s26  }
0x31: {  	[smem:$0x7FD] =	sst s28;
	s0 =	sadd.s32 $0x9C40, s11;
	s14 =	simm.s32 $0x5180  }
0x32: {  	s15 =	simm.s32 $0x2880;
	s17 =	simm.s32 $0x3;
	[dreg:$0x1a] =	wrdreg s2  }
0x33: {  	s18 =	simm.s32 $0x4;
	s20 =	simm.s32 $0x6;
	[dreg:$0x1c] =	wrdreg s7  }
0x34: {  	s21 =	simm.s32 $0x0;
	[smem:$0x7F5] =	sst s16;
	s2 =	sadd.s32 $0x9C54, s11  }
0x35: {  	v0 =	vimm.f32 $0.0e+00;
	s7 =	simm.s32 $0xA180;
	s11 =	simm.s32 $0x50;
	s16 =	simm.s32 $0x7980  }
.LBB2_1:
0x36: {  	[tilespmem:s3], [sflag:$0x1] =	stream.linear.gather [hbm4b:s29+s3], $0x2710, $0x38;
	[tilespmem:$0x1E980] =	vst v63  }
0x37: {  	s5 =	simm.s32 $0x0;
	s25 =	simm.s32 $0x200  }
.LBB2_2:
0x38: {  	p0 =	sne.s32 s25, $0x1E00;
	[tilespmem:s5+$0xA1F0] =	vst v0  }
0x39: {  	[tilespmem:s5+$0xA180] =	vst v0  }
0x3a: {  	[tilespmem:s5+$0xA190] =	vst v0  }
.Ltmp0:
0x3b: {  	[tilespmem:s5+$0xA1A0] =	vst v0;
	(pc) =	sbr.rel @p0 .LBB2_2-.Ltmp0, $4  }
0x3c: {  	[tilespmem:s5+$0xA1B0] =	vst v0  }
0x3d: {  	[tilespmem:s5+$0xA1C0] =	vst v0  }
0x3e: {  	[tilespmem:s5+$0xA1D0] =	vst v0  }
0x3f: {  	[tilespmem:s5+$0xA1E0] =	vst v0;
	s5 =	sshra.s32 s25, $0x2;
	s25 =	sadd.s32 $0x200, s25  }
0x40: {  	[tilespmem:s5+$0xA1F0] =	vst v0  }
0x41: {  	[tilespmem:s5+$0xA180] =	vst v0  }
0x42: {  	[tilespmem:s5+$0xA190] =	vst v0  }
0x43: {  	[tilespmem:s5+$0xA1A0] =	vst v0  }
0x44: {  	[tilespmem:s5+$0xA1B0] =	vst v0  }
0x45: {  	[tilespmem:s5+$0xA1C0] =	vst v0  }
0x46: {  	[tilespmem:s5+$0xA1D0] =	vst v0  }
0x47: {  	[tilespmem:s5+$0xA1E0] =	vst v0;
	s26 =	rddreg [dreg:$0x7]  }
0x48: {  	[spmem:s6] =	stream.linear.scatter [tilespmem:s7], [sflag:$0x2], $0x800, $0x38;
	[tilespmem:$0x1E980] =	vst v63  }
0x49: {  	s28 =	rddreg [dreg:$0x8]  }
0x4a: {  	[spmem:s26] =	stream.linear.scatter [tilespmem:s7], [sflag:$0x2], $0x800, $0x38;
	[tilespmem:$0x1E980] =	vst v63  }
0x4b: {  	s25 =	rddreg [dreg:$0x9]  }
0x4c: {  	[spmem:s28] =	stream.linear.scatter [tilespmem:s7], [sflag:$0x2], $0x800, $0x38;
	[tilespmem:$0x1E980] =	vst v63  }
0x4d: {  	s26 =	rddreg [dreg:$0xa]  }
0x4e: {  	[spmem:s25] =	stream.linear.scatter [tilespmem:s7], [sflag:$0x2], $0x800, $0x38;
	[tilespmem:$0x1E980] =	vst v63  }
0x4f: {  	s28 =	rddreg [dreg:$0xb]  }
0x50: {  	[spmem:s26] =	stream.linear.scatter [tilespmem:s7], [sflag:$0x2], $0x800, $0x38;
	[tilespmem:$0x1E980] =	vst v63  }
0x51: {  	s25 =	rddreg [dreg:$0xc]  }
0x52: {  	[spmem:s28] =	stream.linear.scatter [tilespmem:s7], [sflag:$0x2], $0x800, $0x38;
	[tilespmem:$0x1E980] =	vst v63  }
0x53: {  	s26 =	rddreg [dreg:$0xd]  }
0x54: {  	[spmem:s25] =	stream.linear.scatter [tilespmem:s7], [sflag:$0x2], $0x800, $0x38;
	[tilespmem:$0x1E980] =	vst v63  }
0x55: {  	s28 =	rddreg [dreg:$0xe]  }
0x56: {  	[spmem:s26] =	stream.linear.scatter [tilespmem:s7], [sflag:$0x2], $0x800, $0x38;
	[tilespmem:$0x1E980] =	vst v63  }
0x57: {  	s25 =	rddreg [dreg:$0xf]  }
0x58: {  	[spmem:s28] =	stream.linear.scatter [tilespmem:s7], [sflag:$0x2], $0x800, $0x38;
	[tilespmem:$0x1E980] =	vst v63  }
0x59: {  	s26 =	rddreg [dreg:$0x10]  }
0x5a: {  	[spmem:s25] =	stream.linear.scatter [tilespmem:s7], [sflag:$0x2], $0x800, $0x38;
	[tilespmem:$0x1E980] =	vst v63  }
0x5b: {  	s28 =	rddreg [dreg:$0x11]  }
0x5c: {  	[spmem:s26] =	stream.linear.scatter [tilespmem:s7], [sflag:$0x2], $0x800, $0x38;
	[tilespmem:$0x1E980] =	vst v63  }
0x5d: {  	s25 =	rddreg [dreg:$0x12]  }
0x5e: {  	[spmem:s28] =	stream.linear.scatter [tilespmem:s7], [sflag:$0x2], $0x800, $0x38;
	[tilespmem:$0x1E980] =	vst v63  }
0x5f: {  	s26 =	rddreg [dreg:$0x13]  }
0x60: {  	[spmem:s25] =	stream.linear.scatter [tilespmem:s7], [sflag:$0x2], $0x800, $0x38;
	[tilespmem:$0x1E980] =	vst v63  }
0x61: {  	s28 =	rddreg [dreg:$0x14]  }
0x62: {  	[spmem:s26] =	stream.linear.scatter [tilespmem:s7], [sflag:$0x2], $0x800, $0x38;
	[tilespmem:$0x1E980] =	vst v63  }
0x63: {  	s25 =	rddreg [dreg:$0x15]  }
0x64: {  	[spmem:s28] =	stream.linear.scatter [tilespmem:s7], [sflag:$0x2], $0x800, $0x38;
	[tilespmem:$0x1E980] =	vst v63  }
0x65: {  	s26 =	rddreg [dreg:$0x16]  }
0x66: {  	[spmem:s25] =	stream.linear.scatter [tilespmem:s7], [sflag:$0x2], $0x800, $0x38;
	[tilespmem:$0x1E980] =	vst v63  }
0x67: {  	s28 =	rddreg [dreg:$0x17]  }
0x68: {  	[spmem:s26] =	stream.linear.scatter [tilespmem:s7], [sflag:$0x2], $0x800, $0x38;
	[tilespmem:$0x1E980] =	vst v63  }
0x69: {  	s25 =	rddreg [dreg:$0x18]  }
0x6a: {  	[spmem:s28] =	stream.linear.scatter [tilespmem:s7], [sflag:$0x2], $0x800, $0x38;
	[tilespmem:$0x1E980] =	vst v63  }
0x6b: {  	s26 =	rddreg [dreg:$0x19]  }
0x6c: {  	[spmem:s25] =	stream.linear.scatter [tilespmem:s7], [sflag:$0x2], $0x800, $0x38;
	[tilespmem:$0x1E980] =	vst v63  }
0x6d: {  	s28 =	rddreg [dreg:$0x1a]  }
0x6e: {  	[spmem:s26] =	stream.linear.scatter [tilespmem:s7], [sflag:$0x2], $0x800, $0x38;
	[tilespmem:$0x1E980] =	vst v63  }
0x6f: {  	s25 =	rddreg [dreg:$0x1b]  }
0x70: {  	[spmem:s28] =	stream.linear.scatter [tilespmem:s7], [sflag:$0x2], $0x800, $0x38;
	[tilespmem:$0x1E980] =	vst v63  }
0x71: {  	s26 =	rddreg [dreg:$0x1c]  }
0x72: {  	[spmem:s25] =	stream.linear.scatter [tilespmem:s7], [sflag:$0x2], $0x800, $0x38;
	[tilespmem:$0x1E980] =	vst v63  }
0x73: {  	s28 =	rddreg [dreg:$0x1d]  }
0x74: {  	[spmem:s26] =	stream.linear.scatter [tilespmem:s7], [sflag:$0x2], $0x800, $0x38;
	[tilespmem:$0x1E980] =	vst v63  }
0x75: {  	s25 =	rddreg [dreg:$0x1e]  }
0x76: {  	[spmem:s28] =	stream.linear.scatter [tilespmem:s7], [sflag:$0x2], $0x800, $0x38;
	[tilespmem:$0x1E980] =	vst v63  }
0x77: {  	s26 =	rddreg [dreg:$0x1f]  }
0x78: {  	[spmem:s25] =	stream.linear.scatter [tilespmem:s7], [sflag:$0x2], $0x800, $0x38;
	[tilespmem:$0x1E980] =	vst v63  }
0x79: {  	s28 =	sld [smem:$0x7F1]  }
0x7a: {  	[spmem:s26] =	stream.linear.scatter [tilespmem:s7], [sflag:$0x2], $0x800, $0x38;
	[tilespmem:$0x1E980] =	vst v63  }
0x7b: {  	s25 =	sld [smem:$0x7F2]  }
0x7c: {  	[spmem:s28] =	stream.linear.scatter [tilespmem:s7], [sflag:$0x2], $0x800, $0x38;
	[tilespmem:$0x1E980] =	vst v63  }
0x7d: {  	s26 =	sld [smem:$0x7F3]  }
0x7e: {  	[spmem:s25] =	stream.linear.scatter [tilespmem:s7], [sflag:$0x2], $0x800, $0x38;
	[tilespmem:$0x1E980] =	vst v63  }
0x7f: {  	s28 =	sld [smem:$0x7F4]  }
0x80: {  	[spmem:s26] =	stream.linear.scatter [tilespmem:s7], [sflag:$0x2], $0x800, $0x38;
	[tilespmem:$0x1E980] =	vst v63  }
0x81: {  	s25 =	sld [smem:$0x7F5]  }
0x82: {  	[spmem:s28] =	stream.linear.scatter [tilespmem:s7], [sflag:$0x2], $0x800, $0x38;
	[tilespmem:$0x1E980] =	vst v63  }
0x83: {  	s26 =	sld [smem:$0x7F6]  }
0x84: {  	[spmem:s25] =	stream.linear.scatter [tilespmem:s7], [sflag:$0x2], $0x800, $0x38;
	[tilespmem:$0x1E980] =	vst v63  }
0x85: {  	s28 =	sld [smem:$0x7F7]  }
0x86: {  	[spmem:s26] =	stream.linear.scatter [tilespmem:s7], [sflag:$0x2], $0x800, $0x38;
	[tilespmem:$0x1E980] =	vst v63  }
0x87: {  	s25 =	sld [smem:$0x7F8]  }
0x88: {  	[spmem:s28] =	stream.linear.scatter [tilespmem:s7], [sflag:$0x2], $0x800, $0x38;
	[tilespmem:$0x1E980] =	vst v63  }
0x89: {  	s26 =	sld [smem:$0x7F9]  }
0x8a: {  	[spmem:s25] =	stream.linear.scatter [tilespmem:s7], [sflag:$0x2], $0x800, $0x38;
	[tilespmem:$0x1E980] =	vst v63  }
0x8b: {  	s28 =	sld [smem:$0x7FA]  }
0x8c: {  	[spmem:s26] =	stream.linear.scatter [tilespmem:s7], [sflag:$0x2], $0x800, $0x38;
	[tilespmem:$0x1E980] =	vst v63  }
0x8d: {  	s25 =	sld [smem:$0x7FB]  }
0x8e: {  	[spmem:s28] =	stream.linear.scatter [tilespmem:s7], [sflag:$0x2], $0x800, $0x38;
	[tilespmem:$0x1E980] =	vst v63  }
0x8f: {  	s26 =	sld [smem:$0x7FC]  }
0x90: {  	[spmem:s25] =	stream.linear.scatter [tilespmem:s7], [sflag:$0x2], $0x800, $0x38;
	[tilespmem:$0x1E980] =	vst v63  }
0x91: {  	s28 =	sld [smem:$0x7FD]  }
0x92: {  	[spmem:s26] =	stream.linear.scatter [tilespmem:s7], [sflag:$0x2], $0x800, $0x38;
	[tilespmem:$0x1E980] =	vst v63  }
0x93: {  	_ = 	snop  }
0x94: {  	[spmem:s28] =	stream.linear.scatter [tilespmem:s7], [sflag:$0x2], $0x800, $0x38;
	[tilespmem:$0x1E980] =	vst v63  }
0x95: {  	_ = 	snop  }
0x96: {  	[spmem:s30] =	stream.linear.scatter [tilespmem:s7], [sflag:$0x2], $0x800, $0x38;
	[tilespmem:$0x1E980] =	vst v63  }
0x97: {  	_ =	swait.ge [sflag:s8], $0x800  }
0x98: {  	s5 =	simm.s32 $0x27;
	[sflag:s8] =	ssyncset.done $0x0  }
.LBB2_4:
0x99: {  	p0 =	sne.s32 s5, $0x1;
	s5 =	sadd.s32 $0xFFFFFFFF, s5;
	[sflag:s8] =	ssyncadd.s32 $0xFFFFF800  }
.Ltmp1:
0x9a: {  	(pc) =	sbr.rel @p0 .LBB2_4-.Ltmp1, $3  }
0x9b: {  	_ =	sdelay $0x1  }
0x9c: {  	_ =	swait.ge [sflag:s8], $0x800  }
0x9d: {  	[sflag:s8] =	ssyncset.done $0x0  }
0x9e: {  	[sflag:s8] =	ssyncadd.s32 $0xFFFFF800  }
0x9f: {  	[bflag:$0x0] =	sbarrier.arrive $0xFFFF  }
0xa0: {  	_ =	swait.ge [sflag:s9], $0x2710  }
0xa1: {  	[sflag:s9] =	ssyncset.done $0x0  }
0xa2: {  	s5 =	simm.s32 $0x0;
	[sflag:s9] =	ssyncadd.s32 $0xFFFFD8F0  }
0xa3: {  	[tilespmem:s10], [sflag:$0x1] =	stream.linear.gather [hbm4b:s0+s5], $0x50, $0x38;
	[tilespmem:$0x1E980] =	vst v63  }
0xa4: {  	_ = 	snop  }
0xa5: {  	[tilespmem:s12], [sflag:$0x2] =	stream.indirect.gather [hbm4b:s4+s11], $0x80, s5, s11, $0xb8;
	[tilespmem:$0x1E980] =	vst v63  }
0xa6: {  	_ = 	snop  }
0xa7: {  	[tilespmem:s13], [sflag:$0x1] =	stream.linear.gather [hbm4b:s31+s5], $0x50, $0x38;
	[tilespmem:$0x1E980] =	vst v63  }
0xa8: {  	_ = 	snop  }
0xa9: {  	[tilespmem:s14], [sflag:$0x2] =	stream.indirect.gather [hbm4b:s4+s11], $0x80, s11, s11, $0xb8;
	[tilespmem:$0x1E980] =	vst v63  }
0xaa: {  	_ = 	snop  }
0xab: {  	[tilespmem:s15], [sflag:$0x1] =	stream.linear.gather [hbm4b:s2+s5], $0x50, $0x38;
	[tilespmem:$0x1E980] =	vst v63  }
0xac: {  	s28 =	simm.s32 $0xA0  }
0xad: {  	[tilespmem:s16], [sflag:$0x2] =	stream.indirect.gather [hbm4b:s4+s11], $0x80, s28, s11, $0xb8;
	[tilespmem:$0x1E980] =	vst v63  }
0xae: {  	_ =	swait.ge [sflag:s9], $0x50  }
0xaf: {  	[sflag:s9] =	ssyncset.done $0x0  }
0xb0: {  	[sflag:s9] =	ssyncadd.s32 $0xFFFFFFB0  }
0xb1: {  	_ =	swait.ge [sflag:s9], $0x50  }
0xb2: {  	[sflag:s9] =	ssyncset.done $0x0  }
0xb3: {  	[sflag:s9] =	ssyncadd.s32 $0xFFFFFFB0  }
0xb4: {  	_ =	swait.ge [sflag:s9], $0x50  }
0xb5: {  	[sflag:s9] =	ssyncset.done $0x0  }
0xb6: {  	[sflag:s9] =	ssyncadd.s32 $0xFFFFFFB0  }
0xb7: {  	_ =	swait.ge [sflag:s8], $0x2800  }
0xb8: {  	[sflag:s8] =	ssyncset.done $0x0  }
0xb9: {  	[sflag:s8] =	ssyncadd.s32 $0xFFFFD800  }
0xba: {  	[spmem:s1] =	stream.indirect.scatter.add.f32 [tilespmem:s12], [sflag:$0x3], $0x80, s10, s11, $0xb8;
	[tilespmem:$0x1E980] =	vst v63  }
0xbb: {  	_ =	swait.ge [sflag:s8], $0x2800  }
0xbc: {  	[sflag:s8] =	ssyncset.done $0x0  }
0xbd: {  	[sflag:s8] =	ssyncadd.s32 $0xFFFFD800  }
0xbe: {  	[spmem:s1] =	stream.indirect.scatter.add.f32 [tilespmem:s14], [sflag:$0x4], $0x80, s13, s11, $0xb8;
	[tilespmem:$0x1E980] =	vst v63  }
0xbf: {  	_ =	swait.ge [sflag:s8], $0x2800  }
0xc0: {  	[sflag:s8] =	ssyncset.done $0x0  }
0xc1: {  	[sflag:s8] =	ssyncadd.s32 $0xFFFFD800  }
0xc2: {  	[spmem:s1] =	stream.indirect.scatter.add.f32 [tilespmem:s16], [sflag:$0x5], $0x80, s15, s11, $0xb8;
	[tilespmem:$0x1E980] =	vst v63  }
0xc3: {  	_ =	swait.ge [sflag:s17], $0x2800  }
0xc4: {  	[sflag:s17] =	ssyncset.done $0x0  }
0xc5: {  	s25 =	sadd.s32 $0x0, s24;
	[sflag:s17] =	ssyncadd.s32 $0xFFFFD800  }
0xc6: {  	[tilespmem:s10], [sflag:$0x1] =	stream.linear.gather [hbm4b:s25+s3], $0x50, $0x38;
	[tilespmem:$0x1E980] =	vst v63  }
0xc7: {  	s26 =	simm.s32 $0xF0  }
0xc8: {  	[tilespmem:s12], [sflag:$0x2] =	stream.indirect.gather [hbm4b:s4+s11], $0x80, s26, s11, $0xb8;
	[tilespmem:$0x1E980] =	vst v63  }
0xc9: {  	_ =	swait.ge [sflag:s18], $0x2800  }
0xca: {  	[sflag:s18] =	ssyncset.done $0x0  }
0xcb: {  	s28 =	sadd.s32 $0x0, s23;
	[sflag:s18] =	ssyncadd.s32 $0xFFFFD800  }
0xcc: {  	[tilespmem:s13], [sflag:$0x1] =	stream.linear.gather [hbm4b:s28+s3], $0x50, $0x38;
	[tilespmem:$0x1E980] =	vst v63  }
0xcd: {  	s25 =	simm.s32 $0x140  }
0xce: {  	[tilespmem:s14], [sflag:$0x2] =	stream.indirect.gather [hbm4b:s4+s11], $0x80, s25, s11, $0xb8;
	[tilespmem:$0x1E980] =	vst v63  }
0xcf: {  	_ =	swait.ge [sflag:s19], $0x2800  }
0xd0: {  	[sflag:s19] =	ssyncset.done $0x0  }
0xd1: {  	s26 =	sadd.s32 $0x0, s22;
	[sflag:s19] =	ssyncadd.s32 $0xFFFFD800  }
0xd2: {  	[tilespmem:s15], [sflag:$0x1] =	stream.linear.gather [hbm4b:s26+s3], $0x50, $0x38;
	[tilespmem:$0x1E980] =	vst v63  }
0xd3: {  	s28 =	simm.s32 $0x190  }
0xd4: {  	[tilespmem:s16], [sflag:$0x2] =	stream.indirect.gather [hbm4b:s4+s11], $0x80, s28, s11, $0xb8;
	[tilespmem:$0x1E980] =	vst v63  }
0xd5: {  	_ =	swait.ge [sflag:s9], $0x50  }
0xd6: {  	[sflag:s9] =	ssyncset.done $0x0  }
0xd7: {  	[sflag:s9] =	ssyncadd.s32 $0xFFFFFFB0  }
0xd8: {  	_ =	swait.ge [sflag:s9], $0x50  }
0xd9: {  	[sflag:s9] =	ssyncset.done $0x0  }
0xda: {  	[sflag:s9] =	ssyncadd.s32 $0xFFFFFFB0  }
0xdb: {  	_ =	swait.ge [sflag:s9], $0x50  }
0xdc: {  	[sflag:s9] =	ssyncset.done $0x0  }
0xdd: {  	[sflag:s9] =	ssyncadd.s32 $0xFFFFFFB0  }
0xde: {  	_ =	swait.ge [sflag:s8], $0x2800  }
0xdf: {  	[sflag:s8] =	ssyncset.done $0x0  }
0xe0: {  	[sflag:s8] =	ssyncadd.s32 $0xFFFFD800  }
0xe1: {  	[spmem:s1] =	stream.indirect.scatter.add.f32 [tilespmem:s12], [sflag:$0x3], $0x80, s10, s11, $0xb8;
	[tilespmem:$0x1E980] =	vst v63  }
0xe2: {  	_ =	swait.ge [sflag:s8], $0x2800  }
0xe3: {  	[sflag:s8] =	ssyncset.done $0x0  }
0xe4: {  	[sflag:s8] =	ssyncadd.s32 $0xFFFFD800  }
0xe5: {  	[spmem:s1] =	stream.indirect.scatter.add.f32 [tilespmem:s14], [sflag:$0x4], $0x80, s13, s11, $0xb8;
	[tilespmem:$0x1E980] =	vst v63  }
0xe6: {  	_ =	swait.ge [sflag:s8], $0x2800  }
0xe7: {  	[sflag:s8] =	ssyncset.done $0x0  }
0xe8: {  	s5 =	simm.s32 $0x1E;
	s25 =	simm.s32 $0x280;
	[sflag:s8] =	ssyncadd.s32 $0xFFFFD800  }
.LBB2_6:
0xe9: {  	[spmem:s1] =	stream.indirect.scatter.add.f32 [tilespmem:s16], [sflag:$0x5], $0x80, s15, s11, $0xb8;
	[tilespmem:$0x1E980] =	vst v63  }
0xea: {  	s26 =	smov.u32 s5  }
0xeb: {  	p0 =	sne.s32 s5, $0x492;
	s5 =	sadd.s32 $0x1E, s5;
	_ =	swait.ge [sflag:s17], $0x2800  }
0xec: {  	[sflag:s17] =	ssyncset.done $0x0  }
0xed: {  	s28 =	sadd.s32 s26, s24;
	[sflag:s17] =	ssyncadd.s32 $0xFFFFD800  }
0xee: {  	[tilespmem:s10], [sflag:$0x1] =	stream.linear.gather [hbm4b:s28+s3], $0x50, $0x38;
	[tilespmem:$0x1E980] =	vst v63  }
0xef: {  	s28 =	sadd.s32 $0xFFFFFF60, s25  }
0xf0: {  	[tilespmem:s12], [sflag:$0x2] =	stream.indirect.gather [hbm4b:s4+s11], $0x80, s28, s11, $0xb8;
	[tilespmem:$0x1E980] =	vst v63  }
0xf1: {  	_ =	swait.ge [sflag:s18], $0x2800  }
0xf2: {  	[sflag:s18] =	ssyncset.done $0x0  }
0xf3: {  	s28 =	sadd.s32 s26, s23;
	[sflag:s18] =	ssyncadd.s32 $0xFFFFD800  }
0xf4: {  	[tilespmem:s13], [sflag:$0x1] =	stream.linear.gather [hbm4b:s28+s3], $0x50, $0x38;
	[tilespmem:$0x1E980] =	vst v63  }
0xf5: {  	s28 =	sadd.s32 $0xFFFFFFB0, s25  }
0xf6: {  	[tilespmem:s14], [sflag:$0x2] =	stream.indirect.gather [hbm4b:s4+s11], $0x80, s28, s11, $0xb8;
	[tilespmem:$0x1E980] =	vst v63  }
0xf7: {  	_ =	swait.ge [sflag:s19], $0x2800  }
0xf8: {  	[sflag:s19] =	ssyncset.done $0x0  }
0xf9: {  	s26 =	sadd.s32 s26, s22;
	[sflag:s19] =	ssyncadd.s32 $0xFFFFD800  }
0xfa: {  	[tilespmem:s15], [sflag:$0x1] =	stream.linear.gather [hbm4b:s26+s3], $0x50, $0x38;
	[tilespmem:$0x1E980] =	vst v63  }
0xfb: {  	_ = 	snop  }
0xfc: {  	[tilespmem:s16], [sflag:$0x2] =	stream.indirect.gather [hbm4b:s4+s11], $0x80, s25, s11, $0xb8;
	[tilespmem:$0x1E980] =	vst v63  }
0xfd: {  	_ =	swait.ge [sflag:s9], $0x50  }
0xfe: {  	[sflag:s9] =	ssyncset.done $0x0  }
0xff: {  	[sflag:s9] =	ssyncadd.s32 $0xFFFFFFB0  }
0x100: {  	_ =	swait.ge [sflag:s9], $0x50  }
0x101: {  	[sflag:s9] =	ssyncset.done $0x0  }
0x102: {  	[sflag:s9] =	ssyncadd.s32 $0xFFFFFFB0  }
0x103: {  	_ =	swait.ge [sflag:s9], $0x50  }
0x104: {  	[sflag:s9] =	ssyncset.done $0x0  }
0x105: {  	[sflag:s9] =	ssyncadd.s32 $0xFFFFFFB0  }
0x106: {  	_ =	swait.ge [sflag:s8], $0x2800  }
0x107: {  	[sflag:s8] =	ssyncset.done $0x0  }
0x108: {  	[sflag:s8] =	ssyncadd.s32 $0xFFFFD800  }
0x109: {  	[spmem:s1] =	stream.indirect.scatter.add.f32 [tilespmem:s12], [sflag:$0x3], $0x80, s10, s11, $0xb8;
	[tilespmem:$0x1E980] =	vst v63  }
0x10a: {  	_ =	swait.ge [sflag:s8], $0x2800  }
0x10b: {  	[sflag:s8] =	ssyncset.done $0x0  }
.Ltmp2:
0x10c: {  	[sflag:s8] =	ssyncadd.s32 $0xFFFFD800;
	(pc) =	sbr.rel @p0 .LBB2_6-.Ltmp2, $4  }
0x10d: {  	[spmem:s1] =	stream.indirect.scatter.add.f32 [tilespmem:s14], [sflag:$0x4], $0x80, s13, s11, $0xb8;
	[tilespmem:$0x1E980] =	vst v63  }
0x10e: {  	_ =	swait.ge [sflag:s8], $0x2800  }
0x10f: {  	[sflag:s8] =	ssyncset.done $0x0  }
0x110: {  	s25 =	sadd.s32 $0xF0, s25;
	[sflag:s8] =	ssyncadd.s32 $0xFFFFD800  }
0x111: {  	[spmem:s1] =	stream.indirect.scatter.add.f32 [tilespmem:s16], [sflag:$0x5], $0x80, s15, s11, $0xb8;
	[tilespmem:$0x1E980] =	vst v63  }
0x112: {  	_ =	swait.ge [sflag:s17], $0x2800  }
0x113: {  	[sflag:s17] =	ssyncset.done $0x0  }
0x114: {  	s5 =	rddreg [dreg:$0x3];
	[sflag:s17] =	ssyncadd.s32 $0xFFFFD800  }
0x115: {  	[tilespmem:s10], [sflag:$0x1] =	stream.linear.gather [hbm4b:s5+s3], $0x50, $0x38;
	[tilespmem:$0x1E980] =	vst v63  }
0x116: {  	s26 =	simm.s32 $0x2670  }
0x117: {  	[tilespmem:s12], [sflag:$0x2] =	stream.indirect.gather [hbm4b:s4+s11], $0x80, s26, s11, $0xb8;
	[tilespmem:$0x1E980] =	vst v63  }
0x118: {  	_ =	swait.ge [sflag:s18], $0x2800  }
0x119: {  	[sflag:s18] =	ssyncset.done $0x0  }
0x11a: {  	s28 =	rddreg [dreg:$0x4];
	[sflag:s18] =	ssyncadd.s32 $0xFFFFD800  }
0x11b: {  	[tilespmem:s13], [sflag:$0x1] =	stream.linear.gather [hbm4b:s28+s3], $0x50, $0x38;
	[tilespmem:$0x1E980] =	vst v63  }
0x11c: {  	s25 =	simm.s32 $0x26C0  }
0x11d: {  	[tilespmem:s14], [sflag:$0x2] =	stream.indirect.gather [hbm4b:s4+s11], $0x80, s25, s11, $0xb8;
	[tilespmem:$0x1E980] =	vst v63  }
0x11e: {  	_ =	swait.ge [sflag:s9], $0x50  }
0x11f: {  	[sflag:s9] =	ssyncset.done $0x0  }
0x120: {  	[sflag:s9] =	ssyncadd.s32 $0xFFFFFFB0  }
0x121: {  	_ =	swait.ge [sflag:s9], $0x50  }
0x122: {  	[sflag:s9] =	ssyncset.done $0x0  }
0x123: {  	[sflag:s9] =	ssyncadd.s32 $0xFFFFFFB0  }
0x124: {  	_ =	swait.ge [sflag:s8], $0x2800  }
0x125: {  	[sflag:s8] =	ssyncset.done $0x0  }
0x126: {  	[sflag:s8] =	ssyncadd.s32 $0xFFFFD800  }
0x127: {  	[spmem:s1] =	stream.indirect.scatter.add.f32 [tilespmem:s12], [sflag:$0x3], $0x80, s10, s11, $0xb8;
	[tilespmem:$0x1E980] =	vst v63  }
0x128: {  	_ =	swait.ge [sflag:s8], $0x2800  }
0x129: {  	[sflag:s8] =	ssyncset.done $0x0  }
0x12a: {  	[sflag:s8] =	ssyncadd.s32 $0xFFFFD800  }
0x12b: {  	[spmem:s1] =	stream.indirect.scatter.add.f32 [tilespmem:s14], [sflag:$0x4], $0x80, s13, s11, $0xb8;
	[tilespmem:$0x1E980] =	vst v63  }
0x12c: {  	_ =	swait.ge [sflag:s17], $0x2800  }
0x12d: {  	[sflag:s17] =	ssyncset.done $0x0  }
0x12e: {  	[sflag:s17] =	ssyncadd.s32 $0xFFFFD800  }
0x12f: {  	_ =	swait.ge [sflag:s18], $0x2800  }
0x130: {  	[sflag:s18] =	ssyncset.done $0x0  }
0x131: {  	[sflag:s18] =	ssyncadd.s32 $0xFFFFD800  }
0x132: {  	_ =	swait.ge [sflag:s19], $0x2800  }
0x133: {  	[sflag:s19] =	ssyncset.done $0x0  }
0x134: {  	s26 =	stileid.u32;
	[sflag:s19] =	ssyncadd.s32 $0xFFFFD800  }
0x135: {  	s5 =	sshll.u32 s26, $0x6;
	[bflag:$0x0] =	sbarrier.arrive $0xFFFF  }
0x136: {  	s5 =	sor.u32 $0x1C06, s5;
	s25 =	sshrl.u32 s6, $0x3;
	s26 =	rddreg [dreg:$0x5]  }
0x137: {  	[hbm:s26], [sflag:s5] =	dma.local [spmem:s25], $0x2800  }
0x138: {  	_ =	swait.ge [sflag:s20], $0x2800  }
0x139: {  	s21 =	sadd.s32 $0x1, s21;
	s28 =	rddreg [dreg:$0x6]  }
0x13a: {  	p0 =	sne.s32 s21, s28  }
.Ltmp3:
0x13b: {  	_ = 	snop;
	(pc) =	sbr.rel @p0 .LBB2_1-.Ltmp3, $3  }
0x13c: {  	_ =	sdelay $0x1  }
0x13d: {  	[sflag:s20] =	ssyncset.done $0x0  }
0x13e: {  	[sflag:s20] =	ssyncadd.s32 $0xFFFFD800  }
0x13f: {  	_ =	sfence.sel $0x180000  }
0x140: {  	[bflag:$0x0] =	sbarrier.arrive $0xFFFF  }
0x141: {  	_ =	strace $0x9000004A  }
0x142: {  	s0 =	stileid.u32;
	[bflag:$0x2] =	sbarrier.arrive $0xFFFF  }
0x143: {  	p0 =	sne.s32 s0, $0x0;
	s0 =	rddreg [dreg:$0x2]  }
0x144: {  	s0 =	sadd.s32 @!p0 $0x100000, s0  }
0x145: {  	[sflag:s0] =	ssyncadd.tile.s32 @!p0 $0x1;
	_ =	shalt  }
.Lfunc_end2:
_tile_overlayer_lowered:
.L_overlay_start_2:
0x146: {  	(tag) =	ssettag $0x2  }
0x147: {  	s0 =	rddreg [dreg:$0x0];
	s2 =	stileid.u32  }
0x148: {  	s1 =	rddreg [dreg:$0x1];
	p0 =	sne.s32 s2, $0x0  }
0x149: {  	s3 =	rddreg [dreg:$0x2];
	[bflag:$0x3] =	sbarrier.arrive $0xFFFF;
	s2 =	simm.s32 @!p0 $0x1C06  }
0x14a: {  	[timem:s3], [sflag:s2] =	dma.local @!p0 [hbm:s0], s1  }
0x14b: {  	s0 =	simm.s32 @!p0 $0x6  }
0x14c: {  	_ =	swait.ge @!p0 [sflag:s0], s1  }
0x14d: {  	s1 =	ssub.s32 @!p0 $0x0, s1;
	[sflag:s0] =	ssyncset.done @!p0 $0x0  }
0x14e: {  	[sflag:s0] =	ssyncadd.s32 @!p0 s1  }
0x14f: {  	[bflag:$0x3] =	sbarrier.arrive $0xFFFF  }
0x150: {  	_ =	shalt  }

// kernel: kernel.16.cloned.1.call-start
scs
__scs_entry_jumppad:
0x0: {  	(pc) =	sbr.rel $0x88, $3  }
0x1: {  	(tag) =	ssettag $0x0;
	lr =	simm.s32 $0x1  }
0x2: {  	[smem:$0x3F93] =	sst lr;
	_ =	strace $0xD0000000  }
0x3: {  	_ = 	snop  }
0x4: {  	_ = 	snop  }
0x5: {  	_ = 	snop  }
0x6: {  	_ = 	snop  }
0x7: {  	_ = 	snop  }
__scs_overlays_trampoline_lowered:
0x8: {  	[smem:$0x3FA2] =	sst s0  }
0x9: {  	[smem:$0x3FA3] =	sst s1  }
0xa: {  	[smem:$0x3FA4] =	sst s2  }
0xb: {  	[smem:$0x3FA5] =	sst s3  }
0xc: {  	[smem:$0x3FA6] =	sst s4  }
0xd: {  	[smem:$0x3FA7] =	sst s5  }
0xe: {  	[smem:$0x3FA8] =	sst s6  }
0xf: {  	[smem:$0x3FA9] =	sst s7  }
0x10: {  	[smem:$0x3FAA] =	sst s8  }
0x11: {  	[smem:$0x3FAB] =	sst s9;
	s0 =	simm.s32 @!p0 $0x0  }
0x12: {  	s1 =	sld [smem:$0x3F91];
	s0 =	simm.s32 @p0 $0x1  }
0x13: {  	[smem:$0x3FAC] =	sst s0;
	s0 =	simm.s32 @!p1 $0x0  }
0x14: {  	s2 =	sld [smem:$0x3F90];
	s0 =	simm.s32 @p1 $0x1  }
0x15: {  	[smem:$0x3FAD] =	sst s0;
	s0 =	simm.s32 @!p2 $0x0  }
0x16: {  	s3 =	sld [smem:$0x3FDB];
	s0 =	simm.s32 @p2 $0x1  }
0x17: {  	s4 =	simm.s32 $0x1BF5;
	[smem:$0x3FAF] =	sst s0  }
0x18: {  	s0 =	sld [smem:$0x3F92];
	_ =	swait.ge [sflag:s4], $0x0  }
0x19: {  	s7 =	sld [smem:$0x3F93]  }
0x1a: {  	s8 =	sadd.s32 $0xFFFFE003, lr  }
0x1b: {  	s9 =	sadd.s32 $0xFFFFFEF7, lr;
	s5 =	simm.s32 $0xFFFFFFFF;
	p2 =	slt.u32 s8, $0xFFFFF086  }
0x1c: {  	p1 =	slt.u32 s9, $0xF7A;
	s5 =	simm.s32 @!p2 $0x0  }
0x1d: {  	s5 =	simm.s32 @p1 $0x1;
	p0 =	seq.s32 s7, s2  }
0x1e: {  	s7 =	smul.u32 @!p0 $0xF7A, s2;
	p2 =	seq.s32 @!p0 s5, $0x0  }
0x1f: {  	s9 =	smul.u32 $0xF7A, s1;
	s8 =	simm.s32 @!p0 $0x1BF5;
	p2 =	por !p2, p0  }
0x20: {  	[sflag:s8] =	ssyncset.s32 @!p0 $0xFFFFF086;
	s6 =	sadd.s32 @!p0 s3, s7;
	s7 =	simm.s32 @!p0 $0x108  }
0x21: {  	s3 =	sadd.s32 s3, s9;
	s6 =	sadd.s32 @!p0 $0x88, s6;
	s7 =	simm.s32 @p2 $0x1082  }
0x22: {  	[simem:s7], [sflag:s8] =	dma.local @!p0 [hbm:s6], $0xF7A  }
0x23: {  	s9 =	sor.u32 $0xD0000000, s2;
	s6 =	simm.s32 $0x108;
	_ =	swait.ge @!p0 [sflag:s8], $0x0  }
0x24: {  	s3 =	sadd.s32 $0x88, s3;
	s6 =	simm.s32 @!p1 $0x1082;
	[sflag:s4] =	ssyncset.s32 $0xFFFFF086  }
0x25: {  	[simem:s6], [sflag:s4] =	dma.local [hbm:s3], $0xF7A  }
0x26: {  	[smem:$0x3F93] =	sst s1;
	(tag) =	ssettag s2;
	_ =	strace s9  }
0x27: {  	s1 =	sld [smem:$0x3FA3]  }
0x28: {  	s2 =	sld [smem:$0x3FA4]  }
0x29: {  	s4 =	sld [smem:$0x3FA6]  }
0x2a: {  	p0 =	seq.s32 s5, $0x0;
	s5 =	sld [smem:$0x3FA7]  }
0x2b: {  	s6 =	sld [smem:$0x3FA8]  }
0x2c: {  	s7 =	sld [smem:$0x3FA9]  }
0x2d: {  	s3 =	simm.s32 $0x108;
	s8 =	sld [smem:$0x3FAA]  }
0x2e: {  	s3 =	simm.s32 @!p0 $0x1082;
	s9 =	sld [smem:$0x3FAB]  }
0x2f: {  	lr =	sadd.s32 s0, s3;
	s0 =	sld [smem:$0x3FA2]  }
0x30: {  	s3 =	sld [smem:$0x3FA5]  }
0x31: {  	[smem:$0x3FAE] =	sst s10  }
0x32: {  	s10 =	sld [smem:$0x3FAC];
	_ =	sdelay $0x3  }
0x33: {  	p0 =	seq.s32 s10, $0x1;
	s10 =	sld [smem:$0x3FAE];
	_ =	sdelay $0x3  }
0x34: {  	[smem:$0x3FAE] =	sst s10  }
0x35: {  	s10 =	sld [smem:$0x3FAD];
	_ =	sdelay $0x3  }
0x36: {  	p1 =	seq.s32 s10, $0x1;
	s10 =	sld [smem:$0x3FAE];
	_ =	sdelay $0x3  }
0x37: {  	[smem:$0x3FAE] =	sst s10  }
0x38: {  	s10 =	sld [smem:$0x3FAF]  }
0x39: {  	_ = 	snop;
	(pc) =	sbr.ind lr, $3  }
0x3a: {  	_ = 	snop  }
0x3b: {  	_ = 	snop  }
0x3c: {  	p2 =	seq.s32 s10, $0x1;
	s10 =	sld [smem:$0x3FAE]  }
0x3d: {  	_ =	shalt  }
0x3e: {  	_ =	shalt  }
0x3f: {  	_ =	shalt  }
0x40: {  	_ =	shalt  }
0x41: {  	_ =	shalt  }
0x42: {  	_ =	shalt  }
0x43: {  	_ =	shalt  }
0x44: {  	_ =	shalt  }
0x45: {  	_ =	shalt  }
0x46: {  	_ =	shalt  }
0x47: {  	_ =	shalt  }
0x48: {  	_ =	shalt  }
0x49: {  	_ =	shalt  }
0x4a: {  	_ =	shalt  }
0x4b: {  	_ =	shalt  }
0x4c: {  	_ =	shalt  }
0x4d: {  	_ =	shalt  }
0x4e: {  	_ =	shalt  }
0x4f: {  	_ =	shalt  }
0x50: {  	_ =	shalt  }
0x51: {  	_ =	shalt  }
0x52: {  	_ =	shalt  }
0x53: {  	_ =	shalt  }
0x54: {  	_ =	shalt  }
0x55: {  	_ =	shalt  }
0x56: {  	_ =	shalt  }
0x57: {  	_ =	shalt  }
0x58: {  	_ =	shalt  }
0x59: {  	_ =	shalt  }
0x5a: {  	_ =	shalt  }
0x5b: {  	_ =	shalt  }
0x5c: {  	_ =	shalt  }
0x5d: {  	_ =	shalt  }
0x5e: {  	_ =	shalt  }
0x5f: {  	_ =	shalt  }
0x60: {  	_ =	shalt  }
0x61: {  	_ =	shalt  }
0x62: {  	_ =	shalt  }
0x63: {  	_ =	shalt  }
0x64: {  	_ =	shalt  }
0x65: {  	_ =	shalt  }
0x66: {  	_ =	shalt  }
0x67: {  	_ =	shalt  }
0x68: {  	_ =	shalt  }
0x69: {  	_ =	shalt  }
0x6a: {  	_ =	shalt  }
0x6b: {  	_ =	shalt  }
0x6c: {  	_ =	shalt  }
0x6d: {  	_ =	shalt  }
0x6e: {  	_ =	shalt  }
0x6f: {  	_ =	shalt  }
0x70: {  	_ =	shalt  }
0x71: {  	_ =	shalt  }
0x72: {  	_ =	shalt  }
0x73: {  	_ =	shalt  }
0x74: {  	_ =	shalt  }
0x75: {  	_ =	shalt  }
0x76: {  	_ =	shalt  }
0x77: {  	_ =	shalt  }
0x78: {  	_ =	shalt  }
0x79: {  	_ =	shalt  }
0x7a: {  	_ =	shalt  }
0x7b: {  	_ =	shalt  }
0x7c: {  	_ =	shalt  }
0x7d: {  	_ =	shalt  }
0x7e: {  	_ =	shalt  }
0x7f: {  	_ =	shalt  }
0x80: {  	_ =	shalt  }
0x81: {  	_ =	shalt  }
0x82: {  	_ =	shalt  }
0x83: {  	_ =	shalt  }
0x84: {  	_ =	shalt  }
0x85: {  	_ =	shalt  }
0x86: {  	_ =	shalt  }
0x87: {  	_ =	shalt  }
.Lfunc_end0:
.L_simem_size_0:
called_computation.2_lowered:
.L_overlay_start_0:
0x88: {  	s2 =	sld [smem:$0x3FD9]  }
0x89: {  	s3 =	sld [smem:$0x3FFE];
	_ =	sdelay $0x1  }
0x8a: {  	s1 =	srdreg.scid  }
0x8b: {  	s0 =	sand.u32 $0x1, s1  }
0x8c: {  	s16 =	sshll.u32 s0, $0xA;
	s2 =	sadd.s32 s3, s2  }
0x8d: {  	s2 =	sadd.s32 s2, s16  }
0x8e: {  	[smem:$0x3FBA] =	sst s2  }
0x8f: {  	_ = 	snop  }
0x90: {  	(tm) =	ssettm $0x1  }
0x91: {  	s17 =	sld [smem:$0x3FFB];
	_ =	sdelay $0x3  }
0x92: {  	_ =	strace s17  }
0x93: {  	s2 =	sld [smem:$0x3FFC];
	_ =	sdelay $0x3  }
0x94: {  	_ =	strace s2  }
0x95: {  	s2 =	sld [smem:$0x3FFD];
	_ =	sdelay $0x3  }
0x96: {  	_ =	strace s2  }
0x97: {  	_ =	strace $0x8FFFFFFF  }
0x98: {  	s18 =	sld [smem:$0x3FDB];
	_ =	sdelay $0x1  }
0x99: {  	s19 =	simm.s32 $_scs_section_size  }
0x9a: {  	s4 =	simm.s32 $_size__tile_overlayer_lowered;
	s5 =	simm.s32 $_tile_overlayer_lowered  }
0x9b: {  	s22 =	simm.s32 $0x1BFF;
	s21 =	sshll.u32 s5, $0x1;
	s2 =	sadd.s32 s19, s18  }
0x9c: {  	s6 =	simm.s32 $0x0;
	s20 =	sshll.u32 s4, $0x1;
	s4 =	sadd.s32 s21, s2  }
0x9d: {  	[timem:s6], [sflag:s22] =	dma.local [hbm:s4], s20  }
0x9e: {  	_ =	swait.ge [sflag:s22], s20  }
0x9f: {  	s3 =	ssub.s32 $0x0, s20;
	[sflag:s22] =	ssyncset.done $0x0  }
0xa0: {  	[sflag:s22] =	ssyncadd.s32 s3;
	_ =	sdelay $0x1  }
0xa1: {  	s23 =	simm.s32 $0x1B8B  }
0xa2: {  	_ =	swait.ge [sflag:s23], $0x1  }
0xa3: {  	[sflag:s23] =	ssyncset.done $0x0  }
0xa4: {  	s25 =	simm.s32 $0x1B8E;
	s24 =	sld [smem:$0x3FFE];
	[sflag:s23] =	ssyncadd.s32 $0xFFFFFFFF  }
0xa5: {  	s26 =	simm.s32 $execute0_lowered;
	[smem:$0x3FD2] =	sst s25  }
0xa6: {  	s4 =	sshll.u32 s26, $0x1;
	_ =	strace $0x8000004C;
	[dreg:$0x1] =	wrdreg $0xFFFFFFFF  }
0xa7: {  	s28 =	simm.s32 $_size_execute0_lowered;
	s2 =	sadd.s32 s2, s4;
	[dreg:$0x0] =	wrdreg $0x0  }
0xa8: {  	s4 =	sshll.u32 s28, $0x1;
	[dreg:$0x2] =	wrdreg s2  }
0xa9: {  	[dreg:$0x3] =	wrdreg s4  }
0xaa: {  	[dreg:$0x4] =	wrdreg $0xC0  }
0xab: {  	_ =	task [dreg:s6], $0x5FFFF  }
0xac: {  	[dreg:$0x1] =	wrdreg $0xFFFFFFFF  }
0xad: {  	[dreg:$0x0] =	wrdreg $0x60  }
0xae: {  	[dreg:$0x2] =	wrdreg s24  }
0xaf: {  	[dreg:$0x3] =	wrdreg $0xA9800  }
0xb0: {  	[dreg:$0x4] =	wrdreg $0x9  }
0xb1: {  	_ =	task.clear_ibuf [dreg:s6], $0x5FFFF;
	_ =	strace $0x9000004C  }
0xb2: {  	s29 =	simm.s32 $0x9;
	_ =	strace $0x8000004E  }
0xb3: {  	_ =	swait.ge [sflag:s29], $0x1  }
0xb4: {  	[sflag:s29] =	ssyncadd.s32 $0xFFFFFFFF  }
0xb5: {  	_ =	strace $0x9000004E  }
0xb6: {  	_ =	sfence  }
0xb7: {  	s30 =	sld [smem:$0x0];
	_ =	sdelay $0x2  }
0xb8: {  	s31 =	sshll.u32 s1, $0xD;
	s1 =	sshrl.u32 s1, $0x2  }
0xb9: {  	s3 =	sand.u32 $0x4000, s31;
	s1 =	sadd.s32 s1, s30  }
0xba: {  	s0 =	sor.u32 s3, s0;
	s1 =	sshll.u32 s1, $0x11  }
0xbb: {  	s0 =	sor.u32 s1, s0  }
0xbc: {  	s0 =	sadd.s32 $0x8F2B, s0  }
0xbd: {  	[sflag:s0] =	ssyncadd.remote.s32 $0x1  }
0xbe: {  	_ =	sfence.sel $0xFFFF  }
0xbf: {  	[dreg:$0x0] =	wrdreg $0xFFFFFFFF;
	(pc) =	sbr.abs _section_cstart, $3  }
0xc0: {  	[dreg:$0x1] =	wrdreg $0xFFFFFFFF  }
0xc1: {  	_ =	task.clear_ibuf [dreg:s6], $0x2FFFF;
	_ =	strace $0x9FFFFFFF  }
0xc2: {  	(tm) =	ssettm $0x7FFFFFFF  }
0xc3: {  	_ =	shalt  }
tec
execute0_lowered:
.L_overlay_start_1:
0x0: {  	(tag) =	ssettag $0x1  }
0x1: {  	s0 =	rddreg [dreg:$0x0]  }
0x2: {  	s1 =	rddreg [dreg:$0x1]  }
0x3: {  	s2 =	srdreg.scid;
	s10 =	stileid.u32  }
0x4: {  	s3 =	simm.s32 $0x0;
	s2 =	sand.u32 $0x1, s2;
	s6 =	smul.u32 $0x14000, s10  }
0x5: {  	[smem:$0x7FF] =	sst s3;
	s5 =	smul.u32 $0x140000, s2  }
0x6: {  	s8 =	smul.u32 $0x50000, s10;
	s4 =	sshll.u32 s2, $0x4;
	_ =	strace $0x8000004D  }
0x7: {  	s15 =	ssub.s32 $0x2, s2;
	s7 =	sor.u32 s10, s4;
	s5 =	sadd.s32 s6, s5  }
0x8: {  	s4 =	sadd.s32 $0x17200, s0;
	s14 =	smul.u32 $0x2710, s7;
	s5 =	sshrl.u32 s5, $0x3  }
0x9: {  	s9 =	sshrl.u32 s15, $0x1;
	s7 =	sadd.s32 $0x3800, s0;
	s0 =	sadd.s32 s5, s0  }
0xa: {  	s6 =	sshrl.u32 s14, $0x3;
	s5 =	ssub.s32 s15, s9;
	s0 =	sadd.s32 $0x3F200, s0  }
0xb: {  	s11 =	sadd.s32 s7, s6;
	s19 =	smax.u32 s5, $0x1;
	[dreg:$0x5] =	wrdreg s0  }
0xc: {  	s16 =	sshrl.u32 s8, $0x2;
	s17 =	sadd.s32 $0xA10E, s11;
	[dreg:$0x6] =	wrdreg s19  }
0xd: {  	s6 =	sadd.s32 s16, s1;
	s18 =	sadd.s32 $0xA118, s11;
	[dreg:$0x3] =	wrdreg s17  }
0xe: {  	s20 =	sadd.s32 $0x800, s6;
	[dreg:$0x4] =	wrdreg s18  }
0xf: {  	s21 =	sadd.s32 $0x1000, s6;
	[dreg:$0x7] =	wrdreg s20  }
0x10: {  	s23 =	sadd.s32 $0x1800, s6;
	[dreg:$0x8] =	wrdreg s21  }
0x11: {  	s24 =	sadd.s32 $0x2000, s6;
	[dreg:$0x9] =	wrdreg s23  }
0x12: {  	s26 =	sadd.s32 $0x2800, s6;
	[dreg:$0xa] =	wrdreg s24  }
0x13: {  	s28 =	sadd.s32 $0x3000, s6;
	[dreg:$0xb] =	wrdreg s26  }
0x14: {  	s8 =	sadd.s32 $0x3800, s6;
	[dreg:$0xc] =	wrdreg s28  }
0x15: {  	s9 =	sadd.s32 $0x4000, s6;
	[dreg:$0xd] =	wrdreg s8  }
0x16: {  	s25 =	smul.u32 $0x2710, s10;
	s10 =	sadd.s32 $0x4800, s6;
	[dreg:$0xe] =	wrdreg s9  }
0x17: {  	s12 =	sadd.s32 $0x5000, s6;
	[dreg:$0xf] =	wrdreg s10  }
0x18: {  	s22 =	smul.u32 $0x27100, s2;
	s13 =	sadd.s32 $0x5800, s6;
	[dreg:$0x10] =	wrdreg s12  }
0x19: {  	s19 =	sadd.s32 $0x7000, s6;
	[dreg:$0x11] =	wrdreg s13  }
0x1a: {  	s0 =	sadd.s32 s25, s22;
	s25 =	sadd.s32 $0x8800, s6;
	[dreg:$0x14] =	wrdreg s19  }
0x1b: {  	s5 =	sadd.s32 $0xA800, s6;
	[dreg:$0x17] =	wrdreg s25  }
0x1c: {  	s30 =	sadd.s32 $0x13800, s6;
	s17 =	sadd.s32 $0x6000, s6;
	[dreg:$0x1b] =	wrdreg s5  }
0x1d: {  	s31 =	sadd.s32 $0x9C4A, s11;
	s18 =	sadd.s32 $0x6800, s6;
	[dreg:$0x12] =	wrdreg s17  }
0x1e: {  	s29 =	smov.u32 s11;
	s20 =	sadd.s32 $0x7800, s6;
	[dreg:$0x13] =	wrdreg s18  }
0x1f: {  	s14 =	sadd.s32 $0x4E390, s0;
	s21 =	sadd.s32 $0x8000, s6;
	[dreg:$0x15] =	wrdreg s20  }
0x20: {  	s15 =	sadd.s32 $0x4E340, s0;
	s26 =	sadd.s32 $0x9000, s6;
	[dreg:$0x16] =	wrdreg s21  }
0x21: {  	s0 =	sadd.s32 $0x4E2F0, s0;
	s28 =	sadd.s32 $0x9800, s6;
	[dreg:$0x18] =	wrdreg s26  }
0x22: {  	s8 =	sadd.s32 $0xB800, s6;
	s9 =	sadd.s32 $0xC000, s6;
	[dreg:$0x19] =	wrdreg s28  }
0x23: {  	s10 =	sadd.s32 $0xC800, s6;
	s12 =	sadd.s32 $0xD000, s6;
	[dreg:$0x1d] =	wrdreg s8  }
0x24: {  	s13 =	sadd.s32 $0xD800, s6;
	s19 =	sadd.s32 $0x10800, s6;
	[dreg:$0x1e] =	wrdreg s9  }
0x25: {  	s25 =	sadd.s32 $0x12000, s6;
	s2 =	sshrl.u32 s14, $0x3;
	[dreg:$0x1f] =	wrdreg s10  }
0x26: {  	s16 =	sshrl.u32 s15, $0x3;
	s0 =	sshrl.u32 s0, $0x3;
	[smem:$0x7F1] =	sst s12  }
0x27: {  	[smem:$0x7F2] =	sst s13;
	s14 =	sadd.s32 $0xE000, s6;
	s15 =	sadd.s32 $0xE800, s6  }
0x28: {  	s17 =	sadd.s32 $0xF800, s6;
	s18 =	sadd.s32 $0x10000, s6;
	[smem:$0x7F8] =	sst s19  }
0x29: {  	s20 =	sadd.s32 $0x11000, s6;
	s21 =	sadd.s32 $0x11800, s6;
	[smem:$0x7FB] =	sst s25  }
0x2a: {  	s26 =	sadd.s32 $0x12800, s6;
	s28 =	sadd.s32 $0x13000, s6;
	[smem:$0x7F3] =	sst s14  }
0x2b: {  	s8 =	simm.s32 $0x2;
	s9 =	simm.s32 $0x1;
	[smem:$0x7F4] =	sst s15  }
0x2c: {  	s10 =	simm.s32 $0x2780;
	s12 =	simm.s32 $0x2980;
	[smem:$0x7F6] =	sst s17  }
0x2d: {  	s13 =	simm.s32 $0x2800;
	s19 =	simm.s32 $0x5;
	[smem:$0x7F7] =	sst s18  }
0x2e: {  	s22 =	sadd.s32 s2, s7;
	s23 =	sadd.s32 s16, s7;
	[smem:$0x7F9] =	sst s20  }
0x2f: {  	s24 =	sadd.s32 s0, s7;
	s2 =	sadd.s32 $0xA000, s6;
	[smem:$0x7FA] =	sst s21  }
0x30: {  	s7 =	sadd.s32 $0xB000, s6;
	s16 =	sadd.s32 $0xF000, s6;
	[smem:$0x7FC] =	sst s26  }
0x31: {  	[smem:$0x7FD] =	sst s28;
	s0 =	sadd.s32 $0x9C40, s11;
	s14 =	simm.s32 $0x5180  }
0x32: {  	s15 =	simm.s32 $0x2880;
	s17 =	simm.s32 $0x3;
	[dreg:$0x1a] =	wrdreg s2  }
0x33: {  	s18 =	simm.s32 $0x4;
	s20 =	simm.s32 $0x6;
	[dreg:$0x1c] =	wrdreg s7  }
0x34: {  	s21 =	simm.s32 $0x0;
	[smem:$0x7F5] =	sst s16;
	s2 =	sadd.s32 $0x9C54, s11  }
0x35: {  	v0 =	vimm.f32 $0.0e+00;
	s7 =	simm.s32 $0xA180;
	s11 =	simm.s32 $0x50;
	s16 =	simm.s32 $0x7980  }
.LBB2_1:
0x36: {  	[tilespmem:s3], [sflag:$0x1] =	stream.linear.gather [hbm4b:s29+s3], $0x2710, $0x38;
	[tilespmem:$0x1E980] =	vst v63  }
0x37: {  	s5 =	simm.s32 $0x0;
	s25 =	simm.s32 $0x200  }
.LBB2_2:
0x38: {  	p0 =	sne.s32 s25, $0x1E00;
	[tilespmem:s5+$0xA1F0] =	vst v0  }
0x39: {  	[tilespmem:s5+$0xA180] =	vst v0  }
0x3a: {  	[tilespmem:s5+$0xA190] =	vst v0  }
.Ltmp0:
0x3b: {  	[tilespmem:s5+$0xA1A0] =	vst v0;
	(pc) =	sbr.rel @p0 .LBB2_2-.Ltmp0, $4  }
0x3c: {  	[tilespmem:s5+$0xA1B0] =	vst v0  }
0x3d: {  	[tilespmem:s5+$0xA1C0] =	vst v0  }
0x3e: {  	[tilespmem:s5+$0xA1D0] =	vst v0  }
0x3f: {  	[tilespmem:s5+$0xA1E0] =	vst v0;
	s5 =	sshra.s32 s25, $0x2;
	s25 =	sadd.s32 $0x200, s25  }
0x40: {  	[tilespmem:s5+$0xA1F0] =	vst v0  }
0x41: {  	[tilespmem:s5+$0xA180] =	vst v0  }
0x42: {  	[tilespmem:s5+$0xA190] =	vst v0  }
0x43: {  	[tilespmem:s5+$0xA1A0] =	vst v0  }
0x44: {  	[tilespmem:s5+$0xA1B0] =	vst v0  }
0x45: {  	[tilespmem:s5+$0xA1C0] =	vst v0  }
0x46: {  	[tilespmem:s5+$0xA1D0] =	vst v0  }
0x47: {  	[tilespmem:s5+$0xA1E0] =	vst v0;
	s26 =	rddreg [dreg:$0x7]  }
0x48: {  	[spmem:s6] =	stream.linear.scatter [tilespmem:s7], [sflag:$0x2], $0x800, $0x38;
	[tilespmem:$0x1E980] =	vst v63  }
0x49: {  	s28 =	rddreg [dreg:$0x8]  }
0x4a: {  	[spmem:s26] =	stream.linear.scatter [tilespmem:s7], [sflag:$0x2], $0x800, $0x38;
	[tilespmem:$0x1E980] =	vst v63  }
0x4b: {  	s25 =	rddreg [dreg:$0x9]  }
0x4c: {  	[spmem:s28] =	stream.linear.scatter [tilespmem:s7], [sflag:$0x2], $0x800, $0x38;
	[tilespmem:$0x1E980] =	vst v63  }
0x4d: {  	s26 =	rddreg [dreg:$0xa]  }
0x4e: {  	[spmem:s25] =	stream.linear.scatter [tilespmem:s7], [sflag:$0x2], $0x800, $0x38;
	[tilespmem:$0x1E980] =	vst v63  }
0x4f: {  	s28 =	rddreg [dreg:$0xb]  }
0x50: {  	[spmem:s26] =	stream.linear.scatter [tilespmem:s7], [sflag:$0x2], $0x800, $0x38;
	[tilespmem:$0x1E980] =	vst v63  }
0x51: {  	s25 =	rddreg [dreg:$0xc]  }
0x52: {  	[spmem:s28] =	stream.linear.scatter [tilespmem:s7], [sflag:$0x2], $0x800, $0x38;
	[tilespmem:$0x1E980] =	vst v63  }
0x53: {  	s26 =	rddreg [dreg:$0xd]  }
0x54: {  	[spmem:s25] =	stream.linear.scatter [tilespmem:s7], [sflag:$0x2], $0x800, $0x38;
	[tilespmem:$0x1E980] =	vst v63  }
0x55: {  	s28 =	rddreg [dreg:$0xe]  }
0x56: {  	[spmem:s26] =	stream.linear.scatter [tilespmem:s7], [sflag:$0x2], $0x800, $0x38;
	[tilespmem:$0x1E980] =	vst v63  }
0x57: {  	s25 =	rddreg [dreg:$0xf]  }
0x58: {  	[spmem:s28] =	stream.linear.scatter [tilespmem:s7], [sflag:$0x2], $0x800, $0x38;
	[tilespmem:$0x1E980] =	vst v63  }
0x59: {  	s26 =	rddreg [dreg:$0x10]  }
0x5a: {  	[spmem:s25] =	stream.linear.scatter [tilespmem:s7], [sflag:$0x2], $0x800, $0x38;
	[tilespmem:$0x1E980] =	vst v63  }
0x5b: {  	s28 =	rddreg [dreg:$0x11]  }
0x5c: {  	[spmem:s26] =	stream.linear.scatter [tilespmem:s7], [sflag:$0x2], $0x800, $0x38;
	[tilespmem:$0x1E980] =	vst v63  }
0x5d: {  	s25 =	rddreg [dreg:$0x12]  }
0x5e: {  	[spmem:s28] =	stream.linear.scatter [tilespmem:s7], [sflag:$0x2], $0x800, $0x38;
	[tilespmem:$0x1E980] =	vst v63  }
0x5f: {  	s26 =	rddreg [dreg:$0x13]  }
0x60: {  	[spmem:s25] =	stream.linear.scatter [tilespmem:s7], [sflag:$0x2], $0x800, $0x38;
	[tilespmem:$0x1E980] =	vst v63  }
0x61: {  	s28 =	rddreg [dreg:$0x14]  }
0x62: {  	[spmem:s26] =	stream.linear.scatter [tilespmem:s7], [sflag:$0x2], $0x800, $0x38;
	[tilespmem:$0x1E980] =	vst v63  }
0x63: {  	s25 =	rddreg [dreg:$0x15]  }
0x64: {  	[spmem:s28] =	stream.linear.scatter [tilespmem:s7], [sflag:$0x2], $0x800, $0x38;
	[tilespmem:$0x1E980] =	vst v63  }
0x65: {  	s26 =	rddreg [dreg:$0x16]  }
0x66: {  	[spmem:s25] =	stream.linear.scatter [tilespmem:s7], [sflag:$0x2], $0x800, $0x38;
	[tilespmem:$0x1E980] =	vst v63  }
0x67: {  	s28 =	rddreg [dreg:$0x17]  }
0x68: {  	[spmem:s26] =	stream.linear.scatter [tilespmem:s7], [sflag:$0x2], $0x800, $0x38;
	[tilespmem:$0x1E980] =	vst v63  }
0x69: {  	s25 =	rddreg [dreg:$0x18]  }
0x6a: {  	[spmem:s28] =	stream.linear.scatter [tilespmem:s7], [sflag:$0x2], $0x800, $0x38;
	[tilespmem:$0x1E980] =	vst v63  }
0x6b: {  	s26 =	rddreg [dreg:$0x19]  }
0x6c: {  	[spmem:s25] =	stream.linear.scatter [tilespmem:s7], [sflag:$0x2], $0x800, $0x38;
	[tilespmem:$0x1E980] =	vst v63  }
0x6d: {  	s28 =	rddreg [dreg:$0x1a]  }
0x6e: {  	[spmem:s26] =	stream.linear.scatter [tilespmem:s7], [sflag:$0x2], $0x800, $0x38;
	[tilespmem:$0x1E980] =	vst v63  }
0x6f: {  	s25 =	rddreg [dreg:$0x1b]  }
0x70: {  	[spmem:s28] =	stream.linear.scatter [tilespmem:s7], [sflag:$0x2], $0x800, $0x38;
	[tilespmem:$0x1E980] =	vst v63  }
0x71: {  	s26 =	rddreg [dreg:$0x1c]  }
0x72: {  	[spmem:s25] =	stream.linear.scatter [tilespmem:s7], [sflag:$0x2], $0x800, $0x38;
	[tilespmem:$0x1E980] =	vst v63  }
0x73: {  	s28 =	rddreg [dreg:$0x1d]  }
0x74: {  	[spmem:s26] =	stream.linear.scatter [tilespmem:s7], [sflag:$0x2], $0x800, $0x38;
	[tilespmem:$0x1E980] =	vst v63  }
0x75: {  	s25 =	rddreg [dreg:$0x1e]  }
0x76: {  	[spmem:s28] =	stream.linear.scatter [tilespmem:s7], [sflag:$0x2], $0x800, $0x38;
	[tilespmem:$0x1E980] =	vst v63  }
0x77: {  	s26 =	rddreg [dreg:$0x1f]  }
0x78: {  	[spmem:s25] =	stream.linear.scatter [tilespmem:s7], [sflag:$0x2], $0x800, $0x38;
	[tilespmem:$0x1E980] =	vst v63  }
0x79: {  	s28 =	sld [smem:$0x7F1]  }
0x7a: {  	[spmem:s26] =	stream.linear.scatter [tilespmem:s7], [sflag:$0x2], $0x800, $0x38;
	[tilespmem:$0x1E980] =	vst v63  }
0x7b: {  	s25 =	sld [smem:$0x7F2]  }
0x7c: {  	[spmem:s28] =	stream.linear.scatter [tilespmem:s7], [sflag:$0x2], $0x800, $0x38;
	[tilespmem:$0x1E980] =	vst v63  }
0x7d: {  	s26 =	sld [smem:$0x7F3]  }
0x7e: {  	[spmem:s25] =	stream.linear.scatter [tilespmem:s7], [sflag:$0x2], $0x800, $0x38;
	[tilespmem:$0x1E980] =	vst v63  }
0x7f: {  	s28 =	sld [smem:$0x7F4]  }
0x80: {  	[spmem:s26] =	stream.linear.scatter [tilespmem:s7], [sflag:$0x2], $0x800, $0x38;
	[tilespmem:$0x1E980] =	vst v63  }
0x81: {  	s25 =	sld [smem:$0x7F5]  }
0x82: {  	[spmem:s28] =	stream.linear.scatter [tilespmem:s7], [sflag:$0x2], $0x800, $0x38;
	[tilespmem:$0x1E980] =	vst v63  }
0x83: {  	s26 =	sld [smem:$0x7F6]  }
0x84: {  	[spmem:s25] =	stream.linear.scatter [tilespmem:s7], [sflag:$0x2], $0x800, $0x38;
	[tilespmem:$0x1E980] =	vst v63  }
0x85: {  	s28 =	sld [smem:$0x7F7]  }
0x86: {  	[spmem:s26] =	stream.linear.scatter [tilespmem:s7], [sflag:$0x2], $0x800, $0x38;
	[tilespmem:$0x1E980] =	vst v63  }
0x87: {  	s25 =	sld [smem:$0x7F8]  }
0x88: {  	[spmem:s28] =	stream.linear.scatter [tilespmem:s7], [sflag:$0x2], $0x800, $0x38;
	[tilespmem:$0x1E980] =	vst v63  }
0x89: {  	s26 =	sld [smem:$0x7F9]  }
0x8a: {  	[spmem:s25] =	stream.linear.scatter [tilespmem:s7], [sflag:$0x2], $0x800, $0x38;
	[tilespmem:$0x1E980] =	vst v63  }
0x8b: {  	s28 =	sld [smem:$0x7FA]  }
0x8c: {  	[spmem:s26] =	stream.linear.scatter [tilespmem:s7], [sflag:$0x2], $0x800, $0x38;
	[tilespmem:$0x1E980] =	vst v63  }
0x8d: {  	s25 =	sld [smem:$0x7FB]  }
0x8e: {  	[spmem:s28] =	stream.linear.scatter [tilespmem:s7], [sflag:$0x2], $0x800, $0x38;
	[tilespmem:$0x1E980] =	vst v63  }
0x8f: {  	s26 =	sld [smem:$0x7FC]  }
0x90: {  	[spmem:s25] =	stream.linear.scatter [tilespmem:s7], [sflag:$0x2], $0x800, $0x38;
	[tilespmem:$0x1E980] =	vst v63  }
0x91: {  	s28 =	sld [smem:$0x7FD]  }
0x92: {  	[spmem:s26] =	stream.linear.scatter [tilespmem:s7], [sflag:$0x2], $0x800, $0x38;
	[tilespmem:$0x1E980] =	vst v63  }
0x93: {  	_ = 	snop  }
0x94: {  	[spmem:s28] =	stream.linear.scatter [tilespmem:s7], [sflag:$0x2], $0x800, $0x38;
	[tilespmem:$0x1E980] =	vst v63  }
0x95: {  	_ = 	snop  }
0x96: {  	[spmem:s30] =	stream.linear.scatter [tilespmem:s7], [sflag:$0x2], $0x800, $0x38;
	[tilespmem:$0x1E980] =	vst v63  }
0x97: {  	_ =	swait.ge [sflag:s8], $0x800  }
0x98: {  	s5 =	simm.s32 $0x27;
	[sflag:s8] =	ssyncset.done $0x0  }
.LBB2_4:
0x99: {  	p0 =	sne.s32 s5, $0x1;
	s5 =	sadd.s32 $0xFFFFFFFF, s5;
	[sflag:s8] =	ssyncadd.s32 $0xFFFFF800  }
.Ltmp1:
0x9a: {  	(pc) =	sbr.rel @p0 .LBB2_4-.Ltmp1, $3  }
0x9b: {  	_ =	sdelay $0x1  }
0x9c: {  	_ =	swait.ge [sflag:s8], $0x800  }
0x9d: {  	[sflag:s8] =	ssyncset.done $0x0  }
0x9e: {  	[sflag:s8] =	ssyncadd.s32 $0xFFFFF800  }
0x9f: {  	[bflag:$0x0] =	sbarrier.arrive $0xFFFF  }
0xa0: {  	_ =	swait.ge [sflag:s9], $0x2710  }
0xa1: {  	[sflag:s9] =	ssyncset.done $0x0  }
0xa2: {  	s5 =	simm.s32 $0x0;
	[sflag:s9] =	ssyncadd.s32 $0xFFFFD8F0  }
0xa3: {  	[tilespmem:s10], [sflag:$0x1] =	stream.linear.gather [hbm4b:s0+s5], $0x50, $0x38;
	[tilespmem:$0x1E980] =	vst v63  }
0xa4: {  	_ = 	snop  }
0xa5: {  	[tilespmem:s12], [sflag:$0x2] =	stream.indirect.gather [hbm4b:s4+s11], $0x80, s5, s11, $0xb8;
	[tilespmem:$0x1E980] =	vst v63  }
0xa6: {  	_ = 	snop  }
0xa7: {  	[tilespmem:s13], [sflag:$0x1] =	stream.linear.gather [hbm4b:s31+s5], $0x50, $0x38;
	[tilespmem:$0x1E980] =	vst v63  }
0xa8: {  	_ = 	snop  }
0xa9: {  	[tilespmem:s14], [sflag:$0x2] =	stream.indirect.gather [hbm4b:s4+s11], $0x80, s11, s11, $0xb8;
	[tilespmem:$0x1E980] =	vst v63  }
0xaa: {  	_ = 	snop  }
0xab: {  	[tilespmem:s15], [sflag:$0x1] =	stream.linear.gather [hbm4b:s2+s5], $0x50, $0x38;
	[tilespmem:$0x1E980] =	vst v63  }
0xac: {  	s28 =	simm.s32 $0xA0  }
0xad: {  	[tilespmem:s16], [sflag:$0x2] =	stream.indirect.gather [hbm4b:s4+s11], $0x80, s28, s11, $0xb8;
	[tilespmem:$0x1E980] =	vst v63  }
0xae: {  	_ =	swait.ge [sflag:s9], $0x50  }
0xaf: {  	[sflag:s9] =	ssyncset.done $0x0  }
0xb0: {  	[sflag:s9] =	ssyncadd.s32 $0xFFFFFFB0  }
0xb1: {  	_ =	swait.ge [sflag:s9], $0x50  }
0xb2: {  	[sflag:s9] =	ssyncset.done $0x0  }
0xb3: {  	[sflag:s9] =	ssyncadd.s32 $0xFFFFFFB0  }
0xb4: {  	_ =	swait.ge [sflag:s9], $0x50  }
0xb5: {  	[sflag:s9] =	ssyncset.done $0x0  }
0xb6: {  	[sflag:s9] =	ssyncadd.s32 $0xFFFFFFB0  }
0xb7: {  	_ =	swait.ge [sflag:s8], $0x2800  }
0xb8: {  	[sflag:s8] =	ssyncset.done $0x0  }
0xb9: {  	[sflag:s8] =	ssyncadd.s32 $0xFFFFD800  }
0xba: {  	[spmem:s1] =	stream.indirect.scatter.add.f32 [tilespmem:s12], [sflag:$0x3], $0x80, s10, s11, $0xb8;
	[tilespmem:$0x1E980] =	vst v63  }
0xbb: {  	_ =	swait.ge [sflag:s8], $0x2800  }
0xbc: {  	[sflag:s8] =	ssyncset.done $0x0  }
0xbd: {  	[sflag:s8] =	ssyncadd.s32 $0xFFFFD800  }
0xbe: {  	[spmem:s1] =	stream.indirect.scatter.add.f32 [tilespmem:s14], [sflag:$0x4], $0x80, s13, s11, $0xb8;
	[tilespmem:$0x1E980] =	vst v63  }
0xbf: {  	_ =	swait.ge [sflag:s8], $0x2800  }
0xc0: {  	[sflag:s8] =	ssyncset.done $0x0  }
0xc1: {  	[sflag:s8] =	ssyncadd.s32 $0xFFFFD800  }
0xc2: {  	[spmem:s1] =	stream.indirect.scatter.add.f32 [tilespmem:s16], [sflag:$0x5], $0x80, s15, s11, $0xb8;
	[tilespmem:$0x1E980] =	vst v63  }
0xc3: {  	_ =	swait.ge [sflag:s17], $0x2800  }
0xc4: {  	[sflag:s17] =	ssyncset.done $0x0  }
0xc5: {  	s25 =	sadd.s32 $0x0, s24;
	[sflag:s17] =	ssyncadd.s32 $0xFFFFD800  }
0xc6: {  	[tilespmem:s10], [sflag:$0x1] =	stream.linear.gather [hbm4b:s25+s3], $0x50, $0x38;
	[tilespmem:$0x1E980] =	vst v63  }
0xc7: {  	s26 =	simm.s32 $0xF0  }
0xc8: {  	[tilespmem:s12], [sflag:$0x2] =	stream.indirect.gather [hbm4b:s4+s11], $0x80, s26, s11, $0xb8;
	[tilespmem:$0x1E980] =	vst v63  }
0xc9: {  	_ =	swait.ge [sflag:s18], $0x2800  }
0xca: {  	[sflag:s18] =	ssyncset.done $0x0  }
0xcb: {  	s28 =	sadd.s32 $0x0, s23;
	[sflag:s18] =	ssyncadd.s32 $0xFFFFD800  }
0xcc: {  	[tilespmem:s13], [sflag:$0x1] =	stream.linear.gather [hbm4b:s28+s3], $0x50, $0x38;
	[tilespmem:$0x1E980] =	vst v63  }
0xcd: {  	s25 =	simm.s32 $0x140  }
0xce: {  	[tilespmem:s14], [sflag:$0x2] =	stream.indirect.gather [hbm4b:s4+s11], $0x80, s25, s11, $0xb8;
	[tilespmem:$0x1E980] =	vst v63  }
0xcf: {  	_ =	swait.ge [sflag:s19], $0x2800  }
0xd0: {  	[sflag:s19] =	ssyncset.done $0x0  }
0xd1: {  	s26 =	sadd.s32 $0x0, s22;
	[sflag:s19] =	ssyncadd.s32 $0xFFFFD800  }
0xd2: {  	[tilespmem:s15], [sflag:$0x1] =	stream.linear.gather [hbm4b:s26+s3], $0x50, $0x38;
	[tilespmem:$0x1E980] =	vst v63  }
0xd3: {  	s28 =	simm.s32 $0x190  }
0xd4: {  	[tilespmem:s16], [sflag:$0x2] =	stream.indirect.gather [hbm4b:s4+s11], $0x80, s28, s11, $0xb8;
	[tilespmem:$0x1E980] =	vst v63  }
0xd5: {  	_ =	swait.ge [sflag:s9], $0x50  }
0xd6: {  	[sflag:s9] =	ssyncset.done $0x0  }
0xd7: {  	[sflag:s9] =	ssyncadd.s32 $0xFFFFFFB0  }
0xd8: {  	_ =	swait.ge [sflag:s9], $0x50  }
0xd9: {  	[sflag:s9] =	ssyncset.done $0x0  }
0xda: {  	[sflag:s9] =	ssyncadd.s32 $0xFFFFFFB0  }
0xdb: {  	_ =	swait.ge [sflag:s9], $0x50  }
0xdc: {  	[sflag:s9] =	ssyncset.done $0x0  }
0xdd: {  	[sflag:s9] =	ssyncadd.s32 $0xFFFFFFB0  }
0xde: {  	_ =	swait.ge [sflag:s8], $0x2800  }
0xdf: {  	[sflag:s8] =	ssyncset.done $0x0  }
0xe0: {  	[sflag:s8] =	ssyncadd.s32 $0xFFFFD800  }
0xe1: {  	[spmem:s1] =	stream.indirect.scatter.add.f32 [tilespmem:s12], [sflag:$0x3], $0x80, s10, s11, $0xb8;
	[tilespmem:$0x1E980] =	vst v63  }
0xe2: {  	_ =	swait.ge [sflag:s8], $0x2800  }
0xe3: {  	[sflag:s8] =	ssyncset.done $0x0  }
0xe4: {  	[sflag:s8] =	ssyncadd.s32 $0xFFFFD800  }
0xe5: {  	[spmem:s1] =	stream.indirect.scatter.add.f32 [tilespmem:s14], [sflag:$0x4], $0x80, s13, s11, $0xb8;
	[tilespmem:$0x1E980] =	vst v63  }
0xe6: {  	_ =	swait.ge [sflag:s8], $0x2800  }
0xe7: {  	[sflag:s8] =	ssyncset.done $0x0  }
0xe8: {  	s5 =	simm.s32 $0x1E;
	s25 =	simm.s32 $0x280;
	[sflag:s8] =	ssyncadd.s32 $0xFFFFD800  }
.LBB2_6:
0xe9: {  	[spmem:s1] =	stream.indirect.scatter.add.f32 [tilespmem:s16], [sflag:$0x5], $0x80, s15, s11, $0xb8;
	[tilespmem:$0x1E980] =	vst v63  }
0xea: {  	s26 =	smov.u32 s5  }
0xeb: {  	p0 =	sne.s32 s5, $0x492;
	s5 =	sadd.s32 $0x1E, s5;
	_ =	swait.ge [sflag:s17], $0x2800  }
0xec: {  	[sflag:s17] =	ssyncset.done $0x0  }
0xed: {  	s28 =	sadd.s32 s26, s24;
	[sflag:s17] =	ssyncadd.s32 $0xFFFFD800  }
0xee: {  	[tilespmem:s10], [sflag:$0x1] =	stream.linear.gather [hbm4b:s28+s3], $0x50, $0x38;
	[tilespmem:$0x1E980] =	vst v63  }
0xef: {  	s28 =	sadd.s32 $0xFFFFFF60, s25  }
0xf0: {  	[tilespmem:s12], [sflag:$0x2] =	stream.indirect.gather [hbm4b:s4+s11], $0x80, s28, s11, $0xb8;
	[tilespmem:$0x1E980] =	vst v63  }
0xf1: {  	_ =	swait.ge [sflag:s18], $0x2800  }
0xf2: {  	[sflag:s18] =	ssyncset.done $0x0  }
0xf3: {  	s28 =	sadd.s32 s26, s23;
	[sflag:s18] =	ssyncadd.s32 $0xFFFFD800  }
0xf4: {  	[tilespmem:s13], [sflag:$0x1] =	stream.linear.gather [hbm4b:s28+s3], $0x50, $0x38;
	[tilespmem:$0x1E980] =	vst v63  }
0xf5: {  	s28 =	sadd.s32 $0xFFFFFFB0, s25  }
0xf6: {  	[tilespmem:s14], [sflag:$0x2] =	stream.indirect.gather [hbm4b:s4+s11], $0x80, s28, s11, $0xb8;
	[tilespmem:$0x1E980] =	vst v63  }
0xf7: {  	_ =	swait.ge [sflag:s19], $0x2800  }
0xf8: {  	[sflag:s19] =	ssyncset.done $0x0  }
0xf9: {  	s26 =	sadd.s32 s26, s22;
	[sflag:s19] =	ssyncadd.s32 $0xFFFFD800  }
0xfa: {  	[tilespmem:s15], [sflag:$0x1] =	stream.linear.gather [hbm4b:s26+s3], $0x50, $0x38;
	[tilespmem:$0x1E980] =	vst v63  }
0xfb: {  	_ = 	snop  }
0xfc: {  	[tilespmem:s16], [sflag:$0x2] =	stream.indirect.gather [hbm4b:s4+s11], $0x80, s25, s11, $0xb8;
	[tilespmem:$0x1E980] =	vst v63  }
0xfd: {  	_ =	swait.ge [sflag:s9], $0x50  }
0xfe: {  	[sflag:s9] =	ssyncset.done $0x0  }
0xff: {  	[sflag:s9] =	ssyncadd.s32 $0xFFFFFFB0  }
0x100: {  	_ =	swait.ge [sflag:s9], $0x50  }
0x101: {  	[sflag:s9] =	ssyncset.done $0x0  }
0x102: {  	[sflag:s9] =	ssyncadd.s32 $0xFFFFFFB0  }
0x103: {  	_ =	swait.ge [sflag:s9], $0x50  }
0x104: {  	[sflag:s9] =	ssyncset.done $0x0  }
0x105: {  	[sflag:s9] =	ssyncadd.s32 $0xFFFFFFB0  }
0x106: {  	_ =	swait.ge [sflag:s8], $0x2800  }
0x107: {  	[sflag:s8] =	ssyncset.done $0x0  }
0x108: {  	[sflag:s8] =	ssyncadd.s32 $0xFFFFD800  }
0x109: {  	[spmem:s1] =	stream.indirect.scatter.add.f32 [tilespmem:s12], [sflag:$0x3], $0x80, s10, s11, $0xb8;
	[tilespmem:$0x1E980] =	vst v63  }
0x10a: {  	_ =	swait.ge [sflag:s8], $0x2800  }
0x10b: {  	[sflag:s8] =	ssyncset.done $0x0  }
.Ltmp2:
0x10c: {  	[sflag:s8] =	ssyncadd.s32 $0xFFFFD800;
	(pc) =	sbr.rel @p0 .LBB2_6-.Ltmp2, $4  }
0x10d: {  	[spmem:s1] =	stream.indirect.scatter.add.f32 [tilespmem:s14], [sflag:$0x4], $0x80, s13, s11, $0xb8;
	[tilespmem:$0x1E980] =	vst v63  }
0x10e: {  	_ =	swait.ge [sflag:s8], $0x2800  }
0x10f: {  	[sflag:s8] =	ssyncset.done $0x0  }
0x110: {  	s25 =	sadd.s32 $0xF0, s25;
	[sflag:s8] =	ssyncadd.s32 $0xFFFFD800  }
0x111: {  	[spmem:s1] =	stream.indirect.scatter.add.f32 [tilespmem:s16], [sflag:$0x5], $0x80, s15, s11, $0xb8;
	[tilespmem:$0x1E980] =	vst v63  }
0x112: {  	_ =	swait.ge [sflag:s17], $0x2800  }
0x113: {  	[sflag:s17] =	ssyncset.done $0x0  }
0x114: {  	s5 =	rddreg [dreg:$0x3];
	[sflag:s17] =	ssyncadd.s32 $0xFFFFD800  }
0x115: {  	[tilespmem:s10], [sflag:$0x1] =	stream.linear.gather [hbm4b:s5+s3], $0x50, $0x38;
	[tilespmem:$0x1E980] =	vst v63  }
0x116: {  	s26 =	simm.s32 $0x2670  }
0x117: {  	[tilespmem:s12], [sflag:$0x2] =	stream.indirect.gather [hbm4b:s4+s11], $0x80, s26, s11, $0xb8;
	[tilespmem:$0x1E980] =	vst v63  }
0x118: {  	_ =	swait.ge [sflag:s18], $0x2800  }
0x119: {  	[sflag:s18] =	ssyncset.done $0x0  }
0x11a: {  	s28 =	rddreg [dreg:$0x4];
	[sflag:s18] =	ssyncadd.s32 $0xFFFFD800  }
0x11b: {  	[tilespmem:s13], [sflag:$0x1] =	stream.linear.gather [hbm4b:s28+s3], $0x50, $0x38;
	[tilespmem:$0x1E980] =	vst v63  }
0x11c: {  	s25 =	simm.s32 $0x26C0  }
0x11d: {  	[tilespmem:s14], [sflag:$0x2] =	stream.indirect.gather [hbm4b:s4+s11], $0x80, s25, s11, $0xb8;
	[tilespmem:$0x1E980] =	vst v63  }
0x11e: {  	_ =	swait.ge [sflag:s9], $0x50  }
0x11f: {  	[sflag:s9] =	ssyncset.done $0x0  }
0x120: {  	[sflag:s9] =	ssyncadd.s32 $0xFFFFFFB0  }
0x121: {  	_ =	swait.ge [sflag:s9], $0x50  }
0x122: {  	[sflag:s9] =	ssyncset.done $0x0  }
0x123: {  	[sflag:s9] =	ssyncadd.s32 $0xFFFFFFB0  }
0x124: {  	_ =	swait.ge [sflag:s8], $0x2800  }
0x125: {  	[sflag:s8] =	ssyncset.done $0x0  }
0x126: {  	[sflag:s8] =	ssyncadd.s32 $0xFFFFD800  }
0x127: {  	[spmem:s1] =	stream.indirect.scatter.add.f32 [tilespmem:s12], [sflag:$0x3], $0x80, s10, s11, $0xb8;
	[tilespmem:$0x1E980] =	vst v63  }
0x128: {  	_ =	swait.ge [sflag:s8], $0x2800  }
0x129: {  	[sflag:s8] =	ssyncset.done $0x0  }
0x12a: {  	[sflag:s8] =	ssyncadd.s32 $0xFFFFD800  }
0x12b: {  	[spmem:s1] =	stream.indirect.scatter.add.f32 [tilespmem:s14], [sflag:$0x4], $0x80, s13, s11, $0xb8;
	[tilespmem:$0x1E980] =	vst v63  }
0x12c: {  	_ =	swait.ge [sflag:s17], $0x2800  }
0x12d: {  	[sflag:s17] =	ssyncset.done $0x0  }
0x12e: {  	[sflag:s17] =	ssyncadd.s32 $0xFFFFD800  }
0x12f: {  	_ =	swait.ge [sflag:s18], $0x2800  }
0x130: {  	[sflag:s18] =	ssyncset.done $0x0  }
0x131: {  	[sflag:s18] =	ssyncadd.s32 $0xFFFFD800  }
0x132: {  	_ =	swait.ge [sflag:s19], $0x2800  }
0x133: {  	[sflag:s19] =	ssyncset.done $0x0  }
0x134: {  	s26 =	stileid.u32;
	[sflag:s19] =	ssyncadd.s32 $0xFFFFD800  }
0x135: {  	s5 =	sshll.u32 s26, $0x6;
	[bflag:$0x0] =	sbarrier.arrive $0xFFFF  }
0x136: {  	s5 =	sor.u32 $0x1C06, s5;
	s25 =	sshrl.u32 s6, $0x3;
	s26 =	rddreg [dreg:$0x5]  }
0x137: {  	[hbm:s26], [sflag:s5] =	dma.local [spmem:s25], $0x2800  }
0x138: {  	_ =	swait.ge [sflag:s20], $0x2800  }
0x139: {  	s21 =	sadd.s32 $0x1, s21;
	s28 =	rddreg [dreg:$0x6]  }
0x13a: {  	p0 =	sne.s32 s21, s28  }
.Ltmp3:
0x13b: {  	_ = 	snop;
	(pc) =	sbr.rel @p0 .LBB2_1-.Ltmp3, $3  }
0x13c: {  	_ =	sdelay $0x1  }
0x13d: {  	[sflag:s20] =	ssyncset.done $0x0  }
0x13e: {  	[sflag:s20] =	ssyncadd.s32 $0xFFFFD800  }
0x13f: {  	_ =	sfence.sel $0x180000  }
0x140: {  	[bflag:$0x0] =	sbarrier.arrive $0xFFFF  }
0x141: {  	_ =	strace $0x9000004D  }
0x142: {  	s0 =	stileid.u32;
	[bflag:$0x2] =	sbarrier.arrive $0xFFFF  }
0x143: {  	p0 =	sne.s32 s0, $0x0;
	s0 =	rddreg [dreg:$0x2]  }
0x144: {  	s0 =	sadd.s32 @!p0 $0x100000, s0  }
0x145: {  	[sflag:s0] =	ssyncadd.tile.s32 @!p0 $0x1;
	_ =	shalt  }
.Lfunc_end2:
_tile_overlayer_lowered:
.L_overlay_start_2:
0x146: {  	(tag) =	ssettag $0x2  }
0x147: {  	s0 =	rddreg [dreg:$0x0];
	s2 =	stileid.u32  }
0x148: {  	s1 =	rddreg [dreg:$0x1];
	p0 =	sne.s32 s2, $0x0  }
0x149: {  	s3 =	rddreg [dreg:$0x2];
	[bflag:$0x3] =	sbarrier.arrive $0xFFFF;
	s2 =	simm.s32 @!p0 $0x1C06  }
0x14a: {  	[timem:s3], [sflag:s2] =	dma.local @!p0 [hbm:s0], s1  }
0x14b: {  	s0 =	simm.s32 @!p0 $0x6  }
0x14c: {  	_ =	swait.ge @!p0 [sflag:s0], s1  }
0x14d: {  	s1 =	ssub.s32 @!p0 $0x0, s1;
	[sflag:s0] =	ssyncset.done @!p0 $0x0  }
0x14e: {  	[sflag:s0] =	ssyncadd.s32 @!p0 s1  }
0x14f: {  	[bflag:$0x3] =	sbarrier.arrive $0xFFFF  }
0x150: {  	_ =	shalt  }

// kernel: kernel.19.cloned.1.call-start
scs
__scs_entry_jumppad:
0x0: {  	(pc) =	sbr.rel $0x88, $3  }
0x1: {  	(tag) =	ssettag $0x0;
	lr =	simm.s32 $0x1  }
0x2: {  	[smem:$0x3F93] =	sst lr;
	_ =	strace $0xD0000000  }
0x3: {  	_ = 	snop  }
0x4: {  	_ = 	snop  }
0x5: {  	_ = 	snop  }
0x6: {  	_ = 	snop  }
0x7: {  	_ = 	snop  }
__scs_overlays_trampoline_lowered:
0x8: {  	[smem:$0x3FA2] =	sst s0  }
0x9: {  	[smem:$0x3FA3] =	sst s1  }
0xa: {  	[smem:$0x3FA4] =	sst s2  }
0xb: {  	[smem:$0x3FA5] =	sst s3  }
0xc: {  	[smem:$0x3FA6] =	sst s4  }
0xd: {  	[smem:$0x3FA7] =	sst s5  }
0xe: {  	[smem:$0x3FA8] =	sst s6  }
0xf: {  	[smem:$0x3FA9] =	sst s7  }
0x10: {  	[smem:$0x3FAA] =	sst s8  }
0x11: {  	[smem:$0x3FAB] =	sst s9;
	s0 =	simm.s32 @!p0 $0x0  }
0x12: {  	s1 =	sld [smem:$0x3F91];
	s0 =	simm.s32 @p0 $0x1  }
0x13: {  	[smem:$0x3FAC] =	sst s0;
	s0 =	simm.s32 @!p1 $0x0  }
0x14: {  	s2 =	sld [smem:$0x3F90];
	s0 =	simm.s32 @p1 $0x1  }
0x15: {  	[smem:$0x3FAD] =	sst s0;
	s0 =	simm.s32 @!p2 $0x0  }
0x16: {  	s3 =	sld [smem:$0x3FDB];
	s0 =	simm.s32 @p2 $0x1  }
0x17: {  	s4 =	simm.s32 $0x1BF5;
	[smem:$0x3FAF] =	sst s0  }
0x18: {  	s0 =	sld [smem:$0x3F92];
	_ =	swait.ge [sflag:s4], $0x0  }
0x19: {  	s7 =	sld [smem:$0x3F93]  }
0x1a: {  	s8 =	sadd.s32 $0xFFFFE003, lr  }
0x1b: {  	s9 =	sadd.s32 $0xFFFFFEF7, lr;
	s5 =	simm.s32 $0xFFFFFFFF;
	p2 =	slt.u32 s8, $0xFFFFF086  }
0x1c: {  	p1 =	slt.u32 s9, $0xF7A;
	s5 =	simm.s32 @!p2 $0x0  }
0x1d: {  	s5 =	simm.s32 @p1 $0x1;
	p0 =	seq.s32 s7, s2  }
0x1e: {  	s7 =	smul.u32 @!p0 $0xF7A, s2;
	p2 =	seq.s32 @!p0 s5, $0x0  }
0x1f: {  	s9 =	smul.u32 $0xF7A, s1;
	s8 =	simm.s32 @!p0 $0x1BF5;
	p2 =	por !p2, p0  }
0x20: {  	[sflag:s8] =	ssyncset.s32 @!p0 $0xFFFFF086;
	s6 =	sadd.s32 @!p0 s3, s7;
	s7 =	simm.s32 @!p0 $0x108  }
0x21: {  	s3 =	sadd.s32 s3, s9;
	s6 =	sadd.s32 @!p0 $0x88, s6;
	s7 =	simm.s32 @p2 $0x1082  }
0x22: {  	[simem:s7], [sflag:s8] =	dma.local @!p0 [hbm:s6], $0xF7A  }
0x23: {  	s9 =	sor.u32 $0xD0000000, s2;
	s6 =	simm.s32 $0x108;
	_ =	swait.ge @!p0 [sflag:s8], $0x0  }
0x24: {  	s3 =	sadd.s32 $0x88, s3;
	s6 =	simm.s32 @!p1 $0x1082;
	[sflag:s4] =	ssyncset.s32 $0xFFFFF086  }
0x25: {  	[simem:s6], [sflag:s4] =	dma.local [hbm:s3], $0xF7A  }
0x26: {  	[smem:$0x3F93] =	sst s1;
	(tag) =	ssettag s2;
	_ =	strace s9  }
0x27: {  	s1 =	sld [smem:$0x3FA3]  }
0x28: {  	s2 =	sld [smem:$0x3FA4]  }
0x29: {  	s4 =	sld [smem:$0x3FA6]  }
0x2a: {  	p0 =	seq.s32 s5, $0x0;
	s5 =	sld [smem:$0x3FA7]  }
0x2b: {  	s6 =	sld [smem:$0x3FA8]  }
0x2c: {  	s7 =	sld [smem:$0x3FA9]  }
0x2d: {  	s3 =	simm.s32 $0x108;
	s8 =	sld [smem:$0x3FAA]  }
0x2e: {  	s3 =	simm.s32 @!p0 $0x1082;
	s9 =	sld [smem:$0x3FAB]  }
0x2f: {  	lr =	sadd.s32 s0, s3;
	s0 =	sld [smem:$0x3FA2]  }
0x30: {  	s3 =	sld [smem:$0x3FA5]  }
0x31: {  	[smem:$0x3FAE] =	sst s10  }
0x32: {  	s10 =	sld [smem:$0x3FAC];
	_ =	sdelay $0x3  }
0x33: {  	p0 =	seq.s32 s10, $0x1;
	s10 =	sld [smem:$0x3FAE];
	_ =	sdelay $0x3  }
0x34: {  	[smem:$0x3FAE] =	sst s10  }
0x35: {  	s10 =	sld [smem:$0x3FAD];
	_ =	sdelay $0x3  }
0x36: {  	p1 =	seq.s32 s10, $0x1;
	s10 =	sld [smem:$0x3FAE];
	_ =	sdelay $0x3  }
0x37: {  	[smem:$0x3FAE] =	sst s10  }
0x38: {  	s10 =	sld [smem:$0x3FAF]  }
0x39: {  	_ = 	snop;
	(pc) =	sbr.ind lr, $3  }
0x3a: {  	_ = 	snop  }
0x3b: {  	_ = 	snop  }
0x3c: {  	p2 =	seq.s32 s10, $0x1;
	s10 =	sld [smem:$0x3FAE]  }
0x3d: {  	_ =	shalt  }
0x3e: {  	_ =	shalt  }
0x3f: {  	_ =	shalt  }
0x40: {  	_ =	shalt  }
0x41: {  	_ =	shalt  }
0x42: {  	_ =	shalt  }
0x43: {  	_ =	shalt  }
0x44: {  	_ =	shalt  }
0x45: {  	_ =	shalt  }
0x46: {  	_ =	shalt  }
0x47: {  	_ =	shalt  }
0x48: {  	_ =	shalt  }
0x49: {  	_ =	shalt  }
0x4a: {  	_ =	shalt  }
0x4b: {  	_ =	shalt  }
0x4c: {  	_ =	shalt  }
0x4d: {  	_ =	shalt  }
0x4e: {  	_ =	shalt  }
0x4f: {  	_ =	shalt  }
0x50: {  	_ =	shalt  }
0x51: {  	_ =	shalt  }
0x52: {  	_ =	shalt  }
0x53: {  	_ =	shalt  }
0x54: {  	_ =	shalt  }
0x55: {  	_ =	shalt  }
0x56: {  	_ =	shalt  }
0x57: {  	_ =	shalt  }
0x58: {  	_ =	shalt  }
0x59: {  	_ =	shalt  }
0x5a: {  	_ =	shalt  }
0x5b: {  	_ =	shalt  }
0x5c: {  	_ =	shalt  }
0x5d: {  	_ =	shalt  }
0x5e: {  	_ =	shalt  }
0x5f: {  	_ =	shalt  }
0x60: {  	_ =	shalt  }
0x61: {  	_ =	shalt  }
0x62: {  	_ =	shalt  }
0x63: {  	_ =	shalt  }
0x64: {  	_ =	shalt  }
0x65: {  	_ =	shalt  }
0x66: {  	_ =	shalt  }
0x67: {  	_ =	shalt  }
0x68: {  	_ =	shalt  }
0x69: {  	_ =	shalt  }
0x6a: {  	_ =	shalt  }
0x6b: {  	_ =	shalt  }
0x6c: {  	_ =	shalt  }
0x6d: {  	_ =	shalt  }
0x6e: {  	_ =	shalt  }
0x6f: {  	_ =	shalt  }
0x70: {  	_ =	shalt  }
0x71: {  	_ =	shalt  }
0x72: {  	_ =	shalt  }
0x73: {  	_ =	shalt  }
0x74: {  	_ =	shalt  }
0x75: {  	_ =	shalt  }
0x76: {  	_ =	shalt  }
0x77: {  	_ =	shalt  }
0x78: {  	_ =	shalt  }
0x79: {  	_ =	shalt  }
0x7a: {  	_ =	shalt  }
0x7b: {  	_ =	shalt  }
0x7c: {  	_ =	shalt  }
0x7d: {  	_ =	shalt  }
0x7e: {  	_ =	shalt  }
0x7f: {  	_ =	shalt  }
0x80: {  	_ =	shalt  }
0x81: {  	_ =	shalt  }
0x82: {  	_ =	shalt  }
0x83: {  	_ =	shalt  }
0x84: {  	_ =	shalt  }
0x85: {  	_ =	shalt  }
0x86: {  	_ =	shalt  }
0x87: {  	_ =	shalt  }
.Lfunc_end0:
.L_simem_size_0:
called_computation.3_lowered:
.L_overlay_start_0:
0x88: {  	s2 =	sld [smem:$0x3FD9]  }
0x89: {  	s3 =	sld [smem:$0x3FFE];
	_ =	sdelay $0x1  }
0x8a: {  	s1 =	srdreg.scid  }
0x8b: {  	s0 =	sand.u32 $0x1, s1  }
0x8c: {  	s16 =	sshll.u32 s0, $0xA;
	s2 =	sadd.s32 s3, s2  }
0x8d: {  	s2 =	sadd.s32 s2, s16  }
0x8e: {  	[smem:$0x3FBA] =	sst s2  }
0x8f: {  	_ = 	snop  }
0x90: {  	(tm) =	ssettm $0x1  }
0x91: {  	s17 =	sld [smem:$0x3FFB];
	_ =	sdelay $0x3  }
0x92: {  	_ =	strace s17  }
0x93: {  	s2 =	sld [smem:$0x3FFC];
	_ =	sdelay $0x3  }
0x94: {  	_ =	strace s2  }
0x95: {  	s2 =	sld [smem:$0x3FFD];
	_ =	sdelay $0x3  }
0x96: {  	_ =	strace s2  }
0x97: {  	_ =	strace $0x8FFFFFFF  }
0x98: {  	s18 =	sld [smem:$0x3FDB];
	_ =	sdelay $0x1  }
0x99: {  	s19 =	simm.s32 $_scs_section_size  }
0x9a: {  	s4 =	simm.s32 $_size__tile_overlayer_lowered;
	s5 =	simm.s32 $_tile_overlayer_lowered  }
0x9b: {  	s22 =	simm.s32 $0x1BFF;
	s21 =	sshll.u32 s5, $0x1;
	s2 =	sadd.s32 s19, s18  }
0x9c: {  	s6 =	simm.s32 $0x0;
	s20 =	sshll.u32 s4, $0x1;
	s4 =	sadd.s32 s21, s2  }
0x9d: {  	[timem:s6], [sflag:s22] =	dma.local [hbm:s4], s20  }
0x9e: {  	_ =	swait.ge [sflag:s22], s20  }
0x9f: {  	s3 =	ssub.s32 $0x0, s20;
	[sflag:s22] =	ssyncset.done $0x0  }
0xa0: {  	[sflag:s22] =	ssyncadd.s32 s3;
	_ =	sdelay $0x1  }
0xa1: {  	s23 =	simm.s32 $0x1B8B  }
0xa2: {  	_ =	swait.ge [sflag:s23], $0x1  }
0xa3: {  	[sflag:s23] =	ssyncset.done $0x0  }
0xa4: {  	s25 =	simm.s32 $0x1B8E;
	s24 =	sld [smem:$0x3FFE];
	[sflag:s23] =	ssyncadd.s32 $0xFFFFFFFF  }
0xa5: {  	s26 =	simm.s32 $execute0_lowered;
	[smem:$0x3FD2] =	sst s25  }
0xa6: {  	s4 =	sshll.u32 s26, $0x1;
	_ =	strace $0x8000004F;
	[dreg:$0x1] =	wrdreg $0xFFFFFFFF  }
0xa7: {  	s28 =	simm.s32 $_size_execute0_lowered;
	s2 =	sadd.s32 s2, s4;
	[dreg:$0x0] =	wrdreg $0x0  }
0xa8: {  	s4 =	sshll.u32 s28, $0x1;
	[dreg:$0x2] =	wrdreg s2  }
0xa9: {  	[dreg:$0x3] =	wrdreg s4  }
0xaa: {  	[dreg:$0x4] =	wrdreg $0xC0  }
0xab: {  	_ =	task [dreg:s6], $0x5FFFF  }
0xac: {  	[dreg:$0x1] =	wrdreg $0xFFFFFFFF  }
0xad: {  	[dreg:$0x0] =	wrdreg $0x60  }
0xae: {  	[dreg:$0x2] =	wrdreg s24  }
0xaf: {  	[dreg:$0x3] =	wrdreg $0xA9800  }
0xb0: {  	[dreg:$0x4] =	wrdreg $0x9  }
0xb1: {  	_ =	task.clear_ibuf [dreg:s6], $0x5FFFF;
	_ =	strace $0x9000004F  }
0xb2: {  	s29 =	simm.s32 $0x9;
	_ =	strace $0x80000051  }
0xb3: {  	_ =	swait.ge [sflag:s29], $0x1  }
0xb4: {  	[sflag:s29] =	ssyncadd.s32 $0xFFFFFFFF  }
0xb5: {  	_ =	strace $0x90000051  }
0xb6: {  	_ =	sfence  }
0xb7: {  	s30 =	sld [smem:$0x0];
	_ =	sdelay $0x2  }
0xb8: {  	s31 =	sshll.u32 s1, $0xD;
	s1 =	sshrl.u32 s1, $0x2  }
0xb9: {  	s3 =	sand.u32 $0x4000, s31;
	s1 =	sadd.s32 s1, s30  }
0xba: {  	s0 =	sor.u32 s3, s0;
	s1 =	sshll.u32 s1, $0x11  }
0xbb: {  	s0 =	sor.u32 s1, s0  }
0xbc: {  	s0 =	sadd.s32 $0x8F2B, s0  }
0xbd: {  	[sflag:s0] =	ssyncadd.remote.s32 $0x1  }
0xbe: {  	_ =	sfence.sel $0xFFFF  }
0xbf: {  	[dreg:$0x0] =	wrdreg $0xFFFFFFFF;
	(pc) =	sbr.abs _section_cstart, $3  }
0xc0: {  	[dreg:$0x1] =	wrdreg $0xFFFFFFFF  }
0xc1: {  	_ =	task.clear_ibuf [dreg:s6], $0x2FFFF;
	_ =	strace $0x9FFFFFFF  }
0xc2: {  	(tm) =	ssettm $0x7FFFFFFF  }
0xc3: {  	_ =	shalt  }
tec
execute0_lowered:
.L_overlay_start_1:
0x0: {  	(tag) =	ssettag $0x1  }
0x1: {  	s0 =	rddreg [dreg:$0x0]  }
0x2: {  	s1 =	rddreg [dreg:$0x1]  }
0x3: {  	s2 =	srdreg.scid;
	s10 =	stileid.u32  }
0x4: {  	s3 =	simm.s32 $0x0;
	s2 =	sand.u32 $0x1, s2;
	s6 =	smul.u32 $0x14000, s10  }
0x5: {  	[smem:$0x7FF] =	sst s3;
	s5 =	smul.u32 $0x140000, s2  }
0x6: {  	s8 =	smul.u32 $0x50000, s10;
	s4 =	sshll.u32 s2, $0x4;
	_ =	strace $0x80000050  }
0x7: {  	s15 =	ssub.s32 $0x2, s2;
	s7 =	sor.u32 s10, s4;
	s5 =	sadd.s32 s6, s5  }
0x8: {  	s4 =	sadd.s32 $0x17200, s0;
	s14 =	smul.u32 $0x2710, s7;
	s5 =	sshrl.u32 s5, $0x3  }
0x9: {  	s9 =	sshrl.u32 s15, $0x1;
	s7 =	sadd.s32 $0x3800, s0;
	s0 =	sadd.s32 s5, s0  }
0xa: {  	s6 =	sshrl.u32 s14, $0x3;
	s5 =	ssub.s32 s15, s9;
	s0 =	sadd.s32 $0x3F200, s0  }
0xb: {  	s11 =	sadd.s32 s7, s6;
	s19 =	smax.u32 s5, $0x1;
	[dreg:$0x5] =	wrdreg s0  }
0xc: {  	s16 =	sshrl.u32 s8, $0x2;
	s17 =	sadd.s32 $0xA10E, s11;
	[dreg:$0x6] =	wrdreg s19  }
0xd: {  	s6 =	sadd.s32 s16, s1;
	s18 =	sadd.s32 $0xA118, s11;
	[dreg:$0x3] =	wrdreg s17  }
0xe: {  	s20 =	sadd.s32 $0x800, s6;
	[dreg:$0x4] =	wrdreg s18  }
0xf: {  	s21 =	sadd.s32 $0x1000, s6;
	[dreg:$0x7] =	wrdreg s20  }
0x10: {  	s23 =	sadd.s32 $0x1800, s6;
	[dreg:$0x8] =	wrdreg s21  }
0x11: {  	s24 =	sadd.s32 $0x2000, s6;
	[dreg:$0x9] =	wrdreg s23  }
0x12: {  	s26 =	sadd.s32 $0x2800, s6;
	[dreg:$0xa] =	wrdreg s24  }
0x13: {  	s28 =	sadd.s32 $0x3000, s6;
	[dreg:$0xb] =	wrdreg s26  }
0x14: {  	s8 =	sadd.s32 $0x3800, s6;
	[dreg:$0xc] =	wrdreg s28  }
0x15: {  	s9 =	sadd.s32 $0x4000, s6;
	[dreg:$0xd] =	wrdreg s8  }
0x16: {  	s25 =	smul.u32 $0x2710, s10;
	s10 =	sadd.s32 $0x4800, s6;
	[dreg:$0xe] =	wrdreg s9  }
0x17: {  	s12 =	sadd.s32 $0x5000, s6;
	[dreg:$0xf] =	wrdreg s10  }
0x18: {  	s22 =	smul.u32 $0x27100, s2;
	s13 =	sadd.s32 $0x5800, s6;
	[dreg:$0x10] =	wrdreg s12  }
0x19: {  	s19 =	sadd.s32 $0x7000, s6;
	[dreg:$0x11] =	wrdreg s13  }
0x1a: {  	s0 =	sadd.s32 s25, s22;
	s25 =	sadd.s32 $0x8800, s6;
	[dreg:$0x14] =	wrdreg s19  }
0x1b: {  	s5 =	sadd.s32 $0xA800, s6;
	[dreg:$0x17] =	wrdreg s25  }
0x1c: {  	s30 =	sadd.s32 $0x13800, s6;
	s17 =	sadd.s32 $0x6000, s6;
	[dreg:$0x1b] =	wrdreg s5  }
0x1d: {  	s31 =	sadd.s32 $0x9C4A, s11;
	s18 =	sadd.s32 $0x6800, s6;
	[dreg:$0x12] =	wrdreg s17  }
0x1e: {  	s29 =	smov.u32 s11;
	s20 =	sadd.s32 $0x7800, s6;
	[dreg:$0x13] =	wrdreg s18  }
0x1f: {  	s14 =	sadd.s32 $0x4E390, s0;
	s21 =	sadd.s32 $0x8000, s6;
	[dreg:$0x15] =	wrdreg s20  }
0x20: {  	s15 =	sadd.s32 $0x4E340, s0;
	s26 =	sadd.s32 $0x9000, s6;
	[dreg:$0x16] =	wrdreg s21  }
0x21: {  	s0 =	sadd.s32 $0x4E2F0, s0;
	s28 =	sadd.s32 $0x9800, s6;
	[dreg:$0x18] =	wrdreg s26  }
0x22: {  	s8 =	sadd.s32 $0xB800, s6;
	s9 =	sadd.s32 $0xC000, s6;
	[dreg:$0x19] =	wrdreg s28  }
0x23: {  	s10 =	sadd.s32 $0xC800, s6;
	s12 =	sadd.s32 $0xD000, s6;
	[dreg:$0x1d] =	wrdreg s8  }
0x24: {  	s13 =	sadd.s32 $0xD800, s6;
	s19 =	sadd.s32 $0x10800, s6;
	[dreg:$0x1e] =	wrdreg s9  }
0x25: {  	s25 =	sadd.s32 $0x12000, s6;
	s2 =	sshrl.u32 s14, $0x3;
	[dreg:$0x1f] =	wrdreg s10  }
0x26: {  	s16 =	sshrl.u32 s15, $0x3;
	s0 =	sshrl.u32 s0, $0x3;
	[smem:$0x7F1] =	sst s12  }
0x27: {  	[smem:$0x7F2] =	sst s13;
	s14 =	sadd.s32 $0xE000, s6;
	s15 =	sadd.s32 $0xE800, s6  }
0x28: {  	s17 =	sadd.s32 $0xF800, s6;
	s18 =	sadd.s32 $0x10000, s6;
	[smem:$0x7F8] =	sst s19  }
0x29: {  	s20 =	sadd.s32 $0x11000, s6;
	s21 =	sadd.s32 $0x11800, s6;
	[smem:$0x7FB] =	sst s25  }
0x2a: {  	s26 =	sadd.s32 $0x12800, s6;
	s28 =	sadd.s32 $0x13000, s6;
	[smem:$0x7F3] =	sst s14  }
0x2b: {  	s8 =	simm.s32 $0x2;
	s9 =	simm.s32 $0x1;
	[smem:$0x7F4] =	sst s15  }
0x2c: {  	s10 =	simm.s32 $0x2780;
	s12 =	simm.s32 $0x2980;
	[smem:$0x7F6] =	sst s17  }
0x2d: {  	s13 =	simm.s32 $0x2800;
	s19 =	simm.s32 $0x5;
	[smem:$0x7F7] =	sst s18  }
0x2e: {  	s22 =	sadd.s32 s2, s7;
	s23 =	sadd.s32 s16, s7;
	[smem:$0x7F9] =	sst s20  }
0x2f: {  	s24 =	sadd.s32 s0, s7;
	s2 =	sadd.s32 $0xA000, s6;
	[smem:$0x7FA] =	sst s21  }
0x30: {  	s7 =	sadd.s32 $0xB000, s6;
	s16 =	sadd.s32 $0xF000, s6;
	[smem:$0x7FC] =	sst s26  }
0x31: {  	[smem:$0x7FD] =	sst s28;
	s0 =	sadd.s32 $0x9C40, s11;
	s14 =	simm.s32 $0x5180  }
0x32: {  	s15 =	simm.s32 $0x2880;
	s17 =	simm.s32 $0x3;
	[dreg:$0x1a] =	wrdreg s2  }
0x33: {  	s18 =	simm.s32 $0x4;
	s20 =	simm.s32 $0x6;
	[dreg:$0x1c] =	wrdreg s7  }
0x34: {  	s21 =	simm.s32 $0x0;
	[smem:$0x7F5] =	sst s16;
	s2 =	sadd.s32 $0x9C54, s11  }
0x35: {  	v0 =	vimm.f32 $0.0e+00;
	s7 =	simm.s32 $0xA180;
	s11 =	simm.s32 $0x50;
	s16 =	simm.s32 $0x7980  }
.LBB2_1:
0x36: {  	[tilespmem:s3], [sflag:$0x1] =	stream.linear.gather [hbm4b:s29+s3], $0x2710, $0x38;
	[tilespmem:$0x1E980] =	vst v63  }
0x37: {  	s5 =	simm.s32 $0x0;
	s25 =	simm.s32 $0x200  }
.LBB2_2:
0x38: {  	p0 =	sne.s32 s25, $0x1E00;
	[tilespmem:s5+$0xA1F0] =	vst v0  }
0x39: {  	[tilespmem:s5+$0xA180] =	vst v0  }
0x3a: {  	[tilespmem:s5+$0xA190] =	vst v0  }
.Ltmp0:
0x3b: {  	[tilespmem:s5+$0xA1A0] =	vst v0;
	(pc) =	sbr.rel @p0 .LBB2_2-.Ltmp0, $4  }
0x3c: {  	[tilespmem:s5+$0xA1B0] =	vst v0  }
0x3d: {  	[tilespmem:s5+$0xA1C0] =	vst v0  }
0x3e: {  	[tilespmem:s5+$0xA1D0] =	vst v0  }
0x3f: {  	[tilespmem:s5+$0xA1E0] =	vst v0;
	s5 =	sshra.s32 s25, $0x2;
	s25 =	sadd.s32 $0x200, s25  }
0x40: {  	[tilespmem:s5+$0xA1F0] =	vst v0  }
0x41: {  	[tilespmem:s5+$0xA180] =	vst v0  }
0x42: {  	[tilespmem:s5+$0xA190] =	vst v0  }
0x43: {  	[tilespmem:s5+$0xA1A0] =	vst v0  }
0x44: {  	[tilespmem:s5+$0xA1B0] =	vst v0  }
0x45: {  	[tilespmem:s5+$0xA1C0] =	vst v0  }
0x46: {  	[tilespmem:s5+$0xA1D0] =	vst v0  }
0x47: {  	[tilespmem:s5+$0xA1E0] =	vst v0;
	s26 =	rddreg [dreg:$0x7]  }
0x48: {  	[spmem:s6] =	stream.linear.scatter [tilespmem:s7], [sflag:$0x2], $0x800, $0x38;
	[tilespmem:$0x1E980] =	vst v63  }
0x49: {  	s28 =	rddreg [dreg:$0x8]  }
0x4a: {  	[spmem:s26] =	stream.linear.scatter [tilespmem:s7], [sflag:$0x2], $0x800, $0x38;
	[tilespmem:$0x1E980] =	vst v63  }
0x4b: {  	s25 =	rddreg [dreg:$0x9]  }
0x4c: {  	[spmem:s28] =	stream.linear.scatter [tilespmem:s7], [sflag:$0x2], $0x800, $0x38;
	[tilespmem:$0x1E980] =	vst v63  }
0x4d: {  	s26 =	rddreg [dreg:$0xa]  }
0x4e: {  	[spmem:s25] =	stream.linear.scatter [tilespmem:s7], [sflag:$0x2], $0x800, $0x38;
	[tilespmem:$0x1E980] =	vst v63  }
0x4f: {  	s28 =	rddreg [dreg:$0xb]  }
0x50: {  	[spmem:s26] =	stream.linear.scatter [tilespmem:s7], [sflag:$0x2], $0x800, $0x38;
	[tilespmem:$0x1E980] =	vst v63  }
0x51: {  	s25 =	rddreg [dreg:$0xc]  }
0x52: {  	[spmem:s28] =	stream.linear.scatter [tilespmem:s7], [sflag:$0x2], $0x800, $0x38;
	[tilespmem:$0x1E980] =	vst v63  }
0x53: {  	s26 =	rddreg [dreg:$0xd]  }
0x54: {  	[spmem:s25] =	stream.linear.scatter [tilespmem:s7], [sflag:$0x2], $0x800, $0x38;
	[tilespmem:$0x1E980] =	vst v63  }
0x55: {  	s28 =	rddreg [dreg:$0xe]  }
0x56: {  	[spmem:s26] =	stream.linear.scatter [tilespmem:s7], [sflag:$0x2], $0x800, $0x38;
	[tilespmem:$0x1E980] =	vst v63  }
0x57: {  	s25 =	rddreg [dreg:$0xf]  }
0x58: {  	[spmem:s28] =	stream.linear.scatter [tilespmem:s7], [sflag:$0x2], $0x800, $0x38;
	[tilespmem:$0x1E980] =	vst v63  }
0x59: {  	s26 =	rddreg [dreg:$0x10]  }
0x5a: {  	[spmem:s25] =	stream.linear.scatter [tilespmem:s7], [sflag:$0x2], $0x800, $0x38;
	[tilespmem:$0x1E980] =	vst v63  }
0x5b: {  	s28 =	rddreg [dreg:$0x11]  }
0x5c: {  	[spmem:s26] =	stream.linear.scatter [tilespmem:s7], [sflag:$0x2], $0x800, $0x38;
	[tilespmem:$0x1E980] =	vst v63  }
0x5d: {  	s25 =	rddreg [dreg:$0x12]  }
0x5e: {  	[spmem:s28] =	stream.linear.scatter [tilespmem:s7], [sflag:$0x2], $0x800, $0x38;
	[tilespmem:$0x1E980] =	vst v63  }
0x5f: {  	s26 =	rddreg [dreg:$0x13]  }
0x60: {  	[spmem:s25] =	stream.linear.scatter [tilespmem:s7], [sflag:$0x2], $0x800, $0x38;
	[tilespmem:$0x1E980] =	vst v63  }
0x61: {  	s28 =	rddreg [dreg:$0x14]  }
0x62: {  	[spmem:s26] =	stream.linear.scatter [tilespmem:s7], [sflag:$0x2], $0x800, $0x38;
	[tilespmem:$0x1E980] =	vst v63  }
0x63: {  	s25 =	rddreg [dreg:$0x15]  }
0x64: {  	[spmem:s28] =	stream.linear.scatter [tilespmem:s7], [sflag:$0x2], $0x800, $0x38;
	[tilespmem:$0x1E980] =	vst v63  }
0x65: {  	s26 =	rddreg [dreg:$0x16]  }
0x66: {  	[spmem:s25] =	stream.linear.scatter [tilespmem:s7], [sflag:$0x2], $0x800, $0x38;
	[tilespmem:$0x1E980] =	vst v63  }
0x67: {  	s28 =	rddreg [dreg:$0x17]  }
0x68: {  	[spmem:s26] =	stream.linear.scatter [tilespmem:s7], [sflag:$0x2], $0x800, $0x38;
	[tilespmem:$0x1E980] =	vst v63  }
0x69: {  	s25 =	rddreg [dreg:$0x18]  }
0x6a: {  	[spmem:s28] =	stream.linear.scatter [tilespmem:s7], [sflag:$0x2], $0x800, $0x38;
	[tilespmem:$0x1E980] =	vst v63  }
0x6b: {  	s26 =	rddreg [dreg:$0x19]  }
0x6c: {  	[spmem:s25] =	stream.linear.scatter [tilespmem:s7], [sflag:$0x2], $0x800, $0x38;
	[tilespmem:$0x1E980] =	vst v63  }
0x6d: {  	s28 =	rddreg [dreg:$0x1a]  }
0x6e: {  	[spmem:s26] =	stream.linear.scatter [tilespmem:s7], [sflag:$0x2], $0x800, $0x38;
	[tilespmem:$0x1E980] =	vst v63  }
0x6f: {  	s25 =	rddreg [dreg:$0x1b]  }
0x70: {  	[spmem:s28] =	stream.linear.scatter [tilespmem:s7], [sflag:$0x2], $0x800, $0x38;
	[tilespmem:$0x1E980] =	vst v63  }
0x71: {  	s26 =	rddreg [dreg:$0x1c]  }
0x72: {  	[spmem:s25] =	stream.linear.scatter [tilespmem:s7], [sflag:$0x2], $0x800, $0x38;
	[tilespmem:$0x1E980] =	vst v63  }
0x73: {  	s28 =	rddreg [dreg:$0x1d]  }
0x74: {  	[spmem:s26] =	stream.linear.scatter [tilespmem:s7], [sflag:$0x2], $0x800, $0x38;
	[tilespmem:$0x1E980] =	vst v63  }
0x75: {  	s25 =	rddreg [dreg:$0x1e]  }
0x76: {  	[spmem:s28] =	stream.linear.scatter [tilespmem:s7], [sflag:$0x2], $0x800, $0x38;
	[tilespmem:$0x1E980] =	vst v63  }
0x77: {  	s26 =	rddreg [dreg:$0x1f]  }
0x78: {  	[spmem:s25] =	stream.linear.scatter [tilespmem:s7], [sflag:$0x2], $0x800, $0x38;
	[tilespmem:$0x1E980] =	vst v63  }
0x79: {  	s28 =	sld [smem:$0x7F1]  }
0x7a: {  	[spmem:s26] =	stream.linear.scatter [tilespmem:s7], [sflag:$0x2], $0x800, $0x38;
	[tilespmem:$0x1E980] =	vst v63  }
0x7b: {  	s25 =	sld [smem:$0x7F2]  }
0x7c: {  	[spmem:s28] =	stream.linear.scatter [tilespmem:s7], [sflag:$0x2], $0x800, $0x38;
	[tilespmem:$0x1E980] =	vst v63  }
0x7d: {  	s26 =	sld [smem:$0x7F3]  }
0x7e: {  	[spmem:s25] =	stream.linear.scatter [tilespmem:s7], [sflag:$0x2], $0x800, $0x38;
	[tilespmem:$0x1E980] =	vst v63  }
0x7f: {  	s28 =	sld [smem:$0x7F4]  }
0x80: {  	[spmem:s26] =	stream.linear.scatter [tilespmem:s7], [sflag:$0x2], $0x800, $0x38;
	[tilespmem:$0x1E980] =	vst v63  }
0x81: {  	s25 =	sld [smem:$0x7F5]  }
0x82: {  	[spmem:s28] =	stream.linear.scatter [tilespmem:s7], [sflag:$0x2], $0x800, $0x38;
	[tilespmem:$0x1E980] =	vst v63  }
0x83: {  	s26 =	sld [smem:$0x7F6]  }
0x84: {  	[spmem:s25] =	stream.linear.scatter [tilespmem:s7], [sflag:$0x2], $0x800, $0x38;
	[tilespmem:$0x1E980] =	vst v63  }
0x85: {  	s28 =	sld [smem:$0x7F7]  }
0x86: {  	[spmem:s26] =	stream.linear.scatter [tilespmem:s7], [sflag:$0x2], $0x800, $0x38;
	[tilespmem:$0x1E980] =	vst v63  }
0x87: {  	s25 =	sld [smem:$0x7F8]  }
0x88: {  	[spmem:s28] =	stream.linear.scatter [tilespmem:s7], [sflag:$0x2], $0x800, $0x38;
	[tilespmem:$0x1E980] =	vst v63  }
0x89: {  	s26 =	sld [smem:$0x7F9]  }
0x8a: {  	[spmem:s25] =	stream.linear.scatter [tilespmem:s7], [sflag:$0x2], $0x800, $0x38;
	[tilespmem:$0x1E980] =	vst v63  }
0x8b: {  	s28 =	sld [smem:$0x7FA]  }
0x8c: {  	[spmem:s26] =	stream.linear.scatter [tilespmem:s7], [sflag:$0x2], $0x800, $0x38;
	[tilespmem:$0x1E980] =	vst v63  }
0x8d: {  	s25 =	sld [smem:$0x7FB]  }
0x8e: {  	[spmem:s28] =	stream.linear.scatter [tilespmem:s7], [sflag:$0x2], $0x800, $0x38;
	[tilespmem:$0x1E980] =	vst v63  }
0x8f: {  	s26 =	sld [smem:$0x7FC]  }
0x90: {  	[spmem:s25] =	stream.linear.scatter [tilespmem:s7], [sflag:$0x2], $0x800, $0x38;
	[tilespmem:$0x1E980] =	vst v63  }
0x91: {  	s28 =	sld [smem:$0x7FD]  }
0x92: {  	[spmem:s26] =	stream.linear.scatter [tilespmem:s7], [sflag:$0x2], $0x800, $0x38;
	[tilespmem:$0x1E980] =	vst v63  }
0x93: {  	_ = 	snop  }
0x94: {  	[spmem:s28] =	stream.linear.scatter [tilespmem:s7], [sflag:$0x2], $0x800, $0x38;
	[tilespmem:$0x1E980] =	vst v63  }
0x95: {  	_ = 	snop  }
0x96: {  	[spmem:s30] =	stream.linear.scatter [tilespmem:s7], [sflag:$0x2], $0x800, $0x38;
	[tilespmem:$0x1E980] =	vst v63  }
0x97: {  	_ =	swait.ge [sflag:s8], $0x800  }
0x98: {  	s5 =	simm.s32 $0x27;
	[sflag:s8] =	ssyncset.done $0x0  }
.LBB2_4:
0x99: {  	p0 =	sne.s32 s5, $0x1;
	s5 =	sadd.s32 $0xFFFFFFFF, s5;
	[sflag:s8] =	ssyncadd.s32 $0xFFFFF800  }
.Ltmp1:
0x9a: {  	(pc) =	sbr.rel @p0 .LBB2_4-.Ltmp1, $3  }
0x9b: {  	_ =	sdelay $0x1  }
0x9c: {  	_ =	swait.ge [sflag:s8], $0x800  }
0x9d: {  	[sflag:s8] =	ssyncset.done $0x0  }
0x9e: {  	[sflag:s8] =	ssyncadd.s32 $0xFFFFF800  }
0x9f: {  	[bflag:$0x0] =	sbarrier.arrive $0xFFFF  }
0xa0: {  	_ =	swait.ge [sflag:s9], $0x2710  }
0xa1: {  	[sflag:s9] =	ssyncset.done $0x0  }
0xa2: {  	s5 =	simm.s32 $0x0;
	[sflag:s9] =	ssyncadd.s32 $0xFFFFD8F0  }
0xa3: {  	[tilespmem:s10], [sflag:$0x1] =	stream.linear.gather [hbm4b:s0+s5], $0x50, $0x38;
	[tilespmem:$0x1E980] =	vst v63  }
0xa4: {  	_ = 	snop  }
0xa5: {  	[tilespmem:s12], [sflag:$0x2] =	stream.indirect.gather [hbm4b:s4+s11], $0x80, s5, s11, $0xb8;
	[tilespmem:$0x1E980] =	vst v63  }
0xa6: {  	_ = 	snop  }
0xa7: {  	[tilespmem:s13], [sflag:$0x1] =	stream.linear.gather [hbm4b:s31+s5], $0x50, $0x38;
	[tilespmem:$0x1E980] =	vst v63  }
0xa8: {  	_ = 	snop  }
0xa9: {  	[tilespmem:s14], [sflag:$0x2] =	stream.indirect.gather [hbm4b:s4+s11], $0x80, s11, s11, $0xb8;
	[tilespmem:$0x1E980] =	vst v63  }
0xaa: {  	_ = 	snop  }
0xab: {  	[tilespmem:s15], [sflag:$0x1] =	stream.linear.gather [hbm4b:s2+s5], $0x50, $0x38;
	[tilespmem:$0x1E980] =	vst v63  }
0xac: {  	s28 =	simm.s32 $0xA0  }
0xad: {  	[tilespmem:s16], [sflag:$0x2] =	stream.indirect.gather [hbm4b:s4+s11], $0x80, s28, s11, $0xb8;
	[tilespmem:$0x1E980] =	vst v63  }
0xae: {  	_ =	swait.ge [sflag:s9], $0x50  }
0xaf: {  	[sflag:s9] =	ssyncset.done $0x0  }
0xb0: {  	[sflag:s9] =	ssyncadd.s32 $0xFFFFFFB0  }
0xb1: {  	_ =	swait.ge [sflag:s9], $0x50  }
0xb2: {  	[sflag:s9] =	ssyncset.done $0x0  }
0xb3: {  	[sflag:s9] =	ssyncadd.s32 $0xFFFFFFB0  }
0xb4: {  	_ =	swait.ge [sflag:s9], $0x50  }
0xb5: {  	[sflag:s9] =	ssyncset.done $0x0  }
0xb6: {  	[sflag:s9] =	ssyncadd.s32 $0xFFFFFFB0  }
0xb7: {  	_ =	swait.ge [sflag:s8], $0x2800  }
0xb8: {  	[sflag:s8] =	ssyncset.done $0x0  }
0xb9: {  	[sflag:s8] =	ssyncadd.s32 $0xFFFFD800  }
0xba: {  	[spmem:s1] =	stream.indirect.scatter.add.f32 [tilespmem:s12], [sflag:$0x3], $0x80, s10, s11, $0xb8;
	[tilespmem:$0x1E980] =	vst v63  }
0xbb: {  	_ =	swait.ge [sflag:s8], $0x2800  }
0xbc: {  	[sflag:s8] =	ssyncset.done $0x0  }
0xbd: {  	[sflag:s8] =	ssyncadd.s32 $0xFFFFD800  }
0xbe: {  	[spmem:s1] =	stream.indirect.scatter.add.f32 [tilespmem:s14], [sflag:$0x4], $0x80, s13, s11, $0xb8;
	[tilespmem:$0x1E980] =	vst v63  }
0xbf: {  	_ =	swait.ge [sflag:s8], $0x2800  }
0xc0: {  	[sflag:s8] =	ssyncset.done $0x0  }
0xc1: {  	[sflag:s8] =	ssyncadd.s32 $0xFFFFD800  }
0xc2: {  	[spmem:s1] =	stream.indirect.scatter.add.f32 [tilespmem:s16], [sflag:$0x5], $0x80, s15, s11, $0xb8;
	[tilespmem:$0x1E980] =	vst v63  }
0xc3: {  	_ =	swait.ge [sflag:s17], $0x2800  }
0xc4: {  	[sflag:s17] =	ssyncset.done $0x0  }
0xc5: {  	s25 =	sadd.s32 $0x0, s24;
	[sflag:s17] =	ssyncadd.s32 $0xFFFFD800  }
0xc6: {  	[tilespmem:s10], [sflag:$0x1] =	stream.linear.gather [hbm4b:s25+s3], $0x50, $0x38;
	[tilespmem:$0x1E980] =	vst v63  }
0xc7: {  	s26 =	simm.s32 $0xF0  }
0xc8: {  	[tilespmem:s12], [sflag:$0x2] =	stream.indirect.gather [hbm4b:s4+s11], $0x80, s26, s11, $0xb8;
	[tilespmem:$0x1E980] =	vst v63  }
0xc9: {  	_ =	swait.ge [sflag:s18], $0x2800  }
0xca: {  	[sflag:s18] =	ssyncset.done $0x0  }
0xcb: {  	s28 =	sadd.s32 $0x0, s23;
	[sflag:s18] =	ssyncadd.s32 $0xFFFFD800  }
0xcc: {  	[tilespmem:s13], [sflag:$0x1] =	stream.linear.gather [hbm4b:s28+s3], $0x50, $0x38;
	[tilespmem:$0x1E980] =	vst v63  }
0xcd: {  	s25 =	simm.s32 $0x140  }
0xce: {  	[tilespmem:s14], [sflag:$0x2] =	stream.indirect.gather [hbm4b:s4+s11], $0x80, s25, s11, $0xb8;
	[tilespmem:$0x1E980] =	vst v63  }
0xcf: {  	_ =	swait.ge [sflag:s19], $0x2800  }
0xd0: {  	[sflag:s19] =	ssyncset.done $0x0  }
0xd1: {  	s26 =	sadd.s32 $0x0, s22;
	[sflag:s19] =	ssyncadd.s32 $0xFFFFD800  }
0xd2: {  	[tilespmem:s15], [sflag:$0x1] =	stream.linear.gather [hbm4b:s26+s3], $0x50, $0x38;
	[tilespmem:$0x1E980] =	vst v63  }
0xd3: {  	s28 =	simm.s32 $0x190  }
0xd4: {  	[tilespmem:s16], [sflag:$0x2] =	stream.indirect.gather [hbm4b:s4+s11], $0x80, s28, s11, $0xb8;
	[tilespmem:$0x1E980] =	vst v63  }
0xd5: {  	_ =	swait.ge [sflag:s9], $0x50  }
0xd6: {  	[sflag:s9] =	ssyncset.done $0x0  }
0xd7: {  	[sflag:s9] =	ssyncadd.s32 $0xFFFFFFB0  }
0xd8: {  	_ =	swait.ge [sflag:s9], $0x50  }
0xd9: {  	[sflag:s9] =	ssyncset.done $0x0  }
0xda: {  	[sflag:s9] =	ssyncadd.s32 $0xFFFFFFB0  }
0xdb: {  	_ =	swait.ge [sflag:s9], $0x50  }
0xdc: {  	[sflag:s9] =	ssyncset.done $0x0  }
0xdd: {  	[sflag:s9] =	ssyncadd.s32 $0xFFFFFFB0  }
0xde: {  	_ =	swait.ge [sflag:s8], $0x2800  }
0xdf: {  	[sflag:s8] =	ssyncset.done $0x0  }
0xe0: {  	[sflag:s8] =	ssyncadd.s32 $0xFFFFD800  }
0xe1: {  	[spmem:s1] =	stream.indirect.scatter.add.f32 [tilespmem:s12], [sflag:$0x3], $0x80, s10, s11, $0xb8;
	[tilespmem:$0x1E980] =	vst v63  }
0xe2: {  	_ =	swait.ge [sflag:s8], $0x2800  }
0xe3: {  	[sflag:s8] =	ssyncset.done $0x0  }
0xe4: {  	[sflag:s8] =	ssyncadd.s32 $0xFFFFD800  }
0xe5: {  	[spmem:s1] =	stream.indirect.scatter.add.f32 [tilespmem:s14], [sflag:$0x4], $0x80, s13, s11, $0xb8;
	[tilespmem:$0x1E980] =	vst v63  }
0xe6: {  	_ =	swait.ge [sflag:s8], $0x2800  }
0xe7: {  	[sflag:s8] =	ssyncset.done $0x0  }
0xe8: {  	s5 =	simm.s32 $0x1E;
	s25 =	simm.s32 $0x280;
	[sflag:s8] =	ssyncadd.s32 $0xFFFFD800  }
.LBB2_6:
0xe9: {  	[spmem:s1] =	stream.indirect.scatter.add.f32 [tilespmem:s16], [sflag:$0x5], $0x80, s15, s11, $0xb8;
	[tilespmem:$0x1E980] =	vst v63  }
0xea: {  	s26 =	smov.u32 s5  }
0xeb: {  	p0 =	sne.s32 s5, $0x492;
	s5 =	sadd.s32 $0x1E, s5;
	_ =	swait.ge [sflag:s17], $0x2800  }
0xec: {  	[sflag:s17] =	ssyncset.done $0x0  }
0xed: {  	s28 =	sadd.s32 s26, s24;
	[sflag:s17] =	ssyncadd.s32 $0xFFFFD800  }
0xee: {  	[tilespmem:s10], [sflag:$0x1] =	stream.linear.gather [hbm4b:s28+s3], $0x50, $0x38;
	[tilespmem:$0x1E980] =	vst v63  }
0xef: {  	s28 =	sadd.s32 $0xFFFFFF60, s25  }
0xf0: {  	[tilespmem:s12], [sflag:$0x2] =	stream.indirect.gather [hbm4b:s4+s11], $0x80, s28, s11, $0xb8;
	[tilespmem:$0x1E980] =	vst v63  }
0xf1: {  	_ =	swait.ge [sflag:s18], $0x2800  }
0xf2: {  	[sflag:s18] =	ssyncset.done $0x0  }
0xf3: {  	s28 =	sadd.s32 s26, s23;
	[sflag:s18] =	ssyncadd.s32 $0xFFFFD800  }
0xf4: {  	[tilespmem:s13], [sflag:$0x1] =	stream.linear.gather [hbm4b:s28+s3], $0x50, $0x38;
	[tilespmem:$0x1E980] =	vst v63  }
0xf5: {  	s28 =	sadd.s32 $0xFFFFFFB0, s25  }
0xf6: {  	[tilespmem:s14], [sflag:$0x2] =	stream.indirect.gather [hbm4b:s4+s11], $0x80, s28, s11, $0xb8;
	[tilespmem:$0x1E980] =	vst v63  }
0xf7: {  	_ =	swait.ge [sflag:s19], $0x2800  }
0xf8: {  	[sflag:s19] =	ssyncset.done $0x0  }
0xf9: {  	s26 =	sadd.s32 s26, s22;
	[sflag:s19] =	ssyncadd.s32 $0xFFFFD800  }
0xfa: {  	[tilespmem:s15], [sflag:$0x1] =	stream.linear.gather [hbm4b:s26+s3], $0x50, $0x38;
	[tilespmem:$0x1E980] =	vst v63  }
0xfb: {  	_ = 	snop  }
0xfc: {  	[tilespmem:s16], [sflag:$0x2] =	stream.indirect.gather [hbm4b:s4+s11], $0x80, s25, s11, $0xb8;
	[tilespmem:$0x1E980] =	vst v63  }
0xfd: {  	_ =	swait.ge [sflag:s9], $0x50  }
0xfe: {  	[sflag:s9] =	ssyncset.done $0x0  }
0xff: {  	[sflag:s9] =	ssyncadd.s32 $0xFFFFFFB0  }
0x100: {  	_ =	swait.ge [sflag:s9], $0x50  }
0x101: {  	[sflag:s9] =	ssyncset.done $0x0  }
0x102: {  	[sflag:s9] =	ssyncadd.s32 $0xFFFFFFB0  }
0x103: {  	_ =	swait.ge [sflag:s9], $0x50  }
0x104: {  	[sflag:s9] =	ssyncset.done $0x0  }
0x105: {  	[sflag:s9] =	ssyncadd.s32 $0xFFFFFFB0  }
0x106: {  	_ =	swait.ge [sflag:s8], $0x2800  }
0x107: {  	[sflag:s8] =	ssyncset.done $0x0  }
0x108: {  	[sflag:s8] =	ssyncadd.s32 $0xFFFFD800  }
0x109: {  	[spmem:s1] =	stream.indirect.scatter.add.f32 [tilespmem:s12], [sflag:$0x3], $0x80, s10, s11, $0xb8;
	[tilespmem:$0x1E980] =	vst v63  }
0x10a: {  	_ =	swait.ge [sflag:s8], $0x2800  }
0x10b: {  	[sflag:s8] =	ssyncset.done $0x0  }
.Ltmp2:
0x10c: {  	[sflag:s8] =	ssyncadd.s32 $0xFFFFD800;
	(pc) =	sbr.rel @p0 .LBB2_6-.Ltmp2, $4  }
0x10d: {  	[spmem:s1] =	stream.indirect.scatter.add.f32 [tilespmem:s14], [sflag:$0x4], $0x80, s13, s11, $0xb8;
	[tilespmem:$0x1E980] =	vst v63  }
0x10e: {  	_ =	swait.ge [sflag:s8], $0x2800  }
0x10f: {  	[sflag:s8] =	ssyncset.done $0x0  }
0x110: {  	s25 =	sadd.s32 $0xF0, s25;
	[sflag:s8] =	ssyncadd.s32 $0xFFFFD800  }
0x111: {  	[spmem:s1] =	stream.indirect.scatter.add.f32 [tilespmem:s16], [sflag:$0x5], $0x80, s15, s11, $0xb8;
	[tilespmem:$0x1E980] =	vst v63  }
0x112: {  	_ =	swait.ge [sflag:s17], $0x2800  }
0x113: {  	[sflag:s17] =	ssyncset.done $0x0  }
0x114: {  	s5 =	rddreg [dreg:$0x3];
	[sflag:s17] =	ssyncadd.s32 $0xFFFFD800  }
0x115: {  	[tilespmem:s10], [sflag:$0x1] =	stream.linear.gather [hbm4b:s5+s3], $0x50, $0x38;
	[tilespmem:$0x1E980] =	vst v63  }
0x116: {  	s26 =	simm.s32 $0x2670  }
0x117: {  	[tilespmem:s12], [sflag:$0x2] =	stream.indirect.gather [hbm4b:s4+s11], $0x80, s26, s11, $0xb8;
	[tilespmem:$0x1E980] =	vst v63  }
0x118: {  	_ =	swait.ge [sflag:s18], $0x2800  }
0x119: {  	[sflag:s18] =	ssyncset.done $0x0  }
0x11a: {  	s28 =	rddreg [dreg:$0x4];
	[sflag:s18] =	ssyncadd.s32 $0xFFFFD800  }
0x11b: {  	[tilespmem:s13], [sflag:$0x1] =	stream.linear.gather [hbm4b:s28+s3], $0x50, $0x38;
	[tilespmem:$0x1E980] =	vst v63  }
0x11c: {  	s25 =	simm.s32 $0x26C0  }
0x11d: {  	[tilespmem:s14], [sflag:$0x2] =	stream.indirect.gather [hbm4b:s4+s11], $0x80, s25, s11, $0xb8;
	[tilespmem:$0x1E980] =	vst v63  }
0x11e: {  	_ =	swait.ge [sflag:s9], $0x50  }
0x11f: {  	[sflag:s9] =	ssyncset.done $0x0  }
0x120: {  	[sflag:s9] =	ssyncadd.s32 $0xFFFFFFB0  }
0x121: {  	_ =	swait.ge [sflag:s9], $0x50  }
0x122: {  	[sflag:s9] =	ssyncset.done $0x0  }
0x123: {  	[sflag:s9] =	ssyncadd.s32 $0xFFFFFFB0  }
0x124: {  	_ =	swait.ge [sflag:s8], $0x2800  }
0x125: {  	[sflag:s8] =	ssyncset.done $0x0  }
0x126: {  	[sflag:s8] =	ssyncadd.s32 $0xFFFFD800  }
0x127: {  	[spmem:s1] =	stream.indirect.scatter.add.f32 [tilespmem:s12], [sflag:$0x3], $0x80, s10, s11, $0xb8;
	[tilespmem:$0x1E980] =	vst v63  }
0x128: {  	_ =	swait.ge [sflag:s8], $0x2800  }
0x129: {  	[sflag:s8] =	ssyncset.done $0x0  }
0x12a: {  	[sflag:s8] =	ssyncadd.s32 $0xFFFFD800  }
0x12b: {  	[spmem:s1] =	stream.indirect.scatter.add.f32 [tilespmem:s14], [sflag:$0x4], $0x80, s13, s11, $0xb8;
	[tilespmem:$0x1E980] =	vst v63  }
0x12c: {  	_ =	swait.ge [sflag:s17], $0x2800  }
0x12d: {  	[sflag:s17] =	ssyncset.done $0x0  }
0x12e: {  	[sflag:s17] =	ssyncadd.s32 $0xFFFFD800  }
0x12f: {  	_ =	swait.ge [sflag:s18], $0x2800  }
0x130: {  	[sflag:s18] =	ssyncset.done $0x0  }
0x131: {  	[sflag:s18] =	ssyncadd.s32 $0xFFFFD800  }
0x132: {  	_ =	swait.ge [sflag:s19], $0x2800  }
0x133: {  	[sflag:s19] =	ssyncset.done $0x0  }
0x134: {  	s26 =	stileid.u32;
	[sflag:s19] =	ssyncadd.s32 $0xFFFFD800  }
0x135: {  	s5 =	sshll.u32 s26, $0x6;
	[bflag:$0x0] =	sbarrier.arrive $0xFFFF  }
0x136: {  	s5 =	sor.u32 $0x1C06, s5;
	s25 =	sshrl.u32 s6, $0x3;
	s26 =	rddreg [dreg:$0x5]  }
0x137: {  	[hbm:s26], [sflag:s5] =	dma.local [spmem:s25], $0x2800  }
0x138: {  	_ =	swait.ge [sflag:s20], $0x2800  }
0x139: {  	s21 =	sadd.s32 $0x1, s21;
	s28 =	rddreg [dreg:$0x6]  }
0x13a: {  	p0 =	sne.s32 s21, s28  }
.Ltmp3:
0x13b: {  	_ = 	snop;
	(pc) =	sbr.rel @p0 .LBB2_1-.Ltmp3, $3  }
0x13c: {  	_ =	sdelay $0x1  }
0x13d: {  	[sflag:s20] =	ssyncset.done $0x0  }
0x13e: {  	[sflag:s20] =	ssyncadd.s32 $0xFFFFD800  }
0x13f: {  	_ =	sfence.sel $0x180000  }
0x140: {  	[bflag:$0x0] =	sbarrier.arrive $0xFFFF  }
0x141: {  	_ =	strace $0x90000050  }
0x142: {  	s0 =	stileid.u32;
	[bflag:$0x2] =	sbarrier.arrive $0xFFFF  }
0x143: {  	p0 =	sne.s32 s0, $0x0;
	s0 =	rddreg [dreg:$0x2]  }
0x144: {  	s0 =	sadd.s32 @!p0 $0x100000, s0  }
0x145: {  	[sflag:s0] =	ssyncadd.tile.s32 @!p0 $0x1;
	_ =	shalt  }
.Lfunc_end2:
_tile_overlayer_lowered:
.L_overlay_start_2:
0x146: {  	(tag) =	ssettag $0x2  }
0x147: {  	s0 =	rddreg [dreg:$0x0];
	s2 =	stileid.u32  }
0x148: {  	s1 =	rddreg [dreg:$0x1];
	p0 =	sne.s32 s2, $0x0  }
0x149: {  	s3 =	rddreg [dreg:$0x2];
	[bflag:$0x3] =	sbarrier.arrive $0xFFFF;
	s2 =	simm.s32 @!p0 $0x1C06  }
0x14a: {  	[timem:s3], [sflag:s2] =	dma.local @!p0 [hbm:s0], s1  }
0x14b: {  	s0 =	simm.s32 @!p0 $0x6  }
0x14c: {  	_ =	swait.ge @!p0 [sflag:s0], s1  }
0x14d: {  	s1 =	ssub.s32 @!p0 $0x0, s1;
	[sflag:s0] =	ssyncset.done @!p0 $0x0  }
0x14e: {  	[sflag:s0] =	ssyncadd.s32 @!p0 s1  }
0x14f: {  	[bflag:$0x3] =	sbarrier.arrive $0xFFFF  }
0x150: {  	_ =	shalt  }

</sc_bundles>
